<compile_context>
chip_gen: v7x
topology: tpu7x:2x2x1
jax: 0.10.2.dev20260603
libtpu: 0.0.44.dev20260713+nightly
codegen_flags: <defaults>
</compile_context>

<pallas_src>
import jax
import jax.numpy as jnp
from jax import lax
from jax.experimental import pallas as pl
from jax.experimental.pallas import tpu as pltpu
from jax.experimental.pallas import tpu_sc as plsc

B = 16384
D = 32
L = 16
NC = 2
NS = 16
NW = NC * NS
BPW = B // NW
H = 256

def _cfd_sc(user_hbm, item_hbm, uemb_hbm, iemb_hbm, out_hbm,
            uidx_v, iidx_v, urows_v, irows_v, out_v,
            sem0, sem1, sem2, sem3, sem4, sem5, sem6, sem7):
    sems = (sem0, sem1, sem2, sem3, sem4, sem5, sem6, sem7)
    wid = lax.axis_index("s") * NC + lax.axis_index("c")
    base = wid * BPW

    pltpu.sync_copy(user_hbm.at[pl.ds(base, BPW)], uidx_v)
    pltpu.sync_copy(item_hbm.at[pl.ds(base, BPW)], iidx_v)

    lane = lax.iota(jnp.int32, L)

    for h in range(BPW // H):
        def issue_group(g, carry):
            gbase = h * H + g * L
            uvec = uidx_v[pl.ds(gbase, L)]
            ivec = iidx_v[pl.ds(gbase, L)]
            for j in range(L):
                pltpu.async_copy(
                    uemb_hbm.at[pl.ds(uvec[j], 1)],
                    urows_v.at[pl.ds(g * L + j, 1)], sems[(2 * j) % 8])
                pltpu.async_copy(
                    iemb_hbm.at[pl.ds(ivec[j], 1)],
                    irows_v.at[pl.ds(g * L + j, 1)], sems[(2 * j + 1) % 8])
            return carry

        lax.fori_loop(0, H // L, issue_group, 0)

        def drain_group(g, carry):
            for j in range(L):
                pltpu.make_async_copy(
                    uemb_hbm.at[pl.ds(0, 1)],
                    urows_v.at[pl.ds(g * L + j, 1)], sems[(2 * j) % 8]).wait()
                pltpu.make_async_copy(
                    iemb_hbm.at[pl.ds(0, 1)],
                    irows_v.at[pl.ds(g * L + j, 1)],
                    sems[(2 * j + 1) % 8]).wait()
            return carry

        lax.fori_loop(0, H // L, drain_group, 0)

        def chunk_body(c, carry):
            bidx = c * L + lane
            acc = jnp.zeros((L,), jnp.float32)
            for f in range(D):
                fidx = jnp.full((L,), f, jnp.int32)
                uv = plsc.load_gather(urows_v, [bidx, fidx])
                iv = plsc.load_gather(irows_v, [bidx, fidx])
                acc = acc + uv * iv
            out_v[pl.ds(h * H + c * L, L)] = 1.0 / (1.0 + jnp.exp(-acc))
            return carry

        lax.fori_loop(0, H // L, chunk_body, 0)

    pltpu.sync_copy(out_v, out_hbm.at[pl.ds(base, BPW)])


_built = []


def _build():
    if not _built:
        mesh = plsc.VectorSubcoreMesh(
            core_axis_name="c", subcore_axis_name="s")
        _built.append(pl.kernel(
            _cfd_sc,
            mesh=mesh,
            out_type=jax.ShapeDtypeStruct((B,), jnp.float32),
            compiler_params=pltpu.CompilerParams(
                needs_layout_passes=False, use_tc_tiling_on_sc=True),
            scratch_types=[
                pltpu.VMEM((BPW,), jnp.int32),
                pltpu.VMEM((BPW,), jnp.int32),
                pltpu.VMEM((H, D), jnp.float32),
                pltpu.VMEM((H, D), jnp.float32),
                pltpu.VMEM((BPW,), jnp.float32),
                pltpu.SemaphoreType.DMA,
                pltpu.SemaphoreType.DMA,
                pltpu.SemaphoreType.DMA,
                pltpu.SemaphoreType.DMA,
                pltpu.SemaphoreType.DMA,
                pltpu.SemaphoreType.DMA,
                pltpu.SemaphoreType.DMA,
                pltpu.SemaphoreType.DMA,
            ],
        ))
    return _built[0]


def kernel(user, item, user_emb, item_emb):
    return _build()(user, item, user_emb, item_emb)

# --- scband reference (transcript-rebuilt; emitter-appended) ---
"""Pipeline reference for scband-cfd-19619410608483 (READ-ONLY COPY).

The authoritative reference and input builder live on the scoring server;
editing this copy changes nothing except your own understanding.
"""

import jax, jax.numpy as jnp
import numpy as np

N_USERS = 1000000
N_ITEMS = 1000000
N_FACTORS = 32
BATCH = 16384

def setup_inputs(seed: int = 0) -> dict:
    key = jax.random.key(seed)
    k_u, k_i, k_ue, k_ie = jax.random.split(key, 4)
    user = jax.random.randint(k_u, (BATCH,), 0, N_USERS, dtype=jnp.int64) if jax.config.jax_enable_x64 else jax.random.randint(k_u, (BATCH,), 0, N_USERS, dtype=jnp.int32)
    item = jax.random.randint(k_i, (BATCH,), 0, N_ITEMS, dtype=jnp.int32)
    user = user.astype(jnp.int32)
    user_emb = jax.random.normal(k_ue, (N_USERS, N_FACTORS), dtype=jnp.float32)
    item_emb = jax.random.normal(k_ie, (N_ITEMS, N_FACTORS), dtype=jnp.float32)
    return {"user": user, "item": item, "user_emb": user_emb, "item_emb": item_emb}

def reference(user, item, user_emb, item_emb):
    # embedding lookups (gather rows)
    u = jnp.take(user_emb, user, axis=0)
    i = jnp.take(item_emb, item, axis=0)
    # dropout in eval mode == identity (deterministic reference)
    dot = jnp.sum(u * i, axis=1)
    return jax.nn.sigmoid(dot)

if __name__ == "__main__":
    import jax
    _d = setup_inputs()
    print(jax.jit(kernel)(*tuple(_d.values())))

</pallas_src>

<mosaic_0001>
#map = affine_map<(d0, d1) -> (0)>
#map1 = affine_map<(d0, d1) -> (0, 0)>
module attributes {stable_mosaic.version = 14 : i64} {
  func.func @_cfd_sc(%arg0: i32, %arg1: i32, %arg2: memref<16384xi32, #tpu.memory_space<hbm>>, %arg3: memref<16384xi32, #tpu.memory_space<hbm>>, %arg4: memref<1000000x32xf32, #tpu.memory_space<hbm>>, %arg5: memref<1000000x32xf32, #tpu.memory_space<hbm>>, %arg6: memref<16384xf32, #tpu.memory_space<hbm>>, %arg7: memref<512xi32, #tpu.memory_space<vmem>>, %arg8: memref<512xi32, #tpu.memory_space<vmem>>, %arg9: memref<256x32xf32, #tpu.memory_space<vmem>>, %arg10: memref<256x32xf32, #tpu.memory_space<vmem>>, %arg11: memref<512xf32, #tpu.memory_space<vmem>>, %arg12: memref<!tpu.dma_semaphore, #tpu.memory_space<semaphore_mem>>, %arg13: memref<!tpu.dma_semaphore, #tpu.memory_space<semaphore_mem>>, %arg14: memref<!tpu.dma_semaphore, #tpu.memory_space<semaphore_mem>>, %arg15: memref<!tpu.dma_semaphore, #tpu.memory_space<semaphore_mem>>, %arg16: memref<!tpu.dma_semaphore, #tpu.memory_space<semaphore_mem>>, %arg17: memref<!tpu.dma_semaphore, #tpu.memory_space<semaphore_mem>>, %arg18: memref<!tpu.dma_semaphore, #tpu.memory_space<semaphore_mem>>, %arg19: memref<!tpu.dma_semaphore, #tpu.memory_space<semaphore_mem>>) attributes {dimension_semantics = [#tpu.dimension_semantics<core_parallel>, #tpu.dimension_semantics<subcore_parallel>], iteration_bounds = array<i64: 2, 16>, scalar_prefetch = 0 : i64, scratch_operands = 13 : i64, tpu.core_type = #tpu.core_type<sc_vector_subcore>, window_params = [{transform_indices = #map}, {transform_indices = #map}, {transform_indices = #map1}, {transform_indices = #map1}, {transform_indices = #map}]} {
    %mul3A = arith.constant 2 : i32
    %mul3A_0 = arith.muli %arg1, %mul3A : i32
    %add3A = arith.addi %mul3A_0, %arg0 : i32
    %mul3A_1 = arith.constant 512 : i32
    %mul3A_2 = arith.muli %add3A, %mul3A_1 : i32
    "tpu.region"() ({
      %run_scoped3A = tpu.sem_alloc : memref<!tpu.dma_semaphore, #tpu.memory_space<semaphore_mem>>
      %dma_start3A = tpu.memref_slice %arg2[%mul3A_2] : memref<16384xi32, #tpu.memory_space<hbm>> -> memref<512xi32, #tpu.memory_space<hbm>>
      %dma_start3A_38 = tpu.memref_slice %arg2[%mul3A_2] : memref<16384xi32, #tpu.memory_space<hbm>> -> memref<512xi32, #tpu.memory_space<hbm>>
      tpu.enqueue_dma source(%dma_start3A_38 : memref<512xi32, #tpu.memory_space<hbm>>) target(%arg7 : memref<512xi32, #tpu.memory_space<vmem>>) target_semaphore(%run_scoped3A : memref<!tpu.dma_semaphore, #tpu.memory_space<semaphore_mem>>)
      %dma_wait3A = tpu.memref_slice %arg2[%mul3A_2] : memref<16384xi32, #tpu.memory_space<hbm>> -> memref<512xi32, #tpu.memory_space<hbm>>
      %dma_wait3A_39 = tpu.memref_slice %arg2[%mul3A_2] : memref<16384xi32, #tpu.memory_space<hbm>> -> memref<512xi32, #tpu.memory_space<hbm>>
      tpu.wait_dma2 semaphore(%run_scoped3A : memref<!tpu.dma_semaphore, #tpu.memory_space<semaphore_mem>>) src(%dma_wait3A_39 : memref<512xi32, #tpu.memory_space<hbm>>) dst(%arg7 : memref<512xi32, #tpu.memory_space<vmem>>)
      tpu.yield
    }) : () -> ()
    "tpu.region"() ({
      %run_scoped3A = tpu.sem_alloc : memref<!tpu.dma_semaphore, #tpu.memory_space<semaphore_mem>>
      %dma_start3A = tpu.memref_slice %arg3[%mul3A_2] : memref<16384xi32, #tpu.memory_space<hbm>> -> memref<512xi32, #tpu.memory_space<hbm>>
      %dma_start3A_38 = tpu.memref_slice %arg3[%mul3A_2] : memref<16384xi32, #tpu.memory_space<hbm>> -> memref<512xi32, #tpu.memory_space<hbm>>
      tpu.enqueue_dma source(%dma_start3A_38 : memref<512xi32, #tpu.memory_space<hbm>>) target(%arg8 : memref<512xi32, #tpu.memory_space<vmem>>) target_semaphore(%run_scoped3A : memref<!tpu.dma_semaphore, #tpu.memory_space<semaphore_mem>>)
      %dma_wait3A = tpu.memref_slice %arg3[%mul3A_2] : memref<16384xi32, #tpu.memory_space<hbm>> -> memref<512xi32, #tpu.memory_space<hbm>>
      %dma_wait3A_39 = tpu.memref_slice %arg3[%mul3A_2] : memref<16384xi32, #tpu.memory_space<hbm>> -> memref<512xi32, #tpu.memory_space<hbm>>
      tpu.wait_dma2 semaphore(%run_scoped3A : memref<!tpu.dma_semaphore, #tpu.memory_space<semaphore_mem>>) src(%dma_wait3A_39 : memref<512xi32, #tpu.memory_space<hbm>>) dst(%arg8 : memref<512xi32, #tpu.memory_space<vmem>>)
      tpu.yield
    }) : () -> ()
    %iota3A = tpu.iota {dimensions = array<i32: 0>} : vector<16xi32>
    %scan3A = arith.constant 0 : i32
    %scan3A_3 = arith.constant 0 : i32
    %scan3A_4 = arith.constant 16 : i32
    %scan3A_5 = arith.addi %scan3A_3, %scan3A_4 : i32
    %scan3A_6 = arith.constant 1 : i32
    scf.for %scan3A_38 = %scan3A_3 to %scan3A_5 step %scan3A_6  : i32 {
      %mul3A_39 = arith.constant 16 : i32
      %mul3A_40 = arith.muli %scan3A_38, %mul3A_39 : i32
      %add3A_41 = arith.constant 0 : i32
      %add3A_42 = arith.addi %add3A_41, %mul3A_40 : i32
      %get3A = arith.index_cast %add3A_42 : i32 to index
      %get3A_43 = tpu.vector_load %arg7[%get3A] {strides = array<i32>} : memref<512xi32, #tpu.memory_space<vmem>>, vector<16xi32>,
      %get3A_44 = arith.index_cast %add3A_42 : i32 to index
      %get3A_45 = tpu.vector_load %arg8[%get3A_44] {strides = array<i32>} : memref<512xi32, #tpu.memory_space<vmem>>, vector<16xi32>,
      %slice3A = vector.extract_strided_slice %get3A_43 {offsets = [0], sizes = [1], strides = [1]} : vector<16xi32> to vector<1xi32>
      %squeeze3A = vector.extract %slice3A[0] : i32 from vector<1xi32>
      %mul3A_46 = arith.constant 16 : i32
      %mul3A_47 = arith.muli %scan3A_38, %mul3A_46 : i32
      %add3A_48 = arith.constant 0 : i32
      %add3A_49 = arith.addi %mul3A_47, %add3A_48 : i32
      %dma_start3A = arith.constant 0 : i32
      %dma_start3A_50 = tpu.memref_slice %arg9[%add3A_49, %dma_start3A] : memref<256x32xf32, #tpu.memory_space<vmem>> -> memref<1x32xf32, #tpu.memory_space<vmem>>
      %dma_start3A_51 = arith.constant 0 : i32
      %dma_start3A_52 = tpu.memref_slice %arg4[%squeeze3A, %dma_start3A_51] : memref<1000000x32xf32, #tpu.memory_space<hbm>> -> memref<1x32xf32, #tpu.memory_space<hbm>>
      %dma_start3A_53 = arith.constant 0 : i32
      %dma_start3A_54 = tpu.memref_slice %arg9[%add3A_49, %dma_start3A_53] : memref<256x32xf32, #tpu.memory_space<vmem>> -> memref<1x32xf32, #tpu.memory_space<vmem>>
      %dma_start3A_55 = arith.constant 0 : i32
      %dma_start3A_56 = tpu.memref_slice %arg4[%squeeze3A, %dma_start3A_55] : memref<1000000x32xf32, #tpu.memory_space<hbm>> -> memref<1x32xf32, #tpu.memory_space<hbm>>
      tpu.enqueue_dma source(%dma_start3A_56 : memref<1x32xf32, #tpu.memory_space<hbm>>) target(%dma_start3A_54 : memref<1x32xf32, #tpu.memory_space<vmem>>) target_semaphore(%arg12 : memref<!tpu.dma_semaphore, #tpu.memory_space<semaphore_mem>>)
      %slice3A_57 = vector.extract_strided_slice %get3A_45 {offsets = [0], sizes = [1], strides = [1]} : vector<16xi32> to vector<1xi32>
      %squeeze3A_58 = vector.extract %slice3A_57[0] : i32 from vector<1xi32>
      %mul3A_59 = arith.constant 16 : i32
      %mul3A_60 = arith.muli %scan3A_38, %mul3A_59 : i32
      %add3A_61 = arith.constant 0 : i32
      %add3A_62 = arith.addi %mul3A_60, %add3A_61 : i32
      %dma_start3A_63 = arith.constant 0 : i32
      %dma_start3A_64 = tpu.memref_slice %arg10[%add3A_62, %dma_start3A_63] : memref<256x32xf32, #tpu.memory_space<vmem>> -> memref<1x32xf32, #tpu.memory_space<vmem>>
      %dma_start3A_65 = arith.constant 0 : i32
      %dma_start3A_66 = tpu.memref_slice %arg5[%squeeze3A_58, %dma_start3A_65] : memref<1000000x32xf32, #tpu.memory_space<hbm>> -> memref<1x32xf32, #tpu.memory_space<hbm>>
      %dma_start3A_67 = arith.constant 0 : i32
      %dma_start3A_68 = tpu.memref_slice %arg10[%add3A_62, %dma_start3A_67] : memref<256x32xf32, #tpu.memory_space<vmem>> -> memref<1x32xf32, #tpu.memory_space<vmem>>
      %dma_start3A_69 = arith.constant 0 : i32
      %dma_start3A_70 = tpu.memref_slice %arg5[%squeeze3A_58, %dma_start3A_69] : memref<1000000x32xf32, #tpu.memory_space<hbm>> -> memref<1x32xf32, #tpu.memory_space<hbm>>
      tpu.enqueue_dma source(%dma_start3A_70 : memref<1x32xf32, #tpu.memory_space<hbm>>) target(%dma_start3A_68 : memref<1x32xf32, #tpu.memory_space<vmem>>) target_semaphore(%arg13 : memref<!tpu.dma_semaphore, #tpu.memory_space<semaphore_mem>>)
      %slice3A_71 = vector.extract_strided_slice %get3A_43 {offsets = [1], sizes = [1], strides = [1]} : vector<16xi32> to vector<1xi32>
      %squeeze3A_72 = vector.extract %slice3A_71[0] : i32 from vector<1xi32>
      %mul3A_73 = arith.constant 16 : i32
      %mul3A_74 = arith.muli %scan3A_38, %mul3A_73 : i32
      %add3A_75 = arith.constant 1 : i32
      %add3A_76 = arith.addi %mul3A_74, %add3A_75 : i32
      %dma_start3A_77 = arith.constant 0 : i32
      %dma_start3A_78 = tpu.memref_slice %arg9[%add3A_76, %dma_start3A_77] : memref<256x32xf32, #tpu.memory_space<vmem>> -> memref<1x32xf32, #tpu.memory_space<vmem>>
      %dma_start3A_79 = arith.constant 0 : i32
      %dma_start3A_80 = tpu.memref_slice %arg4[%squeeze3A_72, %dma_start3A_79] : memref<1000000x32xf32, #tpu.memory_space<hbm>> -> memref<1x32xf32, #tpu.memory_space<hbm>>
      %dma_start3A_81 = arith.constant 0 : i32
      %dma_start3A_82 = tpu.memref_slice %arg9[%add3A_76, %dma_start3A_81] : memref<256x32xf32, #tpu.memory_space<vmem>> -> memref<1x32xf32, #tpu.memory_space<vmem>>
      %dma_start3A_83 = arith.constant 0 : i32
      %dma_start3A_84 = tpu.memref_slice %arg4[%squeeze3A_72, %dma_start3A_83] : memref<1000000x32xf32, #tpu.memory_space<hbm>> -> memref<1x32xf32, #tpu.memory_space<hbm>>
      tpu.enqueue_dma source(%dma_start3A_84 : memref<1x32xf32, #tpu.memory_space<hbm>>) target(%dma_start3A_82 : memref<1x32xf32, #tpu.memory_space<vmem>>) target_semaphore(%arg14 : memref<!tpu.dma_semaphore, #tpu.memory_space<semaphore_mem>>)
      %slice3A_85 = vector.extract_strided_slice %get3A_45 {offsets = [1], sizes = [1], strides = [1]} : vector<16xi32> to vector<1xi32>
      %squeeze3A_86 = vector.extract %slice3A_85[0] : i32 from vector<1xi32>
      %mul3A_87 = arith.constant 16 : i32
      %mul3A_88 = arith.muli %scan3A_38, %mul3A_87 : i32
      %add3A_89 = arith.constant 1 : i32
      %add3A_90 = arith.addi %mul3A_88, %add3A_89 : i32
      %dma_start3A_91 = arith.constant 0 : i32
      %dma_start3A_92 = tpu.memref_slice %arg10[%add3A_90, %dma_start3A_91] : memref<256x32xf32, #tpu.memory_space<vmem>> -> memref<1x32xf32, #tpu.memory_space<vmem>>
      %dma_start3A_93 = arith.constant 0 : i32
      %dma_start3A_94 = tpu.memref_slice %arg5[%squeeze3A_86, %dma_start3A_93] : memref<1000000x32xf32, #tpu.memory_space<hbm>> -> memref<1x32xf32, #tpu.memory_space<hbm>>
      %dma_start3A_95 = arith.constant 0 : i32
      %dma_start3A_96 = tpu.memref_slice %arg10[%add3A_90, %dma_start3A_95] : memref<256x32xf32, #tpu.memory_space<vmem>> -> memref<1x32xf32, #tpu.memory_space<vmem>>
      %dma_start3A_97 = arith.constant 0 : i32
      %dma_start3A_98 = tpu.memref_slice %arg5[%squeeze3A_86, %dma_start3A_97] : memref<1000000x32xf32, #tpu.memory_space<hbm>> -> memref<1x32xf32, #tpu.memory_space<hbm>>
      tpu.enqueue_dma source(%dma_start3A_98 : memref<1x32xf32, #tpu.memory_space<hbm>>) target(%dma_start3A_96 : memref<1x32xf32, #tpu.memory_space<vmem>>) target_semaphore(%arg15 : memref<!tpu.dma_semaphore, #tpu.memory_space<semaphore_mem>>)
      %slice3A_99 = vector.extract_strided_slice %get3A_43 {offsets = [2], sizes = [1], strides = [1]} : vector<16xi32> to vector<1xi32>
      %squeeze3A_100 = vector.extract %slice3A_99[0] : i32 from vector<1xi32>
      %mul3A_101 = arith.constant 16 : i32
      %mul3A_102 = arith.muli %scan3A_38, %mul3A_101 : i32
      %add3A_103 = arith.constant 2 : i32
      %add3A_104 = arith.addi %mul3A_102, %add3A_103 : i32
      %dma_start3A_105 = arith.constant 0 : i32
      %dma_start3A_106 = tpu.memref_slice %arg9[%add3A_104, %dma_start3A_105] : memref<256x32xf32, #tpu.memory_space<vmem>> -> memref<1x32xf32, #tpu.memory_space<vmem>>
      %dma_start3A_107 = arith.constant 0 : i32
      %dma_start3A_108 = tpu.memref_slice %arg4[%squeeze3A_100, %dma_start3A_107] : memref<1000000x32xf32, #tpu.memory_space<hbm>> -> memref<1x32xf32, #tpu.memory_space<hbm>>
      %dma_start3A_109 = arith.constant 0 : i32
      %dma_start3A_110 = tpu.memref_slice %arg9[%add3A_104, %dma_start3A_109] : memref<256x32xf32, #tpu.memory_space<vmem>> -> memref<1x32xf32, #tpu.memory_space<vmem>>
      %dma_start3A_111 = arith.constant 0 : i32
      %dma_start3A_112 = tpu.memref_slice %arg4[%squeeze3A_100, %dma_start3A_111] : memref<1000000x32xf32, #tpu.memory_space<hbm>> -> memref<1x32xf32, #tpu.memory_space<hbm>>
      tpu.enqueue_dma source(%dma_start3A_112 : memref<1x32xf32, #tpu.memory_space<hbm>>) target(%dma_start3A_110 : memref<1x32xf32, #tpu.memory_space<vmem>>) target_semaphore(%arg16 : memref<!tpu.dma_semaphore, #tpu.memory_space<semaphore_mem>>)
      %slice3A_113 = vector.extract_strided_slice %get3A_45 {offsets = [2], sizes = [1], strides = [1]} : vector<16xi32> to vector<1xi32>
      %squeeze3A_114 = vector.extract %slice3A_113[0] : i32 from vector<1xi32>
      %mul3A_115 = arith.constant 16 : i32
      %mul3A_116 = arith.muli %scan3A_38, %mul3A_115 : i32
      %add3A_117 = arith.constant 2 : i32
      %add3A_118 = arith.addi %mul3A_116, %add3A_117 : i32
      %dma_start3A_119 = arith.constant 0 : i32
      %dma_start3A_120 = tpu.memref_slice %arg10[%add3A_118, %dma_start3A_119] : memref<256x32xf32, #tpu.memory_space<vmem>> -> memref<1x32xf32, #tpu.memory_space<vmem>>
      %dma_start3A_121 = arith.constant 0 : i32
      %dma_start3A_122 = tpu.memref_slice %arg5[%squeeze3A_114, %dma_start3A_121] : memref<1000000x32xf32, #tpu.memory_space<hbm>> -> memref<1x32xf32, #tpu.memory_space<hbm>>
      %dma_start3A_123 = arith.constant 0 : i32
      %dma_start3A_124 = tpu.memref_slice %arg10[%add3A_118, %dma_start3A_123] : memref<256x32xf32, #tpu.memory_space<vmem>> -> memref<1x32xf32, #tpu.memory_space<vmem>>
      %dma_start3A_125 = arith.constant 0 : i32
      %dma_start3A_126 = tpu.memref_slice %arg5[%squeeze3A_114, %dma_start3A_125] : memref<1000000x32xf32, #tpu.memory_space<hbm>> -> memref<1x32xf32, #tpu.memory_space<hbm>>
      tpu.enqueue_dma source(%dma_start3A_126 : memref<1x32xf32, #tpu.memory_space<hbm>>) target(%dma_start3A_124 : memref<1x32xf32, #tpu.memory_space<vmem>>) target_semaphore(%arg17 : memref<!tpu.dma_semaphore, #tpu.memory_space<semaphore_mem>>)
      %slice3A_127 = vector.extract_strided_slice %get3A_43 {offsets = [3], sizes = [1], strides = [1]} : vector<16xi32> to vector<1xi32>
      %squeeze3A_128 = vector.extract %slice3A_127[0] : i32 from vector<1xi32>
      %mul3A_129 = arith.constant 16 : i32
      %mul3A_130 = arith.muli %scan3A_38, %mul3A_129 : i32
      %add3A_131 = arith.constant 3 : i32
      %add3A_132 = arith.addi %mul3A_130, %add3A_131 : i32
      %dma_start3A_133 = arith.constant 0 : i32
      %dma_start3A_134 = tpu.memref_slice %arg9[%add3A_132, %dma_start3A_133] : memref<256x32xf32, #tpu.memory_space<vmem>> -> memref<1x32xf32, #tpu.memory_space<vmem>>
      %dma_start3A_135 = arith.constant 0 : i32
      %dma_start3A_136 = tpu.memref_slice %arg4[%squeeze3A_128, %dma_start3A_135] : memref<1000000x32xf32, #tpu.memory_space<hbm>> -> memref<1x32xf32, #tpu.memory_space<hbm>>
      %dma_start3A_137 = arith.constant 0 : i32
      %dma_start3A_138 = tpu.memref_slice %arg9[%add3A_132, %dma_start3A_137] : memref<256x32xf32, #tpu.memory_space<vmem>> -> memref<1x32xf32, #tpu.memory_space<vmem>>
      %dma_start3A_139 = arith.constant 0 : i32
      %dma_start3A_140 = tpu.memref_slice %arg4[%squeeze3A_128, %dma_start3A_139] : memref<1000000x32xf32, #tpu.memory_space<hbm>> -> memref<1x32xf32, #tpu.memory_space<hbm>>
      tpu.enqueue_dma source(%dma_start3A_140 : memref<1x32xf32, #tpu.memory_space<hbm>>) target(%dma_start3A_138 : memref<1x32xf32, #tpu.memory_space<vmem>>) target_semaphore(%arg18 : memref<!tpu.dma_semaphore, #tpu.memory_space<semaphore_mem>>)
      %slice3A_141 = vector.extract_strided_slice %get3A_45 {offsets = [3], sizes = [1], strides = [1]} : vector<16xi32> to vector<1xi32>
      %squeeze3A_142 = vector.extract %slice3A_141[0] : i32 from vector<1xi32>
      %mul3A_143 = arith.constant 16 : i32
      %mul3A_144 = arith.muli %scan3A_38, %mul3A_143 : i32
      %add3A_145 = arith.constant 3 : i32
      %add3A_146 = arith.addi %mul3A_144, %add3A_145 : i32
      %dma_start3A_147 = arith.constant 0 : i32
      %dma_start3A_148 = tpu.memref_slice %arg10[%add3A_146, %dma_start3A_147] : memref<256x32xf32, #tpu.memory_space<vmem>> -> memref<1x32xf32, #tpu.memory_space<vmem>>
      %dma_start3A_149 = arith.constant 0 : i32
      %dma_start3A_150 = tpu.memref_slice %arg5[%squeeze3A_142, %dma_start3A_149] : memref<1000000x32xf32, #tpu.memory_space<hbm>> -> memref<1x32xf32, #tpu.memory_space<hbm>>
      %dma_start3A_151 = arith.constant 0 : i32
      %dma_start3A_152 = tpu.memref_slice %arg10[%add3A_146, %dma_start3A_151] : memref<256x32xf32, #tpu.memory_space<vmem>> -> memref<1x32xf32, #tpu.memory_space<vmem>>
      %dma_start3A_153 = arith.constant 0 : i32
      %dma_start3A_154 = tpu.memref_slice %arg5[%squeeze3A_142, %dma_start3A_153] : memref<1000000x32xf32, #tpu.memory_space<hbm>> -> memref<1x32xf32, #tpu.memory_space<hbm>>
      tpu.enqueue_dma source(%dma_start3A_154 : memref<1x32xf32, #tpu.memory_space<hbm>>) target(%dma_start3A_152 : memref<1x32xf32, #tpu.memory_space<vmem>>) target_semaphore(%arg19 : memref<!tpu.dma_semaphore, #tpu.memory_space<semaphore_mem>>)
      %slice3A_155 = vector.extract_strided_slice %get3A_43 {offsets = [4], sizes = [1], strides = [1]} : vector<16xi32> to vector<1xi32>
      %squeeze3A_156 = vector.extract %slice3A_155[0] : i32 from vector<1xi32>
      %mul3A_157 = arith.constant 16 : i32
      %mul3A_158 = arith.muli %scan3A_38, %mul3A_157 : i32
      %add3A_159 = arith.constant 4 : i32
      %add3A_160 = arith.addi %mul3A_158, %add3A_159 : i32
      %dma_start3A_161 = arith.constant 0 : i32
      %dma_start3A_162 = tpu.memref_slice %arg9[%add3A_160, %dma_start3A_161] : memref<256x32xf32, #tpu.memory_space<vmem>> -> memref<1x32xf32, #tpu.memory_space<vmem>>
      %dma_start3A_163 = arith.constant 0 : i32
      %dma_start3A_164 = tpu.memref_slice %arg4[%squeeze3A_156, %dma_start3A_163] : memref<1000000x32xf32, #tpu.memory_space<hbm>> -> memref<1x32xf32, #tpu.memory_space<hbm>>
      %dma_start3A_165 = arith.constant 0 : i32
      %dma_start3A_166 = tpu.memref_slice %arg9[%add3A_160, %dma_start3A_165] : memref<256x32xf32, #tpu.memory_space<vmem>> -> memref<1x32xf32, #tpu.memory_space<vmem>>
      %dma_start3A_167 = arith.constant 0 : i32
      %dma_start3A_168 = tpu.memref_slice %arg4[%squeeze3A_156, %dma_start3A_167] : memref<1000000x32xf32, #tpu.memory_space<hbm>> -> memref<1x32xf32, #tpu.memory_space<hbm>>
      tpu.enqueue_dma source(%dma_start3A_168 : memref<1x32xf32, #tpu.memory_space<hbm>>) target(%dma_start3A_166 : memref<1x32xf32, #tpu.memory_space<vmem>>) target_semaphore(%arg12 : memref<!tpu.dma_semaphore, #tpu.memory_space<semaphore_mem>>)
      %slice3A_169 = vector.extract_strided_slice %get3A_45 {offsets = [4], sizes = [1], strides = [1]} : vector<16xi32> to vector<1xi32>
      %squeeze3A_170 = vector.extract %slice3A_169[0] : i32 from vector<1xi32>
      %mul3A_171 = arith.constant 16 : i32
      %mul3A_172 = arith.muli %scan3A_38, %mul3A_171 : i32
      %add3A_173 = arith.constant 4 : i32
      %add3A_174 = arith.addi %mul3A_172, %add3A_173 : i32
      %dma_start3A_175 = arith.constant 0 : i32
      %dma_start3A_176 = tpu.memref_slice %arg10[%add3A_174, %dma_start3A_175] : memref<256x32xf32, #tpu.memory_space<vmem>> -> memref<1x32xf32, #tpu.memory_space<vmem>>
      %dma_start3A_177 = arith.constant 0 : i32
      %dma_start3A_178 = tpu.memref_slice %arg5[%squeeze3A_170, %dma_start3A_177] : memref<1000000x32xf32, #tpu.memory_space<hbm>> -> memref<1x32xf32, #tpu.memory_space<hbm>>
      %dma_start3A_179 = arith.constant 0 : i32
      %dma_start3A_180 = tpu.memref_slice %arg10[%add3A_174, %dma_start3A_179] : memref<256x32xf32, #tpu.memory_space<vmem>> -> memref<1x32xf32, #tpu.memory_space<vmem>>
      %dma_start3A_181 = arith.constant 0 : i32
      %dma_start3A_182 = tpu.memref_slice %arg5[%squeeze3A_170, %dma_start3A_181] : memref<1000000x32xf32, #tpu.memory_space<hbm>> -> memref<1x32xf32, #tpu.memory_space<hbm>>
      tpu.enqueue_dma source(%dma_start3A_182 : memref<1x32xf32, #tpu.memory_space<hbm>>) target(%dma_start3A_180 : memref<1x32xf32, #tpu.memory_space<vmem>>) target_semaphore(%arg13 : memref<!tpu.dma_semaphore, #tpu.memory_space<semaphore_mem>>)
      %slice3A_183 = vector.extract_strided_slice %get3A_43 {offsets = [5], sizes = [1], strides = [1]} : vector<16xi32> to vector<1xi32>
      %squeeze3A_184 = vector.extract %slice3A_183[0] : i32 from vector<1xi32>
      %mul3A_185 = arith.constant 16 : i32
      %mul3A_186 = arith.muli %scan3A_38, %mul3A_185 : i32
      %add3A_187 = arith.constant 5 : i32
      %add3A_188 = arith.addi %mul3A_186, %add3A_187 : i32
      %dma_start3A_189 = arith.constant 0 : i32
      %dma_start3A_190 = tpu.memref_slice %arg9[%add3A_188, %dma_start3A_189] : memref<256x32xf32, #tpu.memory_space<vmem>> -> memref<1x32xf32, #tpu.memory_space<vmem>>
      %dma_start3A_191 = arith.constant 0 : i32
      %dma_start3A_192 = tpu.memref_slice %arg4[%squeeze3A_184, %dma_start3A_191] : memref<1000000x32xf32, #tpu.memory_space<hbm>> -> memref<1x32xf32, #tpu.memory_space<hbm>>
      %dma_start3A_193 = arith.constant 0 : i32
      %dma_start3A_194 = tpu.memref_slice %arg9[%add3A_188, %dma_start3A_193] : memref<256x32xf32, #tpu.memory_space<vmem>> -> memref<1x32xf32, #tpu.memory_space<vmem>>
      %dma_start3A_195 = arith.constant 0 : i32
      %dma_start3A_196 = tpu.memref_slice %arg4[%squeeze3A_184, %dma_start3A_195] : memref<1000000x32xf32, #tpu.memory_space<hbm>> -> memref<1x32xf32, #tpu.memory_space<hbm>>
      tpu.enqueue_dma source(%dma_start3A_196 : memref<1x32xf32, #tpu.memory_space<hbm>>) target(%dma_start3A_194 : memref<1x32xf32, #tpu.memory_space<vmem>>) target_semaphore(%arg14 : memref<!tpu.dma_semaphore, #tpu.memory_space<semaphore_mem>>)
      %slice3A_197 = vector.extract_strided_slice %get3A_45 {offsets = [5], sizes = [1], strides = [1]} : vector<16xi32> to vector<1xi32>
      %squeeze3A_198 = vector.extract %slice3A_197[0] : i32 from vector<1xi32>
      %mul3A_199 = arith.constant 16 : i32
      %mul3A_200 = arith.muli %scan3A_38, %mul3A_199 : i32
      %add3A_201 = arith.constant 5 : i32
      %add3A_202 = arith.addi %mul3A_200, %add3A_201 : i32
      %dma_start3A_203 = arith.constant 0 : i32
      %dma_start3A_204 = tpu.memref_slice %arg10[%add3A_202, %dma_start3A_203] : memref<256x32xf32, #tpu.memory_space<vmem>> -> memref<1x32xf32, #tpu.memory_space<vmem>>
      %dma_start3A_205 = arith.constant 0 : i32
      %dma_start3A_206 = tpu.memref_slice %arg5[%squeeze3A_198, %dma_start3A_205] : memref<1000000x32xf32, #tpu.memory_space<hbm>> -> memref<1x32xf32, #tpu.memory_space<hbm>>
      %dma_start3A_207 = arith.constant 0 : i32
      %dma_start3A_208 = tpu.memref_slice %arg10[%add3A_202, %dma_start3A_207] : memref<256x32xf32, #tpu.memory_space<vmem>> -> memref<1x32xf32, #tpu.memory_space<vmem>>
      %dma_start3A_209 = arith.constant 0 : i32
      %dma_start3A_210 = tpu.memref_slice %arg5[%squeeze3A_198, %dma_start3A_209] : memref<1000000x32xf32, #tpu.memory_space<hbm>> -> memref<1x32xf32, #tpu.memory_space<hbm>>
      tpu.enqueue_dma source(%dma_start3A_210 : memref<1x32xf32, #tpu.memory_space<hbm>>) target(%dma_start3A_208 : memref<1x32xf32, #tpu.memory_space<vmem>>) target_semaphore(%arg15 : memref<!tpu.dma_semaphore, #tpu.memory_space<semaphore_mem>>)
      %slice3A_211 = vector.extract_strided_slice %get3A_43 {offsets = [6], sizes = [1], strides = [1]} : vector<16xi32> to vector<1xi32>
      %squeeze3A_212 = vector.extract %slice3A_211[0] : i32 from vector<1xi32>
      %mul3A_213 = arith.constant 16 : i32
      %mul3A_214 = arith.muli %scan3A_38, %mul3A_213 : i32
      %add3A_215 = arith.constant 6 : i32
      %add3A_216 = arith.addi %mul3A_214, %add3A_215 : i32
      %dma_start3A_217 = arith.constant 0 : i32
      %dma_start3A_218 = tpu.memref_slice %arg9[%add3A_216, %dma_start3A_217] : memref<256x32xf32, #tpu.memory_space<vmem>> -> memref<1x32xf32, #tpu.memory_space<vmem>>
      %dma_start3A_219 = arith.constant 0 : i32
      %dma_start3A_220 = tpu.memref_slice %arg4[%squeeze3A_212, %dma_start3A_219] : memref<1000000x32xf32, #tpu.memory_space<hbm>> -> memref<1x32xf32, #tpu.memory_space<hbm>>
      %dma_start3A_221 = arith.constant 0 : i32
      %dma_start3A_222 = tpu.memref_slice %arg9[%add3A_216, %dma_start3A_221] : memref<256x32xf32, #tpu.memory_space<vmem>> -> memref<1x32xf32, #tpu.memory_space<vmem>>
      %dma_start3A_223 = arith.constant 0 : i32
      %dma_start3A_224 = tpu.memref_slice %arg4[%squeeze3A_212, %dma_start3A_223] : memref<1000000x32xf32, #tpu.memory_space<hbm>> -> memref<1x32xf32, #tpu.memory_space<hbm>>
      tpu.enqueue_dma source(%dma_start3A_224 : memref<1x32xf32, #tpu.memory_space<hbm>>) target(%dma_start3A_222 : memref<1x32xf32, #tpu.memory_space<vmem>>) target_semaphore(%arg16 : memref<!tpu.dma_semaphore, #tpu.memory_space<semaphore_mem>>)
      %slice3A_225 = vector.extract_strided_slice %get3A_45 {offsets = [6], sizes = [1], strides = [1]} : vector<16xi32> to vector<1xi32>
      %squeeze3A_226 = vector.extract %slice3A_225[0] : i32 from vector<1xi32>
      %mul3A_227 = arith.constant 16 : i32
      %mul3A_228 = arith.muli %scan3A_38, %mul3A_227 : i32
      %add3A_229 = arith.constant 6 : i32
      %add3A_230 = arith.addi %mul3A_228, %add3A_229 : i32
      %dma_start3A_231 = arith.constant 0 : i32
      %dma_start3A_232 = tpu.memref_slice %arg10[%add3A_230, %dma_start3A_231] : memref<256x32xf32, #tpu.memory_space<vmem>> -> memref<1x32xf32, #tpu.memory_space<vmem>>
      %dma_start3A_233 = arith.constant 0 : i32
      %dma_start3A_234 = tpu.memref_slice %arg5[%squeeze3A_226, %dma_start3A_233] : memref<1000000x32xf32, #tpu.memory_space<hbm>> -> memref<1x32xf32, #tpu.memory_space<hbm>>
      %dma_start3A_235 = arith.constant 0 : i32
      %dma_start3A_236 = tpu.memref_slice %arg10[%add3A_230, %dma_start3A_235] : memref<256x32xf32, #tpu.memory_space<vmem>> -> memref<1x32xf32, #tpu.memory_space<vmem>>
      %dma_start3A_237 = arith.constant 0 : i32
      %dma_start3A_238 = tpu.memref_slice %arg5[%squeeze3A_226, %dma_start3A_237] : memref<1000000x32xf32, #tpu.memory_space<hbm>> -> memref<1x32xf32, #tpu.memory_space<hbm>>
      tpu.enqueue_dma source(%dma_start3A_238 : memref<1x32xf32, #tpu.memory_space<hbm>>) target(%dma_start3A_236 : memref<1x32xf32, #tpu.memory_space<vmem>>) target_semaphore(%arg17 : memref<!tpu.dma_semaphore, #tpu.memory_space<semaphore_mem>>)
      %slice3A_239 = vector.extract_strided_slice %get3A_43 {offsets = [7], sizes = [1], strides = [1]} : vector<16xi32> to vector<1xi32>
      %squeeze3A_240 = vector.extract %slice3A_239[0] : i32 from vector<1xi32>
      %mul3A_241 = arith.constant 16 : i32
      %mul3A_242 = arith.muli %scan3A_38, %mul3A_241 : i32
      %add3A_243 = arith.constant 7 : i32
      %add3A_244 = arith.addi %mul3A_242, %add3A_243 : i32
      %dma_start3A_245 = arith.constant 0 : i32
      %dma_start3A_246 = tpu.memref_slice %arg9[%add3A_244, %dma_start3A_245] : memref<256x32xf32, #tpu.memory_space<vmem>> -> memref<1x32xf32, #tpu.memory_space<vmem>>
      %dma_start3A_247 = arith.constant 0 : i32
      %dma_start3A_248 = tpu.memref_slice %arg4[%squeeze3A_240, %dma_start3A_247] : memref<1000000x32xf32, #tpu.memory_space<hbm>> -> memref<1x32xf32, #tpu.memory_space<hbm>>
      %dma_start3A_249 = arith.constant 0 : i32
      %dma_start3A_250 = tpu.memref_slice %arg9[%add3A_244, %dma_start3A_249] : memref<256x32xf32, #tpu.memory_space<vmem>> -> memref<1x32xf32, #tpu.memory_space<vmem>>
      %dma_start3A_251 = arith.constant 0 : i32
      %dma_start3A_252 = tpu.memref_slice %arg4[%squeeze3A_240, %dma_start3A_251] : memref<1000000x32xf32, #tpu.memory_space<hbm>> -> memref<1x32xf32, #tpu.memory_space<hbm>>
      tpu.enqueue_dma source(%dma_start3A_252 : memref<1x32xf32, #tpu.memory_space<hbm>>) target(%dma_start3A_250 : memref<1x32xf32, #tpu.memory_space<vmem>>) target_semaphore(%arg18 : memref<!tpu.dma_semaphore, #tpu.memory_space<semaphore_mem>>)
      %slice3A_253 = vector.extract_strided_slice %get3A_45 {offsets = [7], sizes = [1], strides = [1]} : vector<16xi32> to vector<1xi32>
      %squeeze3A_254 = vector.extract %slice3A_253[0] : i32 from vector<1xi32>
      %mul3A_255 = arith.constant 16 : i32
      %mul3A_256 = arith.muli %scan3A_38, %mul3A_255 : i32
      %add3A_257 = arith.constant 7 : i32
      %add3A_258 = arith.addi %mul3A_256, %add3A_257 : i32
      %dma_start3A_259 = arith.constant 0 : i32
      %dma_start3A_260 = tpu.memref_slice %arg10[%add3A_258, %dma_start3A_259] : memref<256x32xf32, #tpu.memory_space<vmem>> -> memref<1x32xf32, #tpu.memory_space<vmem>>
      %dma_start3A_261 = arith.constant 0 : i32
      %dma_start3A_262 = tpu.memref_slice %arg5[%squeeze3A_254, %dma_start3A_261] : memref<1000000x32xf32, #tpu.memory_space<hbm>> -> memref<1x32xf32, #tpu.memory_space<hbm>>
      %dma_start3A_263 = arith.constant 0 : i32
      %dma_start3A_264 = tpu.memref_slice %arg10[%add3A_258, %dma_start3A_263] : memref<256x32xf32, #tpu.memory_space<vmem>> -> memref<1x32xf32, #tpu.memory_space<vmem>>
      %dma_start3A_265 = arith.constant 0 : i32
      %dma_start3A_266 = tpu.memref_slice %arg5[%squeeze3A_254, %dma_start3A_265] : memref<1000000x32xf32, #tpu.memory_space<hbm>> -> memref<1x32xf32, #tpu.memory_space<hbm>>
      tpu.enqueue_dma source(%dma_start3A_266 : memref<1x32xf32, #tpu.memory_space<hbm>>) target(%dma_start3A_264 : memref<1x32xf32, #tpu.memory_space<vmem>>) target_semaphore(%arg19 : memref<!tpu.dma_semaphore, #tpu.memory_space<semaphore_mem>>)
      %slice3A_267 = vector.extract_strided_slice %get3A_43 {offsets = [8], sizes = [1], strides = [1]} : vector<16xi32> to vector<1xi32>
      %squeeze3A_268 = vector.extract %slice3A_267[0] : i32 from vector<1xi32>
      %mul3A_269 = arith.constant 16 : i32
      %mul3A_270 = arith.muli %scan3A_38, %mul3A_269 : i32
      %add3A_271 = arith.constant 8 : i32
      %add3A_272 = arith.addi %mul3A_270, %add3A_271 : i32
      %dma_start3A_273 = arith.constant 0 : i32
      %dma_start3A_274 = tpu.memref_slice %arg9[%add3A_272, %dma_start3A_273] : memref<256x32xf32, #tpu.memory_space<vmem>> -> memref<1x32xf32, #tpu.memory_space<vmem>>
      %dma_start3A_275 = arith.constant 0 : i32
      %dma_start3A_276 = tpu.memref_slice %arg4[%squeeze3A_268, %dma_start3A_275] : memref<1000000x32xf32, #tpu.memory_space<hbm>> -> memref<1x32xf32, #tpu.memory_space<hbm>>
      %dma_start3A_277 = arith.constant 0 : i32
      %dma_start3A_278 = tpu.memref_slice %arg9[%add3A_272, %dma_start3A_277] : memref<256x32xf32, #tpu.memory_space<vmem>> -> memref<1x32xf32, #tpu.memory_space<vmem>>
      %dma_start3A_279 = arith.constant 0 : i32
      %dma_start3A_280 = tpu.memref_slice %arg4[%squeeze3A_268, %dma_start3A_279] : memref<1000000x32xf32, #tpu.memory_space<hbm>> -> memref<1x32xf32, #tpu.memory_space<hbm>>
      tpu.enqueue_dma source(%dma_start3A_280 : memref<1x32xf32, #tpu.memory_space<hbm>>) target(%dma_start3A_278 : memref<1x32xf32, #tpu.memory_space<vmem>>) target_semaphore(%arg12 : memref<!tpu.dma_semaphore, #tpu.memory_space<semaphore_mem>>)
      %slice3A_281 = vector.extract_strided_slice %get3A_45 {offsets = [8], sizes = [1], strides = [1]} : vector<16xi32> to vector<1xi32>
      %squeeze3A_282 = vector.extract %slice3A_281[0] : i32 from vector<1xi32>
      %mul3A_283 = arith.constant 16 : i32
      %mul3A_284 = arith.muli %scan3A_38, %mul3A_283 : i32
      %add3A_285 = arith.constant 8 : i32
      %add3A_286 = arith.addi %mul3A_284, %add3A_285 : i32
      %dma_start3A_287 = arith.constant 0 : i32
      %dma_start3A_288 = tpu.memref_slice %arg10[%add3A_286, %dma_start3A_287] : memref<256x32xf32, #tpu.memory_space<vmem>> -> memref<1x32xf32, #tpu.memory_space<vmem>>
      %dma_start3A_289 = arith.constant 0 : i32
      %dma_start3A_290 = tpu.memref_slice %arg5[%squeeze3A_282, %dma_start3A_289] : memref<1000000x32xf32, #tpu.memory_space<hbm>> -> memref<1x32xf32, #tpu.memory_space<hbm>>
      %dma_start3A_291 = arith.constant 0 : i32
      %dma_start3A_292 = tpu.memref_slice %arg10[%add3A_286, %dma_start3A_291] : memref<256x32xf32, #tpu.memory_space<vmem>> -> memref<1x32xf32, #tpu.memory_space<vmem>>
      %dma_start3A_293 = arith.constant 0 : i32
      %dma_start3A_294 = tpu.memref_slice %arg5[%squeeze3A_282, %dma_start3A_293] : memref<1000000x32xf32, #tpu.memory_space<hbm>> -> memref<1x32xf32, #tpu.memory_space<hbm>>
      tpu.enqueue_dma source(%dma_start3A_294 : memref<1x32xf32, #tpu.memory_space<hbm>>) target(%dma_start3A_292 : memref<1x32xf32, #tpu.memory_space<vmem>>) target_semaphore(%arg13 : memref<!tpu.dma_semaphore, #tpu.memory_space<semaphore_mem>>)
      %slice3A_295 = vector.extract_strided_slice %get3A_43 {offsets = [9], sizes = [1], strides = [1]} : vector<16xi32> to vector<1xi32>
      %squeeze3A_296 = vector.extract %slice3A_295[0] : i32 from vector<1xi32>
      %mul3A_297 = arith.constant 16 : i32
      %mul3A_298 = arith.muli %scan3A_38, %mul3A_297 : i32
      %add3A_299 = arith.constant 9 : i32
      %add3A_300 = arith.addi %mul3A_298, %add3A_299 : i32
      %dma_start3A_301 = arith.constant 0 : i32
      %dma_start3A_302 = tpu.memref_slice %arg9[%add3A_300, %dma_start3A_301] : memref<256x32xf32, #tpu.memory_space<vmem>> -> memref<1x32xf32, #tpu.memory_space<vmem>>
      %dma_start3A_303 = arith.constant 0 : i32
      %dma_start3A_304 = tpu.memref_slice %arg4[%squeeze3A_296, %dma_start3A_303] : memref<1000000x32xf32, #tpu.memory_space<hbm>> -> memref<1x32xf32, #tpu.memory_space<hbm>>
      %dma_start3A_305 = arith.constant 0 : i32
      %dma_start3A_306 = tpu.memref_slice %arg9[%add3A_300, %dma_start3A_305] : memref<256x32xf32, #tpu.memory_space<vmem>> -> memref<1x32xf32, #tpu.memory_space<vmem>>
      %dma_start3A_307 = arith.constant 0 : i32
      %dma_start3A_308 = tpu.memref_slice %arg4[%squeeze3A_296, %dma_start3A_307] : memref<1000000x32xf32, #tpu.memory_space<hbm>> -> memref<1x32xf32, #tpu.memory_space<hbm>>
      tpu.enqueue_dma source(%dma_start3A_308 : memref<1x32xf32, #tpu.memory_space<hbm>>) target(%dma_start3A_306 : memref<1x32xf32, #tpu.memory_space<vmem>>) target_semaphore(%arg14 : memref<!tpu.dma_semaphore, #tpu.memory_space<semaphore_mem>>)
      %slice3A_309 = vector.extract_strided_slice %get3A_45 {offsets = [9], sizes = [1], strides = [1]} : vector<16xi32> to vector<1xi32>
      %squeeze3A_310 = vector.extract %slice3A_309[0] : i32 from vector<1xi32>
      %mul3A_311 = arith.constant 16 : i32
      %mul3A_312 = arith.muli %scan3A_38, %mul3A_311 : i32
      %add3A_313 = arith.constant 9 : i32
      %add3A_314 = arith.addi %mul3A_312, %add3A_313 : i32
      %dma_start3A_315 = arith.constant 0 : i32
      %dma_start3A_316 = tpu.memref_slice %arg10[%add3A_314, %dma_start3A_315] : memref<256x32xf32, #tpu.memory_space<vmem>> -> memref<1x32xf32, #tpu.memory_space<vmem>>
      %dma_start3A_317 = arith.constant 0 : i32
      %dma_start3A_318 = tpu.memref_slice %arg5[%squeeze3A_310, %dma_start3A_317] : memref<1000000x32xf32, #tpu.memory_space<hbm>> -> memref<1x32xf32, #tpu.memory_space<hbm>>
      %dma_start3A_319 = arith.constant 0 : i32
      %dma_start3A_320 = tpu.memref_slice %arg10[%add3A_314, %dma_start3A_319] : memref<256x32xf32, #tpu.memory_space<vmem>> -> memref<1x32xf32, #tpu.memory_space<vmem>>
      %dma_start3A_321 = arith.constant 0 : i32
      %dma_start3A_322 = tpu.memref_slice %arg5[%squeeze3A_310, %dma_start3A_321] : memref<1000000x32xf32, #tpu.memory_space<hbm>> -> memref<1x32xf32, #tpu.memory_space<hbm>>
      tpu.enqueue_dma source(%dma_start3A_322 : memref<1x32xf32, #tpu.memory_space<hbm>>) target(%dma_start3A_320 : memref<1x32xf32, #tpu.memory_space<vmem>>) target_semaphore(%arg15 : memref<!tpu.dma_semaphore, #tpu.memory_space<semaphore_mem>>)
      %slice3A_323 = vector.extract_strided_slice %get3A_43 {offsets = [10], sizes = [1], strides = [1]} : vector<16xi32> to vector<1xi32>
      %squeeze3A_324 = vector.extract %slice3A_323[0] : i32 from vector<1xi32>
      %mul3A_325 = arith.constant 16 : i32
      %mul3A_326 = arith.muli %scan3A_38, %mul3A_325 : i32
      %add3A_327 = arith.constant 10 : i32
      %add3A_328 = arith.addi %mul3A_326, %add3A_327 : i32
      %dma_start3A_329 = arith.constant 0 : i32
      %dma_start3A_330 = tpu.memref_slice %arg9[%add3A_328, %dma_start3A_329] : memref<256x32xf32, #tpu.memory_space<vmem>> -> memref<1x32xf32, #tpu.memory_space<vmem>>
      %dma_start3A_331 = arith.constant 0 : i32
      %dma_start3A_332 = tpu.memref_slice %arg4[%squeeze3A_324, %dma_start3A_331] : memref<1000000x32xf32, #tpu.memory_space<hbm>> -> memref<1x32xf32, #tpu.memory_space<hbm>>
      %dma_start3A_333 = arith.constant 0 : i32
      %dma_start3A_334 = tpu.memref_slice %arg9[%add3A_328, %dma_start3A_333] : memref<256x32xf32, #tpu.memory_space<vmem>> -> memref<1x32xf32, #tpu.memory_space<vmem>>
      %dma_start3A_335 = arith.constant 0 : i32
      %dma_start3A_336 = tpu.memref_slice %arg4[%squeeze3A_324, %dma_start3A_335] : memref<1000000x32xf32, #tpu.memory_space<hbm>> -> memref<1x32xf32, #tpu.memory_space<hbm>>
      tpu.enqueue_dma source(%dma_start3A_336 : memref<1x32xf32, #tpu.memory_space<hbm>>) target(%dma_start3A_334 : memref<1x32xf32, #tpu.memory_space<vmem>>) target_semaphore(%arg16 : memref<!tpu.dma_semaphore, #tpu.memory_space<semaphore_mem>>)
      %slice3A_337 = vector.extract_strided_slice %get3A_45 {offsets = [10], sizes = [1], strides = [1]} : vector<16xi32> to vector<1xi32>
      %squeeze3A_338 = vector.extract %slice3A_337[0] : i32 from vector<1xi32>
      %mul3A_339 = arith.constant 16 : i32
      %mul3A_340 = arith.muli %scan3A_38, %mul3A_339 : i32
      %add3A_341 = arith.constant 10 : i32
      %add3A_342 = arith.addi %mul3A_340, %add3A_341 : i32
      %dma_start3A_343 = arith.constant 0 : i32
      %dma_start3A_344 = tpu.memref_slice %arg10[%add3A_342, %dma_start3A_343] : memref<256x32xf32, #tpu.memory_space<vmem>> -> memref<1x32xf32, #tpu.memory_space<vmem>>
      %dma_start3A_345 = arith.constant 0 : i32
      %dma_start3A_346 = tpu.memref_slice %arg5[%squeeze3A_338, %dma_start3A_345] : memref<1000000x32xf32, #tpu.memory_space<hbm>> -> memref<1x32xf32, #tpu.memory_space<hbm>>
      %dma_start3A_347 = arith.constant 0 : i32
      %dma_start3A_348 = tpu.memref_slice %arg10[%add3A_342, %dma_start3A_347] : memref<256x32xf32, #tpu.memory_space<vmem>> -> memref<1x32xf32, #tpu.memory_space<vmem>>
      %dma_start3A_349 = arith.constant 0 : i32
      %dma_start3A_350 = tpu.memref_slice %arg5[%squeeze3A_338, %dma_start3A_349] : memref<1000000x32xf32, #tpu.memory_space<hbm>> -> memref<1x32xf32, #tpu.memory_space<hbm>>
      tpu.enqueue_dma source(%dma_start3A_350 : memref<1x32xf32, #tpu.memory_space<hbm>>) target(%dma_start3A_348 : memref<1x32xf32, #tpu.memory_space<vmem>>) target_semaphore(%arg17 : memref<!tpu.dma_semaphore, #tpu.memory_space<semaphore_mem>>)
      %slice3A_351 = vector.extract_strided_slice %get3A_43 {offsets = [11], sizes = [1], strides = [1]} : vector<16xi32> to vector<1xi32>
      %squeeze3A_352 = vector.extract %slice3A_351[0] : i32 from vector<1xi32>
      %mul3A_353 = arith.constant 16 : i32
      %mul3A_354 = arith.muli %scan3A_38, %mul3A_353 : i32
      %add3A_355 = arith.constant 11 : i32
      %add3A_356 = arith.addi %mul3A_354, %add3A_355 : i32
      %dma_start3A_357 = arith.constant 0 : i32
      %dma_start3A_358 = tpu.memref_slice %arg9[%add3A_356, %dma_start3A_357] : memref<256x32xf32, #tpu.memory_space<vmem>> -> memref<1x32xf32, #tpu.memory_space<vmem>>
      %dma_start3A_359 = arith.constant 0 : i32
      %dma_start3A_360 = tpu.memref_slice %arg4[%squeeze3A_352, %dma_start3A_359] : memref<1000000x32xf32, #tpu.memory_space<hbm>> -> memref<1x32xf32, #tpu.memory_space<hbm>>
      %dma_start3A_361 = arith.constant 0 : i32
      %dma_start3A_362 = tpu.memref_slice %arg9[%add3A_356, %dma_start3A_361] : memref<256x32xf32, #tpu.memory_space<vmem>> -> memref<1x32xf32, #tpu.memory_space<vmem>>
      %dma_start3A_363 = arith.constant 0 : i32
      %dma_start3A_364 = tpu.memref_slice %arg4[%squeeze3A_352, %dma_start3A_363] : memref<1000000x32xf32, #tpu.memory_space<hbm>> -> memref<1x32xf32, #tpu.memory_space<hbm>>
      tpu.enqueue_dma source(%dma_start3A_364 : memref<1x32xf32, #tpu.memory_space<hbm>>) target(%dma_start3A_362 : memref<1x32xf32, #tpu.memory_space<vmem>>) target_semaphore(%arg18 : memref<!tpu.dma_semaphore, #tpu.memory_space<semaphore_mem>>)
      %slice3A_365 = vector.extract_strided_slice %get3A_45 {offsets = [11], sizes = [1], strides = [1]} : vector<16xi32> to vector<1xi32>
      %squeeze3A_366 = vector.extract %slice3A_365[0] : i32 from vector<1xi32>
      %mul3A_367 = arith.constant 16 : i32
      %mul3A_368 = arith.muli %scan3A_38, %mul3A_367 : i32
      %add3A_369 = arith.constant 11 : i32
      %add3A_370 = arith.addi %mul3A_368, %add3A_369 : i32
      %dma_start3A_371 = arith.constant 0 : i32
      %dma_start3A_372 = tpu.memref_slice %arg10[%add3A_370, %dma_start3A_371] : memref<256x32xf32, #tpu.memory_space<vmem>> -> memref<1x32xf32, #tpu.memory_space<vmem>>
      %dma_start3A_373 = arith.constant 0 : i32
      %dma_start3A_374 = tpu.memref_slice %arg5[%squeeze3A_366, %dma_start3A_373] : memref<1000000x32xf32, #tpu.memory_space<hbm>> -> memref<1x32xf32, #tpu.memory_space<hbm>>
      %dma_start3A_375 = arith.constant 0 : i32
      %dma_start3A_376 = tpu.memref_slice %arg10[%add3A_370, %dma_start3A_375] : memref<256x32xf32, #tpu.memory_space<vmem>> -> memref<1x32xf32, #tpu.memory_space<vmem>>
      %dma_start3A_377 = arith.constant 0 : i32
      %dma_start3A_378 = tpu.memref_slice %arg5[%squeeze3A_366, %dma_start3A_377] : memref<1000000x32xf32, #tpu.memory_space<hbm>> -> memref<1x32xf32, #tpu.memory_space<hbm>>
      tpu.enqueue_dma source(%dma_start3A_378 : memref<1x32xf32, #tpu.memory_space<hbm>>) target(%dma_start3A_376 : memref<1x32xf32, #tpu.memory_space<vmem>>) target_semaphore(%arg19 : memref<!tpu.dma_semaphore, #tpu.memory_space<semaphore_mem>>)
      %slice3A_379 = vector.extract_strided_slice %get3A_43 {offsets = [12], sizes = [1], strides = [1]} : vector<16xi32> to vector<1xi32>
      %squeeze3A_380 = vector.extract %slice3A_379[0] : i32 from vector<1xi32>
      %mul3A_381 = arith.constant 16 : i32
      %mul3A_382 = arith.muli %scan3A_38, %mul3A_381 : i32
      %add3A_383 = arith.constant 12 : i32
      %add3A_384 = arith.addi %mul3A_382, %add3A_383 : i32
      %dma_start3A_385 = arith.constant 0 : i32
      %dma_start3A_386 = tpu.memref_slice %arg9[%add3A_384, %dma_start3A_385] : memref<256x32xf32, #tpu.memory_space<vmem>> -> memref<1x32xf32, #tpu.memory_space<vmem>>
      %dma_start3A_387 = arith.constant 0 : i32
      %dma_start3A_388 = tpu.memref_slice %arg4[%squeeze3A_380, %dma_start3A_387] : memref<1000000x32xf32, #tpu.memory_space<hbm>> -> memref<1x32xf32, #tpu.memory_space<hbm>>
      %dma_start3A_389 = arith.constant 0 : i32
      %dma_start3A_390 = tpu.memref_slice %arg9[%add3A_384, %dma_start3A_389] : memref<256x32xf32, #tpu.memory_space<vmem>> -> memref<1x32xf32, #tpu.memory_space<vmem>>
      %dma_start3A_391 = arith.constant 0 : i32
      %dma_start3A_392 = tpu.memref_slice %arg4[%squeeze3A_380, %dma_start3A_391] : memref<1000000x32xf32, #tpu.memory_space<hbm>> -> memref<1x32xf32, #tpu.memory_space<hbm>>
      tpu.enqueue_dma source(%dma_start3A_392 : memref<1x32xf32, #tpu.memory_space<hbm>>) target(%dma_start3A_390 : memref<1x32xf32, #tpu.memory_space<vmem>>) target_semaphore(%arg12 : memref<!tpu.dma_semaphore, #tpu.memory_space<semaphore_mem>>)
      %slice3A_393 = vector.extract_strided_slice %get3A_45 {offsets = [12], sizes = [1], strides = [1]} : vector<16xi32> to vector<1xi32>
      %squeeze3A_394 = vector.extract %slice3A_393[0] : i32 from vector<1xi32>
      %mul3A_395 = arith.constant 16 : i32
      %mul3A_396 = arith.muli %scan3A_38, %mul3A_395 : i32
      %add3A_397 = arith.constant 12 : i32
      %add3A_398 = arith.addi %mul3A_396, %add3A_397 : i32
      %dma_start3A_399 = arith.constant 0 : i32
      %dma_start3A_400 = tpu.memref_slice %arg10[%add3A_398, %dma_start3A_399] : memref<256x32xf32, #tpu.memory_space<vmem>> -> memref<1x32xf32, #tpu.memory_space<vmem>>
      %dma_start3A_401 = arith.constant 0 : i32
      %dma_start3A_402 = tpu.memref_slice %arg5[%squeeze3A_394, %dma_start3A_401] : memref<1000000x32xf32, #tpu.memory_space<hbm>> -> memref<1x32xf32, #tpu.memory_space<hbm>>
      %dma_start3A_403 = arith.constant 0 : i32
      %dma_start3A_404 = tpu.memref_slice %arg10[%add3A_398, %dma_start3A_403] : memref<256x32xf32, #tpu.memory_space<vmem>> -> memref<1x32xf32, #tpu.memory_space<vmem>>
      %dma_start3A_405 = arith.constant 0 : i32
      %dma_start3A_406 = tpu.memref_slice %arg5[%squeeze3A_394, %dma_start3A_405] : memref<1000000x32xf32, #tpu.memory_space<hbm>> -> memref<1x32xf32, #tpu.memory_space<hbm>>
      tpu.enqueue_dma source(%dma_start3A_406 : memref<1x32xf32, #tpu.memory_space<hbm>>) target(%dma_start3A_404 : memref<1x32xf32, #tpu.memory_space<vmem>>) target_semaphore(%arg13 : memref<!tpu.dma_semaphore, #tpu.memory_space<semaphore_mem>>)
      %slice3A_407 = vector.extract_strided_slice %get3A_43 {offsets = [13], sizes = [1], strides = [1]} : vector<16xi32> to vector<1xi32>
      %squeeze3A_408 = vector.extract %slice3A_407[0] : i32 from vector<1xi32>
      %mul3A_409 = arith.constant 16 : i32
      %mul3A_410 = arith.muli %scan3A_38, %mul3A_409 : i32
      %add3A_411 = arith.constant 13 : i32
      %add3A_412 = arith.addi %mul3A_410, %add3A_411 : i32
      %dma_start3A_413 = arith.constant 0 : i32
      %dma_start3A_414 = tpu.memref_slice %arg9[%add3A_412, %dma_start3A_413] : memref<256x32xf32, #tpu.memory_space<vmem>> -> memref<1x32xf32, #tpu.memory_space<vmem>>
      %dma_start3A_415 = arith.constant 0 : i32
      %dma_start3A_416 = tpu.memref_slice %arg4[%squeeze3A_408, %dma_start3A_415] : memref<1000000x32xf32, #tpu.memory_space<hbm>> -> memref<1x32xf32, #tpu.memory_space<hbm>>
      %dma_start3A_417 = arith.constant 0 : i32
      %dma_start3A_418 = tpu.memref_slice %arg9[%add3A_412, %dma_start3A_417] : memref<256x32xf32, #tpu.memory_space<vmem>> -> memref<1x32xf32, #tpu.memory_space<vmem>>
      %dma_start3A_419 = arith.constant 0 : i32
      %dma_start3A_420 = tpu.memref_slice %arg4[%squeeze3A_408, %dma_start3A_419] : memref<1000000x32xf32, #tpu.memory_space<hbm>> -> memref<1x32xf32, #tpu.memory_space<hbm>>
      tpu.enqueue_dma source(%dma_start3A_420 : memref<1x32xf32, #tpu.memory_space<hbm>>) target(%dma_start3A_418 : memref<1x32xf32, #tpu.memory_space<vmem>>) target_semaphore(%arg14 : memref<!tpu.dma_semaphore, #tpu.memory_space<semaphore_mem>>)
      %slice3A_421 = vector.extract_strided_slice %get3A_45 {offsets = [13], sizes = [1], strides = [1]} : vector<16xi32> to vector<1xi32>
      %squeeze3A_422 = vector.extract %slice3A_421[0] : i32 from vector<1xi32>
      %mul3A_423 = arith.constant 16 : i32
      %mul3A_424 = arith.muli %scan3A_38, %mul3A_423 : i32
      %add3A_425 = arith.constant 13 : i32
      %add3A_426 = arith.addi %mul3A_424, %add3A_425 : i32
      %dma_start3A_427 = arith.constant 0 : i32
      %dma_start3A_428 = tpu.memref_slice %arg10[%add3A_426, %dma_start3A_427] : memref<256x32xf32, #tpu.memory_space<vmem>> -> memref<1x32xf32, #tpu.memory_space<vmem>>
      %dma_start3A_429 = arith.constant 0 : i32
      %dma_start3A_430 = tpu.memref_slice %arg5[%squeeze3A_422, %dma_start3A_429] : memref<1000000x32xf32, #tpu.memory_space<hbm>> -> memref<1x32xf32, #tpu.memory_space<hbm>>
      %dma_start3A_431 = arith.constant 0 : i32
      %dma_start3A_432 = tpu.memref_slice %arg10[%add3A_426, %dma_start3A_431] : memref<256x32xf32, #tpu.memory_space<vmem>> -> memref<1x32xf32, #tpu.memory_space<vmem>>
      %dma_start3A_433 = arith.constant 0 : i32
      %dma_start3A_434 = tpu.memref_slice %arg5[%squeeze3A_422, %dma_start3A_433] : memref<1000000x32xf32, #tpu.memory_space<hbm>> -> memref<1x32xf32, #tpu.memory_space<hbm>>
      tpu.enqueue_dma source(%dma_start3A_434 : memref<1x32xf32, #tpu.memory_space<hbm>>) target(%dma_start3A_432 : memref<1x32xf32, #tpu.memory_space<vmem>>) target_semaphore(%arg15 : memref<!tpu.dma_semaphore, #tpu.memory_space<semaphore_mem>>)
      %slice3A_435 = vector.extract_strided_slice %get3A_43 {offsets = [14], sizes = [1], strides = [1]} : vector<16xi32> to vector<1xi32>
      %squeeze3A_436 = vector.extract %slice3A_435[0] : i32 from vector<1xi32>
      %mul3A_437 = arith.constant 16 : i32
      %mul3A_438 = arith.muli %scan3A_38, %mul3A_437 : i32
      %add3A_439 = arith.constant 14 : i32
      %add3A_440 = arith.addi %mul3A_438, %add3A_439 : i32
      %dma_start3A_441 = arith.constant 0 : i32
      %dma_start3A_442 = tpu.memref_slice %arg9[%add3A_440, %dma_start3A_441] : memref<256x32xf32, #tpu.memory_space<vmem>> -> memref<1x32xf32, #tpu.memory_space<vmem>>
      %dma_start3A_443 = arith.constant 0 : i32
      %dma_start3A_444 = tpu.memref_slice %arg4[%squeeze3A_436, %dma_start3A_443] : memref<1000000x32xf32, #tpu.memory_space<hbm>> -> memref<1x32xf32, #tpu.memory_space<hbm>>
      %dma_start3A_445 = arith.constant 0 : i32
      %dma_start3A_446 = tpu.memref_slice %arg9[%add3A_440, %dma_start3A_445] : memref<256x32xf32, #tpu.memory_space<vmem>> -> memref<1x32xf32, #tpu.memory_space<vmem>>
      %dma_start3A_447 = arith.constant 0 : i32
      %dma_start3A_448 = tpu.memref_slice %arg4[%squeeze3A_436, %dma_start3A_447] : memref<1000000x32xf32, #tpu.memory_space<hbm>> -> memref<1x32xf32, #tpu.memory_space<hbm>>
      tpu.enqueue_dma source(%dma_start3A_448 : memref<1x32xf32, #tpu.memory_space<hbm>>) target(%dma_start3A_446 : memref<1x32xf32, #tpu.memory_space<vmem>>) target_semaphore(%arg16 : memref<!tpu.dma_semaphore, #tpu.memory_space<semaphore_mem>>)
      %slice3A_449 = vector.extract_strided_slice %get3A_45 {offsets = [14], sizes = [1], strides = [1]} : vector<16xi32> to vector<1xi32>
      %squeeze3A_450 = vector.extract %slice3A_449[0] : i32 from vector<1xi32>
      %mul3A_451 = arith.constant 16 : i32
      %mul3A_452 = arith.muli %scan3A_38, %mul3A_451 : i32
      %add3A_453 = arith.constant 14 : i32
      %add3A_454 = arith.addi %mul3A_452, %add3A_453 : i32
      %dma_start3A_455 = arith.constant 0 : i32
      %dma_start3A_456 = tpu.memref_slice %arg10[%add3A_454, %dma_start3A_455] : memref<256x32xf32, #tpu.memory_space<vmem>> -> memref<1x32xf32, #tpu.memory_space<vmem>>
      %dma_start3A_457 = arith.constant 0 : i32
      %dma_start3A_458 = tpu.memref_slice %arg5[%squeeze3A_450, %dma_start3A_457] : memref<1000000x32xf32, #tpu.memory_space<hbm>> -> memref<1x32xf32, #tpu.memory_space<hbm>>
      %dma_start3A_459 = arith.constant 0 : i32
      %dma_start3A_460 = tpu.memref_slice %arg10[%add3A_454, %dma_start3A_459] : memref<256x32xf32, #tpu.memory_space<vmem>> -> memref<1x32xf32, #tpu.memory_space<vmem>>
      %dma_start3A_461 = arith.constant 0 : i32
      %dma_start3A_462 = tpu.memref_slice %arg5[%squeeze3A_450, %dma_start3A_461] : memref<1000000x32xf32, #tpu.memory_space<hbm>> -> memref<1x32xf32, #tpu.memory_space<hbm>>
      tpu.enqueue_dma source(%dma_start3A_462 : memref<1x32xf32, #tpu.memory_space<hbm>>) target(%dma_start3A_460 : memref<1x32xf32, #tpu.memory_space<vmem>>) target_semaphore(%arg17 : memref<!tpu.dma_semaphore, #tpu.memory_space<semaphore_mem>>)
      %slice3A_463 = vector.extract_strided_slice %get3A_43 {offsets = [15], sizes = [1], strides = [1]} : vector<16xi32> to vector<1xi32>
      %squeeze3A_464 = vector.extract %slice3A_463[0] : i32 from vector<1xi32>
      %mul3A_465 = arith.constant 16 : i32
      %mul3A_466 = arith.muli %scan3A_38, %mul3A_465 : i32
      %add3A_467 = arith.constant 15 : i32
      %add3A_468 = arith.addi %mul3A_466, %add3A_467 : i32
      %dma_start3A_469 = arith.constant 0 : i32
      %dma_start3A_470 = tpu.memref_slice %arg9[%add3A_468, %dma_start3A_469] : memref<256x32xf32, #tpu.memory_space<vmem>> -> memref<1x32xf32, #tpu.memory_space<vmem>>
      %dma_start3A_471 = arith.constant 0 : i32
      %dma_start3A_472 = tpu.memref_slice %arg4[%squeeze3A_464, %dma_start3A_471] : memref<1000000x32xf32, #tpu.memory_space<hbm>> -> memref<1x32xf32, #tpu.memory_space<hbm>>
      %dma_start3A_473 = arith.constant 0 : i32
      %dma_start3A_474 = tpu.memref_slice %arg9[%add3A_468, %dma_start3A_473] : memref<256x32xf32, #tpu.memory_space<vmem>> -> memref<1x32xf32, #tpu.memory_space<vmem>>
      %dma_start3A_475 = arith.constant 0 : i32
      %dma_start3A_476 = tpu.memref_slice %arg4[%squeeze3A_464, %dma_start3A_475] : memref<1000000x32xf32, #tpu.memory_space<hbm>> -> memref<1x32xf32, #tpu.memory_space<hbm>>
      tpu.enqueue_dma source(%dma_start3A_476 : memref<1x32xf32, #tpu.memory_space<hbm>>) target(%dma_start3A_474 : memref<1x32xf32, #tpu.memory_space<vmem>>) target_semaphore(%arg18 : memref<!tpu.dma_semaphore, #tpu.memory_space<semaphore_mem>>)
      %slice3A_477 = vector.extract_strided_slice %get3A_45 {offsets = [15], sizes = [1], strides = [1]} : vector<16xi32> to vector<1xi32>
      %squeeze3A_478 = vector.extract %slice3A_477[0] : i32 from vector<1xi32>
      %mul3A_479 = arith.constant 16 : i32
      %mul3A_480 = arith.muli %scan3A_38, %mul3A_479 : i32
      %add3A_481 = arith.constant 15 : i32
      %add3A_482 = arith.addi %mul3A_480, %add3A_481 : i32
      %dma_start3A_483 = arith.constant 0 : i32
      %dma_start3A_484 = tpu.memref_slice %arg10[%add3A_482, %dma_start3A_483] : memref<256x32xf32, #tpu.memory_space<vmem>> -> memref<1x32xf32, #tpu.memory_space<vmem>>
      %dma_start3A_485 = arith.constant 0 : i32
      %dma_start3A_486 = tpu.memref_slice %arg5[%squeeze3A_478, %dma_start3A_485] : memref<1000000x32xf32, #tpu.memory_space<hbm>> -> memref<1x32xf32, #tpu.memory_space<hbm>>
      %dma_start3A_487 = arith.constant 0 : i32
      %dma_start3A_488 = tpu.memref_slice %arg10[%add3A_482, %dma_start3A_487] : memref<256x32xf32, #tpu.memory_space<vmem>> -> memref<1x32xf32, #tpu.memory_space<vmem>>
      %dma_start3A_489 = arith.constant 0 : i32
      %dma_start3A_490 = tpu.memref_slice %arg5[%squeeze3A_478, %dma_start3A_489] : memref<1000000x32xf32, #tpu.memory_space<hbm>> -> memref<1x32xf32, #tpu.memory_space<hbm>>
      tpu.enqueue_dma source(%dma_start3A_490 : memref<1x32xf32, #tpu.memory_space<hbm>>) target(%dma_start3A_488 : memref<1x32xf32, #tpu.memory_space<vmem>>) target_semaphore(%arg19 : memref<!tpu.dma_semaphore, #tpu.memory_space<semaphore_mem>>)
    }
    %scan3A_7 = arith.constant 16 : i32
    %scan3A_8 = arith.constant 0 : i32
    %scan3A_9 = arith.constant 0 : i32
    %scan3A_10 = arith.constant 16 : i32
    %scan3A_11 = arith.addi %scan3A_9, %scan3A_10 : i32
    %scan3A_12 = arith.constant 1 : i32
    scf.for %scan3A_38 = %scan3A_9 to %scan3A_11 step %scan3A_12  : i32 {
      %mul3A_39 = arith.constant 16 : i32
      %mul3A_40 = arith.muli %scan3A_38, %mul3A_39 : i32
      %add3A_41 = arith.constant 0 : i32
      %add3A_42 = arith.addi %mul3A_40, %add3A_41 : i32
      %dma_wait3A = arith.constant 0 : i32
      %dma_wait3A_43 = tpu.memref_slice %arg9[%add3A_42, %dma_wait3A] : memref<256x32xf32, #tpu.memory_space<vmem>> -> memref<1x32xf32, #tpu.memory_space<vmem>>
      %dma_wait3A_44 = arith.constant 0 : i32
      %dma_wait3A_45 = arith.constant 0 : i32
      %dma_wait3A_46 = tpu.memref_slice %arg4[%dma_wait3A_44, %dma_wait3A_45] : memref<1000000x32xf32, #tpu.memory_space<hbm>> -> memref<1x32xf32, #tpu.memory_space<hbm>>
      %dma_wait3A_47 = arith.constant 0 : i32
      %dma_wait3A_48 = tpu.memref_slice %arg9[%add3A_42, %dma_wait3A_47] : memref<256x32xf32, #tpu.memory_space<vmem>> -> memref<1x32xf32, #tpu.memory_space<vmem>>
      %dma_wait3A_49 = arith.constant 0 : i32
      %dma_wait3A_50 = arith.constant 0 : i32
      %dma_wait3A_51 = tpu.memref_slice %arg4[%dma_wait3A_49, %dma_wait3A_50] : memref<1000000x32xf32, #tpu.memory_space<hbm>> -> memref<1x32xf32, #tpu.memory_space<hbm>>
      tpu.wait_dma2 semaphore(%arg12 : memref<!tpu.dma_semaphore, #tpu.memory_space<semaphore_mem>>) src(%dma_wait3A_51 : memref<1x32xf32, #tpu.memory_space<hbm>>) dst(%dma_wait3A_48 : memref<1x32xf32, #tpu.memory_space<vmem>>)
      %mul3A_52 = arith.constant 16 : i32
      %mul3A_53 = arith.muli %scan3A_38, %mul3A_52 : i32
      %add3A_54 = arith.constant 0 : i32
      %add3A_55 = arith.addi %mul3A_53, %add3A_54 : i32
      %dma_wait3A_56 = arith.constant 0 : i32
      %dma_wait3A_57 = tpu.memref_slice %arg10[%add3A_55, %dma_wait3A_56] : memref<256x32xf32, #tpu.memory_space<vmem>> -> memref<1x32xf32, #tpu.memory_space<vmem>>
      %dma_wait3A_58 = arith.constant 0 : i32
      %dma_wait3A_59 = arith.constant 0 : i32
      %dma_wait3A_60 = tpu.memref_slice %arg5[%dma_wait3A_58, %dma_wait3A_59] : memref<1000000x32xf32, #tpu.memory_space<hbm>> -> memref<1x32xf32, #tpu.memory_space<hbm>>
      %dma_wait3A_61 = arith.constant 0 : i32
      %dma_wait3A_62 = tpu.memref_slice %arg10[%add3A_55, %dma_wait3A_61] : memref<256x32xf32, #tpu.memory_space<vmem>> -> memref<1x32xf32, #tpu.memory_space<vmem>>
      %dma_wait3A_63 = arith.constant 0 : i32
      %dma_wait3A_64 = arith.constant 0 : i32
      %dma_wait3A_65 = tpu.memref_slice %arg5[%dma_wait3A_63, %dma_wait3A_64] : memref<1000000x32xf32, #tpu.memory_space<hbm>> -> memref<1x32xf32, #tpu.memory_space<hbm>>
      tpu.wait_dma2 semaphore(%arg13 : memref<!tpu.dma_semaphore, #tpu.memory_space<semaphore_mem>>) src(%dma_wait3A_65 : memref<1x32xf32, #tpu.memory_space<hbm>>) dst(%dma_wait3A_62 : memref<1x32xf32, #tpu.memory_space<vmem>>)
      %mul3A_66 = arith.constant 16 : i32
      %mul3A_67 = arith.muli %scan3A_38, %mul3A_66 : i32
      %add3A_68 = arith.constant 1 : i32
      %add3A_69 = arith.addi %mul3A_67, %add3A_68 : i32
      %dma_wait3A_70 = arith.constant 0 : i32
      %dma_wait3A_71 = tpu.memref_slice %arg9[%add3A_69, %dma_wait3A_70] : memref<256x32xf32, #tpu.memory_space<vmem>> -> memref<1x32xf32, #tpu.memory_space<vmem>>
      %dma_wait3A_72 = arith.constant 0 : i32
      %dma_wait3A_73 = arith.constant 0 : i32
      %dma_wait3A_74 = tpu.memref_slice %arg4[%dma_wait3A_72, %dma_wait3A_73] : memref<1000000x32xf32, #tpu.memory_space<hbm>> -> memref<1x32xf32, #tpu.memory_space<hbm>>
      %dma_wait3A_75 = arith.constant 0 : i32
      %dma_wait3A_76 = tpu.memref_slice %arg9[%add3A_69, %dma_wait3A_75] : memref<256x32xf32, #tpu.memory_space<vmem>> -> memref<1x32xf32, #tpu.memory_space<vmem>>
      %dma_wait3A_77 = arith.constant 0 : i32
      %dma_wait3A_78 = arith.constant 0 : i32
      %dma_wait3A_79 = tpu.memref_slice %arg4[%dma_wait3A_77, %dma_wait3A_78] : memref<1000000x32xf32, #tpu.memory_space<hbm>> -> memref<1x32xf32, #tpu.memory_space<hbm>>
      tpu.wait_dma2 semaphore(%arg14 : memref<!tpu.dma_semaphore, #tpu.memory_space<semaphore_mem>>) src(%dma_wait3A_79 : memref<1x32xf32, #tpu.memory_space<hbm>>) dst(%dma_wait3A_76 : memref<1x32xf32, #tpu.memory_space<vmem>>)
      %mul3A_80 = arith.constant 16 : i32
      %mul3A_81 = arith.muli %scan3A_38, %mul3A_80 : i32
      %add3A_82 = arith.constant 1 : i32
      %add3A_83 = arith.addi %mul3A_81, %add3A_82 : i32
      %dma_wait3A_84 = arith.constant 0 : i32
      %dma_wait3A_85 = tpu.memref_slice %arg10[%add3A_83, %dma_wait3A_84] : memref<256x32xf32, #tpu.memory_space<vmem>> -> memref<1x32xf32, #tpu.memory_space<vmem>>
      %dma_wait3A_86 = arith.constant 0 : i32
      %dma_wait3A_87 = arith.constant 0 : i32
      %dma_wait3A_88 = tpu.memref_slice %arg5[%dma_wait3A_86, %dma_wait3A_87] : memref<1000000x32xf32, #tpu.memory_space<hbm>> -> memref<1x32xf32, #tpu.memory_space<hbm>>
      %dma_wait3A_89 = arith.constant 0 : i32
      %dma_wait3A_90 = tpu.memref_slice %arg10[%add3A_83, %dma_wait3A_89] : memref<256x32xf32, #tpu.memory_space<vmem>> -> memref<1x32xf32, #tpu.memory_space<vmem>>
      %dma_wait3A_91 = arith.constant 0 : i32
      %dma_wait3A_92 = arith.constant 0 : i32
      %dma_wait3A_93 = tpu.memref_slice %arg5[%dma_wait3A_91, %dma_wait3A_92] : memref<1000000x32xf32, #tpu.memory_space<hbm>> -> memref<1x32xf32, #tpu.memory_space<hbm>>
      tpu.wait_dma2 semaphore(%arg15 : memref<!tpu.dma_semaphore, #tpu.memory_space<semaphore_mem>>) src(%dma_wait3A_93 : memref<1x32xf32, #tpu.memory_space<hbm>>) dst(%dma_wait3A_90 : memref<1x32xf32, #tpu.memory_space<vmem>>)
      %mul3A_94 = arith.constant 16 : i32
      %mul3A_95 = arith.muli %scan3A_38, %mul3A_94 : i32
      %add3A_96 = arith.constant 2 : i32
      %add3A_97 = arith.addi %mul3A_95, %add3A_96 : i32
      %dma_wait3A_98 = arith.constant 0 : i32
      %dma_wait3A_99 = tpu.memref_slice %arg9[%add3A_97, %dma_wait3A_98] : memref<256x32xf32, #tpu.memory_space<vmem>> -> memref<1x32xf32, #tpu.memory_space<vmem>>
      %dma_wait3A_100 = arith.constant 0 : i32
      %dma_wait3A_101 = arith.constant 0 : i32
      %dma_wait3A_102 = tpu.memref_slice %arg4[%dma_wait3A_100, %dma_wait3A_101] : memref<1000000x32xf32, #tpu.memory_space<hbm>> -> memref<1x32xf32, #tpu.memory_space<hbm>>
      %dma_wait3A_103 = arith.constant 0 : i32
      %dma_wait3A_104 = tpu.memref_slice %arg9[%add3A_97, %dma_wait3A_103] : memref<256x32xf32, #tpu.memory_space<vmem>> -> memref<1x32xf32, #tpu.memory_space<vmem>>
      %dma_wait3A_105 = arith.constant 0 : i32
      %dma_wait3A_106 = arith.constant 0 : i32
      %dma_wait3A_107 = tpu.memref_slice %arg4[%dma_wait3A_105, %dma_wait3A_106] : memref<1000000x32xf32, #tpu.memory_space<hbm>> -> memref<1x32xf32, #tpu.memory_space<hbm>>
      tpu.wait_dma2 semaphore(%arg16 : memref<!tpu.dma_semaphore, #tpu.memory_space<semaphore_mem>>) src(%dma_wait3A_107 : memref<1x32xf32, #tpu.memory_space<hbm>>) dst(%dma_wait3A_104 : memref<1x32xf32, #tpu.memory_space<vmem>>)
      %mul3A_108 = arith.constant 16 : i32
      %mul3A_109 = arith.muli %scan3A_38, %mul3A_108 : i32
      %add3A_110 = arith.constant 2 : i32
      %add3A_111 = arith.addi %mul3A_109, %add3A_110 : i32
      %dma_wait3A_112 = arith.constant 0 : i32
      %dma_wait3A_113 = tpu.memref_slice %arg10[%add3A_111, %dma_wait3A_112] : memref<256x32xf32, #tpu.memory_space<vmem>> -> memref<1x32xf32, #tpu.memory_space<vmem>>
      %dma_wait3A_114 = arith.constant 0 : i32
      %dma_wait3A_115 = arith.constant 0 : i32
      %dma_wait3A_116 = tpu.memref_slice %arg5[%dma_wait3A_114, %dma_wait3A_115] : memref<1000000x32xf32, #tpu.memory_space<hbm>> -> memref<1x32xf32, #tpu.memory_space<hbm>>
      %dma_wait3A_117 = arith.constant 0 : i32
      %dma_wait3A_118 = tpu.memref_slice %arg10[%add3A_111, %dma_wait3A_117] : memref<256x32xf32, #tpu.memory_space<vmem>> -> memref<1x32xf32, #tpu.memory_space<vmem>>
      %dma_wait3A_119 = arith.constant 0 : i32
      %dma_wait3A_120 = arith.constant 0 : i32
      %dma_wait3A_121 = tpu.memref_slice %arg5[%dma_wait3A_119, %dma_wait3A_120] : memref<1000000x32xf32, #tpu.memory_space<hbm>> -> memref<1x32xf32, #tpu.memory_space<hbm>>
      tpu.wait_dma2 semaphore(%arg17 : memref<!tpu.dma_semaphore, #tpu.memory_space<semaphore_mem>>) src(%dma_wait3A_121 : memref<1x32xf32, #tpu.memory_space<hbm>>) dst(%dma_wait3A_118 : memref<1x32xf32, #tpu.memory_space<vmem>>)
      %mul3A_122 = arith.constant 16 : i32
      %mul3A_123 = arith.muli %scan3A_38, %mul3A_122 : i32
      %add3A_124 = arith.constant 3 : i32
      %add3A_125 = arith.addi %mul3A_123, %add3A_124 : i32
      %dma_wait3A_126 = arith.constant 0 : i32
      %dma_wait3A_127 = tpu.memref_slice %arg9[%add3A_125, %dma_wait3A_126] : memref<256x32xf32, #tpu.memory_space<vmem>> -> memref<1x32xf32, #tpu.memory_space<vmem>>
      %dma_wait3A_128 = arith.constant 0 : i32
      %dma_wait3A_129 = arith.constant 0 : i32
      %dma_wait3A_130 = tpu.memref_slice %arg4[%dma_wait3A_128, %dma_wait3A_129] : memref<1000000x32xf32, #tpu.memory_space<hbm>> -> memref<1x32xf32, #tpu.memory_space<hbm>>
      %dma_wait3A_131 = arith.constant 0 : i32
      %dma_wait3A_132 = tpu.memref_slice %arg9[%add3A_125, %dma_wait3A_131] : memref<256x32xf32, #tpu.memory_space<vmem>> -> memref<1x32xf32, #tpu.memory_space<vmem>>
      %dma_wait3A_133 = arith.constant 0 : i32
      %dma_wait3A_134 = arith.constant 0 : i32
      %dma_wait3A_135 = tpu.memref_slice %arg4[%dma_wait3A_133, %dma_wait3A_134] : memref<1000000x32xf32, #tpu.memory_space<hbm>> -> memref<1x32xf32, #tpu.memory_space<hbm>>
      tpu.wait_dma2 semaphore(%arg18 : memref<!tpu.dma_semaphore, #tpu.memory_space<semaphore_mem>>) src(%dma_wait3A_135 : memref<1x32xf32, #tpu.memory_space<hbm>>) dst(%dma_wait3A_132 : memref<1x32xf32, #tpu.memory_space<vmem>>)
      %mul3A_136 = arith.constant 16 : i32
      %mul3A_137 = arith.muli %scan3A_38, %mul3A_136 : i32
      %add3A_138 = arith.constant 3 : i32
      %add3A_139 = arith.addi %mul3A_137, %add3A_138 : i32
      %dma_wait3A_140 = arith.constant 0 : i32
      %dma_wait3A_141 = tpu.memref_slice %arg10[%add3A_139, %dma_wait3A_140] : memref<256x32xf32, #tpu.memory_space<vmem>> -> memref<1x32xf32, #tpu.memory_space<vmem>>
      %dma_wait3A_142 = arith.constant 0 : i32
      %dma_wait3A_143 = arith.constant 0 : i32
      %dma_wait3A_144 = tpu.memref_slice %arg5[%dma_wait3A_142, %dma_wait3A_143] : memref<1000000x32xf32, #tpu.memory_space<hbm>> -> memref<1x32xf32, #tpu.memory_space<hbm>>
      %dma_wait3A_145 = arith.constant 0 : i32
      %dma_wait3A_146 = tpu.memref_slice %arg10[%add3A_139, %dma_wait3A_145] : memref<256x32xf32, #tpu.memory_space<vmem>> -> memref<1x32xf32, #tpu.memory_space<vmem>>
      %dma_wait3A_147 = arith.constant 0 : i32
      %dma_wait3A_148 = arith.constant 0 : i32
      %dma_wait3A_149 = tpu.memref_slice %arg5[%dma_wait3A_147, %dma_wait3A_148] : memref<1000000x32xf32, #tpu.memory_space<hbm>> -> memref<1x32xf32, #tpu.memory_space<hbm>>
      tpu.wait_dma2 semaphore(%arg19 : memref<!tpu.dma_semaphore, #tpu.memory_space<semaphore_mem>>) src(%dma_wait3A_149 : memref<1x32xf32, #tpu.memory_space<hbm>>) dst(%dma_wait3A_146 : memref<1x32xf32, #tpu.memory_space<vmem>>)
      %mul3A_150 = arith.constant 16 : i32
      %mul3A_151 = arith.muli %scan3A_38, %mul3A_150 : i32
      %add3A_152 = arith.constant 4 : i32
      %add3A_153 = arith.addi %mul3A_151, %add3A_152 : i32
      %dma_wait3A_154 = arith.constant 0 : i32
      %dma_wait3A_155 = tpu.memref_slice %arg9[%add3A_153, %dma_wait3A_154] : memref<256x32xf32, #tpu.memory_space<vmem>> -> memref<1x32xf32, #tpu.memory_space<vmem>>
      %dma_wait3A_156 = arith.constant 0 : i32
      %dma_wait3A_157 = arith.constant 0 : i32
      %dma_wait3A_158 = tpu.memref_slice %arg4[%dma_wait3A_156, %dma_wait3A_157] : memref<1000000x32xf32, #tpu.memory_space<hbm>> -> memref<1x32xf32, #tpu.memory_space<hbm>>
      %dma_wait3A_159 = arith.constant 0 : i32
      %dma_wait3A_160 = tpu.memref_slice %arg9[%add3A_153, %dma_wait3A_159] : memref<256x32xf32, #tpu.memory_space<vmem>> -> memref<1x32xf32, #tpu.memory_space<vmem>>
      %dma_wait3A_161 = arith.constant 0 : i32
      %dma_wait3A_162 = arith.constant 0 : i32
      %dma_wait3A_163 = tpu.memref_slice %arg4[%dma_wait3A_161, %dma_wait3A_162] : memref<1000000x32xf32, #tpu.memory_space<hbm>> -> memref<1x32xf32, #tpu.memory_space<hbm>>
      tpu.wait_dma2 semaphore(%arg12 : memref<!tpu.dma_semaphore, #tpu.memory_space<semaphore_mem>>) src(%dma_wait3A_163 : memref<1x32xf32, #tpu.memory_space<hbm>>) dst(%dma_wait3A_160 : memref<1x32xf32, #tpu.memory_space<vmem>>)
      %mul3A_164 = arith.constant 16 : i32
      %mul3A_165 = arith.muli %scan3A_38, %mul3A_164 : i32
      %add3A_166 = arith.constant 4 : i32
      %add3A_167 = arith.addi %mul3A_165, %add3A_166 : i32
      %dma_wait3A_168 = arith.constant 0 : i32
      %dma_wait3A_169 = tpu.memref_slice %arg10[%add3A_167, %dma_wait3A_168] : memref<256x32xf32, #tpu.memory_space<vmem>> -> memref<1x32xf32, #tpu.memory_space<vmem>>
      %dma_wait3A_170 = arith.constant 0 : i32
      %dma_wait3A_171 = arith.constant 0 : i32
      %dma_wait3A_172 = tpu.memref_slice %arg5[%dma_wait3A_170, %dma_wait3A_171] : memref<1000000x32xf32, #tpu.memory_space<hbm>> -> memref<1x32xf32, #tpu.memory_space<hbm>>
      %dma_wait3A_173 = arith.constant 0 : i32
      %dma_wait3A_174 = tpu.memref_slice %arg10[%add3A_167, %dma_wait3A_173] : memref<256x32xf32, #tpu.memory_space<vmem>> -> memref<1x32xf32, #tpu.memory_space<vmem>>
      %dma_wait3A_175 = arith.constant 0 : i32
      %dma_wait3A_176 = arith.constant 0 : i32
      %dma_wait3A_177 = tpu.memref_slice %arg5[%dma_wait3A_175, %dma_wait3A_176] : memref<1000000x32xf32, #tpu.memory_space<hbm>> -> memref<1x32xf32, #tpu.memory_space<hbm>>
      tpu.wait_dma2 semaphore(%arg13 : memref<!tpu.dma_semaphore, #tpu.memory_space<semaphore_mem>>) src(%dma_wait3A_177 : memref<1x32xf32, #tpu.memory_space<hbm>>) dst(%dma_wait3A_174 : memref<1x32xf32, #tpu.memory_space<vmem>>)
      %mul3A_178 = arith.constant 16 : i32
      %mul3A_179 = arith.muli %scan3A_38, %mul3A_178 : i32
      %add3A_180 = arith.constant 5 : i32
      %add3A_181 = arith.addi %mul3A_179, %add3A_180 : i32
      %dma_wait3A_182 = arith.constant 0 : i32
      %dma_wait3A_183 = tpu.memref_slice %arg9[%add3A_181, %dma_wait3A_182] : memref<256x32xf32, #tpu.memory_space<vmem>> -> memref<1x32xf32, #tpu.memory_space<vmem>>
      %dma_wait3A_184 = arith.constant 0 : i32
      %dma_wait3A_185 = arith.constant 0 : i32
      %dma_wait3A_186 = tpu.memref_slice %arg4[%dma_wait3A_184, %dma_wait3A_185] : memref<1000000x32xf32, #tpu.memory_space<hbm>> -> memref<1x32xf32, #tpu.memory_space<hbm>>
      %dma_wait3A_187 = arith.constant 0 : i32
      %dma_wait3A_188 = tpu.memref_slice %arg9[%add3A_181, %dma_wait3A_187] : memref<256x32xf32, #tpu.memory_space<vmem>> -> memref<1x32xf32, #tpu.memory_space<vmem>>
      %dma_wait3A_189 = arith.constant 0 : i32
      %dma_wait3A_190 = arith.constant 0 : i32
      %dma_wait3A_191 = tpu.memref_slice %arg4[%dma_wait3A_189, %dma_wait3A_190] : memref<1000000x32xf32, #tpu.memory_space<hbm>> -> memref<1x32xf32, #tpu.memory_space<hbm>>
      tpu.wait_dma2 semaphore(%arg14 : memref<!tpu.dma_semaphore, #tpu.memory_space<semaphore_mem>>) src(%dma_wait3A_191 : memref<1x32xf32, #tpu.memory_space<hbm>>) dst(%dma_wait3A_188 : memref<1x32xf32, #tpu.memory_space<vmem>>)
      %mul3A_192 = arith.constant 16 : i32
      %mul3A_193 = arith.muli %scan3A_38, %mul3A_192 : i32
      %add3A_194 = arith.constant 5 : i32
      %add3A_195 = arith.addi %mul3A_193, %add3A_194 : i32
      %dma_wait3A_196 = arith.constant 0 : i32
      %dma_wait3A_197 = tpu.memref_slice %arg10[%add3A_195, %dma_wait3A_196] : memref<256x32xf32, #tpu.memory_space<vmem>> -> memref<1x32xf32, #tpu.memory_space<vmem>>
      %dma_wait3A_198 = arith.constant 0 : i32
      %dma_wait3A_199 = arith.constant 0 : i32
      %dma_wait3A_200 = tpu.memref_slice %arg5[%dma_wait3A_198, %dma_wait3A_199] : memref<1000000x32xf32, #tpu.memory_space<hbm>> -> memref<1x32xf32, #tpu.memory_space<hbm>>
      %dma_wait3A_201 = arith.constant 0 : i32
      %dma_wait3A_202 = tpu.memref_slice %arg10[%add3A_195, %dma_wait3A_201] : memref<256x32xf32, #tpu.memory_space<vmem>> -> memref<1x32xf32, #tpu.memory_space<vmem>>
      %dma_wait3A_203 = arith.constant 0 : i32
      %dma_wait3A_204 = arith.constant 0 : i32
      %dma_wait3A_205 = tpu.memref_slice %arg5[%dma_wait3A_203, %dma_wait3A_204] : memref<1000000x32xf32, #tpu.memory_space<hbm>> -> memref<1x32xf32, #tpu.memory_space<hbm>>
      tpu.wait_dma2 semaphore(%arg15 : memref<!tpu.dma_semaphore, #tpu.memory_space<semaphore_mem>>) src(%dma_wait3A_205 : memref<1x32xf32, #tpu.memory_space<hbm>>) dst(%dma_wait3A_202 : memref<1x32xf32, #tpu.memory_space<vmem>>)
      %mul3A_206 = arith.constant 16 : i32
      %mul3A_207 = arith.muli %scan3A_38, %mul3A_206 : i32
      %add3A_208 = arith.constant 6 : i32
      %add3A_209 = arith.addi %mul3A_207, %add3A_208 : i32
      %dma_wait3A_210 = arith.constant 0 : i32
      %dma_wait3A_211 = tpu.memref_slice %arg9[%add3A_209, %dma_wait3A_210] : memref<256x32xf32, #tpu.memory_space<vmem>> -> memref<1x32xf32, #tpu.memory_space<vmem>>
      %dma_wait3A_212 = arith.constant 0 : i32
      %dma_wait3A_213 = arith.constant 0 : i32
      %dma_wait3A_214 = tpu.memref_slice %arg4[%dma_wait3A_212, %dma_wait3A_213] : memref<1000000x32xf32, #tpu.memory_space<hbm>> -> memref<1x32xf32, #tpu.memory_space<hbm>>
      %dma_wait3A_215 = arith.constant 0 : i32
      %dma_wait3A_216 = tpu.memref_slice %arg9[%add3A_209, %dma_wait3A_215] : memref<256x32xf32, #tpu.memory_space<vmem>> -> memref<1x32xf32, #tpu.memory_space<vmem>>
      %dma_wait3A_217 = arith.constant 0 : i32
      %dma_wait3A_218 = arith.constant 0 : i32
      %dma_wait3A_219 = tpu.memref_slice %arg4[%dma_wait3A_217, %dma_wait3A_218] : memref<1000000x32xf32, #tpu.memory_space<hbm>> -> memref<1x32xf32, #tpu.memory_space<hbm>>
      tpu.wait_dma2 semaphore(%arg16 : memref<!tpu.dma_semaphore, #tpu.memory_space<semaphore_mem>>) src(%dma_wait3A_219 : memref<1x32xf32, #tpu.memory_space<hbm>>) dst(%dma_wait3A_216 : memref<1x32xf32, #tpu.memory_space<vmem>>)
      %mul3A_220 = arith.constant 16 : i32
      %mul3A_221 = arith.muli %scan3A_38, %mul3A_220 : i32
      %add3A_222 = arith.constant 6 : i32
      %add3A_223 = arith.addi %mul3A_221, %add3A_222 : i32
      %dma_wait3A_224 = arith.constant 0 : i32
      %dma_wait3A_225 = tpu.memref_slice %arg10[%add3A_223, %dma_wait3A_224] : memref<256x32xf32, #tpu.memory_space<vmem>> -> memref<1x32xf32, #tpu.memory_space<vmem>>
      %dma_wait3A_226 = arith.constant 0 : i32
      %dma_wait3A_227 = arith.constant 0 : i32
      %dma_wait3A_228 = tpu.memref_slice %arg5[%dma_wait3A_226, %dma_wait3A_227] : memref<1000000x32xf32, #tpu.memory_space<hbm>> -> memref<1x32xf32, #tpu.memory_space<hbm>>
      %dma_wait3A_229 = arith.constant 0 : i32
      %dma_wait3A_230 = tpu.memref_slice %arg10[%add3A_223, %dma_wait3A_229] : memref<256x32xf32, #tpu.memory_space<vmem>> -> memref<1x32xf32, #tpu.memory_space<vmem>>
      %dma_wait3A_231 = arith.constant 0 : i32
      %dma_wait3A_232 = arith.constant 0 : i32
      %dma_wait3A_233 = tpu.memref_slice %arg5[%dma_wait3A_231, %dma_wait3A_232] : memref<1000000x32xf32, #tpu.memory_space<hbm>> -> memref<1x32xf32, #tpu.memory_space<hbm>>
      tpu.wait_dma2 semaphore(%arg17 : memref<!tpu.dma_semaphore, #tpu.memory_space<semaphore_mem>>) src(%dma_wait3A_233 : memref<1x32xf32, #tpu.memory_space<hbm>>) dst(%dma_wait3A_230 : memref<1x32xf32, #tpu.memory_space<vmem>>)
      %mul3A_234 = arith.constant 16 : i32
      %mul3A_235 = arith.muli %scan3A_38, %mul3A_234 : i32
      %add3A_236 = arith.constant 7 : i32
      %add3A_237 = arith.addi %mul3A_235, %add3A_236 : i32
      %dma_wait3A_238 = arith.constant 0 : i32
      %dma_wait3A_239 = tpu.memref_slice %arg9[%add3A_237, %dma_wait3A_238] : memref<256x32xf32, #tpu.memory_space<vmem>> -> memref<1x32xf32, #tpu.memory_space<vmem>>
      %dma_wait3A_240 = arith.constant 0 : i32
      %dma_wait3A_241 = arith.constant 0 : i32
      %dma_wait3A_242 = tpu.memref_slice %arg4[%dma_wait3A_240, %dma_wait3A_241] : memref<1000000x32xf32, #tpu.memory_space<hbm>> -> memref<1x32xf32, #tpu.memory_space<hbm>>
      %dma_wait3A_243 = arith.constant 0 : i32
      %dma_wait3A_244 = tpu.memref_slice %arg9[%add3A_237, %dma_wait3A_243] : memref<256x32xf32, #tpu.memory_space<vmem>> -> memref<1x32xf32, #tpu.memory_space<vmem>>
      %dma_wait3A_245 = arith.constant 0 : i32
      %dma_wait3A_246 = arith.constant 0 : i32
      %dma_wait3A_247 = tpu.memref_slice %arg4[%dma_wait3A_245, %dma_wait3A_246] : memref<1000000x32xf32, #tpu.memory_space<hbm>> -> memref<1x32xf32, #tpu.memory_space<hbm>>
      tpu.wait_dma2 semaphore(%arg18 : memref<!tpu.dma_semaphore, #tpu.memory_space<semaphore_mem>>) src(%dma_wait3A_247 : memref<1x32xf32, #tpu.memory_space<hbm>>) dst(%dma_wait3A_244 : memref<1x32xf32, #tpu.memory_space<vmem>>)
      %mul3A_248 = arith.constant 16 : i32
      %mul3A_249 = arith.muli %scan3A_38, %mul3A_248 : i32
      %add3A_250 = arith.constant 7 : i32
      %add3A_251 = arith.addi %mul3A_249, %add3A_250 : i32
      %dma_wait3A_252 = arith.constant 0 : i32
      %dma_wait3A_253 = tpu.memref_slice %arg10[%add3A_251, %dma_wait3A_252] : memref<256x32xf32, #tpu.memory_space<vmem>> -> memref<1x32xf32, #tpu.memory_space<vmem>>
      %dma_wait3A_254 = arith.constant 0 : i32
      %dma_wait3A_255 = arith.constant 0 : i32
      %dma_wait3A_256 = tpu.memref_slice %arg5[%dma_wait3A_254, %dma_wait3A_255] : memref<1000000x32xf32, #tpu.memory_space<hbm>> -> memref<1x32xf32, #tpu.memory_space<hbm>>
      %dma_wait3A_257 = arith.constant 0 : i32
      %dma_wait3A_258 = tpu.memref_slice %arg10[%add3A_251, %dma_wait3A_257] : memref<256x32xf32, #tpu.memory_space<vmem>> -> memref<1x32xf32, #tpu.memory_space<vmem>>
      %dma_wait3A_259 = arith.constant 0 : i32
      %dma_wait3A_260 = arith.constant 0 : i32
      %dma_wait3A_261 = tpu.memref_slice %arg5[%dma_wait3A_259, %dma_wait3A_260] : memref<1000000x32xf32, #tpu.memory_space<hbm>> -> memref<1x32xf32, #tpu.memory_space<hbm>>
      tpu.wait_dma2 semaphore(%arg19 : memref<!tpu.dma_semaphore, #tpu.memory_space<semaphore_mem>>) src(%dma_wait3A_261 : memref<1x32xf32, #tpu.memory_space<hbm>>) dst(%dma_wait3A_258 : memref<1x32xf32, #tpu.memory_space<vmem>>)
      %mul3A_262 = arith.constant 16 : i32
      %mul3A_263 = arith.muli %scan3A_38, %mul3A_262 : i32
      %add3A_264 = arith.constant 8 : i32
      %add3A_265 = arith.addi %mul3A_263, %add3A_264 : i32
      %dma_wait3A_266 = arith.constant 0 : i32
      %dma_wait3A_267 = tpu.memref_slice %arg9[%add3A_265, %dma_wait3A_266] : memref<256x32xf32, #tpu.memory_space<vmem>> -> memref<1x32xf32, #tpu.memory_space<vmem>>
      %dma_wait3A_268 = arith.constant 0 : i32
      %dma_wait3A_269 = arith.constant 0 : i32
      %dma_wait3A_270 = tpu.memref_slice %arg4[%dma_wait3A_268, %dma_wait3A_269] : memref<1000000x32xf32, #tpu.memory_space<hbm>> -> memref<1x32xf32, #tpu.memory_space<hbm>>
      %dma_wait3A_271 = arith.constant 0 : i32
      %dma_wait3A_272 = tpu.memref_slice %arg9[%add3A_265, %dma_wait3A_271] : memref<256x32xf32, #tpu.memory_space<vmem>> -> memref<1x32xf32, #tpu.memory_space<vmem>>
      %dma_wait3A_273 = arith.constant 0 : i32
      %dma_wait3A_274 = arith.constant 0 : i32
      %dma_wait3A_275 = tpu.memref_slice %arg4[%dma_wait3A_273, %dma_wait3A_274] : memref<1000000x32xf32, #tpu.memory_space<hbm>> -> memref<1x32xf32, #tpu.memory_space<hbm>>
      tpu.wait_dma2 semaphore(%arg12 : memref<!tpu.dma_semaphore, #tpu.memory_space<semaphore_mem>>) src(%dma_wait3A_275 : memref<1x32xf32, #tpu.memory_space<hbm>>) dst(%dma_wait3A_272 : memref<1x32xf32, #tpu.memory_space<vmem>>)
      %mul3A_276 = arith.constant 16 : i32
      %mul3A_277 = arith.muli %scan3A_38, %mul3A_276 : i32
      %add3A_278 = arith.constant 8 : i32
      %add3A_279 = arith.addi %mul3A_277, %add3A_278 : i32
      %dma_wait3A_280 = arith.constant 0 : i32
      %dma_wait3A_281 = tpu.memref_slice %arg10[%add3A_279, %dma_wait3A_280] : memref<256x32xf32, #tpu.memory_space<vmem>> -> memref<1x32xf32, #tpu.memory_space<vmem>>
      %dma_wait3A_282 = arith.constant 0 : i32
      %dma_wait3A_283 = arith.constant 0 : i32
      %dma_wait3A_284 = tpu.memref_slice %arg5[%dma_wait3A_282, %dma_wait3A_283] : memref<1000000x32xf32, #tpu.memory_space<hbm>> -> memref<1x32xf32, #tpu.memory_space<hbm>>
      %dma_wait3A_285 = arith.constant 0 : i32
      %dma_wait3A_286 = tpu.memref_slice %arg10[%add3A_279, %dma_wait3A_285] : memref<256x32xf32, #tpu.memory_space<vmem>> -> memref<1x32xf32, #tpu.memory_space<vmem>>
      %dma_wait3A_287 = arith.constant 0 : i32
      %dma_wait3A_288 = arith.constant 0 : i32
      %dma_wait3A_289 = tpu.memref_slice %arg5[%dma_wait3A_287, %dma_wait3A_288] : memref<1000000x32xf32, #tpu.memory_space<hbm>> -> memref<1x32xf32, #tpu.memory_space<hbm>>
      tpu.wait_dma2 semaphore(%arg13 : memref<!tpu.dma_semaphore, #tpu.memory_space<semaphore_mem>>) src(%dma_wait3A_289 : memref<1x32xf32, #tpu.memory_space<hbm>>) dst(%dma_wait3A_286 : memref<1x32xf32, #tpu.memory_space<vmem>>)
      %mul3A_290 = arith.constant 16 : i32
      %mul3A_291 = arith.muli %scan3A_38, %mul3A_290 : i32
      %add3A_292 = arith.constant 9 : i32
      %add3A_293 = arith.addi %mul3A_291, %add3A_292 : i32
      %dma_wait3A_294 = arith.constant 0 : i32
      %dma_wait3A_295 = tpu.memref_slice %arg9[%add3A_293, %dma_wait3A_294] : memref<256x32xf32, #tpu.memory_space<vmem>> -> memref<1x32xf32, #tpu.memory_space<vmem>>
      %dma_wait3A_296 = arith.constant 0 : i32
      %dma_wait3A_297 = arith.constant 0 : i32
      %dma_wait3A_298 = tpu.memref_slice %arg4[%dma_wait3A_296, %dma_wait3A_297] : memref<1000000x32xf32, #tpu.memory_space<hbm>> -> memref<1x32xf32, #tpu.memory_space<hbm>>
      %dma_wait3A_299 = arith.constant 0 : i32
      %dma_wait3A_300 = tpu.memref_slice %arg9[%add3A_293, %dma_wait3A_299] : memref<256x32xf32, #tpu.memory_space<vmem>> -> memref<1x32xf32, #tpu.memory_space<vmem>>
      %dma_wait3A_301 = arith.constant 0 : i32
      %dma_wait3A_302 = arith.constant 0 : i32
      %dma_wait3A_303 = tpu.memref_slice %arg4[%dma_wait3A_301, %dma_wait3A_302] : memref<1000000x32xf32, #tpu.memory_space<hbm>> -> memref<1x32xf32, #tpu.memory_space<hbm>>
      tpu.wait_dma2 semaphore(%arg14 : memref<!tpu.dma_semaphore, #tpu.memory_space<semaphore_mem>>) src(%dma_wait3A_303 : memref<1x32xf32, #tpu.memory_space<hbm>>) dst(%dma_wait3A_300 : memref<1x32xf32, #tpu.memory_space<vmem>>)
      %mul3A_304 = arith.constant 16 : i32
      %mul3A_305 = arith.muli %scan3A_38, %mul3A_304 : i32
      %add3A_306 = arith.constant 9 : i32
      %add3A_307 = arith.addi %mul3A_305, %add3A_306 : i32
      %dma_wait3A_308 = arith.constant 0 : i32
      %dma_wait3A_309 = tpu.memref_slice %arg10[%add3A_307, %dma_wait3A_308] : memref<256x32xf32, #tpu.memory_space<vmem>> -> memref<1x32xf32, #tpu.memory_space<vmem>>
      %dma_wait3A_310 = arith.constant 0 : i32
      %dma_wait3A_311 = arith.constant 0 : i32
      %dma_wait3A_312 = tpu.memref_slice %arg5[%dma_wait3A_310, %dma_wait3A_311] : memref<1000000x32xf32, #tpu.memory_space<hbm>> -> memref<1x32xf32, #tpu.memory_space<hbm>>
      %dma_wait3A_313 = arith.constant 0 : i32
      %dma_wait3A_314 = tpu.memref_slice %arg10[%add3A_307, %dma_wait3A_313] : memref<256x32xf32, #tpu.memory_space<vmem>> -> memref<1x32xf32, #tpu.memory_space<vmem>>
      %dma_wait3A_315 = arith.constant 0 : i32
      %dma_wait3A_316 = arith.constant 0 : i32
      %dma_wait3A_317 = tpu.memref_slice %arg5[%dma_wait3A_315, %dma_wait3A_316] : memref<1000000x32xf32, #tpu.memory_space<hbm>> -> memref<1x32xf32, #tpu.memory_space<hbm>>
      tpu.wait_dma2 semaphore(%arg15 : memref<!tpu.dma_semaphore, #tpu.memory_space<semaphore_mem>>) src(%dma_wait3A_317 : memref<1x32xf32, #tpu.memory_space<hbm>>) dst(%dma_wait3A_314 : memref<1x32xf32, #tpu.memory_space<vmem>>)
      %mul3A_318 = arith.constant 16 : i32
      %mul3A_319 = arith.muli %scan3A_38, %mul3A_318 : i32
      %add3A_320 = arith.constant 10 : i32
      %add3A_321 = arith.addi %mul3A_319, %add3A_320 : i32
      %dma_wait3A_322 = arith.constant 0 : i32
      %dma_wait3A_323 = tpu.memref_slice %arg9[%add3A_321, %dma_wait3A_322] : memref<256x32xf32, #tpu.memory_space<vmem>> -> memref<1x32xf32, #tpu.memory_space<vmem>>
      %dma_wait3A_324 = arith.constant 0 : i32
      %dma_wait3A_325 = arith.constant 0 : i32
      %dma_wait3A_326 = tpu.memref_slice %arg4[%dma_wait3A_324, %dma_wait3A_325] : memref<1000000x32xf32, #tpu.memory_space<hbm>> -> memref<1x32xf32, #tpu.memory_space<hbm>>
      %dma_wait3A_327 = arith.constant 0 : i32
      %dma_wait3A_328 = tpu.memref_slice %arg9[%add3A_321, %dma_wait3A_327] : memref<256x32xf32, #tpu.memory_space<vmem>> -> memref<1x32xf32, #tpu.memory_space<vmem>>
      %dma_wait3A_329 = arith.constant 0 : i32
      %dma_wait3A_330 = arith.constant 0 : i32
      %dma_wait3A_331 = tpu.memref_slice %arg4[%dma_wait3A_329, %dma_wait3A_330] : memref<1000000x32xf32, #tpu.memory_space<hbm>> -> memref<1x32xf32, #tpu.memory_space<hbm>>
      tpu.wait_dma2 semaphore(%arg16 : memref<!tpu.dma_semaphore, #tpu.memory_space<semaphore_mem>>) src(%dma_wait3A_331 : memref<1x32xf32, #tpu.memory_space<hbm>>) dst(%dma_wait3A_328 : memref<1x32xf32, #tpu.memory_space<vmem>>)
      %mul3A_332 = arith.constant 16 : i32
      %mul3A_333 = arith.muli %scan3A_38, %mul3A_332 : i32
      %add3A_334 = arith.constant 10 : i32
      %add3A_335 = arith.addi %mul3A_333, %add3A_334 : i32
      %dma_wait3A_336 = arith.constant 0 : i32
      %dma_wait3A_337 = tpu.memref_slice %arg10[%add3A_335, %dma_wait3A_336] : memref<256x32xf32, #tpu.memory_space<vmem>> -> memref<1x32xf32, #tpu.memory_space<vmem>>
      %dma_wait3A_338 = arith.constant 0 : i32
      %dma_wait3A_339 = arith.constant 0 : i32
      %dma_wait3A_340 = tpu.memref_slice %arg5[%dma_wait3A_338, %dma_wait3A_339] : memref<1000000x32xf32, #tpu.memory_space<hbm>> -> memref<1x32xf32, #tpu.memory_space<hbm>>
      %dma_wait3A_341 = arith.constant 0 : i32
      %dma_wait3A_342 = tpu.memref_slice %arg10[%add3A_335, %dma_wait3A_341] : memref<256x32xf32, #tpu.memory_space<vmem>> -> memref<1x32xf32, #tpu.memory_space<vmem>>
      %dma_wait3A_343 = arith.constant 0 : i32
      %dma_wait3A_344 = arith.constant 0 : i32
      %dma_wait3A_345 = tpu.memref_slice %arg5[%dma_wait3A_343, %dma_wait3A_344] : memref<1000000x32xf32, #tpu.memory_space<hbm>> -> memref<1x32xf32, #tpu.memory_space<hbm>>
      tpu.wait_dma2 semaphore(%arg17 : memref<!tpu.dma_semaphore, #tpu.memory_space<semaphore_mem>>) src(%dma_wait3A_345 : memref<1x32xf32, #tpu.memory_space<hbm>>) dst(%dma_wait3A_342 : memref<1x32xf32, #tpu.memory_space<vmem>>)
      %mul3A_346 = arith.constant 16 : i32
      %mul3A_347 = arith.muli %scan3A_38, %mul3A_346 : i32
      %add3A_348 = arith.constant 11 : i32
      %add3A_349 = arith.addi %mul3A_347, %add3A_348 : i32
      %dma_wait3A_350 = arith.constant 0 : i32
      %dma_wait3A_351 = tpu.memref_slice %arg9[%add3A_349, %dma_wait3A_350] : memref<256x32xf32, #tpu.memory_space<vmem>> -> memref<1x32xf32, #tpu.memory_space<vmem>>
      %dma_wait3A_352 = arith.constant 0 : i32
      %dma_wait3A_353 = arith.constant 0 : i32
      %dma_wait3A_354 = tpu.memref_slice %arg4[%dma_wait3A_352, %dma_wait3A_353] : memref<1000000x32xf32, #tpu.memory_space<hbm>> -> memref<1x32xf32, #tpu.memory_space<hbm>>
      %dma_wait3A_355 = arith.constant 0 : i32
      %dma_wait3A_356 = tpu.memref_slice %arg9[%add3A_349, %dma_wait3A_355] : memref<256x32xf32, #tpu.memory_space<vmem>> -> memref<1x32xf32, #tpu.memory_space<vmem>>
      %dma_wait3A_357 = arith.constant 0 : i32
      %dma_wait3A_358 = arith.constant 0 : i32
      %dma_wait3A_359 = tpu.memref_slice %arg4[%dma_wait3A_357, %dma_wait3A_358] : memref<1000000x32xf32, #tpu.memory_space<hbm>> -> memref<1x32xf32, #tpu.memory_space<hbm>>
      tpu.wait_dma2 semaphore(%arg18 : memref<!tpu.dma_semaphore, #tpu.memory_space<semaphore_mem>>) src(%dma_wait3A_359 : memref<1x32xf32, #tpu.memory_space<hbm>>) dst(%dma_wait3A_356 : memref<1x32xf32, #tpu.memory_space<vmem>>)
      %mul3A_360 = arith.constant 16 : i32
      %mul3A_361 = arith.muli %scan3A_38, %mul3A_360 : i32
      %add3A_362 = arith.constant 11 : i32
      %add3A_363 = arith.addi %mul3A_361, %add3A_362 : i32
      %dma_wait3A_364 = arith.constant 0 : i32
      %dma_wait3A_365 = tpu.memref_slice %arg10[%add3A_363, %dma_wait3A_364] : memref<256x32xf32, #tpu.memory_space<vmem>> -> memref<1x32xf32, #tpu.memory_space<vmem>>
      %dma_wait3A_366 = arith.constant 0 : i32
      %dma_wait3A_367 = arith.constant 0 : i32
      %dma_wait3A_368 = tpu.memref_slice %arg5[%dma_wait3A_366, %dma_wait3A_367] : memref<1000000x32xf32, #tpu.memory_space<hbm>> -> memref<1x32xf32, #tpu.memory_space<hbm>>
      %dma_wait3A_369 = arith.constant 0 : i32
      %dma_wait3A_370 = tpu.memref_slice %arg10[%add3A_363, %dma_wait3A_369] : memref<256x32xf32, #tpu.memory_space<vmem>> -> memref<1x32xf32, #tpu.memory_space<vmem>>
      %dma_wait3A_371 = arith.constant 0 : i32
      %dma_wait3A_372 = arith.constant 0 : i32
      %dma_wait3A_373 = tpu.memref_slice %arg5[%dma_wait3A_371, %dma_wait3A_372] : memref<1000000x32xf32, #tpu.memory_space<hbm>> -> memref<1x32xf32, #tpu.memory_space<hbm>>
      tpu.wait_dma2 semaphore(%arg19 : memref<!tpu.dma_semaphore, #tpu.memory_space<semaphore_mem>>) src(%dma_wait3A_373 : memref<1x32xf32, #tpu.memory_space<hbm>>) dst(%dma_wait3A_370 : memref<1x32xf32, #tpu.memory_space<vmem>>)
      %mul3A_374 = arith.constant 16 : i32
      %mul3A_375 = arith.muli %scan3A_38, %mul3A_374 : i32
      %add3A_376 = arith.constant 12 : i32
      %add3A_377 = arith.addi %mul3A_375, %add3A_376 : i32
      %dma_wait3A_378 = arith.constant 0 : i32
      %dma_wait3A_379 = tpu.memref_slice %arg9[%add3A_377, %dma_wait3A_378] : memref<256x32xf32, #tpu.memory_space<vmem>> -> memref<1x32xf32, #tpu.memory_space<vmem>>
      %dma_wait3A_380 = arith.constant 0 : i32
      %dma_wait3A_381 = arith.constant 0 : i32
      %dma_wait3A_382 = tpu.memref_slice %arg4[%dma_wait3A_380, %dma_wait3A_381] : memref<1000000x32xf32, #tpu.memory_space<hbm>> -> memref<1x32xf32, #tpu.memory_space<hbm>>
      %dma_wait3A_383 = arith.constant 0 : i32
      %dma_wait3A_384 = tpu.memref_slice %arg9[%add3A_377, %dma_wait3A_383] : memref<256x32xf32, #tpu.memory_space<vmem>> -> memref<1x32xf32, #tpu.memory_space<vmem>>
      %dma_wait3A_385 = arith.constant 0 : i32
      %dma_wait3A_386 = arith.constant 0 : i32
      %dma_wait3A_387 = tpu.memref_slice %arg4[%dma_wait3A_385, %dma_wait3A_386] : memref<1000000x32xf32, #tpu.memory_space<hbm>> -> memref<1x32xf32, #tpu.memory_space<hbm>>
      tpu.wait_dma2 semaphore(%arg12 : memref<!tpu.dma_semaphore, #tpu.memory_space<semaphore_mem>>) src(%dma_wait3A_387 : memref<1x32xf32, #tpu.memory_space<hbm>>) dst(%dma_wait3A_384 : memref<1x32xf32, #tpu.memory_space<vmem>>)
      %mul3A_388 = arith.constant 16 : i32
      %mul3A_389 = arith.muli %scan3A_38, %mul3A_388 : i32
      %add3A_390 = arith.constant 12 : i32
      %add3A_391 = arith.addi %mul3A_389, %add3A_390 : i32
      %dma_wait3A_392 = arith.constant 0 : i32
      %dma_wait3A_393 = tpu.memref_slice %arg10[%add3A_391, %dma_wait3A_392] : memref<256x32xf32, #tpu.memory_space<vmem>> -> memref<1x32xf32, #tpu.memory_space<vmem>>
      %dma_wait3A_394 = arith.constant 0 : i32
      %dma_wait3A_395 = arith.constant 0 : i32
      %dma_wait3A_396 = tpu.memref_slice %arg5[%dma_wait3A_394, %dma_wait3A_395] : memref<1000000x32xf32, #tpu.memory_space<hbm>> -> memref<1x32xf32, #tpu.memory_space<hbm>>
      %dma_wait3A_397 = arith.constant 0 : i32
      %dma_wait3A_398 = tpu.memref_slice %arg10[%add3A_391, %dma_wait3A_397] : memref<256x32xf32, #tpu.memory_space<vmem>> -> memref<1x32xf32, #tpu.memory_space<vmem>>
      %dma_wait3A_399 = arith.constant 0 : i32
      %dma_wait3A_400 = arith.constant 0 : i32
      %dma_wait3A_401 = tpu.memref_slice %arg5[%dma_wait3A_399, %dma_wait3A_400] : memref<1000000x32xf32, #tpu.memory_space<hbm>> -> memref<1x32xf32, #tpu.memory_space<hbm>>
      tpu.wait_dma2 semaphore(%arg13 : memref<!tpu.dma_semaphore, #tpu.memory_space<semaphore_mem>>) src(%dma_wait3A_401 : memref<1x32xf32, #tpu.memory_space<hbm>>) dst(%dma_wait3A_398 : memref<1x32xf32, #tpu.memory_space<vmem>>)
      %mul3A_402 = arith.constant 16 : i32
      %mul3A_403 = arith.muli %scan3A_38, %mul3A_402 : i32
      %add3A_404 = arith.constant 13 : i32
      %add3A_405 = arith.addi %mul3A_403, %add3A_404 : i32
      %dma_wait3A_406 = arith.constant 0 : i32
      %dma_wait3A_407 = tpu.memref_slice %arg9[%add3A_405, %dma_wait3A_406] : memref<256x32xf32, #tpu.memory_space<vmem>> -> memref<1x32xf32, #tpu.memory_space<vmem>>
      %dma_wait3A_408 = arith.constant 0 : i32
      %dma_wait3A_409 = arith.constant 0 : i32
      %dma_wait3A_410 = tpu.memref_slice %arg4[%dma_wait3A_408, %dma_wait3A_409] : memref<1000000x32xf32, #tpu.memory_space<hbm>> -> memref<1x32xf32, #tpu.memory_space<hbm>>
      %dma_wait3A_411 = arith.constant 0 : i32
      %dma_wait3A_412 = tpu.memref_slice %arg9[%add3A_405, %dma_wait3A_411] : memref<256x32xf32, #tpu.memory_space<vmem>> -> memref<1x32xf32, #tpu.memory_space<vmem>>
      %dma_wait3A_413 = arith.constant 0 : i32
      %dma_wait3A_414 = arith.constant 0 : i32
      %dma_wait3A_415 = tpu.memref_slice %arg4[%dma_wait3A_413, %dma_wait3A_414] : memref<1000000x32xf32, #tpu.memory_space<hbm>> -> memref<1x32xf32, #tpu.memory_space<hbm>>
      tpu.wait_dma2 semaphore(%arg14 : memref<!tpu.dma_semaphore, #tpu.memory_space<semaphore_mem>>) src(%dma_wait3A_415 : memref<1x32xf32, #tpu.memory_space<hbm>>) dst(%dma_wait3A_412 : memref<1x32xf32, #tpu.memory_space<vmem>>)
      %mul3A_416 = arith.constant 16 : i32
      %mul3A_417 = arith.muli %scan3A_38, %mul3A_416 : i32
      %add3A_418 = arith.constant 13 : i32
      %add3A_419 = arith.addi %mul3A_417, %add3A_418 : i32
      %dma_wait3A_420 = arith.constant 0 : i32
      %dma_wait3A_421 = tpu.memref_slice %arg10[%add3A_419, %dma_wait3A_420] : memref<256x32xf32, #tpu.memory_space<vmem>> -> memref<1x32xf32, #tpu.memory_space<vmem>>
      %dma_wait3A_422 = arith.constant 0 : i32
      %dma_wait3A_423 = arith.constant 0 : i32
      %dma_wait3A_424 = tpu.memref_slice %arg5[%dma_wait3A_422, %dma_wait3A_423] : memref<1000000x32xf32, #tpu.memory_space<hbm>> -> memref<1x32xf32, #tpu.memory_space<hbm>>
      %dma_wait3A_425 = arith.constant 0 : i32
      %dma_wait3A_426 = tpu.memref_slice %arg10[%add3A_419, %dma_wait3A_425] : memref<256x32xf32, #tpu.memory_space<vmem>> -> memref<1x32xf32, #tpu.memory_space<vmem>>
      %dma_wait3A_427 = arith.constant 0 : i32
      %dma_wait3A_428 = arith.constant 0 : i32
      %dma_wait3A_429 = tpu.memref_slice %arg5[%dma_wait3A_427, %dma_wait3A_428] : memref<1000000x32xf32, #tpu.memory_space<hbm>> -> memref<1x32xf32, #tpu.memory_space<hbm>>
      tpu.wait_dma2 semaphore(%arg15 : memref<!tpu.dma_semaphore, #tpu.memory_space<semaphore_mem>>) src(%dma_wait3A_429 : memref<1x32xf32, #tpu.memory_space<hbm>>) dst(%dma_wait3A_426 : memref<1x32xf32, #tpu.memory_space<vmem>>)
      %mul3A_430 = arith.constant 16 : i32
      %mul3A_431 = arith.muli %scan3A_38, %mul3A_430 : i32
      %add3A_432 = arith.constant 14 : i32
      %add3A_433 = arith.addi %mul3A_431, %add3A_432 : i32
      %dma_wait3A_434 = arith.constant 0 : i32
      %dma_wait3A_435 = tpu.memref_slice %arg9[%add3A_433, %dma_wait3A_434] : memref<256x32xf32, #tpu.memory_space<vmem>> -> memref<1x32xf32, #tpu.memory_space<vmem>>
      %dma_wait3A_436 = arith.constant 0 : i32
      %dma_wait3A_437 = arith.constant 0 : i32
      %dma_wait3A_438 = tpu.memref_slice %arg4[%dma_wait3A_436, %dma_wait3A_437] : memref<1000000x32xf32, #tpu.memory_space<hbm>> -> memref<1x32xf32, #tpu.memory_space<hbm>>
      %dma_wait3A_439 = arith.constant 0 : i32
      %dma_wait3A_440 = tpu.memref_slice %arg9[%add3A_433, %dma_wait3A_439] : memref<256x32xf32, #tpu.memory_space<vmem>> -> memref<1x32xf32, #tpu.memory_space<vmem>>
      %dma_wait3A_441 = arith.constant 0 : i32
      %dma_wait3A_442 = arith.constant 0 : i32
      %dma_wait3A_443 = tpu.memref_slice %arg4[%dma_wait3A_441, %dma_wait3A_442] : memref<1000000x32xf32, #tpu.memory_space<hbm>> -> memref<1x32xf32, #tpu.memory_space<hbm>>
      tpu.wait_dma2 semaphore(%arg16 : memref<!tpu.dma_semaphore, #tpu.memory_space<semaphore_mem>>) src(%dma_wait3A_443 : memref<1x32xf32, #tpu.memory_space<hbm>>) dst(%dma_wait3A_440 : memref<1x32xf32, #tpu.memory_space<vmem>>)
      %mul3A_444 = arith.constant 16 : i32
      %mul3A_445 = arith.muli %scan3A_38, %mul3A_444 : i32
      %add3A_446 = arith.constant 14 : i32
      %add3A_447 = arith.addi %mul3A_445, %add3A_446 : i32
      %dma_wait3A_448 = arith.constant 0 : i32
      %dma_wait3A_449 = tpu.memref_slice %arg10[%add3A_447, %dma_wait3A_448] : memref<256x32xf32, #tpu.memory_space<vmem>> -> memref<1x32xf32, #tpu.memory_space<vmem>>
      %dma_wait3A_450 = arith.constant 0 : i32
      %dma_wait3A_451 = arith.constant 0 : i32
      %dma_wait3A_452 = tpu.memref_slice %arg5[%dma_wait3A_450, %dma_wait3A_451] : memref<1000000x32xf32, #tpu.memory_space<hbm>> -> memref<1x32xf32, #tpu.memory_space<hbm>>
      %dma_wait3A_453 = arith.constant 0 : i32
      %dma_wait3A_454 = tpu.memref_slice %arg10[%add3A_447, %dma_wait3A_453] : memref<256x32xf32, #tpu.memory_space<vmem>> -> memref<1x32xf32, #tpu.memory_space<vmem>>
      %dma_wait3A_455 = arith.constant 0 : i32
      %dma_wait3A_456 = arith.constant 0 : i32
      %dma_wait3A_457 = tpu.memref_slice %arg5[%dma_wait3A_455, %dma_wait3A_456] : memref<1000000x32xf32, #tpu.memory_space<hbm>> -> memref<1x32xf32, #tpu.memory_space<hbm>>
      tpu.wait_dma2 semaphore(%arg17 : memref<!tpu.dma_semaphore, #tpu.memory_space<semaphore_mem>>) src(%dma_wait3A_457 : memref<1x32xf32, #tpu.memory_space<hbm>>) dst(%dma_wait3A_454 : memref<1x32xf32, #tpu.memory_space<vmem>>)
      %mul3A_458 = arith.constant 16 : i32
      %mul3A_459 = arith.muli %scan3A_38, %mul3A_458 : i32
      %add3A_460 = arith.constant 15 : i32
      %add3A_461 = arith.addi %mul3A_459, %add3A_460 : i32
      %dma_wait3A_462 = arith.constant 0 : i32
      %dma_wait3A_463 = tpu.memref_slice %arg9[%add3A_461, %dma_wait3A_462] : memref<256x32xf32, #tpu.memory_space<vmem>> -> memref<1x32xf32, #tpu.memory_space<vmem>>
      %dma_wait3A_464 = arith.constant 0 : i32
      %dma_wait3A_465 = arith.constant 0 : i32
      %dma_wait3A_466 = tpu.memref_slice %arg4[%dma_wait3A_464, %dma_wait3A_465] : memref<1000000x32xf32, #tpu.memory_space<hbm>> -> memref<1x32xf32, #tpu.memory_space<hbm>>
      %dma_wait3A_467 = arith.constant 0 : i32
      %dma_wait3A_468 = tpu.memref_slice %arg9[%add3A_461, %dma_wait3A_467] : memref<256x32xf32, #tpu.memory_space<vmem>> -> memref<1x32xf32, #tpu.memory_space<vmem>>
      %dma_wait3A_469 = arith.constant 0 : i32
      %dma_wait3A_470 = arith.constant 0 : i32
      %dma_wait3A_471 = tpu.memref_slice %arg4[%dma_wait3A_469, %dma_wait3A_470] : memref<1000000x32xf32, #tpu.memory_space<hbm>> -> memref<1x32xf32, #tpu.memory_space<hbm>>
      tpu.wait_dma2 semaphore(%arg18 : memref<!tpu.dma_semaphore, #tpu.memory_space<semaphore_mem>>) src(%dma_wait3A_471 : memref<1x32xf32, #tpu.memory_space<hbm>>) dst(%dma_wait3A_468 : memref<1x32xf32, #tpu.memory_space<vmem>>)
      %mul3A_472 = arith.constant 16 : i32
      %mul3A_473 = arith.muli %scan3A_38, %mul3A_472 : i32
      %add3A_474 = arith.constant 15 : i32
      %add3A_475 = arith.addi %mul3A_473, %add3A_474 : i32
      %dma_wait3A_476 = arith.constant 0 : i32
      %dma_wait3A_477 = tpu.memref_slice %arg10[%add3A_475, %dma_wait3A_476] : memref<256x32xf32, #tpu.memory_space<vmem>> -> memref<1x32xf32, #tpu.memory_space<vmem>>
      %dma_wait3A_478 = arith.constant 0 : i32
      %dma_wait3A_479 = arith.constant 0 : i32
      %dma_wait3A_480 = tpu.memref_slice %arg5[%dma_wait3A_478, %dma_wait3A_479] : memref<1000000x32xf32, #tpu.memory_space<hbm>> -> memref<1x32xf32, #tpu.memory_space<hbm>>
      %dma_wait3A_481 = arith.constant 0 : i32
      %dma_wait3A_482 = tpu.memref_slice %arg10[%add3A_475, %dma_wait3A_481] : memref<256x32xf32, #tpu.memory_space<vmem>> -> memref<1x32xf32, #tpu.memory_space<vmem>>
      %dma_wait3A_483 = arith.constant 0 : i32
      %dma_wait3A_484 = arith.constant 0 : i32
      %dma_wait3A_485 = tpu.memref_slice %arg5[%dma_wait3A_483, %dma_wait3A_484] : memref<1000000x32xf32, #tpu.memory_space<hbm>> -> memref<1x32xf32, #tpu.memory_space<hbm>>
      tpu.wait_dma2 semaphore(%arg19 : memref<!tpu.dma_semaphore, #tpu.memory_space<semaphore_mem>>) src(%dma_wait3A_485 : memref<1x32xf32, #tpu.memory_space<hbm>>) dst(%dma_wait3A_482 : memref<1x32xf32, #tpu.memory_space<vmem>>)
    }
    %scan3A_13 = arith.constant 16 : i32
    %scan3A_14 = arith.constant 0 : i32
    %scan3A_15 = arith.constant 0 : i32
    %scan3A_16 = arith.constant 16 : i32
    %scan3A_17 = arith.addi %scan3A_15, %scan3A_16 : i32
    %scan3A_18 = arith.constant 1 : i32
    scf.for %scan3A_38 = %scan3A_15 to %scan3A_17 step %scan3A_18  : i32 {
      %mul3A_39 = arith.constant 16 : i32
      %mul3A_40 = arith.muli %scan3A_38, %mul3A_39 : i32
      %add3A_41 = vector.broadcast %mul3A_40 : i32 to vector<16xi32>
      %add3A_42 = arith.addi %add3A_41, %iota3A : vector<16xi32>
      %broadcast_in_dim3A = arith.constant 0.000000e+00 : f32
      %broadcast_in_dim3A_43 = vector.broadcast %broadcast_in_dim3A : f32 to vector<16xf32>
      %broadcast_in_dim3A_44 = arith.constant 0 : i32
      %broadcast_in_dim3A_45 = vector.broadcast %broadcast_in_dim3A_44 : i32 to vector<16xi32>
      %gather3A = tpu.vector_load_idx %arg9[%add3A_42, %broadcast_in_dim3A_45] : memref<256x32xf32, #tpu.memory_space<vmem>>[vector<16xi32>, vector<16xi32>], vector<16xf32>,
      %gather3A_46 = tpu.vector_load_idx %arg10[%add3A_42, %broadcast_in_dim3A_45] : memref<256x32xf32, #tpu.memory_space<vmem>>[vector<16xi32>, vector<16xi32>], vector<16xf32>,
      %mul3A_47 = arith.mulf %gather3A, %gather3A_46 : vector<16xf32>
      %add3A_48 = arith.addf %broadcast_in_dim3A_43, %mul3A_47 : vector<16xf32>
      %broadcast_in_dim3A_49 = arith.constant 1 : i32
      %broadcast_in_dim3A_50 = vector.broadcast %broadcast_in_dim3A_49 : i32 to vector<16xi32>
      %gather3A_51 = tpu.vector_load_idx %arg9[%add3A_42, %broadcast_in_dim3A_50] : memref<256x32xf32, #tpu.memory_space<vmem>>[vector<16xi32>, vector<16xi32>], vector<16xf32>,
      %gather3A_52 = tpu.vector_load_idx %arg10[%add3A_42, %broadcast_in_dim3A_50] : memref<256x32xf32, #tpu.memory_space<vmem>>[vector<16xi32>, vector<16xi32>], vector<16xf32>,
      %mul3A_53 = arith.mulf %gather3A_51, %gather3A_52 : vector<16xf32>
      %add3A_54 = arith.addf %add3A_48, %mul3A_53 : vector<16xf32>
      %broadcast_in_dim3A_55 = arith.constant 2 : i32
      %broadcast_in_dim3A_56 = vector.broadcast %broadcast_in_dim3A_55 : i32 to vector<16xi32>
      %gather3A_57 = tpu.vector_load_idx %arg9[%add3A_42, %broadcast_in_dim3A_56] : memref<256x32xf32, #tpu.memory_space<vmem>>[vector<16xi32>, vector<16xi32>], vector<16xf32>,
      %gather3A_58 = tpu.vector_load_idx %arg10[%add3A_42, %broadcast_in_dim3A_56] : memref<256x32xf32, #tpu.memory_space<vmem>>[vector<16xi32>, vector<16xi32>], vector<16xf32>,
      %mul3A_59 = arith.mulf %gather3A_57, %gather3A_58 : vector<16xf32>
      %add3A_60 = arith.addf %add3A_54, %mul3A_59 : vector<16xf32>
      %broadcast_in_dim3A_61 = arith.constant 3 : i32
      %broadcast_in_dim3A_62 = vector.broadcast %broadcast_in_dim3A_61 : i32 to vector<16xi32>
      %gather3A_63 = tpu.vector_load_idx %arg9[%add3A_42, %broadcast_in_dim3A_62] : memref<256x32xf32, #tpu.memory_space<vmem>>[vector<16xi32>, vector<16xi32>], vector<16xf32>,
      %gather3A_64 = tpu.vector_load_idx %arg10[%add3A_42, %broadcast_in_dim3A_62] : memref<256x32xf32, #tpu.memory_space<vmem>>[vector<16xi32>, vector<16xi32>], vector<16xf32>,
      %mul3A_65 = arith.mulf %gather3A_63, %gather3A_64 : vector<16xf32>
      %add3A_66 = arith.addf %add3A_60, %mul3A_65 : vector<16xf32>
      %broadcast_in_dim3A_67 = arith.constant 4 : i32
      %broadcast_in_dim3A_68 = vector.broadcast %broadcast_in_dim3A_67 : i32 to vector<16xi32>
      %gather3A_69 = tpu.vector_load_idx %arg9[%add3A_42, %broadcast_in_dim3A_68] : memref<256x32xf32, #tpu.memory_space<vmem>>[vector<16xi32>, vector<16xi32>], vector<16xf32>,
      %gather3A_70 = tpu.vector_load_idx %arg10[%add3A_42, %broadcast_in_dim3A_68] : memref<256x32xf32, #tpu.memory_space<vmem>>[vector<16xi32>, vector<16xi32>], vector<16xf32>,
      %mul3A_71 = arith.mulf %gather3A_69, %gather3A_70 : vector<16xf32>
      %add3A_72 = arith.addf %add3A_66, %mul3A_71 : vector<16xf32>
      %broadcast_in_dim3A_73 = arith.constant 5 : i32
      %broadcast_in_dim3A_74 = vector.broadcast %broadcast_in_dim3A_73 : i32 to vector<16xi32>
      %gather3A_75 = tpu.vector_load_idx %arg9[%add3A_42, %broadcast_in_dim3A_74] : memref<256x32xf32, #tpu.memory_space<vmem>>[vector<16xi32>, vector<16xi32>], vector<16xf32>,
      %gather3A_76 = tpu.vector_load_idx %arg10[%add3A_42, %broadcast_in_dim3A_74] : memref<256x32xf32, #tpu.memory_space<vmem>>[vector<16xi32>, vector<16xi32>], vector<16xf32>,
      %mul3A_77 = arith.mulf %gather3A_75, %gather3A_76 : vector<16xf32>
      %add3A_78 = arith.addf %add3A_72, %mul3A_77 : vector<16xf32>
      %broadcast_in_dim3A_79 = arith.constant 6 : i32
      %broadcast_in_dim3A_80 = vector.broadcast %broadcast_in_dim3A_79 : i32 to vector<16xi32>
      %gather3A_81 = tpu.vector_load_idx %arg9[%add3A_42, %broadcast_in_dim3A_80] : memref<256x32xf32, #tpu.memory_space<vmem>>[vector<16xi32>, vector<16xi32>], vector<16xf32>,
      %gather3A_82 = tpu.vector_load_idx %arg10[%add3A_42, %broadcast_in_dim3A_80] : memref<256x32xf32, #tpu.memory_space<vmem>>[vector<16xi32>, vector<16xi32>], vector<16xf32>,
      %mul3A_83 = arith.mulf %gather3A_81, %gather3A_82 : vector<16xf32>
      %add3A_84 = arith.addf %add3A_78, %mul3A_83 : vector<16xf32>
      %broadcast_in_dim3A_85 = arith.constant 7 : i32
      %broadcast_in_dim3A_86 = vector.broadcast %broadcast_in_dim3A_85 : i32 to vector<16xi32>
      %gather3A_87 = tpu.vector_load_idx %arg9[%add3A_42, %broadcast_in_dim3A_86] : memref<256x32xf32, #tpu.memory_space<vmem>>[vector<16xi32>, vector<16xi32>], vector<16xf32>,
      %gather3A_88 = tpu.vector_load_idx %arg10[%add3A_42, %broadcast_in_dim3A_86] : memref<256x32xf32, #tpu.memory_space<vmem>>[vector<16xi32>, vector<16xi32>], vector<16xf32>,
      %mul3A_89 = arith.mulf %gather3A_87, %gather3A_88 : vector<16xf32>
      %add3A_90 = arith.addf %add3A_84, %mul3A_89 : vector<16xf32>
      %broadcast_in_dim3A_91 = arith.constant 8 : i32
      %broadcast_in_dim3A_92 = vector.broadcast %broadcast_in_dim3A_91 : i32 to vector<16xi32>
      %gather3A_93 = tpu.vector_load_idx %arg9[%add3A_42, %broadcast_in_dim3A_92] : memref<256x32xf32, #tpu.memory_space<vmem>>[vector<16xi32>, vector<16xi32>], vector<16xf32>,
      %gather3A_94 = tpu.vector_load_idx %arg10[%add3A_42, %broadcast_in_dim3A_92] : memref<256x32xf32, #tpu.memory_space<vmem>>[vector<16xi32>, vector<16xi32>], vector<16xf32>,
      %mul3A_95 = arith.mulf %gather3A_93, %gather3A_94 : vector<16xf32>
      %add3A_96 = arith.addf %add3A_90, %mul3A_95 : vector<16xf32>
      %broadcast_in_dim3A_97 = arith.constant 9 : i32
      %broadcast_in_dim3A_98 = vector.broadcast %broadcast_in_dim3A_97 : i32 to vector<16xi32>
      %gather3A_99 = tpu.vector_load_idx %arg9[%add3A_42, %broadcast_in_dim3A_98] : memref<256x32xf32, #tpu.memory_space<vmem>>[vector<16xi32>, vector<16xi32>], vector<16xf32>,
      %gather3A_100 = tpu.vector_load_idx %arg10[%add3A_42, %broadcast_in_dim3A_98] : memref<256x32xf32, #tpu.memory_space<vmem>>[vector<16xi32>, vector<16xi32>], vector<16xf32>,
      %mul3A_101 = arith.mulf %gather3A_99, %gather3A_100 : vector<16xf32>
      %add3A_102 = arith.addf %add3A_96, %mul3A_101 : vector<16xf32>
      %broadcast_in_dim3A_103 = arith.constant 10 : i32
      %broadcast_in_dim3A_104 = vector.broadcast %broadcast_in_dim3A_103 : i32 to vector<16xi32>
      %gather3A_105 = tpu.vector_load_idx %arg9[%add3A_42, %broadcast_in_dim3A_104] : memref<256x32xf32, #tpu.memory_space<vmem>>[vector<16xi32>, vector<16xi32>], vector<16xf32>,
      %gather3A_106 = tpu.vector_load_idx %arg10[%add3A_42, %broadcast_in_dim3A_104] : memref<256x32xf32, #tpu.memory_space<vmem>>[vector<16xi32>, vector<16xi32>], vector<16xf32>,
      %mul3A_107 = arith.mulf %gather3A_105, %gather3A_106 : vector<16xf32>
      %add3A_108 = arith.addf %add3A_102, %mul3A_107 : vector<16xf32>
      %broadcast_in_dim3A_109 = arith.constant 11 : i32
      %broadcast_in_dim3A_110 = vector.broadcast %broadcast_in_dim3A_109 : i32 to vector<16xi32>
      %gather3A_111 = tpu.vector_load_idx %arg9[%add3A_42, %broadcast_in_dim3A_110] : memref<256x32xf32, #tpu.memory_space<vmem>>[vector<16xi32>, vector<16xi32>], vector<16xf32>,
      %gather3A_112 = tpu.vector_load_idx %arg10[%add3A_42, %broadcast_in_dim3A_110] : memref<256x32xf32, #tpu.memory_space<vmem>>[vector<16xi32>, vector<16xi32>], vector<16xf32>,
      %mul3A_113 = arith.mulf %gather3A_111, %gather3A_112 : vector<16xf32>
      %add3A_114 = arith.addf %add3A_108, %mul3A_113 : vector<16xf32>
      %broadcast_in_dim3A_115 = arith.constant 12 : i32
      %broadcast_in_dim3A_116 = vector.broadcast %broadcast_in_dim3A_115 : i32 to vector<16xi32>
      %gather3A_117 = tpu.vector_load_idx %arg9[%add3A_42, %broadcast_in_dim3A_116] : memref<256x32xf32, #tpu.memory_space<vmem>>[vector<16xi32>, vector<16xi32>], vector<16xf32>,
      %gather3A_118 = tpu.vector_load_idx %arg10[%add3A_42, %broadcast_in_dim3A_116] : memref<256x32xf32, #tpu.memory_space<vmem>>[vector<16xi32>, vector<16xi32>], vector<16xf32>,
      %mul3A_119 = arith.mulf %gather3A_117, %gather3A_118 : vector<16xf32>
      %add3A_120 = arith.addf %add3A_114, %mul3A_119 : vector<16xf32>
      %broadcast_in_dim3A_121 = arith.constant 13 : i32
      %broadcast_in_dim3A_122 = vector.broadcast %broadcast_in_dim3A_121 : i32 to vector<16xi32>
      %gather3A_123 = tpu.vector_load_idx %arg9[%add3A_42, %broadcast_in_dim3A_122] : memref<256x32xf32, #tpu.memory_space<vmem>>[vector<16xi32>, vector<16xi32>], vector<16xf32>,
      %gather3A_124 = tpu.vector_load_idx %arg10[%add3A_42, %broadcast_in_dim3A_122] : memref<256x32xf32, #tpu.memory_space<vmem>>[vector<16xi32>, vector<16xi32>], vector<16xf32>,
      %mul3A_125 = arith.mulf %gather3A_123, %gather3A_124 : vector<16xf32>
      %add3A_126 = arith.addf %add3A_120, %mul3A_125 : vector<16xf32>
      %broadcast_in_dim3A_127 = arith.constant 14 : i32
      %broadcast_in_dim3A_128 = vector.broadcast %broadcast_in_dim3A_127 : i32 to vector<16xi32>
      %gather3A_129 = tpu.vector_load_idx %arg9[%add3A_42, %broadcast_in_dim3A_128] : memref<256x32xf32, #tpu.memory_space<vmem>>[vector<16xi32>, vector<16xi32>], vector<16xf32>,
      %gather3A_130 = tpu.vector_load_idx %arg10[%add3A_42, %broadcast_in_dim3A_128] : memref<256x32xf32, #tpu.memory_space<vmem>>[vector<16xi32>, vector<16xi32>], vector<16xf32>,
      %mul3A_131 = arith.mulf %gather3A_129, %gather3A_130 : vector<16xf32>
      %add3A_132 = arith.addf %add3A_126, %mul3A_131 : vector<16xf32>
      %broadcast_in_dim3A_133 = arith.constant 15 : i32
      %broadcast_in_dim3A_134 = vector.broadcast %broadcast_in_dim3A_133 : i32 to vector<16xi32>
      %gather3A_135 = tpu.vector_load_idx %arg9[%add3A_42, %broadcast_in_dim3A_134] : memref<256x32xf32, #tpu.memory_space<vmem>>[vector<16xi32>, vector<16xi32>], vector<16xf32>,
      %gather3A_136 = tpu.vector_load_idx %arg10[%add3A_42, %broadcast_in_dim3A_134] : memref<256x32xf32, #tpu.memory_space<vmem>>[vector<16xi32>, vector<16xi32>], vector<16xf32>,
      %mul3A_137 = arith.mulf %gather3A_135, %gather3A_136 : vector<16xf32>
      %add3A_138 = arith.addf %add3A_132, %mul3A_137 : vector<16xf32>
      %broadcast_in_dim3A_139 = arith.constant 16 : i32
      %broadcast_in_dim3A_140 = vector.broadcast %broadcast_in_dim3A_139 : i32 to vector<16xi32>
      %gather3A_141 = tpu.vector_load_idx %arg9[%add3A_42, %broadcast_in_dim3A_140] : memref<256x32xf32, #tpu.memory_space<vmem>>[vector<16xi32>, vector<16xi32>], vector<16xf32>,
      %gather3A_142 = tpu.vector_load_idx %arg10[%add3A_42, %broadcast_in_dim3A_140] : memref<256x32xf32, #tpu.memory_space<vmem>>[vector<16xi32>, vector<16xi32>], vector<16xf32>,
      %mul3A_143 = arith.mulf %gather3A_141, %gather3A_142 : vector<16xf32>
      %add3A_144 = arith.addf %add3A_138, %mul3A_143 : vector<16xf32>
      %broadcast_in_dim3A_145 = arith.constant 17 : i32
      %broadcast_in_dim3A_146 = vector.broadcast %broadcast_in_dim3A_145 : i32 to vector<16xi32>
      %gather3A_147 = tpu.vector_load_idx %arg9[%add3A_42, %broadcast_in_dim3A_146] : memref<256x32xf32, #tpu.memory_space<vmem>>[vector<16xi32>, vector<16xi32>], vector<16xf32>,
      %gather3A_148 = tpu.vector_load_idx %arg10[%add3A_42, %broadcast_in_dim3A_146] : memref<256x32xf32, #tpu.memory_space<vmem>>[vector<16xi32>, vector<16xi32>], vector<16xf32>,
      %mul3A_149 = arith.mulf %gather3A_147, %gather3A_148 : vector<16xf32>
      %add3A_150 = arith.addf %add3A_144, %mul3A_149 : vector<16xf32>
      %broadcast_in_dim3A_151 = arith.constant 18 : i32
      %broadcast_in_dim3A_152 = vector.broadcast %broadcast_in_dim3A_151 : i32 to vector<16xi32>
      %gather3A_153 = tpu.vector_load_idx %arg9[%add3A_42, %broadcast_in_dim3A_152] : memref<256x32xf32, #tpu.memory_space<vmem>>[vector<16xi32>, vector<16xi32>], vector<16xf32>,
      %gather3A_154 = tpu.vector_load_idx %arg10[%add3A_42, %broadcast_in_dim3A_152] : memref<256x32xf32, #tpu.memory_space<vmem>>[vector<16xi32>, vector<16xi32>], vector<16xf32>,
      %mul3A_155 = arith.mulf %gather3A_153, %gather3A_154 : vector<16xf32>
      %add3A_156 = arith.addf %add3A_150, %mul3A_155 : vector<16xf32>
      %broadcast_in_dim3A_157 = arith.constant 19 : i32
      %broadcast_in_dim3A_158 = vector.broadcast %broadcast_in_dim3A_157 : i32 to vector<16xi32>
      %gather3A_159 = tpu.vector_load_idx %arg9[%add3A_42, %broadcast_in_dim3A_158] : memref<256x32xf32, #tpu.memory_space<vmem>>[vector<16xi32>, vector<16xi32>], vector<16xf32>,
      %gather3A_160 = tpu.vector_load_idx %arg10[%add3A_42, %broadcast_in_dim3A_158] : memref<256x32xf32, #tpu.memory_space<vmem>>[vector<16xi32>, vector<16xi32>], vector<16xf32>,
      %mul3A_161 = arith.mulf %gather3A_159, %gather3A_160 : vector<16xf32>
      %add3A_162 = arith.addf %add3A_156, %mul3A_161 : vector<16xf32>
      %broadcast_in_dim3A_163 = arith.constant 20 : i32
      %broadcast_in_dim3A_164 = vector.broadcast %broadcast_in_dim3A_163 : i32 to vector<16xi32>
      %gather3A_165 = tpu.vector_load_idx %arg9[%add3A_42, %broadcast_in_dim3A_164] : memref<256x32xf32, #tpu.memory_space<vmem>>[vector<16xi32>, vector<16xi32>], vector<16xf32>,
      %gather3A_166 = tpu.vector_load_idx %arg10[%add3A_42, %broadcast_in_dim3A_164] : memref<256x32xf32, #tpu.memory_space<vmem>>[vector<16xi32>, vector<16xi32>], vector<16xf32>,
      %mul3A_167 = arith.mulf %gather3A_165, %gather3A_166 : vector<16xf32>
      %add3A_168 = arith.addf %add3A_162, %mul3A_167 : vector<16xf32>
      %broadcast_in_dim3A_169 = arith.constant 21 : i32
      %broadcast_in_dim3A_170 = vector.broadcast %broadcast_in_dim3A_169 : i32 to vector<16xi32>
      %gather3A_171 = tpu.vector_load_idx %arg9[%add3A_42, %broadcast_in_dim3A_170] : memref<256x32xf32, #tpu.memory_space<vmem>>[vector<16xi32>, vector<16xi32>], vector<16xf32>,
      %gather3A_172 = tpu.vector_load_idx %arg10[%add3A_42, %broadcast_in_dim3A_170] : memref<256x32xf32, #tpu.memory_space<vmem>>[vector<16xi32>, vector<16xi32>], vector<16xf32>,
      %mul3A_173 = arith.mulf %gather3A_171, %gather3A_172 : vector<16xf32>
      %add3A_174 = arith.addf %add3A_168, %mul3A_173 : vector<16xf32>
      %broadcast_in_dim3A_175 = arith.constant 22 : i32
      %broadcast_in_dim3A_176 = vector.broadcast %broadcast_in_dim3A_175 : i32 to vector<16xi32>
      %gather3A_177 = tpu.vector_load_idx %arg9[%add3A_42, %broadcast_in_dim3A_176] : memref<256x32xf32, #tpu.memory_space<vmem>>[vector<16xi32>, vector<16xi32>], vector<16xf32>,
      %gather3A_178 = tpu.vector_load_idx %arg10[%add3A_42, %broadcast_in_dim3A_176] : memref<256x32xf32, #tpu.memory_space<vmem>>[vector<16xi32>, vector<16xi32>], vector<16xf32>,
      %mul3A_179 = arith.mulf %gather3A_177, %gather3A_178 : vector<16xf32>
      %add3A_180 = arith.addf %add3A_174, %mul3A_179 : vector<16xf32>
      %broadcast_in_dim3A_181 = arith.constant 23 : i32
      %broadcast_in_dim3A_182 = vector.broadcast %broadcast_in_dim3A_181 : i32 to vector<16xi32>
      %gather3A_183 = tpu.vector_load_idx %arg9[%add3A_42, %broadcast_in_dim3A_182] : memref<256x32xf32, #tpu.memory_space<vmem>>[vector<16xi32>, vector<16xi32>], vector<16xf32>,
      %gather3A_184 = tpu.vector_load_idx %arg10[%add3A_42, %broadcast_in_dim3A_182] : memref<256x32xf32, #tpu.memory_space<vmem>>[vector<16xi32>, vector<16xi32>], vector<16xf32>,
      %mul3A_185 = arith.mulf %gather3A_183, %gather3A_184 : vector<16xf32>
      %add3A_186 = arith.addf %add3A_180, %mul3A_185 : vector<16xf32>
      %broadcast_in_dim3A_187 = arith.constant 24 : i32
      %broadcast_in_dim3A_188 = vector.broadcast %broadcast_in_dim3A_187 : i32 to vector<16xi32>
      %gather3A_189 = tpu.vector_load_idx %arg9[%add3A_42, %broadcast_in_dim3A_188] : memref<256x32xf32, #tpu.memory_space<vmem>>[vector<16xi32>, vector<16xi32>], vector<16xf32>,
      %gather3A_190 = tpu.vector_load_idx %arg10[%add3A_42, %broadcast_in_dim3A_188] : memref<256x32xf32, #tpu.memory_space<vmem>>[vector<16xi32>, vector<16xi32>], vector<16xf32>,
      %mul3A_191 = arith.mulf %gather3A_189, %gather3A_190 : vector<16xf32>
      %add3A_192 = arith.addf %add3A_186, %mul3A_191 : vector<16xf32>
      %broadcast_in_dim3A_193 = arith.constant 25 : i32
      %broadcast_in_dim3A_194 = vector.broadcast %broadcast_in_dim3A_193 : i32 to vector<16xi32>
      %gather3A_195 = tpu.vector_load_idx %arg9[%add3A_42, %broadcast_in_dim3A_194] : memref<256x32xf32, #tpu.memory_space<vmem>>[vector<16xi32>, vector<16xi32>], vector<16xf32>,
      %gather3A_196 = tpu.vector_load_idx %arg10[%add3A_42, %broadcast_in_dim3A_194] : memref<256x32xf32, #tpu.memory_space<vmem>>[vector<16xi32>, vector<16xi32>], vector<16xf32>,
      %mul3A_197 = arith.mulf %gather3A_195, %gather3A_196 : vector<16xf32>
      %add3A_198 = arith.addf %add3A_192, %mul3A_197 : vector<16xf32>
      %broadcast_in_dim3A_199 = arith.constant 26 : i32
      %broadcast_in_dim3A_200 = vector.broadcast %broadcast_in_dim3A_199 : i32 to vector<16xi32>
      %gather3A_201 = tpu.vector_load_idx %arg9[%add3A_42, %broadcast_in_dim3A_200] : memref<256x32xf32, #tpu.memory_space<vmem>>[vector<16xi32>, vector<16xi32>], vector<16xf32>,
      %gather3A_202 = tpu.vector_load_idx %arg10[%add3A_42, %broadcast_in_dim3A_200] : memref<256x32xf32, #tpu.memory_space<vmem>>[vector<16xi32>, vector<16xi32>], vector<16xf32>,
      %mul3A_203 = arith.mulf %gather3A_201, %gather3A_202 : vector<16xf32>
      %add3A_204 = arith.addf %add3A_198, %mul3A_203 : vector<16xf32>
      %broadcast_in_dim3A_205 = arith.constant 27 : i32
      %broadcast_in_dim3A_206 = vector.broadcast %broadcast_in_dim3A_205 : i32 to vector<16xi32>
      %gather3A_207 = tpu.vector_load_idx %arg9[%add3A_42, %broadcast_in_dim3A_206] : memref<256x32xf32, #tpu.memory_space<vmem>>[vector<16xi32>, vector<16xi32>], vector<16xf32>,
      %gather3A_208 = tpu.vector_load_idx %arg10[%add3A_42, %broadcast_in_dim3A_206] : memref<256x32xf32, #tpu.memory_space<vmem>>[vector<16xi32>, vector<16xi32>], vector<16xf32>,
      %mul3A_209 = arith.mulf %gather3A_207, %gather3A_208 : vector<16xf32>
      %add3A_210 = arith.addf %add3A_204, %mul3A_209 : vector<16xf32>
      %broadcast_in_dim3A_211 = arith.constant 28 : i32
      %broadcast_in_dim3A_212 = vector.broadcast %broadcast_in_dim3A_211 : i32 to vector<16xi32>
      %gather3A_213 = tpu.vector_load_idx %arg9[%add3A_42, %broadcast_in_dim3A_212] : memref<256x32xf32, #tpu.memory_space<vmem>>[vector<16xi32>, vector<16xi32>], vector<16xf32>,
      %gather3A_214 = tpu.vector_load_idx %arg10[%add3A_42, %broadcast_in_dim3A_212] : memref<256x32xf32, #tpu.memory_space<vmem>>[vector<16xi32>, vector<16xi32>], vector<16xf32>,
      %mul3A_215 = arith.mulf %gather3A_213, %gather3A_214 : vector<16xf32>
      %add3A_216 = arith.addf %add3A_210, %mul3A_215 : vector<16xf32>
      %broadcast_in_dim3A_217 = arith.constant 29 : i32
      %broadcast_in_dim3A_218 = vector.broadcast %broadcast_in_dim3A_217 : i32 to vector<16xi32>
      %gather3A_219 = tpu.vector_load_idx %arg9[%add3A_42, %broadcast_in_dim3A_218] : memref<256x32xf32, #tpu.memory_space<vmem>>[vector<16xi32>, vector<16xi32>], vector<16xf32>,
      %gather3A_220 = tpu.vector_load_idx %arg10[%add3A_42, %broadcast_in_dim3A_218] : memref<256x32xf32, #tpu.memory_space<vmem>>[vector<16xi32>, vector<16xi32>], vector<16xf32>,
      %mul3A_221 = arith.mulf %gather3A_219, %gather3A_220 : vector<16xf32>
      %add3A_222 = arith.addf %add3A_216, %mul3A_221 : vector<16xf32>
      %broadcast_in_dim3A_223 = arith.constant 30 : i32
      %broadcast_in_dim3A_224 = vector.broadcast %broadcast_in_dim3A_223 : i32 to vector<16xi32>
      %gather3A_225 = tpu.vector_load_idx %arg9[%add3A_42, %broadcast_in_dim3A_224] : memref<256x32xf32, #tpu.memory_space<vmem>>[vector<16xi32>, vector<16xi32>], vector<16xf32>,
      %gather3A_226 = tpu.vector_load_idx %arg10[%add3A_42, %broadcast_in_dim3A_224] : memref<256x32xf32, #tpu.memory_space<vmem>>[vector<16xi32>, vector<16xi32>], vector<16xf32>,
      %mul3A_227 = arith.mulf %gather3A_225, %gather3A_226 : vector<16xf32>
      %add3A_228 = arith.addf %add3A_222, %mul3A_227 : vector<16xf32>
      %broadcast_in_dim3A_229 = arith.constant 31 : i32
      %broadcast_in_dim3A_230 = vector.broadcast %broadcast_in_dim3A_229 : i32 to vector<16xi32>
      %gather3A_231 = tpu.vector_load_idx %arg9[%add3A_42, %broadcast_in_dim3A_230] : memref<256x32xf32, #tpu.memory_space<vmem>>[vector<16xi32>, vector<16xi32>], vector<16xf32>,
      %gather3A_232 = tpu.vector_load_idx %arg10[%add3A_42, %broadcast_in_dim3A_230] : memref<256x32xf32, #tpu.memory_space<vmem>>[vector<16xi32>, vector<16xi32>], vector<16xf32>,
      %mul3A_233 = arith.mulf %gather3A_231, %gather3A_232 : vector<16xf32>
      %add3A_234 = arith.addf %add3A_228, %mul3A_233 : vector<16xf32>
      %neg3A = arith.constant 0.000000e+00 : f32
      %neg3A_235 = vector.broadcast %neg3A : f32 to vector<16xf32>
      %neg3A_236 = arith.subf %neg3A_235, %add3A_234 : vector<16xf32>
      %exp3A = math.exp %neg3A_236 : vector<16xf32>
      %add3A_237 = arith.constant 1.000000e+00 : f32
      %add3A_238 = vector.broadcast %add3A_237 : f32 to vector<16xf32>
      %add3A_239 = arith.addf %add3A_238, %exp3A : vector<16xf32>
      %div3A = arith.constant 1.000000e+00 : f32
      %div3A_240 = vector.broadcast %div3A : f32 to vector<16xf32>
      %div3A_241 = arith.divf %div3A_240, %add3A_239 : vector<16xf32>
      %mul3A_242 = arith.constant 16 : i32
      %mul3A_243 = arith.muli %scan3A_38, %mul3A_242 : i32
      %add3A_244 = arith.constant 0 : i32
      %add3A_245 = arith.addi %add3A_244, %mul3A_243 : i32
      %swap3A = arith.index_cast %add3A_245 : i32 to index
      %swap3A_246 = tpu.vector_load %arg11[%swap3A] {strides = array<i32>} : memref<512xf32, #tpu.memory_space<vmem>>, vector<16xf32>,
      tpu.vector_store %arg11[%swap3A], %div3A_241 {strides = array<i32>} : memref<512xf32, #tpu.memory_space<vmem>>, vector<16xf32>,
    }
    %scan3A_19 = arith.constant 16 : i32
    %scan3A_20 = arith.constant 0 : i32
    %scan3A_21 = arith.constant 0 : i32
    %scan3A_22 = arith.constant 16 : i32
    %scan3A_23 = arith.addi %scan3A_21, %scan3A_22 : i32
    %scan3A_24 = arith.constant 1 : i32
    scf.for %scan3A_38 = %scan3A_21 to %scan3A_23 step %scan3A_24  : i32 {
      %mul3A_39 = arith.constant 16 : i32
      %mul3A_40 = arith.muli %scan3A_38, %mul3A_39 : i32
      %add3A_41 = arith.constant 256 : i32
      %add3A_42 = arith.addi %add3A_41, %mul3A_40 : i32
      %get3A = arith.index_cast %add3A_42 : i32 to index
      %get3A_43 = tpu.vector_load %arg7[%get3A] {strides = array<i32>} : memref<512xi32, #tpu.memory_space<vmem>>, vector<16xi32>,
      %get3A_44 = arith.index_cast %add3A_42 : i32 to index
      %get3A_45 = tpu.vector_load %arg8[%get3A_44] {strides = array<i32>} : memref<512xi32, #tpu.memory_space<vmem>>, vector<16xi32>,
      %slice3A = vector.extract_strided_slice %get3A_43 {offsets = [0], sizes = [1], strides = [1]} : vector<16xi32> to vector<1xi32>
      %squeeze3A = vector.extract %slice3A[0] : i32 from vector<1xi32>
      %mul3A_46 = arith.constant 16 : i32
      %mul3A_47 = arith.muli %scan3A_38, %mul3A_46 : i32
      %add3A_48 = arith.constant 0 : i32
      %add3A_49 = arith.addi %mul3A_47, %add3A_48 : i32
      %dma_start3A = arith.constant 0 : i32
      %dma_start3A_50 = tpu.memref_slice %arg9[%add3A_49, %dma_start3A] : memref<256x32xf32, #tpu.memory_space<vmem>> -> memref<1x32xf32, #tpu.memory_space<vmem>>
      %dma_start3A_51 = arith.constant 0 : i32
      %dma_start3A_52 = tpu.memref_slice %arg4[%squeeze3A, %dma_start3A_51] : memref<1000000x32xf32, #tpu.memory_space<hbm>> -> memref<1x32xf32, #tpu.memory_space<hbm>>
      %dma_start3A_53 = arith.constant 0 : i32
      %dma_start3A_54 = tpu.memref_slice %arg9[%add3A_49, %dma_start3A_53] : memref<256x32xf32, #tpu.memory_space<vmem>> -> memref<1x32xf32, #tpu.memory_space<vmem>>
      %dma_start3A_55 = arith.constant 0 : i32
      %dma_start3A_56 = tpu.memref_slice %arg4[%squeeze3A, %dma_start3A_55] : memref<1000000x32xf32, #tpu.memory_space<hbm>> -> memref<1x32xf32, #tpu.memory_space<hbm>>
      tpu.enqueue_dma source(%dma_start3A_56 : memref<1x32xf32, #tpu.memory_space<hbm>>) target(%dma_start3A_54 : memref<1x32xf32, #tpu.memory_space<vmem>>) target_semaphore(%arg12 : memref<!tpu.dma_semaphore, #tpu.memory_space<semaphore_mem>>)
      %slice3A_57 = vector.extract_strided_slice %get3A_45 {offsets = [0], sizes = [1], strides = [1]} : vector<16xi32> to vector<1xi32>
      %squeeze3A_58 = vector.extract %slice3A_57[0] : i32 from vector<1xi32>
      %mul3A_59 = arith.constant 16 : i32
      %mul3A_60 = arith.muli %scan3A_38, %mul3A_59 : i32
      %add3A_61 = arith.constant 0 : i32
      %add3A_62 = arith.addi %mul3A_60, %add3A_61 : i32
      %dma_start3A_63 = arith.constant 0 : i32
      %dma_start3A_64 = tpu.memref_slice %arg10[%add3A_62, %dma_start3A_63] : memref<256x32xf32, #tpu.memory_space<vmem>> -> memref<1x32xf32, #tpu.memory_space<vmem>>
      %dma_start3A_65 = arith.constant 0 : i32
      %dma_start3A_66 = tpu.memref_slice %arg5[%squeeze3A_58, %dma_start3A_65] : memref<1000000x32xf32, #tpu.memory_space<hbm>> -> memref<1x32xf32, #tpu.memory_space<hbm>>
      %dma_start3A_67 = arith.constant 0 : i32
      %dma_start3A_68 = tpu.memref_slice %arg10[%add3A_62, %dma_start3A_67] : memref<256x32xf32, #tpu.memory_space<vmem>> -> memref<1x32xf32, #tpu.memory_space<vmem>>
      %dma_start3A_69 = arith.constant 0 : i32
      %dma_start3A_70 = tpu.memref_slice %arg5[%squeeze3A_58, %dma_start3A_69] : memref<1000000x32xf32, #tpu.memory_space<hbm>> -> memref<1x32xf32, #tpu.memory_space<hbm>>
      tpu.enqueue_dma source(%dma_start3A_70 : memref<1x32xf32, #tpu.memory_space<hbm>>) target(%dma_start3A_68 : memref<1x32xf32, #tpu.memory_space<vmem>>) target_semaphore(%arg13 : memref<!tpu.dma_semaphore, #tpu.memory_space<semaphore_mem>>)
      %slice3A_71 = vector.extract_strided_slice %get3A_43 {offsets = [1], sizes = [1], strides = [1]} : vector<16xi32> to vector<1xi32>
      %squeeze3A_72 = vector.extract %slice3A_71[0] : i32 from vector<1xi32>
      %mul3A_73 = arith.constant 16 : i32
      %mul3A_74 = arith.muli %scan3A_38, %mul3A_73 : i32
      %add3A_75 = arith.constant 1 : i32
      %add3A_76 = arith.addi %mul3A_74, %add3A_75 : i32
      %dma_start3A_77 = arith.constant 0 : i32
      %dma_start3A_78 = tpu.memref_slice %arg9[%add3A_76, %dma_start3A_77] : memref<256x32xf32, #tpu.memory_space<vmem>> -> memref<1x32xf32, #tpu.memory_space<vmem>>
      %dma_start3A_79 = arith.constant 0 : i32
      %dma_start3A_80 = tpu.memref_slice %arg4[%squeeze3A_72, %dma_start3A_79] : memref<1000000x32xf32, #tpu.memory_space<hbm>> -> memref<1x32xf32, #tpu.memory_space<hbm>>
      %dma_start3A_81 = arith.constant 0 : i32
      %dma_start3A_82 = tpu.memref_slice %arg9[%add3A_76, %dma_start3A_81] : memref<256x32xf32, #tpu.memory_space<vmem>> -> memref<1x32xf32, #tpu.memory_space<vmem>>
      %dma_start3A_83 = arith.constant 0 : i32
      %dma_start3A_84 = tpu.memref_slice %arg4[%squeeze3A_72, %dma_start3A_83] : memref<1000000x32xf32, #tpu.memory_space<hbm>> -> memref<1x32xf32, #tpu.memory_space<hbm>>
      tpu.enqueue_dma source(%dma_start3A_84 : memref<1x32xf32, #tpu.memory_space<hbm>>) target(%dma_start3A_82 : memref<1x32xf32, #tpu.memory_space<vmem>>) target_semaphore(%arg14 : memref<!tpu.dma_semaphore, #tpu.memory_space<semaphore_mem>>)
      %slice3A_85 = vector.extract_strided_slice %get3A_45 {offsets = [1], sizes = [1], strides = [1]} : vector<16xi32> to vector<1xi32>
      %squeeze3A_86 = vector.extract %slice3A_85[0] : i32 from vector<1xi32>
      %mul3A_87 = arith.constant 16 : i32
      %mul3A_88 = arith.muli %scan3A_38, %mul3A_87 : i32
      %add3A_89 = arith.constant 1 : i32
      %add3A_90 = arith.addi %mul3A_88, %add3A_89 : i32
      %dma_start3A_91 = arith.constant 0 : i32
      %dma_start3A_92 = tpu.memref_slice %arg10[%add3A_90, %dma_start3A_91] : memref<256x32xf32, #tpu.memory_space<vmem>> -> memref<1x32xf32, #tpu.memory_space<vmem>>
      %dma_start3A_93 = arith.constant 0 : i32
      %dma_start3A_94 = tpu.memref_slice %arg5[%squeeze3A_86, %dma_start3A_93] : memref<1000000x32xf32, #tpu.memory_space<hbm>> -> memref<1x32xf32, #tpu.memory_space<hbm>>
      %dma_start3A_95 = arith.constant 0 : i32
      %dma_start3A_96 = tpu.memref_slice %arg10[%add3A_90, %dma_start3A_95] : memref<256x32xf32, #tpu.memory_space<vmem>> -> memref<1x32xf32, #tpu.memory_space<vmem>>
      %dma_start3A_97 = arith.constant 0 : i32
      %dma_start3A_98 = tpu.memref_slice %arg5[%squeeze3A_86, %dma_start3A_97] : memref<1000000x32xf32, #tpu.memory_space<hbm>> -> memref<1x32xf32, #tpu.memory_space<hbm>>
      tpu.enqueue_dma source(%dma_start3A_98 : memref<1x32xf32, #tpu.memory_space<hbm>>) target(%dma_start3A_96 : memref<1x32xf32, #tpu.memory_space<vmem>>) target_semaphore(%arg15 : memref<!tpu.dma_semaphore, #tpu.memory_space<semaphore_mem>>)
      %slice3A_99 = vector.extract_strided_slice %get3A_43 {offsets = [2], sizes = [1], strides = [1]} : vector<16xi32> to vector<1xi32>
      %squeeze3A_100 = vector.extract %slice3A_99[0] : i32 from vector<1xi32>
      %mul3A_101 = arith.constant 16 : i32
      %mul3A_102 = arith.muli %scan3A_38, %mul3A_101 : i32
      %add3A_103 = arith.constant 2 : i32
      %add3A_104 = arith.addi %mul3A_102, %add3A_103 : i32
      %dma_start3A_105 = arith.constant 0 : i32
      %dma_start3A_106 = tpu.memref_slice %arg9[%add3A_104, %dma_start3A_105] : memref<256x32xf32, #tpu.memory_space<vmem>> -> memref<1x32xf32, #tpu.memory_space<vmem>>
      %dma_start3A_107 = arith.constant 0 : i32
      %dma_start3A_108 = tpu.memref_slice %arg4[%squeeze3A_100, %dma_start3A_107] : memref<1000000x32xf32, #tpu.memory_space<hbm>> -> memref<1x32xf32, #tpu.memory_space<hbm>>
      %dma_start3A_109 = arith.constant 0 : i32
      %dma_start3A_110 = tpu.memref_slice %arg9[%add3A_104, %dma_start3A_109] : memref<256x32xf32, #tpu.memory_space<vmem>> -> memref<1x32xf32, #tpu.memory_space<vmem>>
      %dma_start3A_111 = arith.constant 0 : i32
      %dma_start3A_112 = tpu.memref_slice %arg4[%squeeze3A_100, %dma_start3A_111] : memref<1000000x32xf32, #tpu.memory_space<hbm>> -> memref<1x32xf32, #tpu.memory_space<hbm>>
      tpu.enqueue_dma source(%dma_start3A_112 : memref<1x32xf32, #tpu.memory_space<hbm>>) target(%dma_start3A_110 : memref<1x32xf32, #tpu.memory_space<vmem>>) target_semaphore(%arg16 : memref<!tpu.dma_semaphore, #tpu.memory_space<semaphore_mem>>)
      %slice3A_113 = vector.extract_strided_slice %get3A_45 {offsets = [2], sizes = [1], strides = [1]} : vector<16xi32> to vector<1xi32>
      %squeeze3A_114 = vector.extract %slice3A_113[0] : i32 from vector<1xi32>
      %mul3A_115 = arith.constant 16 : i32
      %mul3A_116 = arith.muli %scan3A_38, %mul3A_115 : i32
      %add3A_117 = arith.constant 2 : i32
      %add3A_118 = arith.addi %mul3A_116, %add3A_117 : i32
      %dma_start3A_119 = arith.constant 0 : i32
      %dma_start3A_120 = tpu.memref_slice %arg10[%add3A_118, %dma_start3A_119] : memref<256x32xf32, #tpu.memory_space<vmem>> -> memref<1x32xf32, #tpu.memory_space<vmem>>
      %dma_start3A_121 = arith.constant 0 : i32
      %dma_start3A_122 = tpu.memref_slice %arg5[%squeeze3A_114, %dma_start3A_121] : memref<1000000x32xf32, #tpu.memory_space<hbm>> -> memref<1x32xf32, #tpu.memory_space<hbm>>
      %dma_start3A_123 = arith.constant 0 : i32
      %dma_start3A_124 = tpu.memref_slice %arg10[%add3A_118, %dma_start3A_123] : memref<256x32xf32, #tpu.memory_space<vmem>> -> memref<1x32xf32, #tpu.memory_space<vmem>>
      %dma_start3A_125 = arith.constant 0 : i32
      %dma_start3A_126 = tpu.memref_slice %arg5[%squeeze3A_114, %dma_start3A_125] : memref<1000000x32xf32, #tpu.memory_space<hbm>> -> memref<1x32xf32, #tpu.memory_space<hbm>>
      tpu.enqueue_dma source(%dma_start3A_126 : memref<1x32xf32, #tpu.memory_space<hbm>>) target(%dma_start3A_124 : memref<1x32xf32, #tpu.memory_space<vmem>>) target_semaphore(%arg17 : memref<!tpu.dma_semaphore, #tpu.memory_space<semaphore_mem>>)
      %slice3A_127 = vector.extract_strided_slice %get3A_43 {offsets = [3], sizes = [1], strides = [1]} : vector<16xi32> to vector<1xi32>
      %squeeze3A_128 = vector.extract %slice3A_127[0] : i32 from vector<1xi32>
      %mul3A_129 = arith.constant 16 : i32
      %mul3A_130 = arith.muli %scan3A_38, %mul3A_129 : i32
      %add3A_131 = arith.constant 3 : i32
      %add3A_132 = arith.addi %mul3A_130, %add3A_131 : i32
      %dma_start3A_133 = arith.constant 0 : i32
      %dma_start3A_134 = tpu.memref_slice %arg9[%add3A_132, %dma_start3A_133] : memref<256x32xf32, #tpu.memory_space<vmem>> -> memref<1x32xf32, #tpu.memory_space<vmem>>
      %dma_start3A_135 = arith.constant 0 : i32
      %dma_start3A_136 = tpu.memref_slice %arg4[%squeeze3A_128, %dma_start3A_135] : memref<1000000x32xf32, #tpu.memory_space<hbm>> -> memref<1x32xf32, #tpu.memory_space<hbm>>
      %dma_start3A_137 = arith.constant 0 : i32
      %dma_start3A_138 = tpu.memref_slice %arg9[%add3A_132, %dma_start3A_137] : memref<256x32xf32, #tpu.memory_space<vmem>> -> memref<1x32xf32, #tpu.memory_space<vmem>>
      %dma_start3A_139 = arith.constant 0 : i32
      %dma_start3A_140 = tpu.memref_slice %arg4[%squeeze3A_128, %dma_start3A_139] : memref<1000000x32xf32, #tpu.memory_space<hbm>> -> memref<1x32xf32, #tpu.memory_space<hbm>>
      tpu.enqueue_dma source(%dma_start3A_140 : memref<1x32xf32, #tpu.memory_space<hbm>>) target(%dma_start3A_138 : memref<1x32xf32, #tpu.memory_space<vmem>>) target_semaphore(%arg18 : memref<!tpu.dma_semaphore, #tpu.memory_space<semaphore_mem>>)
      %slice3A_141 = vector.extract_strided_slice %get3A_45 {offsets = [3], sizes = [1], strides = [1]} : vector<16xi32> to vector<1xi32>
      %squeeze3A_142 = vector.extract %slice3A_141[0] : i32 from vector<1xi32>
      %mul3A_143 = arith.constant 16 : i32
      %mul3A_144 = arith.muli %scan3A_38, %mul3A_143 : i32
      %add3A_145 = arith.constant 3 : i32
      %add3A_146 = arith.addi %mul3A_144, %add3A_145 : i32
      %dma_start3A_147 = arith.constant 0 : i32
      %dma_start3A_148 = tpu.memref_slice %arg10[%add3A_146, %dma_start3A_147] : memref<256x32xf32, #tpu.memory_space<vmem>> -> memref<1x32xf32, #tpu.memory_space<vmem>>
      %dma_start3A_149 = arith.constant 0 : i32
      %dma_start3A_150 = tpu.memref_slice %arg5[%squeeze3A_142, %dma_start3A_149] : memref<1000000x32xf32, #tpu.memory_space<hbm>> -> memref<1x32xf32, #tpu.memory_space<hbm>>
      %dma_start3A_151 = arith.constant 0 : i32
      %dma_start3A_152 = tpu.memref_slice %arg10[%add3A_146, %dma_start3A_151] : memref<256x32xf32, #tpu.memory_space<vmem>> -> memref<1x32xf32, #tpu.memory_space<vmem>>
      %dma_start3A_153 = arith.constant 0 : i32
      %dma_start3A_154 = tpu.memref_slice %arg5[%squeeze3A_142, %dma_start3A_153] : memref<1000000x32xf32, #tpu.memory_space<hbm>> -> memref<1x32xf32, #tpu.memory_space<hbm>>
      tpu.enqueue_dma source(%dma_start3A_154 : memref<1x32xf32, #tpu.memory_space<hbm>>) target(%dma_start3A_152 : memref<1x32xf32, #tpu.memory_space<vmem>>) target_semaphore(%arg19 : memref<!tpu.dma_semaphore, #tpu.memory_space<semaphore_mem>>)
      %slice3A_155 = vector.extract_strided_slice %get3A_43 {offsets = [4], sizes = [1], strides = [1]} : vector<16xi32> to vector<1xi32>
      %squeeze3A_156 = vector.extract %slice3A_155[0] : i32 from vector<1xi32>
      %mul3A_157 = arith.constant 16 : i32
      %mul3A_158 = arith.muli %scan3A_38, %mul3A_157 : i32
      %add3A_159 = arith.constant 4 : i32
      %add3A_160 = arith.addi %mul3A_158, %add3A_159 : i32
      %dma_start3A_161 = arith.constant 0 : i32
      %dma_start3A_162 = tpu.memref_slice %arg9[%add3A_160, %dma_start3A_161] : memref<256x32xf32, #tpu.memory_space<vmem>> -> memref<1x32xf32, #tpu.memory_space<vmem>>
      %dma_start3A_163 = arith.constant 0 : i32
      %dma_start3A_164 = tpu.memref_slice %arg4[%squeeze3A_156, %dma_start3A_163] : memref<1000000x32xf32, #tpu.memory_space<hbm>> -> memref<1x32xf32, #tpu.memory_space<hbm>>
      %dma_start3A_165 = arith.constant 0 : i32
      %dma_start3A_166 = tpu.memref_slice %arg9[%add3A_160, %dma_start3A_165] : memref<256x32xf32, #tpu.memory_space<vmem>> -> memref<1x32xf32, #tpu.memory_space<vmem>>
      %dma_start3A_167 = arith.constant 0 : i32
      %dma_start3A_168 = tpu.memref_slice %arg4[%squeeze3A_156, %dma_start3A_167] : memref<1000000x32xf32, #tpu.memory_space<hbm>> -> memref<1x32xf32, #tpu.memory_space<hbm>>
      tpu.enqueue_dma source(%dma_start3A_168 : memref<1x32xf32, #tpu.memory_space<hbm>>) target(%dma_start3A_166 : memref<1x32xf32, #tpu.memory_space<vmem>>) target_semaphore(%arg12 : memref<!tpu.dma_semaphore, #tpu.memory_space<semaphore_mem>>)
      %slice3A_169 = vector.extract_strided_slice %get3A_45 {offsets = [4], sizes = [1], strides = [1]} : vector<16xi32> to vector<1xi32>
      %squeeze3A_170 = vector.extract %slice3A_169[0] : i32 from vector<1xi32>
      %mul3A_171 = arith.constant 16 : i32
      %mul3A_172 = arith.muli %scan3A_38, %mul3A_171 : i32
      %add3A_173 = arith.constant 4 : i32
      %add3A_174 = arith.addi %mul3A_172, %add3A_173 : i32
      %dma_start3A_175 = arith.constant 0 : i32
      %dma_start3A_176 = tpu.memref_slice %arg10[%add3A_174, %dma_start3A_175] : memref<256x32xf32, #tpu.memory_space<vmem>> -> memref<1x32xf32, #tpu.memory_space<vmem>>
      %dma_start3A_177 = arith.constant 0 : i32
      %dma_start3A_178 = tpu.memref_slice %arg5[%squeeze3A_170, %dma_start3A_177] : memref<1000000x32xf32, #tpu.memory_space<hbm>> -> memref<1x32xf32, #tpu.memory_space<hbm>>
      %dma_start3A_179 = arith.constant 0 : i32
      %dma_start3A_180 = tpu.memref_slice %arg10[%add3A_174, %dma_start3A_179] : memref<256x32xf32, #tpu.memory_space<vmem>> -> memref<1x32xf32, #tpu.memory_space<vmem>>
      %dma_start3A_181 = arith.constant 0 : i32
      %dma_start3A_182 = tpu.memref_slice %arg5[%squeeze3A_170, %dma_start3A_181] : memref<1000000x32xf32, #tpu.memory_space<hbm>> -> memref<1x32xf32, #tpu.memory_space<hbm>>
      tpu.enqueue_dma source(%dma_start3A_182 : memref<1x32xf32, #tpu.memory_space<hbm>>) target(%dma_start3A_180 : memref<1x32xf32, #tpu.memory_space<vmem>>) target_semaphore(%arg13 : memref<!tpu.dma_semaphore, #tpu.memory_space<semaphore_mem>>)
      %slice3A_183 = vector.extract_strided_slice %get3A_43 {offsets = [5], sizes = [1], strides = [1]} : vector<16xi32> to vector<1xi32>
      %squeeze3A_184 = vector.extract %slice3A_183[0] : i32 from vector<1xi32>
      %mul3A_185 = arith.constant 16 : i32
      %mul3A_186 = arith.muli %scan3A_38, %mul3A_185 : i32
      %add3A_187 = arith.constant 5 : i32
      %add3A_188 = arith.addi %mul3A_186, %add3A_187 : i32
      %dma_start3A_189 = arith.constant 0 : i32
      %dma_start3A_190 = tpu.memref_slice %arg9[%add3A_188, %dma_start3A_189] : memref<256x32xf32, #tpu.memory_space<vmem>> -> memref<1x32xf32, #tpu.memory_space<vmem>>
      %dma_start3A_191 = arith.constant 0 : i32
      %dma_start3A_192 = tpu.memref_slice %arg4[%squeeze3A_184, %dma_start3A_191] : memref<1000000x32xf32, #tpu.memory_space<hbm>> -> memref<1x32xf32, #tpu.memory_space<hbm>>
      %dma_start3A_193 = arith.constant 0 : i32
      %dma_start3A_194 = tpu.memref_slice %arg9[%add3A_188, %dma_start3A_193] : memref<256x32xf32, #tpu.memory_space<vmem>> -> memref<1x32xf32, #tpu.memory_space<vmem>>
      %dma_start3A_195 = arith.constant 0 : i32
      %dma_start3A_196 = tpu.memref_slice %arg4[%squeeze3A_184, %dma_start3A_195] : memref<1000000x32xf32, #tpu.memory_space<hbm>> -> memref<1x32xf32, #tpu.memory_space<hbm>>
      tpu.enqueue_dma source(%dma_start3A_196 : memref<1x32xf32, #tpu.memory_space<hbm>>) target(%dma_start3A_194 : memref<1x32xf32, #tpu.memory_space<vmem>>) target_semaphore(%arg14 : memref<!tpu.dma_semaphore, #tpu.memory_space<semaphore_mem>>)
      %slice3A_197 = vector.extract_strided_slice %get3A_45 {offsets = [5], sizes = [1], strides = [1]} : vector<16xi32> to vector<1xi32>
      %squeeze3A_198 = vector.extract %slice3A_197[0] : i32 from vector<1xi32>
      %mul3A_199 = arith.constant 16 : i32
      %mul3A_200 = arith.muli %scan3A_38, %mul3A_199 : i32
      %add3A_201 = arith.constant 5 : i32
      %add3A_202 = arith.addi %mul3A_200, %add3A_201 : i32
      %dma_start3A_203 = arith.constant 0 : i32
      %dma_start3A_204 = tpu.memref_slice %arg10[%add3A_202, %dma_start3A_203] : memref<256x32xf32, #tpu.memory_space<vmem>> -> memref<1x32xf32, #tpu.memory_space<vmem>>
      %dma_start3A_205 = arith.constant 0 : i32
      %dma_start3A_206 = tpu.memref_slice %arg5[%squeeze3A_198, %dma_start3A_205] : memref<1000000x32xf32, #tpu.memory_space<hbm>> -> memref<1x32xf32, #tpu.memory_space<hbm>>
      %dma_start3A_207 = arith.constant 0 : i32
      %dma_start3A_208 = tpu.memref_slice %arg10[%add3A_202, %dma_start3A_207] : memref<256x32xf32, #tpu.memory_space<vmem>> -> memref<1x32xf32, #tpu.memory_space<vmem>>
      %dma_start3A_209 = arith.constant 0 : i32
      %dma_start3A_210 = tpu.memref_slice %arg5[%squeeze3A_198, %dma_start3A_209] : memref<1000000x32xf32, #tpu.memory_space<hbm>> -> memref<1x32xf32, #tpu.memory_space<hbm>>
      tpu.enqueue_dma source(%dma_start3A_210 : memref<1x32xf32, #tpu.memory_space<hbm>>) target(%dma_start3A_208 : memref<1x32xf32, #tpu.memory_space<vmem>>) target_semaphore(%arg15 : memref<!tpu.dma_semaphore, #tpu.memory_space<semaphore_mem>>)
      %slice3A_211 = vector.extract_strided_slice %get3A_43 {offsets = [6], sizes = [1], strides = [1]} : vector<16xi32> to vector<1xi32>
      %squeeze3A_212 = vector.extract %slice3A_211[0] : i32 from vector<1xi32>
      %mul3A_213 = arith.constant 16 : i32
      %mul3A_214 = arith.muli %scan3A_38, %mul3A_213 : i32
      %add3A_215 = arith.constant 6 : i32
      %add3A_216 = arith.addi %mul3A_214, %add3A_215 : i32
      %dma_start3A_217 = arith.constant 0 : i32
      %dma_start3A_218 = tpu.memref_slice %arg9[%add3A_216, %dma_start3A_217] : memref<256x32xf32, #tpu.memory_space<vmem>> -> memref<1x32xf32, #tpu.memory_space<vmem>>
      %dma_start3A_219 = arith.constant 0 : i32
      %dma_start3A_220 = tpu.memref_slice %arg4[%squeeze3A_212, %dma_start3A_219] : memref<1000000x32xf32, #tpu.memory_space<hbm>> -> memref<1x32xf32, #tpu.memory_space<hbm>>
      %dma_start3A_221 = arith.constant 0 : i32
      %dma_start3A_222 = tpu.memref_slice %arg9[%add3A_216, %dma_start3A_221] : memref<256x32xf32, #tpu.memory_space<vmem>> -> memref<1x32xf32, #tpu.memory_space<vmem>>
      %dma_start3A_223 = arith.constant 0 : i32
      %dma_start3A_224 = tpu.memref_slice %arg4[%squeeze3A_212, %dma_start3A_223] : memref<1000000x32xf32, #tpu.memory_space<hbm>> -> memref<1x32xf32, #tpu.memory_space<hbm>>
      tpu.enqueue_dma source(%dma_start3A_224 : memref<1x32xf32, #tpu.memory_space<hbm>>) target(%dma_start3A_222 : memref<1x32xf32, #tpu.memory_space<vmem>>) target_semaphore(%arg16 : memref<!tpu.dma_semaphore, #tpu.memory_space<semaphore_mem>>)
      %slice3A_225 = vector.extract_strided_slice %get3A_45 {offsets = [6], sizes = [1], strides = [1]} : vector<16xi32> to vector<1xi32>
      %squeeze3A_226 = vector.extract %slice3A_225[0] : i32 from vector<1xi32>
      %mul3A_227 = arith.constant 16 : i32
      %mul3A_228 = arith.muli %scan3A_38, %mul3A_227 : i32
      %add3A_229 = arith.constant 6 : i32
      %add3A_230 = arith.addi %mul3A_228, %add3A_229 : i32
      %dma_start3A_231 = arith.constant 0 : i32
      %dma_start3A_232 = tpu.memref_slice %arg10[%add3A_230, %dma_start3A_231] : memref<256x32xf32, #tpu.memory_space<vmem>> -> memref<1x32xf32, #tpu.memory_space<vmem>>
      %dma_start3A_233 = arith.constant 0 : i32
      %dma_start3A_234 = tpu.memref_slice %arg5[%squeeze3A_226, %dma_start3A_233] : memref<1000000x32xf32, #tpu.memory_space<hbm>> -> memref<1x32xf32, #tpu.memory_space<hbm>>
      %dma_start3A_235 = arith.constant 0 : i32
      %dma_start3A_236 = tpu.memref_slice %arg10[%add3A_230, %dma_start3A_235] : memref<256x32xf32, #tpu.memory_space<vmem>> -> memref<1x32xf32, #tpu.memory_space<vmem>>
      %dma_start3A_237 = arith.constant 0 : i32
      %dma_start3A_238 = tpu.memref_slice %arg5[%squeeze3A_226, %dma_start3A_237] : memref<1000000x32xf32, #tpu.memory_space<hbm>> -> memref<1x32xf32, #tpu.memory_space<hbm>>
      tpu.enqueue_dma source(%dma_start3A_238 : memref<1x32xf32, #tpu.memory_space<hbm>>) target(%dma_start3A_236 : memref<1x32xf32, #tpu.memory_space<vmem>>) target_semaphore(%arg17 : memref<!tpu.dma_semaphore, #tpu.memory_space<semaphore_mem>>)
      %slice3A_239 = vector.extract_strided_slice %get3A_43 {offsets = [7], sizes = [1], strides = [1]} : vector<16xi32> to vector<1xi32>
      %squeeze3A_240 = vector.extract %slice3A_239[0] : i32 from vector<1xi32>
      %mul3A_241 = arith.constant 16 : i32
      %mul3A_242 = arith.muli %scan3A_38, %mul3A_241 : i32
      %add3A_243 = arith.constant 7 : i32
      %add3A_244 = arith.addi %mul3A_242, %add3A_243 : i32
      %dma_start3A_245 = arith.constant 0 : i32
      %dma_start3A_246 = tpu.memref_slice %arg9[%add3A_244, %dma_start3A_245] : memref<256x32xf32, #tpu.memory_space<vmem>> -> memref<1x32xf32, #tpu.memory_space<vmem>>
      %dma_start3A_247 = arith.constant 0 : i32
      %dma_start3A_248 = tpu.memref_slice %arg4[%squeeze3A_240, %dma_start3A_247] : memref<1000000x32xf32, #tpu.memory_space<hbm>> -> memref<1x32xf32, #tpu.memory_space<hbm>>
      %dma_start3A_249 = arith.constant 0 : i32
      %dma_start3A_250 = tpu.memref_slice %arg9[%add3A_244, %dma_start3A_249] : memref<256x32xf32, #tpu.memory_space<vmem>> -> memref<1x32xf32, #tpu.memory_space<vmem>>
      %dma_start3A_251 = arith.constant 0 : i32
      %dma_start3A_252 = tpu.memref_slice %arg4[%squeeze3A_240, %dma_start3A_251] : memref<1000000x32xf32, #tpu.memory_space<hbm>> -> memref<1x32xf32, #tpu.memory_space<hbm>>
      tpu.enqueue_dma source(%dma_start3A_252 : memref<1x32xf32, #tpu.memory_space<hbm>>) target(%dma_start3A_250 : memref<1x32xf32, #tpu.memory_space<vmem>>) target_semaphore(%arg18 : memref<!tpu.dma_semaphore, #tpu.memory_space<semaphore_mem>>)
      %slice3A_253 = vector.extract_strided_slice %get3A_45 {offsets = [7], sizes = [1], strides = [1]} : vector<16xi32> to vector<1xi32>
      %squeeze3A_254 = vector.extract %slice3A_253[0] : i32 from vector<1xi32>
      %mul3A_255 = arith.constant 16 : i32
      %mul3A_256 = arith.muli %scan3A_38, %mul3A_255 : i32
      %add3A_257 = arith.constant 7 : i32
      %add3A_258 = arith.addi %mul3A_256, %add3A_257 : i32
      %dma_start3A_259 = arith.constant 0 : i32
      %dma_start3A_260 = tpu.memref_slice %arg10[%add3A_258, %dma_start3A_259] : memref<256x32xf32, #tpu.memory_space<vmem>> -> memref<1x32xf32, #tpu.memory_space<vmem>>
      %dma_start3A_261 = arith.constant 0 : i32
      %dma_start3A_262 = tpu.memref_slice %arg5[%squeeze3A_254, %dma_start3A_261] : memref<1000000x32xf32, #tpu.memory_space<hbm>> -> memref<1x32xf32, #tpu.memory_space<hbm>>
      %dma_start3A_263 = arith.constant 0 : i32
      %dma_start3A_264 = tpu.memref_slice %arg10[%add3A_258, %dma_start3A_263] : memref<256x32xf32, #tpu.memory_space<vmem>> -> memref<1x32xf32, #tpu.memory_space<vmem>>
      %dma_start3A_265 = arith.constant 0 : i32
      %dma_start3A_266 = tpu.memref_slice %arg5[%squeeze3A_254, %dma_start3A_265] : memref<1000000x32xf32, #tpu.memory_space<hbm>> -> memref<1x32xf32, #tpu.memory_space<hbm>>
      tpu.enqueue_dma source(%dma_start3A_266 : memref<1x32xf32, #tpu.memory_space<hbm>>) target(%dma_start3A_264 : memref<1x32xf32, #tpu.memory_space<vmem>>) target_semaphore(%arg19 : memref<!tpu.dma_semaphore, #tpu.memory_space<semaphore_mem>>)
      %slice3A_267 = vector.extract_strided_slice %get3A_43 {offsets = [8], sizes = [1], strides = [1]} : vector<16xi32> to vector<1xi32>
      %squeeze3A_268 = vector.extract %slice3A_267[0] : i32 from vector<1xi32>
      %mul3A_269 = arith.constant 16 : i32
      %mul3A_270 = arith.muli %scan3A_38, %mul3A_269 : i32
      %add3A_271 = arith.constant 8 : i32
      %add3A_272 = arith.addi %mul3A_270, %add3A_271 : i32
      %dma_start3A_273 = arith.constant 0 : i32
      %dma_start3A_274 = tpu.memref_slice %arg9[%add3A_272, %dma_start3A_273] : memref<256x32xf32, #tpu.memory_space<vmem>> -> memref<1x32xf32, #tpu.memory_space<vmem>>
      %dma_start3A_275 = arith.constant 0 : i32
      %dma_start3A_276 = tpu.memref_slice %arg4[%squeeze3A_268, %dma_start3A_275] : memref<1000000x32xf32, #tpu.memory_space<hbm>> -> memref<1x32xf32, #tpu.memory_space<hbm>>
      %dma_start3A_277 = arith.constant 0 : i32
      %dma_start3A_278 = tpu.memref_slice %arg9[%add3A_272, %dma_start3A_277] : memref<256x32xf32, #tpu.memory_space<vmem>> -> memref<1x32xf32, #tpu.memory_space<vmem>>
      %dma_start3A_279 = arith.constant 0 : i32
      %dma_start3A_280 = tpu.memref_slice %arg4[%squeeze3A_268, %dma_start3A_279] : memref<1000000x32xf32, #tpu.memory_space<hbm>> -> memref<1x32xf32, #tpu.memory_space<hbm>>
      tpu.enqueue_dma source(%dma_start3A_280 : memref<1x32xf32, #tpu.memory_space<hbm>>) target(%dma_start3A_278 : memref<1x32xf32, #tpu.memory_space<vmem>>) target_semaphore(%arg12 : memref<!tpu.dma_semaphore, #tpu.memory_space<semaphore_mem>>)
      %slice3A_281 = vector.extract_strided_slice %get3A_45 {offsets = [8], sizes = [1], strides = [1]} : vector<16xi32> to vector<1xi32>
      %squeeze3A_282 = vector.extract %slice3A_281[0] : i32 from vector<1xi32>
      %mul3A_283 = arith.constant 16 : i32
      %mul3A_284 = arith.muli %scan3A_38, %mul3A_283 : i32
      %add3A_285 = arith.constant 8 : i32
      %add3A_286 = arith.addi %mul3A_284, %add3A_285 : i32
      %dma_start3A_287 = arith.constant 0 : i32
      %dma_start3A_288 = tpu.memref_slice %arg10[%add3A_286, %dma_start3A_287] : memref<256x32xf32, #tpu.memory_space<vmem>> -> memref<1x32xf32, #tpu.memory_space<vmem>>
      %dma_start3A_289 = arith.constant 0 : i32
      %dma_start3A_290 = tpu.memref_slice %arg5[%squeeze3A_282, %dma_start3A_289] : memref<1000000x32xf32, #tpu.memory_space<hbm>> -> memref<1x32xf32, #tpu.memory_space<hbm>>
      %dma_start3A_291 = arith.constant 0 : i32
      %dma_start3A_292 = tpu.memref_slice %arg10[%add3A_286, %dma_start3A_291] : memref<256x32xf32, #tpu.memory_space<vmem>> -> memref<1x32xf32, #tpu.memory_space<vmem>>
      %dma_start3A_293 = arith.constant 0 : i32
      %dma_start3A_294 = tpu.memref_slice %arg5[%squeeze3A_282, %dma_start3A_293] : memref<1000000x32xf32, #tpu.memory_space<hbm>> -> memref<1x32xf32, #tpu.memory_space<hbm>>
      tpu.enqueue_dma source(%dma_start3A_294 : memref<1x32xf32, #tpu.memory_space<hbm>>) target(%dma_start3A_292 : memref<1x32xf32, #tpu.memory_space<vmem>>) target_semaphore(%arg13 : memref<!tpu.dma_semaphore, #tpu.memory_space<semaphore_mem>>)
      %slice3A_295 = vector.extract_strided_slice %get3A_43 {offsets = [9], sizes = [1], strides = [1]} : vector<16xi32> to vector<1xi32>
      %squeeze3A_296 = vector.extract %slice3A_295[0] : i32 from vector<1xi32>
      %mul3A_297 = arith.constant 16 : i32
      %mul3A_298 = arith.muli %scan3A_38, %mul3A_297 : i32
      %add3A_299 = arith.constant 9 : i32
      %add3A_300 = arith.addi %mul3A_298, %add3A_299 : i32
      %dma_start3A_301 = arith.constant 0 : i32
      %dma_start3A_302 = tpu.memref_slice %arg9[%add3A_300, %dma_start3A_301] : memref<256x32xf32, #tpu.memory_space<vmem>> -> memref<1x32xf32, #tpu.memory_space<vmem>>
      %dma_start3A_303 = arith.constant 0 : i32
      %dma_start3A_304 = tpu.memref_slice %arg4[%squeeze3A_296, %dma_start3A_303] : memref<1000000x32xf32, #tpu.memory_space<hbm>> -> memref<1x32xf32, #tpu.memory_space<hbm>>
      %dma_start3A_305 = arith.constant 0 : i32
      %dma_start3A_306 = tpu.memref_slice %arg9[%add3A_300, %dma_start3A_305] : memref<256x32xf32, #tpu.memory_space<vmem>> -> memref<1x32xf32, #tpu.memory_space<vmem>>
      %dma_start3A_307 = arith.constant 0 : i32
      %dma_start3A_308 = tpu.memref_slice %arg4[%squeeze3A_296, %dma_start3A_307] : memref<1000000x32xf32, #tpu.memory_space<hbm>> -> memref<1x32xf32, #tpu.memory_space<hbm>>
      tpu.enqueue_dma source(%dma_start3A_308 : memref<1x32xf32, #tpu.memory_space<hbm>>) target(%dma_start3A_306 : memref<1x32xf32, #tpu.memory_space<vmem>>) target_semaphore(%arg14 : memref<!tpu.dma_semaphore, #tpu.memory_space<semaphore_mem>>)
      %slice3A_309 = vector.extract_strided_slice %get3A_45 {offsets = [9], sizes = [1], strides = [1]} : vector<16xi32> to vector<1xi32>
      %squeeze3A_310 = vector.extract %slice3A_309[0] : i32 from vector<1xi32>
      %mul3A_311 = arith.constant 16 : i32
      %mul3A_312 = arith.muli %scan3A_38, %mul3A_311 : i32
      %add3A_313 = arith.constant 9 : i32
      %add3A_314 = arith.addi %mul3A_312, %add3A_313 : i32
      %dma_start3A_315 = arith.constant 0 : i32
      %dma_start3A_316 = tpu.memref_slice %arg10[%add3A_314, %dma_start3A_315] : memref<256x32xf32, #tpu.memory_space<vmem>> -> memref<1x32xf32, #tpu.memory_space<vmem>>
      %dma_start3A_317 = arith.constant 0 : i32
      %dma_start3A_318 = tpu.memref_slice %arg5[%squeeze3A_310, %dma_start3A_317] : memref<1000000x32xf32, #tpu.memory_space<hbm>> -> memref<1x32xf32, #tpu.memory_space<hbm>>
      %dma_start3A_319 = arith.constant 0 : i32
      %dma_start3A_320 = tpu.memref_slice %arg10[%add3A_314, %dma_start3A_319] : memref<256x32xf32, #tpu.memory_space<vmem>> -> memref<1x32xf32, #tpu.memory_space<vmem>>
      %dma_start3A_321 = arith.constant 0 : i32
      %dma_start3A_322 = tpu.memref_slice %arg5[%squeeze3A_310, %dma_start3A_321] : memref<1000000x32xf32, #tpu.memory_space<hbm>> -> memref<1x32xf32, #tpu.memory_space<hbm>>
      tpu.enqueue_dma source(%dma_start3A_322 : memref<1x32xf32, #tpu.memory_space<hbm>>) target(%dma_start3A_320 : memref<1x32xf32, #tpu.memory_space<vmem>>) target_semaphore(%arg15 : memref<!tpu.dma_semaphore, #tpu.memory_space<semaphore_mem>>)
      %slice3A_323 = vector.extract_strided_slice %get3A_43 {offsets = [10], sizes = [1], strides = [1]} : vector<16xi32> to vector<1xi32>
      %squeeze3A_324 = vector.extract %slice3A_323[0] : i32 from vector<1xi32>
      %mul3A_325 = arith.constant 16 : i32
      %mul3A_326 = arith.muli %scan3A_38, %mul3A_325 : i32
      %add3A_327 = arith.constant 10 : i32
      %add3A_328 = arith.addi %mul3A_326, %add3A_327 : i32
      %dma_start3A_329 = arith.constant 0 : i32
      %dma_start3A_330 = tpu.memref_slice %arg9[%add3A_328, %dma_start3A_329] : memref<256x32xf32, #tpu.memory_space<vmem>> -> memref<1x32xf32, #tpu.memory_space<vmem>>
      %dma_start3A_331 = arith.constant 0 : i32
      %dma_start3A_332 = tpu.memref_slice %arg4[%squeeze3A_324, %dma_start3A_331] : memref<1000000x32xf32, #tpu.memory_space<hbm>> -> memref<1x32xf32, #tpu.memory_space<hbm>>
      %dma_start3A_333 = arith.constant 0 : i32
      %dma_start3A_334 = tpu.memref_slice %arg9[%add3A_328, %dma_start3A_333] : memref<256x32xf32, #tpu.memory_space<vmem>> -> memref<1x32xf32, #tpu.memory_space<vmem>>
      %dma_start3A_335 = arith.constant 0 : i32
      %dma_start3A_336 = tpu.memref_slice %arg4[%squeeze3A_324, %dma_start3A_335] : memref<1000000x32xf32, #tpu.memory_space<hbm>> -> memref<1x32xf32, #tpu.memory_space<hbm>>
      tpu.enqueue_dma source(%dma_start3A_336 : memref<1x32xf32, #tpu.memory_space<hbm>>) target(%dma_start3A_334 : memref<1x32xf32, #tpu.memory_space<vmem>>) target_semaphore(%arg16 : memref<!tpu.dma_semaphore, #tpu.memory_space<semaphore_mem>>)
      %slice3A_337 = vector.extract_strided_slice %get3A_45 {offsets = [10], sizes = [1], strides = [1]} : vector<16xi32> to vector<1xi32>
      %squeeze3A_338 = vector.extract %slice3A_337[0] : i32 from vector<1xi32>
      %mul3A_339 = arith.constant 16 : i32
      %mul3A_340 = arith.muli %scan3A_38, %mul3A_339 : i32
      %add3A_341 = arith.constant 10 : i32
      %add3A_342 = arith.addi %mul3A_340, %add3A_341 : i32
      %dma_start3A_343 = arith.constant 0 : i32
      %dma_start3A_344 = tpu.memref_slice %arg10[%add3A_342, %dma_start3A_343] : memref<256x32xf32, #tpu.memory_space<vmem>> -> memref<1x32xf32, #tpu.memory_space<vmem>>
      %dma_start3A_345 = arith.constant 0 : i32
      %dma_start3A_346 = tpu.memref_slice %arg5[%squeeze3A_338, %dma_start3A_345] : memref<1000000x32xf32, #tpu.memory_space<hbm>> -> memref<1x32xf32, #tpu.memory_space<hbm>>
      %dma_start3A_347 = arith.constant 0 : i32
      %dma_start3A_348 = tpu.memref_slice %arg10[%add3A_342, %dma_start3A_347] : memref<256x32xf32, #tpu.memory_space<vmem>> -> memref<1x32xf32, #tpu.memory_space<vmem>>
      %dma_start3A_349 = arith.constant 0 : i32
      %dma_start3A_350 = tpu.memref_slice %arg5[%squeeze3A_338, %dma_start3A_349] : memref<1000000x32xf32, #tpu.memory_space<hbm>> -> memref<1x32xf32, #tpu.memory_space<hbm>>
      tpu.enqueue_dma source(%dma_start3A_350 : memref<1x32xf32, #tpu.memory_space<hbm>>) target(%dma_start3A_348 : memref<1x32xf32, #tpu.memory_space<vmem>>) target_semaphore(%arg17 : memref<!tpu.dma_semaphore, #tpu.memory_space<semaphore_mem>>)
      %slice3A_351 = vector.extract_strided_slice %get3A_43 {offsets = [11], sizes = [1], strides = [1]} : vector<16xi32> to vector<1xi32>
      %squeeze3A_352 = vector.extract %slice3A_351[0] : i32 from vector<1xi32>
      %mul3A_353 = arith.constant 16 : i32
      %mul3A_354 = arith.muli %scan3A_38, %mul3A_353 : i32
      %add3A_355 = arith.constant 11 : i32
      %add3A_356 = arith.addi %mul3A_354, %add3A_355 : i32
      %dma_start3A_357 = arith.constant 0 : i32
      %dma_start3A_358 = tpu.memref_slice %arg9[%add3A_356, %dma_start3A_357] : memref<256x32xf32, #tpu.memory_space<vmem>> -> memref<1x32xf32, #tpu.memory_space<vmem>>
      %dma_start3A_359 = arith.constant 0 : i32
      %dma_start3A_360 = tpu.memref_slice %arg4[%squeeze3A_352, %dma_start3A_359] : memref<1000000x32xf32, #tpu.memory_space<hbm>> -> memref<1x32xf32, #tpu.memory_space<hbm>>
      %dma_start3A_361 = arith.constant 0 : i32
      %dma_start3A_362 = tpu.memref_slice %arg9[%add3A_356, %dma_start3A_361] : memref<256x32xf32, #tpu.memory_space<vmem>> -> memref<1x32xf32, #tpu.memory_space<vmem>>
      %dma_start3A_363 = arith.constant 0 : i32
      %dma_start3A_364 = tpu.memref_slice %arg4[%squeeze3A_352, %dma_start3A_363] : memref<1000000x32xf32, #tpu.memory_space<hbm>> -> memref<1x32xf32, #tpu.memory_space<hbm>>
      tpu.enqueue_dma source(%dma_start3A_364 : memref<1x32xf32, #tpu.memory_space<hbm>>) target(%dma_start3A_362 : memref<1x32xf32, #tpu.memory_space<vmem>>) target_semaphore(%arg18 : memref<!tpu.dma_semaphore, #tpu.memory_space<semaphore_mem>>)
      %slice3A_365 = vector.extract_strided_slice %get3A_45 {offsets = [11], sizes = [1], strides = [1]} : vector<16xi32> to vector<1xi32>
      %squeeze3A_366 = vector.extract %slice3A_365[0] : i32 from vector<1xi32>
      %mul3A_367 = arith.constant 16 : i32
      %mul3A_368 = arith.muli %scan3A_38, %mul3A_367 : i32
      %add3A_369 = arith.constant 11 : i32
      %add3A_370 = arith.addi %mul3A_368, %add3A_369 : i32
      %dma_start3A_371 = arith.constant 0 : i32
      %dma_start3A_372 = tpu.memref_slice %arg10[%add3A_370, %dma_start3A_371] : memref<256x32xf32, #tpu.memory_space<vmem>> -> memref<1x32xf32, #tpu.memory_space<vmem>>
      %dma_start3A_373 = arith.constant 0 : i32
      %dma_start3A_374 = tpu.memref_slice %arg5[%squeeze3A_366, %dma_start3A_373] : memref<1000000x32xf32, #tpu.memory_space<hbm>> -> memref<1x32xf32, #tpu.memory_space<hbm>>
      %dma_start3A_375 = arith.constant 0 : i32
      %dma_start3A_376 = tpu.memref_slice %arg10[%add3A_370, %dma_start3A_375] : memref<256x32xf32, #tpu.memory_space<vmem>> -> memref<1x32xf32, #tpu.memory_space<vmem>>
      %dma_start3A_377 = arith.constant 0 : i32
      %dma_start3A_378 = tpu.memref_slice %arg5[%squeeze3A_366, %dma_start3A_377] : memref<1000000x32xf32, #tpu.memory_space<hbm>> -> memref<1x32xf32, #tpu.memory_space<hbm>>
      tpu.enqueue_dma source(%dma_start3A_378 : memref<1x32xf32, #tpu.memory_space<hbm>>) target(%dma_start3A_376 : memref<1x32xf32, #tpu.memory_space<vmem>>) target_semaphore(%arg19 : memref<!tpu.dma_semaphore, #tpu.memory_space<semaphore_mem>>)
      %slice3A_379 = vector.extract_strided_slice %get3A_43 {offsets = [12], sizes = [1], strides = [1]} : vector<16xi32> to vector<1xi32>
      %squeeze3A_380 = vector.extract %slice3A_379[0] : i32 from vector<1xi32>
      %mul3A_381 = arith.constant 16 : i32
      %mul3A_382 = arith.muli %scan3A_38, %mul3A_381 : i32
      %add3A_383 = arith.constant 12 : i32
      %add3A_384 = arith.addi %mul3A_382, %add3A_383 : i32
      %dma_start3A_385 = arith.constant 0 : i32
      %dma_start3A_386 = tpu.memref_slice %arg9[%add3A_384, %dma_start3A_385] : memref<256x32xf32, #tpu.memory_space<vmem>> -> memref<1x32xf32, #tpu.memory_space<vmem>>
      %dma_start3A_387 = arith.constant 0 : i32
      %dma_start3A_388 = tpu.memref_slice %arg4[%squeeze3A_380, %dma_start3A_387] : memref<1000000x32xf32, #tpu.memory_space<hbm>> -> memref<1x32xf32, #tpu.memory_space<hbm>>
      %dma_start3A_389 = arith.constant 0 : i32
      %dma_start3A_390 = tpu.memref_slice %arg9[%add3A_384, %dma_start3A_389] : memref<256x32xf32, #tpu.memory_space<vmem>> -> memref<1x32xf32, #tpu.memory_space<vmem>>
      %dma_start3A_391 = arith.constant 0 : i32
      %dma_start3A_392 = tpu.memref_slice %arg4[%squeeze3A_380, %dma_start3A_391] : memref<1000000x32xf32, #tpu.memory_space<hbm>> -> memref<1x32xf32, #tpu.memory_space<hbm>>
      tpu.enqueue_dma source(%dma_start3A_392 : memref<1x32xf32, #tpu.memory_space<hbm>>) target(%dma_start3A_390 : memref<1x32xf32, #tpu.memory_space<vmem>>) target_semaphore(%arg12 : memref<!tpu.dma_semaphore, #tpu.memory_space<semaphore_mem>>)
      %slice3A_393 = vector.extract_strided_slice %get3A_45 {offsets = [12], sizes = [1], strides = [1]} : vector<16xi32> to vector<1xi32>
      %squeeze3A_394 = vector.extract %slice3A_393[0] : i32 from vector<1xi32>
      %mul3A_395 = arith.constant 16 : i32
      %mul3A_396 = arith.muli %scan3A_38, %mul3A_395 : i32
      %add3A_397 = arith.constant 12 : i32
      %add3A_398 = arith.addi %mul3A_396, %add3A_397 : i32
      %dma_start3A_399 = arith.constant 0 : i32
      %dma_start3A_400 = tpu.memref_slice %arg10[%add3A_398, %dma_start3A_399] : memref<256x32xf32, #tpu.memory_space<vmem>> -> memref<1x32xf32, #tpu.memory_space<vmem>>
      %dma_start3A_401 = arith.constant 0 : i32
      %dma_start3A_402 = tpu.memref_slice %arg5[%squeeze3A_394, %dma_start3A_401] : memref<1000000x32xf32, #tpu.memory_space<hbm>> -> memref<1x32xf32, #tpu.memory_space<hbm>>
      %dma_start3A_403 = arith.constant 0 : i32
      %dma_start3A_404 = tpu.memref_slice %arg10[%add3A_398, %dma_start3A_403] : memref<256x32xf32, #tpu.memory_space<vmem>> -> memref<1x32xf32, #tpu.memory_space<vmem>>
      %dma_start3A_405 = arith.constant 0 : i32
      %dma_start3A_406 = tpu.memref_slice %arg5[%squeeze3A_394, %dma_start3A_405] : memref<1000000x32xf32, #tpu.memory_space<hbm>> -> memref<1x32xf32, #tpu.memory_space<hbm>>
      tpu.enqueue_dma source(%dma_start3A_406 : memref<1x32xf32, #tpu.memory_space<hbm>>) target(%dma_start3A_404 : memref<1x32xf32, #tpu.memory_space<vmem>>) target_semaphore(%arg13 : memref<!tpu.dma_semaphore, #tpu.memory_space<semaphore_mem>>)
      %slice3A_407 = vector.extract_strided_slice %get3A_43 {offsets = [13], sizes = [1], strides = [1]} : vector<16xi32> to vector<1xi32>
      %squeeze3A_408 = vector.extract %slice3A_407[0] : i32 from vector<1xi32>
      %mul3A_409 = arith.constant 16 : i32
      %mul3A_410 = arith.muli %scan3A_38, %mul3A_409 : i32
      %add3A_411 = arith.constant 13 : i32
      %add3A_412 = arith.addi %mul3A_410, %add3A_411 : i32
      %dma_start3A_413 = arith.constant 0 : i32
      %dma_start3A_414 = tpu.memref_slice %arg9[%add3A_412, %dma_start3A_413] : memref<256x32xf32, #tpu.memory_space<vmem>> -> memref<1x32xf32, #tpu.memory_space<vmem>>
      %dma_start3A_415 = arith.constant 0 : i32
      %dma_start3A_416 = tpu.memref_slice %arg4[%squeeze3A_408, %dma_start3A_415] : memref<1000000x32xf32, #tpu.memory_space<hbm>> -> memref<1x32xf32, #tpu.memory_space<hbm>>
      %dma_start3A_417 = arith.constant 0 : i32
      %dma_start3A_418 = tpu.memref_slice %arg9[%add3A_412, %dma_start3A_417] : memref<256x32xf32, #tpu.memory_space<vmem>> -> memref<1x32xf32, #tpu.memory_space<vmem>>
      %dma_start3A_419 = arith.constant 0 : i32
      %dma_start3A_420 = tpu.memref_slice %arg4[%squeeze3A_408, %dma_start3A_419] : memref<1000000x32xf32, #tpu.memory_space<hbm>> -> memref<1x32xf32, #tpu.memory_space<hbm>>
      tpu.enqueue_dma source(%dma_start3A_420 : memref<1x32xf32, #tpu.memory_space<hbm>>) target(%dma_start3A_418 : memref<1x32xf32, #tpu.memory_space<vmem>>) target_semaphore(%arg14 : memref<!tpu.dma_semaphore, #tpu.memory_space<semaphore_mem>>)
      %slice3A_421 = vector.extract_strided_slice %get3A_45 {offsets = [13], sizes = [1], strides = [1]} : vector<16xi32> to vector<1xi32>
      %squeeze3A_422 = vector.extract %slice3A_421[0] : i32 from vector<1xi32>
      %mul3A_423 = arith.constant 16 : i32
      %mul3A_424 = arith.muli %scan3A_38, %mul3A_423 : i32
      %add3A_425 = arith.constant 13 : i32
      %add3A_426 = arith.addi %mul3A_424, %add3A_425 : i32
      %dma_start3A_427 = arith.constant 0 : i32
      %dma_start3A_428 = tpu.memref_slice %arg10[%add3A_426, %dma_start3A_427] : memref<256x32xf32, #tpu.memory_space<vmem>> -> memref<1x32xf32, #tpu.memory_space<vmem>>
      %dma_start3A_429 = arith.constant 0 : i32
      %dma_start3A_430 = tpu.memref_slice %arg5[%squeeze3A_422, %dma_start3A_429] : memref<1000000x32xf32, #tpu.memory_space<hbm>> -> memref<1x32xf32, #tpu.memory_space<hbm>>
      %dma_start3A_431 = arith.constant 0 : i32
      %dma_start3A_432 = tpu.memref_slice %arg10[%add3A_426, %dma_start3A_431] : memref<256x32xf32, #tpu.memory_space<vmem>> -> memref<1x32xf32, #tpu.memory_space<vmem>>
      %dma_start3A_433 = arith.constant 0 : i32
      %dma_start3A_434 = tpu.memref_slice %arg5[%squeeze3A_422, %dma_start3A_433] : memref<1000000x32xf32, #tpu.memory_space<hbm>> -> memref<1x32xf32, #tpu.memory_space<hbm>>
      tpu.enqueue_dma source(%dma_start3A_434 : memref<1x32xf32, #tpu.memory_space<hbm>>) target(%dma_start3A_432 : memref<1x32xf32, #tpu.memory_space<vmem>>) target_semaphore(%arg15 : memref<!tpu.dma_semaphore, #tpu.memory_space<semaphore_mem>>)
      %slice3A_435 = vector.extract_strided_slice %get3A_43 {offsets = [14], sizes = [1], strides = [1]} : vector<16xi32> to vector<1xi32>
      %squeeze3A_436 = vector.extract %slice3A_435[0] : i32 from vector<1xi32>
      %mul3A_437 = arith.constant 16 : i32
      %mul3A_438 = arith.muli %scan3A_38, %mul3A_437 : i32
      %add3A_439 = arith.constant 14 : i32
      %add3A_440 = arith.addi %mul3A_438, %add3A_439 : i32
      %dma_start3A_441 = arith.constant 0 : i32
      %dma_start3A_442 = tpu.memref_slice %arg9[%add3A_440, %dma_start3A_441] : memref<256x32xf32, #tpu.memory_space<vmem>> -> memref<1x32xf32, #tpu.memory_space<vmem>>
      %dma_start3A_443 = arith.constant 0 : i32
      %dma_start3A_444 = tpu.memref_slice %arg4[%squeeze3A_436, %dma_start3A_443] : memref<1000000x32xf32, #tpu.memory_space<hbm>> -> memref<1x32xf32, #tpu.memory_space<hbm>>
      %dma_start3A_445 = arith.constant 0 : i32
      %dma_start3A_446 = tpu.memref_slice %arg9[%add3A_440, %dma_start3A_445] : memref<256x32xf32, #tpu.memory_space<vmem>> -> memref<1x32xf32, #tpu.memory_space<vmem>>
      %dma_start3A_447 = arith.constant 0 : i32
      %dma_start3A_448 = tpu.memref_slice %arg4[%squeeze3A_436, %dma_start3A_447] : memref<1000000x32xf32, #tpu.memory_space<hbm>> -> memref<1x32xf32, #tpu.memory_space<hbm>>
      tpu.enqueue_dma source(%dma_start3A_448 : memref<1x32xf32, #tpu.memory_space<hbm>>) target(%dma_start3A_446 : memref<1x32xf32, #tpu.memory_space<vmem>>) target_semaphore(%arg16 : memref<!tpu.dma_semaphore, #tpu.memory_space<semaphore_mem>>)
      %slice3A_449 = vector.extract_strided_slice %get3A_45 {offsets = [14], sizes = [1], strides = [1]} : vector<16xi32> to vector<1xi32>
      %squeeze3A_450 = vector.extract %slice3A_449[0] : i32 from vector<1xi32>
      %mul3A_451 = arith.constant 16 : i32
      %mul3A_452 = arith.muli %scan3A_38, %mul3A_451 : i32
      %add3A_453 = arith.constant 14 : i32
      %add3A_454 = arith.addi %mul3A_452, %add3A_453 : i32
      %dma_start3A_455 = arith.constant 0 : i32
      %dma_start3A_456 = tpu.memref_slice %arg10[%add3A_454, %dma_start3A_455] : memref<256x32xf32, #tpu.memory_space<vmem>> -> memref<1x32xf32, #tpu.memory_space<vmem>>
      %dma_start3A_457 = arith.constant 0 : i32
      %dma_start3A_458 = tpu.memref_slice %arg5[%squeeze3A_450, %dma_start3A_457] : memref<1000000x32xf32, #tpu.memory_space<hbm>> -> memref<1x32xf32, #tpu.memory_space<hbm>>
      %dma_start3A_459 = arith.constant 0 : i32
      %dma_start3A_460 = tpu.memref_slice %arg10[%add3A_454, %dma_start3A_459] : memref<256x32xf32, #tpu.memory_space<vmem>> -> memref<1x32xf32, #tpu.memory_space<vmem>>
      %dma_start3A_461 = arith.constant 0 : i32
      %dma_start3A_462 = tpu.memref_slice %arg5[%squeeze3A_450, %dma_start3A_461] : memref<1000000x32xf32, #tpu.memory_space<hbm>> -> memref<1x32xf32, #tpu.memory_space<hbm>>
      tpu.enqueue_dma source(%dma_start3A_462 : memref<1x32xf32, #tpu.memory_space<hbm>>) target(%dma_start3A_460 : memref<1x32xf32, #tpu.memory_space<vmem>>) target_semaphore(%arg17 : memref<!tpu.dma_semaphore, #tpu.memory_space<semaphore_mem>>)
      %slice3A_463 = vector.extract_strided_slice %get3A_43 {offsets = [15], sizes = [1], strides = [1]} : vector<16xi32> to vector<1xi32>
      %squeeze3A_464 = vector.extract %slice3A_463[0] : i32 from vector<1xi32>
      %mul3A_465 = arith.constant 16 : i32
      %mul3A_466 = arith.muli %scan3A_38, %mul3A_465 : i32
      %add3A_467 = arith.constant 15 : i32
      %add3A_468 = arith.addi %mul3A_466, %add3A_467 : i32
      %dma_start3A_469 = arith.constant 0 : i32
      %dma_start3A_470 = tpu.memref_slice %arg9[%add3A_468, %dma_start3A_469] : memref<256x32xf32, #tpu.memory_space<vmem>> -> memref<1x32xf32, #tpu.memory_space<vmem>>
      %dma_start3A_471 = arith.constant 0 : i32
      %dma_start3A_472 = tpu.memref_slice %arg4[%squeeze3A_464, %dma_start3A_471] : memref<1000000x32xf32, #tpu.memory_space<hbm>> -> memref<1x32xf32, #tpu.memory_space<hbm>>
      %dma_start3A_473 = arith.constant 0 : i32
      %dma_start3A_474 = tpu.memref_slice %arg9[%add3A_468, %dma_start3A_473] : memref<256x32xf32, #tpu.memory_space<vmem>> -> memref<1x32xf32, #tpu.memory_space<vmem>>
      %dma_start3A_475 = arith.constant 0 : i32
      %dma_start3A_476 = tpu.memref_slice %arg4[%squeeze3A_464, %dma_start3A_475] : memref<1000000x32xf32, #tpu.memory_space<hbm>> -> memref<1x32xf32, #tpu.memory_space<hbm>>
      tpu.enqueue_dma source(%dma_start3A_476 : memref<1x32xf32, #tpu.memory_space<hbm>>) target(%dma_start3A_474 : memref<1x32xf32, #tpu.memory_space<vmem>>) target_semaphore(%arg18 : memref<!tpu.dma_semaphore, #tpu.memory_space<semaphore_mem>>)
      %slice3A_477 = vector.extract_strided_slice %get3A_45 {offsets = [15], sizes = [1], strides = [1]} : vector<16xi32> to vector<1xi32>
      %squeeze3A_478 = vector.extract %slice3A_477[0] : i32 from vector<1xi32>
      %mul3A_479 = arith.constant 16 : i32
      %mul3A_480 = arith.muli %scan3A_38, %mul3A_479 : i32
      %add3A_481 = arith.constant 15 : i32
      %add3A_482 = arith.addi %mul3A_480, %add3A_481 : i32
      %dma_start3A_483 = arith.constant 0 : i32
      %dma_start3A_484 = tpu.memref_slice %arg10[%add3A_482, %dma_start3A_483] : memref<256x32xf32, #tpu.memory_space<vmem>> -> memref<1x32xf32, #tpu.memory_space<vmem>>
      %dma_start3A_485 = arith.constant 0 : i32
      %dma_start3A_486 = tpu.memref_slice %arg5[%squeeze3A_478, %dma_start3A_485] : memref<1000000x32xf32, #tpu.memory_space<hbm>> -> memref<1x32xf32, #tpu.memory_space<hbm>>
      %dma_start3A_487 = arith.constant 0 : i32
      %dma_start3A_488 = tpu.memref_slice %arg10[%add3A_482, %dma_start3A_487] : memref<256x32xf32, #tpu.memory_space<vmem>> -> memref<1x32xf32, #tpu.memory_space<vmem>>
      %dma_start3A_489 = arith.constant 0 : i32
      %dma_start3A_490 = tpu.memref_slice %arg5[%squeeze3A_478, %dma_start3A_489] : memref<1000000x32xf32, #tpu.memory_space<hbm>> -> memref<1x32xf32, #tpu.memory_space<hbm>>
      tpu.enqueue_dma source(%dma_start3A_490 : memref<1x32xf32, #tpu.memory_space<hbm>>) target(%dma_start3A_488 : memref<1x32xf32, #tpu.memory_space<vmem>>) target_semaphore(%arg19 : memref<!tpu.dma_semaphore, #tpu.memory_space<semaphore_mem>>)
    }
    %scan3A_25 = arith.constant 16 : i32
    %scan3A_26 = arith.constant 0 : i32
    %scan3A_27 = arith.constant 0 : i32
    %scan3A_28 = arith.constant 16 : i32
    %scan3A_29 = arith.addi %scan3A_27, %scan3A_28 : i32
    %scan3A_30 = arith.constant 1 : i32
    scf.for %scan3A_38 = %scan3A_27 to %scan3A_29 step %scan3A_30  : i32 {
      %mul3A_39 = arith.constant 16 : i32
      %mul3A_40 = arith.muli %scan3A_38, %mul3A_39 : i32
      %add3A_41 = arith.constant 0 : i32
      %add3A_42 = arith.addi %mul3A_40, %add3A_41 : i32
      %dma_wait3A = arith.constant 0 : i32
      %dma_wait3A_43 = tpu.memref_slice %arg9[%add3A_42, %dma_wait3A] : memref<256x32xf32, #tpu.memory_space<vmem>> -> memref<1x32xf32, #tpu.memory_space<vmem>>
      %dma_wait3A_44 = arith.constant 0 : i32
      %dma_wait3A_45 = arith.constant 0 : i32
      %dma_wait3A_46 = tpu.memref_slice %arg4[%dma_wait3A_44, %dma_wait3A_45] : memref<1000000x32xf32, #tpu.memory_space<hbm>> -> memref<1x32xf32, #tpu.memory_space<hbm>>
      %dma_wait3A_47 = arith.constant 0 : i32
      %dma_wait3A_48 = tpu.memref_slice %arg9[%add3A_42, %dma_wait3A_47] : memref<256x32xf32, #tpu.memory_space<vmem>> -> memref<1x32xf32, #tpu.memory_space<vmem>>
      %dma_wait3A_49 = arith.constant 0 : i32
      %dma_wait3A_50 = arith.constant 0 : i32
      %dma_wait3A_51 = tpu.memref_slice %arg4[%dma_wait3A_49, %dma_wait3A_50] : memref<1000000x32xf32, #tpu.memory_space<hbm>> -> memref<1x32xf32, #tpu.memory_space<hbm>>
      tpu.wait_dma2 semaphore(%arg12 : memref<!tpu.dma_semaphore, #tpu.memory_space<semaphore_mem>>) src(%dma_wait3A_51 : memref<1x32xf32, #tpu.memory_space<hbm>>) dst(%dma_wait3A_48 : memref<1x32xf32, #tpu.memory_space<vmem>>)
      %mul3A_52 = arith.constant 16 : i32
      %mul3A_53 = arith.muli %scan3A_38, %mul3A_52 : i32
      %add3A_54 = arith.constant 0 : i32
      %add3A_55 = arith.addi %mul3A_53, %add3A_54 : i32
      %dma_wait3A_56 = arith.constant 0 : i32
      %dma_wait3A_57 = tpu.memref_slice %arg10[%add3A_55, %dma_wait3A_56] : memref<256x32xf32, #tpu.memory_space<vmem>> -> memref<1x32xf32, #tpu.memory_space<vmem>>
      %dma_wait3A_58 = arith.constant 0 : i32
      %dma_wait3A_59 = arith.constant 0 : i32
      %dma_wait3A_60 = tpu.memref_slice %arg5[%dma_wait3A_58, %dma_wait3A_59] : memref<1000000x32xf32, #tpu.memory_space<hbm>> -> memref<1x32xf32, #tpu.memory_space<hbm>>
      %dma_wait3A_61 = arith.constant 0 : i32
      %dma_wait3A_62 = tpu.memref_slice %arg10[%add3A_55, %dma_wait3A_61] : memref<256x32xf32, #tpu.memory_space<vmem>> -> memref<1x32xf32, #tpu.memory_space<vmem>>
      %dma_wait3A_63 = arith.constant 0 : i32
      %dma_wait3A_64 = arith.constant 0 : i32
      %dma_wait3A_65 = tpu.memref_slice %arg5[%dma_wait3A_63, %dma_wait3A_64] : memref<1000000x32xf32, #tpu.memory_space<hbm>> -> memref<1x32xf32, #tpu.memory_space<hbm>>
      tpu.wait_dma2 semaphore(%arg13 : memref<!tpu.dma_semaphore, #tpu.memory_space<semaphore_mem>>) src(%dma_wait3A_65 : memref<1x32xf32, #tpu.memory_space<hbm>>) dst(%dma_wait3A_62 : memref<1x32xf32, #tpu.memory_space<vmem>>)
      %mul3A_66 = arith.constant 16 : i32
      %mul3A_67 = arith.muli %scan3A_38, %mul3A_66 : i32
      %add3A_68 = arith.constant 1 : i32
      %add3A_69 = arith.addi %mul3A_67, %add3A_68 : i32
      %dma_wait3A_70 = arith.constant 0 : i32
      %dma_wait3A_71 = tpu.memref_slice %arg9[%add3A_69, %dma_wait3A_70] : memref<256x32xf32, #tpu.memory_space<vmem>> -> memref<1x32xf32, #tpu.memory_space<vmem>>
      %dma_wait3A_72 = arith.constant 0 : i32
      %dma_wait3A_73 = arith.constant 0 : i32
      %dma_wait3A_74 = tpu.memref_slice %arg4[%dma_wait3A_72, %dma_wait3A_73] : memref<1000000x32xf32, #tpu.memory_space<hbm>> -> memref<1x32xf32, #tpu.memory_space<hbm>>
      %dma_wait3A_75 = arith.constant 0 : i32
      %dma_wait3A_76 = tpu.memref_slice %arg9[%add3A_69, %dma_wait3A_75] : memref<256x32xf32, #tpu.memory_space<vmem>> -> memref<1x32xf32, #tpu.memory_space<vmem>>
      %dma_wait3A_77 = arith.constant 0 : i32
      %dma_wait3A_78 = arith.constant 0 : i32
      %dma_wait3A_79 = tpu.memref_slice %arg4[%dma_wait3A_77, %dma_wait3A_78] : memref<1000000x32xf32, #tpu.memory_space<hbm>> -> memref<1x32xf32, #tpu.memory_space<hbm>>
      tpu.wait_dma2 semaphore(%arg14 : memref<!tpu.dma_semaphore, #tpu.memory_space<semaphore_mem>>) src(%dma_wait3A_79 : memref<1x32xf32, #tpu.memory_space<hbm>>) dst(%dma_wait3A_76 : memref<1x32xf32, #tpu.memory_space<vmem>>)
      %mul3A_80 = arith.constant 16 : i32
      %mul3A_81 = arith.muli %scan3A_38, %mul3A_80 : i32
      %add3A_82 = arith.constant 1 : i32
      %add3A_83 = arith.addi %mul3A_81, %add3A_82 : i32
      %dma_wait3A_84 = arith.constant 0 : i32
      %dma_wait3A_85 = tpu.memref_slice %arg10[%add3A_83, %dma_wait3A_84] : memref<256x32xf32, #tpu.memory_space<vmem>> -> memref<1x32xf32, #tpu.memory_space<vmem>>
      %dma_wait3A_86 = arith.constant 0 : i32
      %dma_wait3A_87 = arith.constant 0 : i32
      %dma_wait3A_88 = tpu.memref_slice %arg5[%dma_wait3A_86, %dma_wait3A_87] : memref<1000000x32xf32, #tpu.memory_space<hbm>> -> memref<1x32xf32, #tpu.memory_space<hbm>>
      %dma_wait3A_89 = arith.constant 0 : i32
      %dma_wait3A_90 = tpu.memref_slice %arg10[%add3A_83, %dma_wait3A_89] : memref<256x32xf32, #tpu.memory_space<vmem>> -> memref<1x32xf32, #tpu.memory_space<vmem>>
      %dma_wait3A_91 = arith.constant 0 : i32
      %dma_wait3A_92 = arith.constant 0 : i32
      %dma_wait3A_93 = tpu.memref_slice %arg5[%dma_wait3A_91, %dma_wait3A_92] : memref<1000000x32xf32, #tpu.memory_space<hbm>> -> memref<1x32xf32, #tpu.memory_space<hbm>>
      tpu.wait_dma2 semaphore(%arg15 : memref<!tpu.dma_semaphore, #tpu.memory_space<semaphore_mem>>) src(%dma_wait3A_93 : memref<1x32xf32, #tpu.memory_space<hbm>>) dst(%dma_wait3A_90 : memref<1x32xf32, #tpu.memory_space<vmem>>)
      %mul3A_94 = arith.constant 16 : i32
      %mul3A_95 = arith.muli %scan3A_38, %mul3A_94 : i32
      %add3A_96 = arith.constant 2 : i32
      %add3A_97 = arith.addi %mul3A_95, %add3A_96 : i32
      %dma_wait3A_98 = arith.constant 0 : i32
      %dma_wait3A_99 = tpu.memref_slice %arg9[%add3A_97, %dma_wait3A_98] : memref<256x32xf32, #tpu.memory_space<vmem>> -> memref<1x32xf32, #tpu.memory_space<vmem>>
      %dma_wait3A_100 = arith.constant 0 : i32
      %dma_wait3A_101 = arith.constant 0 : i32
      %dma_wait3A_102 = tpu.memref_slice %arg4[%dma_wait3A_100, %dma_wait3A_101] : memref<1000000x32xf32, #tpu.memory_space<hbm>> -> memref<1x32xf32, #tpu.memory_space<hbm>>
      %dma_wait3A_103 = arith.constant 0 : i32
      %dma_wait3A_104 = tpu.memref_slice %arg9[%add3A_97, %dma_wait3A_103] : memref<256x32xf32, #tpu.memory_space<vmem>> -> memref<1x32xf32, #tpu.memory_space<vmem>>
      %dma_wait3A_105 = arith.constant 0 : i32
      %dma_wait3A_106 = arith.constant 0 : i32
      %dma_wait3A_107 = tpu.memref_slice %arg4[%dma_wait3A_105, %dma_wait3A_106] : memref<1000000x32xf32, #tpu.memory_space<hbm>> -> memref<1x32xf32, #tpu.memory_space<hbm>>
      tpu.wait_dma2 semaphore(%arg16 : memref<!tpu.dma_semaphore, #tpu.memory_space<semaphore_mem>>) src(%dma_wait3A_107 : memref<1x32xf32, #tpu.memory_space<hbm>>) dst(%dma_wait3A_104 : memref<1x32xf32, #tpu.memory_space<vmem>>)
      %mul3A_108 = arith.constant 16 : i32
      %mul3A_109 = arith.muli %scan3A_38, %mul3A_108 : i32
      %add3A_110 = arith.constant 2 : i32
      %add3A_111 = arith.addi %mul3A_109, %add3A_110 : i32
      %dma_wait3A_112 = arith.constant 0 : i32
      %dma_wait3A_113 = tpu.memref_slice %arg10[%add3A_111, %dma_wait3A_112] : memref<256x32xf32, #tpu.memory_space<vmem>> -> memref<1x32xf32, #tpu.memory_space<vmem>>
      %dma_wait3A_114 = arith.constant 0 : i32
      %dma_wait3A_115 = arith.constant 0 : i32
      %dma_wait3A_116 = tpu.memref_slice %arg5[%dma_wait3A_114, %dma_wait3A_115] : memref<1000000x32xf32, #tpu.memory_space<hbm>> -> memref<1x32xf32, #tpu.memory_space<hbm>>
      %dma_wait3A_117 = arith.constant 0 : i32
      %dma_wait3A_118 = tpu.memref_slice %arg10[%add3A_111, %dma_wait3A_117] : memref<256x32xf32, #tpu.memory_space<vmem>> -> memref<1x32xf32, #tpu.memory_space<vmem>>
      %dma_wait3A_119 = arith.constant 0 : i32
      %dma_wait3A_120 = arith.constant 0 : i32
      %dma_wait3A_121 = tpu.memref_slice %arg5[%dma_wait3A_119, %dma_wait3A_120] : memref<1000000x32xf32, #tpu.memory_space<hbm>> -> memref<1x32xf32, #tpu.memory_space<hbm>>
      tpu.wait_dma2 semaphore(%arg17 : memref<!tpu.dma_semaphore, #tpu.memory_space<semaphore_mem>>) src(%dma_wait3A_121 : memref<1x32xf32, #tpu.memory_space<hbm>>) dst(%dma_wait3A_118 : memref<1x32xf32, #tpu.memory_space<vmem>>)
      %mul3A_122 = arith.constant 16 : i32
      %mul3A_123 = arith.muli %scan3A_38, %mul3A_122 : i32
      %add3A_124 = arith.constant 3 : i32
      %add3A_125 = arith.addi %mul3A_123, %add3A_124 : i32
      %dma_wait3A_126 = arith.constant 0 : i32
      %dma_wait3A_127 = tpu.memref_slice %arg9[%add3A_125, %dma_wait3A_126] : memref<256x32xf32, #tpu.memory_space<vmem>> -> memref<1x32xf32, #tpu.memory_space<vmem>>
      %dma_wait3A_128 = arith.constant 0 : i32
      %dma_wait3A_129 = arith.constant 0 : i32
      %dma_wait3A_130 = tpu.memref_slice %arg4[%dma_wait3A_128, %dma_wait3A_129] : memref<1000000x32xf32, #tpu.memory_space<hbm>> -> memref<1x32xf32, #tpu.memory_space<hbm>>
      %dma_wait3A_131 = arith.constant 0 : i32
      %dma_wait3A_132 = tpu.memref_slice %arg9[%add3A_125, %dma_wait3A_131] : memref<256x32xf32, #tpu.memory_space<vmem>> -> memref<1x32xf32, #tpu.memory_space<vmem>>
      %dma_wait3A_133 = arith.constant 0 : i32
      %dma_wait3A_134 = arith.constant 0 : i32
      %dma_wait3A_135 = tpu.memref_slice %arg4[%dma_wait3A_133, %dma_wait3A_134] : memref<1000000x32xf32, #tpu.memory_space<hbm>> -> memref<1x32xf32, #tpu.memory_space<hbm>>
      tpu.wait_dma2 semaphore(%arg18 : memref<!tpu.dma_semaphore, #tpu.memory_space<semaphore_mem>>) src(%dma_wait3A_135 : memref<1x32xf32, #tpu.memory_space<hbm>>) dst(%dma_wait3A_132 : memref<1x32xf32, #tpu.memory_space<vmem>>)
      %mul3A_136 = arith.constant 16 : i32
      %mul3A_137 = arith.muli %scan3A_38, %mul3A_136 : i32
      %add3A_138 = arith.constant 3 : i32
      %add3A_139 = arith.addi %mul3A_137, %add3A_138 : i32
      %dma_wait3A_140 = arith.constant 0 : i32
      %dma_wait3A_141 = tpu.memref_slice %arg10[%add3A_139, %dma_wait3A_140] : memref<256x32xf32, #tpu.memory_space<vmem>> -> memref<1x32xf32, #tpu.memory_space<vmem>>
      %dma_wait3A_142 = arith.constant 0 : i32
      %dma_wait3A_143 = arith.constant 0 : i32
      %dma_wait3A_144 = tpu.memref_slice %arg5[%dma_wait3A_142, %dma_wait3A_143] : memref<1000000x32xf32, #tpu.memory_space<hbm>> -> memref<1x32xf32, #tpu.memory_space<hbm>>
      %dma_wait3A_145 = arith.constant 0 : i32
      %dma_wait3A_146 = tpu.memref_slice %arg10[%add3A_139, %dma_wait3A_145] : memref<256x32xf32, #tpu.memory_space<vmem>> -> memref<1x32xf32, #tpu.memory_space<vmem>>
      %dma_wait3A_147 = arith.constant 0 : i32
      %dma_wait3A_148 = arith.constant 0 : i32
      %dma_wait3A_149 = tpu.memref_slice %arg5[%dma_wait3A_147, %dma_wait3A_148] : memref<1000000x32xf32, #tpu.memory_space<hbm>> -> memref<1x32xf32, #tpu.memory_space<hbm>>
      tpu.wait_dma2 semaphore(%arg19 : memref<!tpu.dma_semaphore, #tpu.memory_space<semaphore_mem>>) src(%dma_wait3A_149 : memref<1x32xf32, #tpu.memory_space<hbm>>) dst(%dma_wait3A_146 : memref<1x32xf32, #tpu.memory_space<vmem>>)
      %mul3A_150 = arith.constant 16 : i32
      %mul3A_151 = arith.muli %scan3A_38, %mul3A_150 : i32
      %add3A_152 = arith.constant 4 : i32
      %add3A_153 = arith.addi %mul3A_151, %add3A_152 : i32
      %dma_wait3A_154 = arith.constant 0 : i32
      %dma_wait3A_155 = tpu.memref_slice %arg9[%add3A_153, %dma_wait3A_154] : memref<256x32xf32, #tpu.memory_space<vmem>> -> memref<1x32xf32, #tpu.memory_space<vmem>>
      %dma_wait3A_156 = arith.constant 0 : i32
      %dma_wait3A_157 = arith.constant 0 : i32
      %dma_wait3A_158 = tpu.memref_slice %arg4[%dma_wait3A_156, %dma_wait3A_157] : memref<1000000x32xf32, #tpu.memory_space<hbm>> -> memref<1x32xf32, #tpu.memory_space<hbm>>
      %dma_wait3A_159 = arith.constant 0 : i32
      %dma_wait3A_160 = tpu.memref_slice %arg9[%add3A_153, %dma_wait3A_159] : memref<256x32xf32, #tpu.memory_space<vmem>> -> memref<1x32xf32, #tpu.memory_space<vmem>>
      %dma_wait3A_161 = arith.constant 0 : i32
      %dma_wait3A_162 = arith.constant 0 : i32
      %dma_wait3A_163 = tpu.memref_slice %arg4[%dma_wait3A_161, %dma_wait3A_162] : memref<1000000x32xf32, #tpu.memory_space<hbm>> -> memref<1x32xf32, #tpu.memory_space<hbm>>
      tpu.wait_dma2 semaphore(%arg12 : memref<!tpu.dma_semaphore, #tpu.memory_space<semaphore_mem>>) src(%dma_wait3A_163 : memref<1x32xf32, #tpu.memory_space<hbm>>) dst(%dma_wait3A_160 : memref<1x32xf32, #tpu.memory_space<vmem>>)
      %mul3A_164 = arith.constant 16 : i32
      %mul3A_165 = arith.muli %scan3A_38, %mul3A_164 : i32
      %add3A_166 = arith.constant 4 : i32
      %add3A_167 = arith.addi %mul3A_165, %add3A_166 : i32
      %dma_wait3A_168 = arith.constant 0 : i32
      %dma_wait3A_169 = tpu.memref_slice %arg10[%add3A_167, %dma_wait3A_168] : memref<256x32xf32, #tpu.memory_space<vmem>> -> memref<1x32xf32, #tpu.memory_space<vmem>>
      %dma_wait3A_170 = arith.constant 0 : i32
      %dma_wait3A_171 = arith.constant 0 : i32
      %dma_wait3A_172 = tpu.memref_slice %arg5[%dma_wait3A_170, %dma_wait3A_171] : memref<1000000x32xf32, #tpu.memory_space<hbm>> -> memref<1x32xf32, #tpu.memory_space<hbm>>
      %dma_wait3A_173 = arith.constant 0 : i32
      %dma_wait3A_174 = tpu.memref_slice %arg10[%add3A_167, %dma_wait3A_173] : memref<256x32xf32, #tpu.memory_space<vmem>> -> memref<1x32xf32, #tpu.memory_space<vmem>>
      %dma_wait3A_175 = arith.constant 0 : i32
      %dma_wait3A_176 = arith.constant 0 : i32
      %dma_wait3A_177 = tpu.memref_slice %arg5[%dma_wait3A_175, %dma_wait3A_176] : memref<1000000x32xf32, #tpu.memory_space<hbm>> -> memref<1x32xf32, #tpu.memory_space<hbm>>
      tpu.wait_dma2 semaphore(%arg13 : memref<!tpu.dma_semaphore, #tpu.memory_space<semaphore_mem>>) src(%dma_wait3A_177 : memref<1x32xf32, #tpu.memory_space<hbm>>) dst(%dma_wait3A_174 : memref<1x32xf32, #tpu.memory_space<vmem>>)
      %mul3A_178 = arith.constant 16 : i32
      %mul3A_179 = arith.muli %scan3A_38, %mul3A_178 : i32
      %add3A_180 = arith.constant 5 : i32
      %add3A_181 = arith.addi %mul3A_179, %add3A_180 : i32
      %dma_wait3A_182 = arith.constant 0 : i32
      %dma_wait3A_183 = tpu.memref_slice %arg9[%add3A_181, %dma_wait3A_182] : memref<256x32xf32, #tpu.memory_space<vmem>> -> memref<1x32xf32, #tpu.memory_space<vmem>>
      %dma_wait3A_184 = arith.constant 0 : i32
      %dma_wait3A_185 = arith.constant 0 : i32
      %dma_wait3A_186 = tpu.memref_slice %arg4[%dma_wait3A_184, %dma_wait3A_185] : memref<1000000x32xf32, #tpu.memory_space<hbm>> -> memref<1x32xf32, #tpu.memory_space<hbm>>
      %dma_wait3A_187 = arith.constant 0 : i32
      %dma_wait3A_188 = tpu.memref_slice %arg9[%add3A_181, %dma_wait3A_187] : memref<256x32xf32, #tpu.memory_space<vmem>> -> memref<1x32xf32, #tpu.memory_space<vmem>>
      %dma_wait3A_189 = arith.constant 0 : i32
      %dma_wait3A_190 = arith.constant 0 : i32
      %dma_wait3A_191 = tpu.memref_slice %arg4[%dma_wait3A_189, %dma_wait3A_190] : memref<1000000x32xf32, #tpu.memory_space<hbm>> -> memref<1x32xf32, #tpu.memory_space<hbm>>
      tpu.wait_dma2 semaphore(%arg14 : memref<!tpu.dma_semaphore, #tpu.memory_space<semaphore_mem>>) src(%dma_wait3A_191 : memref<1x32xf32, #tpu.memory_space<hbm>>) dst(%dma_wait3A_188 : memref<1x32xf32, #tpu.memory_space<vmem>>)
      %mul3A_192 = arith.constant 16 : i32
      %mul3A_193 = arith.muli %scan3A_38, %mul3A_192 : i32
      %add3A_194 = arith.constant 5 : i32
      %add3A_195 = arith.addi %mul3A_193, %add3A_194 : i32
      %dma_wait3A_196 = arith.constant 0 : i32
      %dma_wait3A_197 = tpu.memref_slice %arg10[%add3A_195, %dma_wait3A_196] : memref<256x32xf32, #tpu.memory_space<vmem>> -> memref<1x32xf32, #tpu.memory_space<vmem>>
      %dma_wait3A_198 = arith.constant 0 : i32
      %dma_wait3A_199 = arith.constant 0 : i32
      %dma_wait3A_200 = tpu.memref_slice %arg5[%dma_wait3A_198, %dma_wait3A_199] : memref<1000000x32xf32, #tpu.memory_space<hbm>> -> memref<1x32xf32, #tpu.memory_space<hbm>>
      %dma_wait3A_201 = arith.constant 0 : i32
      %dma_wait3A_202 = tpu.memref_slice %arg10[%add3A_195, %dma_wait3A_201] : memref<256x32xf32, #tpu.memory_space<vmem>> -> memref<1x32xf32, #tpu.memory_space<vmem>>
      %dma_wait3A_203 = arith.constant 0 : i32
      %dma_wait3A_204 = arith.constant 0 : i32
      %dma_wait3A_205 = tpu.memref_slice %arg5[%dma_wait3A_203, %dma_wait3A_204] : memref<1000000x32xf32, #tpu.memory_space<hbm>> -> memref<1x32xf32, #tpu.memory_space<hbm>>
      tpu.wait_dma2 semaphore(%arg15 : memref<!tpu.dma_semaphore, #tpu.memory_space<semaphore_mem>>) src(%dma_wait3A_205 : memref<1x32xf32, #tpu.memory_space<hbm>>) dst(%dma_wait3A_202 : memref<1x32xf32, #tpu.memory_space<vmem>>)
      %mul3A_206 = arith.constant 16 : i32
      %mul3A_207 = arith.muli %scan3A_38, %mul3A_206 : i32
      %add3A_208 = arith.constant 6 : i32
      %add3A_209 = arith.addi %mul3A_207, %add3A_208 : i32
      %dma_wait3A_210 = arith.constant 0 : i32
      %dma_wait3A_211 = tpu.memref_slice %arg9[%add3A_209, %dma_wait3A_210] : memref<256x32xf32, #tpu.memory_space<vmem>> -> memref<1x32xf32, #tpu.memory_space<vmem>>
      %dma_wait3A_212 = arith.constant 0 : i32
      %dma_wait3A_213 = arith.constant 0 : i32
      %dma_wait3A_214 = tpu.memref_slice %arg4[%dma_wait3A_212, %dma_wait3A_213] : memref<1000000x32xf32, #tpu.memory_space<hbm>> -> memref<1x32xf32, #tpu.memory_space<hbm>>
      %dma_wait3A_215 = arith.constant 0 : i32
      %dma_wait3A_216 = tpu.memref_slice %arg9[%add3A_209, %dma_wait3A_215] : memref<256x32xf32, #tpu.memory_space<vmem>> -> memref<1x32xf32, #tpu.memory_space<vmem>>
      %dma_wait3A_217 = arith.constant 0 : i32
      %dma_wait3A_218 = arith.constant 0 : i32
      %dma_wait3A_219 = tpu.memref_slice %arg4[%dma_wait3A_217, %dma_wait3A_218] : memref<1000000x32xf32, #tpu.memory_space<hbm>> -> memref<1x32xf32, #tpu.memory_space<hbm>>
      tpu.wait_dma2 semaphore(%arg16 : memref<!tpu.dma_semaphore, #tpu.memory_space<semaphore_mem>>) src(%dma_wait3A_219 : memref<1x32xf32, #tpu.memory_space<hbm>>) dst(%dma_wait3A_216 : memref<1x32xf32, #tpu.memory_space<vmem>>)
      %mul3A_220 = arith.constant 16 : i32
      %mul3A_221 = arith.muli %scan3A_38, %mul3A_220 : i32
      %add3A_222 = arith.constant 6 : i32
      %add3A_223 = arith.addi %mul3A_221, %add3A_222 : i32
      %dma_wait3A_224 = arith.constant 0 : i32
      %dma_wait3A_225 = tpu.memref_slice %arg10[%add3A_223, %dma_wait3A_224] : memref<256x32xf32, #tpu.memory_space<vmem>> -> memref<1x32xf32, #tpu.memory_space<vmem>>
      %dma_wait3A_226 = arith.constant 0 : i32
      %dma_wait3A_227 = arith.constant 0 : i32
      %dma_wait3A_228 = tpu.memref_slice %arg5[%dma_wait3A_226, %dma_wait3A_227] : memref<1000000x32xf32, #tpu.memory_space<hbm>> -> memref<1x32xf32, #tpu.memory_space<hbm>>
      %dma_wait3A_229 = arith.constant 0 : i32
      %dma_wait3A_230 = tpu.memref_slice %arg10[%add3A_223, %dma_wait3A_229] : memref<256x32xf32, #tpu.memory_space<vmem>> -> memref<1x32xf32, #tpu.memory_space<vmem>>
      %dma_wait3A_231 = arith.constant 0 : i32
      %dma_wait3A_232 = arith.constant 0 : i32
      %dma_wait3A_233 = tpu.memref_slice %arg5[%dma_wait3A_231, %dma_wait3A_232] : memref<1000000x32xf32, #tpu.memory_space<hbm>> -> memref<1x32xf32, #tpu.memory_space<hbm>>
      tpu.wait_dma2 semaphore(%arg17 : memref<!tpu.dma_semaphore, #tpu.memory_space<semaphore_mem>>) src(%dma_wait3A_233 : memref<1x32xf32, #tpu.memory_space<hbm>>) dst(%dma_wait3A_230 : memref<1x32xf32, #tpu.memory_space<vmem>>)
      %mul3A_234 = arith.constant 16 : i32
      %mul3A_235 = arith.muli %scan3A_38, %mul3A_234 : i32
      %add3A_236 = arith.constant 7 : i32
      %add3A_237 = arith.addi %mul3A_235, %add3A_236 : i32
      %dma_wait3A_238 = arith.constant 0 : i32
      %dma_wait3A_239 = tpu.memref_slice %arg9[%add3A_237, %dma_wait3A_238] : memref<256x32xf32, #tpu.memory_space<vmem>> -> memref<1x32xf32, #tpu.memory_space<vmem>>
      %dma_wait3A_240 = arith.constant 0 : i32
      %dma_wait3A_241 = arith.constant 0 : i32
      %dma_wait3A_242 = tpu.memref_slice %arg4[%dma_wait3A_240, %dma_wait3A_241] : memref<1000000x32xf32, #tpu.memory_space<hbm>> -> memref<1x32xf32, #tpu.memory_space<hbm>>
      %dma_wait3A_243 = arith.constant 0 : i32
      %dma_wait3A_244 = tpu.memref_slice %arg9[%add3A_237, %dma_wait3A_243] : memref<256x32xf32, #tpu.memory_space<vmem>> -> memref<1x32xf32, #tpu.memory_space<vmem>>
      %dma_wait3A_245 = arith.constant 0 : i32
      %dma_wait3A_246 = arith.constant 0 : i32
      %dma_wait3A_247 = tpu.memref_slice %arg4[%dma_wait3A_245, %dma_wait3A_246] : memref<1000000x32xf32, #tpu.memory_space<hbm>> -> memref<1x32xf32, #tpu.memory_space<hbm>>
      tpu.wait_dma2 semaphore(%arg18 : memref<!tpu.dma_semaphore, #tpu.memory_space<semaphore_mem>>) src(%dma_wait3A_247 : memref<1x32xf32, #tpu.memory_space<hbm>>) dst(%dma_wait3A_244 : memref<1x32xf32, #tpu.memory_space<vmem>>)
      %mul3A_248 = arith.constant 16 : i32
      %mul3A_249 = arith.muli %scan3A_38, %mul3A_248 : i32
      %add3A_250 = arith.constant 7 : i32
      %add3A_251 = arith.addi %mul3A_249, %add3A_250 : i32
      %dma_wait3A_252 = arith.constant 0 : i32
      %dma_wait3A_253 = tpu.memref_slice %arg10[%add3A_251, %dma_wait3A_252] : memref<256x32xf32, #tpu.memory_space<vmem>> -> memref<1x32xf32, #tpu.memory_space<vmem>>
      %dma_wait3A_254 = arith.constant 0 : i32
      %dma_wait3A_255 = arith.constant 0 : i32
      %dma_wait3A_256 = tpu.memref_slice %arg5[%dma_wait3A_254, %dma_wait3A_255] : memref<1000000x32xf32, #tpu.memory_space<hbm>> -> memref<1x32xf32, #tpu.memory_space<hbm>>
      %dma_wait3A_257 = arith.constant 0 : i32
      %dma_wait3A_258 = tpu.memref_slice %arg10[%add3A_251, %dma_wait3A_257] : memref<256x32xf32, #tpu.memory_space<vmem>> -> memref<1x32xf32, #tpu.memory_space<vmem>>
      %dma_wait3A_259 = arith.constant 0 : i32
      %dma_wait3A_260 = arith.constant 0 : i32
      %dma_wait3A_261 = tpu.memref_slice %arg5[%dma_wait3A_259, %dma_wait3A_260] : memref<1000000x32xf32, #tpu.memory_space<hbm>> -> memref<1x32xf32, #tpu.memory_space<hbm>>
      tpu.wait_dma2 semaphore(%arg19 : memref<!tpu.dma_semaphore, #tpu.memory_space<semaphore_mem>>) src(%dma_wait3A_261 : memref<1x32xf32, #tpu.memory_space<hbm>>) dst(%dma_wait3A_258 : memref<1x32xf32, #tpu.memory_space<vmem>>)
      %mul3A_262 = arith.constant 16 : i32
      %mul3A_263 = arith.muli %scan3A_38, %mul3A_262 : i32
      %add3A_264 = arith.constant 8 : i32
      %add3A_265 = arith.addi %mul3A_263, %add3A_264 : i32
      %dma_wait3A_266 = arith.constant 0 : i32
      %dma_wait3A_267 = tpu.memref_slice %arg9[%add3A_265, %dma_wait3A_266] : memref<256x32xf32, #tpu.memory_space<vmem>> -> memref<1x32xf32, #tpu.memory_space<vmem>>
      %dma_wait3A_268 = arith.constant 0 : i32
      %dma_wait3A_269 = arith.constant 0 : i32
      %dma_wait3A_270 = tpu.memref_slice %arg4[%dma_wait3A_268, %dma_wait3A_269] : memref<1000000x32xf32, #tpu.memory_space<hbm>> -> memref<1x32xf32, #tpu.memory_space<hbm>>
      %dma_wait3A_271 = arith.constant 0 : i32
      %dma_wait3A_272 = tpu.memref_slice %arg9[%add3A_265, %dma_wait3A_271] : memref<256x32xf32, #tpu.memory_space<vmem>> -> memref<1x32xf32, #tpu.memory_space<vmem>>
      %dma_wait3A_273 = arith.constant 0 : i32
      %dma_wait3A_274 = arith.constant 0 : i32
      %dma_wait3A_275 = tpu.memref_slice %arg4[%dma_wait3A_273, %dma_wait3A_274] : memref<1000000x32xf32, #tpu.memory_space<hbm>> -> memref<1x32xf32, #tpu.memory_space<hbm>>
      tpu.wait_dma2 semaphore(%arg12 : memref<!tpu.dma_semaphore, #tpu.memory_space<semaphore_mem>>) src(%dma_wait3A_275 : memref<1x32xf32, #tpu.memory_space<hbm>>) dst(%dma_wait3A_272 : memref<1x32xf32, #tpu.memory_space<vmem>>)
      %mul3A_276 = arith.constant 16 : i32
      %mul3A_277 = arith.muli %scan3A_38, %mul3A_276 : i32
      %add3A_278 = arith.constant 8 : i32
      %add3A_279 = arith.addi %mul3A_277, %add3A_278 : i32
      %dma_wait3A_280 = arith.constant 0 : i32
      %dma_wait3A_281 = tpu.memref_slice %arg10[%add3A_279, %dma_wait3A_280] : memref<256x32xf32, #tpu.memory_space<vmem>> -> memref<1x32xf32, #tpu.memory_space<vmem>>
      %dma_wait3A_282 = arith.constant 0 : i32
      %dma_wait3A_283 = arith.constant 0 : i32
      %dma_wait3A_284 = tpu.memref_slice %arg5[%dma_wait3A_282, %dma_wait3A_283] : memref<1000000x32xf32, #tpu.memory_space<hbm>> -> memref<1x32xf32, #tpu.memory_space<hbm>>
      %dma_wait3A_285 = arith.constant 0 : i32
      %dma_wait3A_286 = tpu.memref_slice %arg10[%add3A_279, %dma_wait3A_285] : memref<256x32xf32, #tpu.memory_space<vmem>> -> memref<1x32xf32, #tpu.memory_space<vmem>>
      %dma_wait3A_287 = arith.constant 0 : i32
      %dma_wait3A_288 = arith.constant 0 : i32
      %dma_wait3A_289 = tpu.memref_slice %arg5[%dma_wait3A_287, %dma_wait3A_288] : memref<1000000x32xf32, #tpu.memory_space<hbm>> -> memref<1x32xf32, #tpu.memory_space<hbm>>
      tpu.wait_dma2 semaphore(%arg13 : memref<!tpu.dma_semaphore, #tpu.memory_space<semaphore_mem>>) src(%dma_wait3A_289 : memref<1x32xf32, #tpu.memory_space<hbm>>) dst(%dma_wait3A_286 : memref<1x32xf32, #tpu.memory_space<vmem>>)
      %mul3A_290 = arith.constant 16 : i32
      %mul3A_291 = arith.muli %scan3A_38, %mul3A_290 : i32
      %add3A_292 = arith.constant 9 : i32
      %add3A_293 = arith.addi %mul3A_291, %add3A_292 : i32
      %dma_wait3A_294 = arith.constant 0 : i32
      %dma_wait3A_295 = tpu.memref_slice %arg9[%add3A_293, %dma_wait3A_294] : memref<256x32xf32, #tpu.memory_space<vmem>> -> memref<1x32xf32, #tpu.memory_space<vmem>>
      %dma_wait3A_296 = arith.constant 0 : i32
      %dma_wait3A_297 = arith.constant 0 : i32
      %dma_wait3A_298 = tpu.memref_slice %arg4[%dma_wait3A_296, %dma_wait3A_297] : memref<1000000x32xf32, #tpu.memory_space<hbm>> -> memref<1x32xf32, #tpu.memory_space<hbm>>
      %dma_wait3A_299 = arith.constant 0 : i32
      %dma_wait3A_300 = tpu.memref_slice %arg9[%add3A_293, %dma_wait3A_299] : memref<256x32xf32, #tpu.memory_space<vmem>> -> memref<1x32xf32, #tpu.memory_space<vmem>>
      %dma_wait3A_301 = arith.constant 0 : i32
      %dma_wait3A_302 = arith.constant 0 : i32
      %dma_wait3A_303 = tpu.memref_slice %arg4[%dma_wait3A_301, %dma_wait3A_302] : memref<1000000x32xf32, #tpu.memory_space<hbm>> -> memref<1x32xf32, #tpu.memory_space<hbm>>
      tpu.wait_dma2 semaphore(%arg14 : memref<!tpu.dma_semaphore, #tpu.memory_space<semaphore_mem>>) src(%dma_wait3A_303 : memref<1x32xf32, #tpu.memory_space<hbm>>) dst(%dma_wait3A_300 : memref<1x32xf32, #tpu.memory_space<vmem>>)
      %mul3A_304 = arith.constant 16 : i32
      %mul3A_305 = arith.muli %scan3A_38, %mul3A_304 : i32
      %add3A_306 = arith.constant 9 : i32
      %add3A_307 = arith.addi %mul3A_305, %add3A_306 : i32
      %dma_wait3A_308 = arith.constant 0 : i32
      %dma_wait3A_309 = tpu.memref_slice %arg10[%add3A_307, %dma_wait3A_308] : memref<256x32xf32, #tpu.memory_space<vmem>> -> memref<1x32xf32, #tpu.memory_space<vmem>>
      %dma_wait3A_310 = arith.constant 0 : i32
      %dma_wait3A_311 = arith.constant 0 : i32
      %dma_wait3A_312 = tpu.memref_slice %arg5[%dma_wait3A_310, %dma_wait3A_311] : memref<1000000x32xf32, #tpu.memory_space<hbm>> -> memref<1x32xf32, #tpu.memory_space<hbm>>
      %dma_wait3A_313 = arith.constant 0 : i32
      %dma_wait3A_314 = tpu.memref_slice %arg10[%add3A_307, %dma_wait3A_313] : memref<256x32xf32, #tpu.memory_space<vmem>> -> memref<1x32xf32, #tpu.memory_space<vmem>>
      %dma_wait3A_315 = arith.constant 0 : i32
      %dma_wait3A_316 = arith.constant 0 : i32
      %dma_wait3A_317 = tpu.memref_slice %arg5[%dma_wait3A_315, %dma_wait3A_316] : memref<1000000x32xf32, #tpu.memory_space<hbm>> -> memref<1x32xf32, #tpu.memory_space<hbm>>
      tpu.wait_dma2 semaphore(%arg15 : memref<!tpu.dma_semaphore, #tpu.memory_space<semaphore_mem>>) src(%dma_wait3A_317 : memref<1x32xf32, #tpu.memory_space<hbm>>) dst(%dma_wait3A_314 : memref<1x32xf32, #tpu.memory_space<vmem>>)
      %mul3A_318 = arith.constant 16 : i32
      %mul3A_319 = arith.muli %scan3A_38, %mul3A_318 : i32
      %add3A_320 = arith.constant 10 : i32
      %add3A_321 = arith.addi %mul3A_319, %add3A_320 : i32
      %dma_wait3A_322 = arith.constant 0 : i32
      %dma_wait3A_323 = tpu.memref_slice %arg9[%add3A_321, %dma_wait3A_322] : memref<256x32xf32, #tpu.memory_space<vmem>> -> memref<1x32xf32, #tpu.memory_space<vmem>>
      %dma_wait3A_324 = arith.constant 0 : i32
      %dma_wait3A_325 = arith.constant 0 : i32
      %dma_wait3A_326 = tpu.memref_slice %arg4[%dma_wait3A_324, %dma_wait3A_325] : memref<1000000x32xf32, #tpu.memory_space<hbm>> -> memref<1x32xf32, #tpu.memory_space<hbm>>
      %dma_wait3A_327 = arith.constant 0 : i32
      %dma_wait3A_328 = tpu.memref_slice %arg9[%add3A_321, %dma_wait3A_327] : memref<256x32xf32, #tpu.memory_space<vmem>> -> memref<1x32xf32, #tpu.memory_space<vmem>>
      %dma_wait3A_329 = arith.constant 0 : i32
      %dma_wait3A_330 = arith.constant 0 : i32
      %dma_wait3A_331 = tpu.memref_slice %arg4[%dma_wait3A_329, %dma_wait3A_330] : memref<1000000x32xf32, #tpu.memory_space<hbm>> -> memref<1x32xf32, #tpu.memory_space<hbm>>
      tpu.wait_dma2 semaphore(%arg16 : memref<!tpu.dma_semaphore, #tpu.memory_space<semaphore_mem>>) src(%dma_wait3A_331 : memref<1x32xf32, #tpu.memory_space<hbm>>) dst(%dma_wait3A_328 : memref<1x32xf32, #tpu.memory_space<vmem>>)
      %mul3A_332 = arith.constant 16 : i32
      %mul3A_333 = arith.muli %scan3A_38, %mul3A_332 : i32
      %add3A_334 = arith.constant 10 : i32
      %add3A_335 = arith.addi %mul3A_333, %add3A_334 : i32
      %dma_wait3A_336 = arith.constant 0 : i32
      %dma_wait3A_337 = tpu.memref_slice %arg10[%add3A_335, %dma_wait3A_336] : memref<256x32xf32, #tpu.memory_space<vmem>> -> memref<1x32xf32, #tpu.memory_space<vmem>>
      %dma_wait3A_338 = arith.constant 0 : i32
      %dma_wait3A_339 = arith.constant 0 : i32
      %dma_wait3A_340 = tpu.memref_slice %arg5[%dma_wait3A_338, %dma_wait3A_339] : memref<1000000x32xf32, #tpu.memory_space<hbm>> -> memref<1x32xf32, #tpu.memory_space<hbm>>
      %dma_wait3A_341 = arith.constant 0 : i32
      %dma_wait3A_342 = tpu.memref_slice %arg10[%add3A_335, %dma_wait3A_341] : memref<256x32xf32, #tpu.memory_space<vmem>> -> memref<1x32xf32, #tpu.memory_space<vmem>>
      %dma_wait3A_343 = arith.constant 0 : i32
      %dma_wait3A_344 = arith.constant 0 : i32
      %dma_wait3A_345 = tpu.memref_slice %arg5[%dma_wait3A_343, %dma_wait3A_344] : memref<1000000x32xf32, #tpu.memory_space<hbm>> -> memref<1x32xf32, #tpu.memory_space<hbm>>
      tpu.wait_dma2 semaphore(%arg17 : memref<!tpu.dma_semaphore, #tpu.memory_space<semaphore_mem>>) src(%dma_wait3A_345 : memref<1x32xf32, #tpu.memory_space<hbm>>) dst(%dma_wait3A_342 : memref<1x32xf32, #tpu.memory_space<vmem>>)
      %mul3A_346 = arith.constant 16 : i32
      %mul3A_347 = arith.muli %scan3A_38, %mul3A_346 : i32
      %add3A_348 = arith.constant 11 : i32
      %add3A_349 = arith.addi %mul3A_347, %add3A_348 : i32
      %dma_wait3A_350 = arith.constant 0 : i32
      %dma_wait3A_351 = tpu.memref_slice %arg9[%add3A_349, %dma_wait3A_350] : memref<256x32xf32, #tpu.memory_space<vmem>> -> memref<1x32xf32, #tpu.memory_space<vmem>>
      %dma_wait3A_352 = arith.constant 0 : i32
      %dma_wait3A_353 = arith.constant 0 : i32
      %dma_wait3A_354 = tpu.memref_slice %arg4[%dma_wait3A_352, %dma_wait3A_353] : memref<1000000x32xf32, #tpu.memory_space<hbm>> -> memref<1x32xf32, #tpu.memory_space<hbm>>
      %dma_wait3A_355 = arith.constant 0 : i32
      %dma_wait3A_356 = tpu.memref_slice %arg9[%add3A_349, %dma_wait3A_355] : memref<256x32xf32, #tpu.memory_space<vmem>> -> memref<1x32xf32, #tpu.memory_space<vmem>>
      %dma_wait3A_357 = arith.constant 0 : i32
      %dma_wait3A_358 = arith.constant 0 : i32
      %dma_wait3A_359 = tpu.memref_slice %arg4[%dma_wait3A_357, %dma_wait3A_358] : memref<1000000x32xf32, #tpu.memory_space<hbm>> -> memref<1x32xf32, #tpu.memory_space<hbm>>
      tpu.wait_dma2 semaphore(%arg18 : memref<!tpu.dma_semaphore, #tpu.memory_space<semaphore_mem>>) src(%dma_wait3A_359 : memref<1x32xf32, #tpu.memory_space<hbm>>) dst(%dma_wait3A_356 : memref<1x32xf32, #tpu.memory_space<vmem>>)
      %mul3A_360 = arith.constant 16 : i32
      %mul3A_361 = arith.muli %scan3A_38, %mul3A_360 : i32
      %add3A_362 = arith.constant 11 : i32
      %add3A_363 = arith.addi %mul3A_361, %add3A_362 : i32
      %dma_wait3A_364 = arith.constant 0 : i32
      %dma_wait3A_365 = tpu.memref_slice %arg10[%add3A_363, %dma_wait3A_364] : memref<256x32xf32, #tpu.memory_space<vmem>> -> memref<1x32xf32, #tpu.memory_space<vmem>>
      %dma_wait3A_366 = arith.constant 0 : i32
      %dma_wait3A_367 = arith.constant 0 : i32
      %dma_wait3A_368 = tpu.memref_slice %arg5[%dma_wait3A_366, %dma_wait3A_367] : memref<1000000x32xf32, #tpu.memory_space<hbm>> -> memref<1x32xf32, #tpu.memory_space<hbm>>
      %dma_wait3A_369 = arith.constant 0 : i32
      %dma_wait3A_370 = tpu.memref_slice %arg10[%add3A_363, %dma_wait3A_369] : memref<256x32xf32, #tpu.memory_space<vmem>> -> memref<1x32xf32, #tpu.memory_space<vmem>>
      %dma_wait3A_371 = arith.constant 0 : i32
      %dma_wait3A_372 = arith.constant 0 : i32
      %dma_wait3A_373 = tpu.memref_slice %arg5[%dma_wait3A_371, %dma_wait3A_372] : memref<1000000x32xf32, #tpu.memory_space<hbm>> -> memref<1x32xf32, #tpu.memory_space<hbm>>
      tpu.wait_dma2 semaphore(%arg19 : memref<!tpu.dma_semaphore, #tpu.memory_space<semaphore_mem>>) src(%dma_wait3A_373 : memref<1x32xf32, #tpu.memory_space<hbm>>) dst(%dma_wait3A_370 : memref<1x32xf32, #tpu.memory_space<vmem>>)
      %mul3A_374 = arith.constant 16 : i32
      %mul3A_375 = arith.muli %scan3A_38, %mul3A_374 : i32
      %add3A_376 = arith.constant 12 : i32
      %add3A_377 = arith.addi %mul3A_375, %add3A_376 : i32
      %dma_wait3A_378 = arith.constant 0 : i32
      %dma_wait3A_379 = tpu.memref_slice %arg9[%add3A_377, %dma_wait3A_378] : memref<256x32xf32, #tpu.memory_space<vmem>> -> memref<1x32xf32, #tpu.memory_space<vmem>>
      %dma_wait3A_380 = arith.constant 0 : i32
      %dma_wait3A_381 = arith.constant 0 : i32
      %dma_wait3A_382 = tpu.memref_slice %arg4[%dma_wait3A_380, %dma_wait3A_381] : memref<1000000x32xf32, #tpu.memory_space<hbm>> -> memref<1x32xf32, #tpu.memory_space<hbm>>
      %dma_wait3A_383 = arith.constant 0 : i32
      %dma_wait3A_384 = tpu.memref_slice %arg9[%add3A_377, %dma_wait3A_383] : memref<256x32xf32, #tpu.memory_space<vmem>> -> memref<1x32xf32, #tpu.memory_space<vmem>>
      %dma_wait3A_385 = arith.constant 0 : i32
      %dma_wait3A_386 = arith.constant 0 : i32
      %dma_wait3A_387 = tpu.memref_slice %arg4[%dma_wait3A_385, %dma_wait3A_386] : memref<1000000x32xf32, #tpu.memory_space<hbm>> -> memref<1x32xf32, #tpu.memory_space<hbm>>
      tpu.wait_dma2 semaphore(%arg12 : memref<!tpu.dma_semaphore, #tpu.memory_space<semaphore_mem>>) src(%dma_wait3A_387 : memref<1x32xf32, #tpu.memory_space<hbm>>) dst(%dma_wait3A_384 : memref<1x32xf32, #tpu.memory_space<vmem>>)
      %mul3A_388 = arith.constant 16 : i32
      %mul3A_389 = arith.muli %scan3A_38, %mul3A_388 : i32
      %add3A_390 = arith.constant 12 : i32
      %add3A_391 = arith.addi %mul3A_389, %add3A_390 : i32
      %dma_wait3A_392 = arith.constant 0 : i32
      %dma_wait3A_393 = tpu.memref_slice %arg10[%add3A_391, %dma_wait3A_392] : memref<256x32xf32, #tpu.memory_space<vmem>> -> memref<1x32xf32, #tpu.memory_space<vmem>>
      %dma_wait3A_394 = arith.constant 0 : i32
      %dma_wait3A_395 = arith.constant 0 : i32
      %dma_wait3A_396 = tpu.memref_slice %arg5[%dma_wait3A_394, %dma_wait3A_395] : memref<1000000x32xf32, #tpu.memory_space<hbm>> -> memref<1x32xf32, #tpu.memory_space<hbm>>
      %dma_wait3A_397 = arith.constant 0 : i32
      %dma_wait3A_398 = tpu.memref_slice %arg10[%add3A_391, %dma_wait3A_397] : memref<256x32xf32, #tpu.memory_space<vmem>> -> memref<1x32xf32, #tpu.memory_space<vmem>>
      %dma_wait3A_399 = arith.constant 0 : i32
      %dma_wait3A_400 = arith.constant 0 : i32
      %dma_wait3A_401 = tpu.memref_slice %arg5[%dma_wait3A_399, %dma_wait3A_400] : memref<1000000x32xf32, #tpu.memory_space<hbm>> -> memref<1x32xf32, #tpu.memory_space<hbm>>
      tpu.wait_dma2 semaphore(%arg13 : memref<!tpu.dma_semaphore, #tpu.memory_space<semaphore_mem>>) src(%dma_wait3A_401 : memref<1x32xf32, #tpu.memory_space<hbm>>) dst(%dma_wait3A_398 : memref<1x32xf32, #tpu.memory_space<vmem>>)
      %mul3A_402 = arith.constant 16 : i32
      %mul3A_403 = arith.muli %scan3A_38, %mul3A_402 : i32
      %add3A_404 = arith.constant 13 : i32
      %add3A_405 = arith.addi %mul3A_403, %add3A_404 : i32
      %dma_wait3A_406 = arith.constant 0 : i32
      %dma_wait3A_407 = tpu.memref_slice %arg9[%add3A_405, %dma_wait3A_406] : memref<256x32xf32, #tpu.memory_space<vmem>> -> memref<1x32xf32, #tpu.memory_space<vmem>>
      %dma_wait3A_408 = arith.constant 0 : i32
      %dma_wait3A_409 = arith.constant 0 : i32
      %dma_wait3A_410 = tpu.memref_slice %arg4[%dma_wait3A_408, %dma_wait3A_409] : memref<1000000x32xf32, #tpu.memory_space<hbm>> -> memref<1x32xf32, #tpu.memory_space<hbm>>
      %dma_wait3A_411 = arith.constant 0 : i32
      %dma_wait3A_412 = tpu.memref_slice %arg9[%add3A_405, %dma_wait3A_411] : memref<256x32xf32, #tpu.memory_space<vmem>> -> memref<1x32xf32, #tpu.memory_space<vmem>>
      %dma_wait3A_413 = arith.constant 0 : i32
      %dma_wait3A_414 = arith.constant 0 : i32
      %dma_wait3A_415 = tpu.memref_slice %arg4[%dma_wait3A_413, %dma_wait3A_414] : memref<1000000x32xf32, #tpu.memory_space<hbm>> -> memref<1x32xf32, #tpu.memory_space<hbm>>
      tpu.wait_dma2 semaphore(%arg14 : memref<!tpu.dma_semaphore, #tpu.memory_space<semaphore_mem>>) src(%dma_wait3A_415 : memref<1x32xf32, #tpu.memory_space<hbm>>) dst(%dma_wait3A_412 : memref<1x32xf32, #tpu.memory_space<vmem>>)
      %mul3A_416 = arith.constant 16 : i32
      %mul3A_417 = arith.muli %scan3A_38, %mul3A_416 : i32
      %add3A_418 = arith.constant 13 : i32
      %add3A_419 = arith.addi %mul3A_417, %add3A_418 : i32
      %dma_wait3A_420 = arith.constant 0 : i32
      %dma_wait3A_421 = tpu.memref_slice %arg10[%add3A_419, %dma_wait3A_420] : memref<256x32xf32, #tpu.memory_space<vmem>> -> memref<1x32xf32, #tpu.memory_space<vmem>>
      %dma_wait3A_422 = arith.constant 0 : i32
      %dma_wait3A_423 = arith.constant 0 : i32
      %dma_wait3A_424 = tpu.memref_slice %arg5[%dma_wait3A_422, %dma_wait3A_423] : memref<1000000x32xf32, #tpu.memory_space<hbm>> -> memref<1x32xf32, #tpu.memory_space<hbm>>
      %dma_wait3A_425 = arith.constant 0 : i32
      %dma_wait3A_426 = tpu.memref_slice %arg10[%add3A_419, %dma_wait3A_425] : memref<256x32xf32, #tpu.memory_space<vmem>> -> memref<1x32xf32, #tpu.memory_space<vmem>>
      %dma_wait3A_427 = arith.constant 0 : i32
      %dma_wait3A_428 = arith.constant 0 : i32
      %dma_wait3A_429 = tpu.memref_slice %arg5[%dma_wait3A_427, %dma_wait3A_428] : memref<1000000x32xf32, #tpu.memory_space<hbm>> -> memref<1x32xf32, #tpu.memory_space<hbm>>
      tpu.wait_dma2 semaphore(%arg15 : memref<!tpu.dma_semaphore, #tpu.memory_space<semaphore_mem>>) src(%dma_wait3A_429 : memref<1x32xf32, #tpu.memory_space<hbm>>) dst(%dma_wait3A_426 : memref<1x32xf32, #tpu.memory_space<vmem>>)
      %mul3A_430 = arith.constant 16 : i32
      %mul3A_431 = arith.muli %scan3A_38, %mul3A_430 : i32
      %add3A_432 = arith.constant 14 : i32
      %add3A_433 = arith.addi %mul3A_431, %add3A_432 : i32
      %dma_wait3A_434 = arith.constant 0 : i32
      %dma_wait3A_435 = tpu.memref_slice %arg9[%add3A_433, %dma_wait3A_434] : memref<256x32xf32, #tpu.memory_space<vmem>> -> memref<1x32xf32, #tpu.memory_space<vmem>>
      %dma_wait3A_436 = arith.constant 0 : i32
      %dma_wait3A_437 = arith.constant 0 : i32
      %dma_wait3A_438 = tpu.memref_slice %arg4[%dma_wait3A_436, %dma_wait3A_437] : memref<1000000x32xf32, #tpu.memory_space<hbm>> -> memref<1x32xf32, #tpu.memory_space<hbm>>
      %dma_wait3A_439 = arith.constant 0 : i32
      %dma_wait3A_440 = tpu.memref_slice %arg9[%add3A_433, %dma_wait3A_439] : memref<256x32xf32, #tpu.memory_space<vmem>> -> memref<1x32xf32, #tpu.memory_space<vmem>>
      %dma_wait3A_441 = arith.constant 0 : i32
      %dma_wait3A_442 = arith.constant 0 : i32
      %dma_wait3A_443 = tpu.memref_slice %arg4[%dma_wait3A_441, %dma_wait3A_442] : memref<1000000x32xf32, #tpu.memory_space<hbm>> -> memref<1x32xf32, #tpu.memory_space<hbm>>
      tpu.wait_dma2 semaphore(%arg16 : memref<!tpu.dma_semaphore, #tpu.memory_space<semaphore_mem>>) src(%dma_wait3A_443 : memref<1x32xf32, #tpu.memory_space<hbm>>) dst(%dma_wait3A_440 : memref<1x32xf32, #tpu.memory_space<vmem>>)
      %mul3A_444 = arith.constant 16 : i32
      %mul3A_445 = arith.muli %scan3A_38, %mul3A_444 : i32
      %add3A_446 = arith.constant 14 : i32
      %add3A_447 = arith.addi %mul3A_445, %add3A_446 : i32
      %dma_wait3A_448 = arith.constant 0 : i32
      %dma_wait3A_449 = tpu.memref_slice %arg10[%add3A_447, %dma_wait3A_448] : memref<256x32xf32, #tpu.memory_space<vmem>> -> memref<1x32xf32, #tpu.memory_space<vmem>>
      %dma_wait3A_450 = arith.constant 0 : i32
      %dma_wait3A_451 = arith.constant 0 : i32
      %dma_wait3A_452 = tpu.memref_slice %arg5[%dma_wait3A_450, %dma_wait3A_451] : memref<1000000x32xf32, #tpu.memory_space<hbm>> -> memref<1x32xf32, #tpu.memory_space<hbm>>
      %dma_wait3A_453 = arith.constant 0 : i32
      %dma_wait3A_454 = tpu.memref_slice %arg10[%add3A_447, %dma_wait3A_453] : memref<256x32xf32, #tpu.memory_space<vmem>> -> memref<1x32xf32, #tpu.memory_space<vmem>>
      %dma_wait3A_455 = arith.constant 0 : i32
      %dma_wait3A_456 = arith.constant 0 : i32
      %dma_wait3A_457 = tpu.memref_slice %arg5[%dma_wait3A_455, %dma_wait3A_456] : memref<1000000x32xf32, #tpu.memory_space<hbm>> -> memref<1x32xf32, #tpu.memory_space<hbm>>
      tpu.wait_dma2 semaphore(%arg17 : memref<!tpu.dma_semaphore, #tpu.memory_space<semaphore_mem>>) src(%dma_wait3A_457 : memref<1x32xf32, #tpu.memory_space<hbm>>) dst(%dma_wait3A_454 : memref<1x32xf32, #tpu.memory_space<vmem>>)
      %mul3A_458 = arith.constant 16 : i32
      %mul3A_459 = arith.muli %scan3A_38, %mul3A_458 : i32
      %add3A_460 = arith.constant 15 : i32
      %add3A_461 = arith.addi %mul3A_459, %add3A_460 : i32
      %dma_wait3A_462 = arith.constant 0 : i32
      %dma_wait3A_463 = tpu.memref_slice %arg9[%add3A_461, %dma_wait3A_462] : memref<256x32xf32, #tpu.memory_space<vmem>> -> memref<1x32xf32, #tpu.memory_space<vmem>>
      %dma_wait3A_464 = arith.constant 0 : i32
      %dma_wait3A_465 = arith.constant 0 : i32
      %dma_wait3A_466 = tpu.memref_slice %arg4[%dma_wait3A_464, %dma_wait3A_465] : memref<1000000x32xf32, #tpu.memory_space<hbm>> -> memref<1x32xf32, #tpu.memory_space<hbm>>
      %dma_wait3A_467 = arith.constant 0 : i32
      %dma_wait3A_468 = tpu.memref_slice %arg9[%add3A_461, %dma_wait3A_467] : memref<256x32xf32, #tpu.memory_space<vmem>> -> memref<1x32xf32, #tpu.memory_space<vmem>>
      %dma_wait3A_469 = arith.constant 0 : i32
      %dma_wait3A_470 = arith.constant 0 : i32
      %dma_wait3A_471 = tpu.memref_slice %arg4[%dma_wait3A_469, %dma_wait3A_470] : memref<1000000x32xf32, #tpu.memory_space<hbm>> -> memref<1x32xf32, #tpu.memory_space<hbm>>
      tpu.wait_dma2 semaphore(%arg18 : memref<!tpu.dma_semaphore, #tpu.memory_space<semaphore_mem>>) src(%dma_wait3A_471 : memref<1x32xf32, #tpu.memory_space<hbm>>) dst(%dma_wait3A_468 : memref<1x32xf32, #tpu.memory_space<vmem>>)
      %mul3A_472 = arith.constant 16 : i32
      %mul3A_473 = arith.muli %scan3A_38, %mul3A_472 : i32
      %add3A_474 = arith.constant 15 : i32
      %add3A_475 = arith.addi %mul3A_473, %add3A_474 : i32
      %dma_wait3A_476 = arith.constant 0 : i32
      %dma_wait3A_477 = tpu.memref_slice %arg10[%add3A_475, %dma_wait3A_476] : memref<256x32xf32, #tpu.memory_space<vmem>> -> memref<1x32xf32, #tpu.memory_space<vmem>>
      %dma_wait3A_478 = arith.constant 0 : i32
      %dma_wait3A_479 = arith.constant 0 : i32
      %dma_wait3A_480 = tpu.memref_slice %arg5[%dma_wait3A_478, %dma_wait3A_479] : memref<1000000x32xf32, #tpu.memory_space<hbm>> -> memref<1x32xf32, #tpu.memory_space<hbm>>
      %dma_wait3A_481 = arith.constant 0 : i32
      %dma_wait3A_482 = tpu.memref_slice %arg10[%add3A_475, %dma_wait3A_481] : memref<256x32xf32, #tpu.memory_space<vmem>> -> memref<1x32xf32, #tpu.memory_space<vmem>>
      %dma_wait3A_483 = arith.constant 0 : i32
      %dma_wait3A_484 = arith.constant 0 : i32
      %dma_wait3A_485 = tpu.memref_slice %arg5[%dma_wait3A_483, %dma_wait3A_484] : memref<1000000x32xf32, #tpu.memory_space<hbm>> -> memref<1x32xf32, #tpu.memory_space<hbm>>
      tpu.wait_dma2 semaphore(%arg19 : memref<!tpu.dma_semaphore, #tpu.memory_space<semaphore_mem>>) src(%dma_wait3A_485 : memref<1x32xf32, #tpu.memory_space<hbm>>) dst(%dma_wait3A_482 : memref<1x32xf32, #tpu.memory_space<vmem>>)
    }
    %scan3A_31 = arith.constant 16 : i32
    %scan3A_32 = arith.constant 0 : i32
    %scan3A_33 = arith.constant 0 : i32
    %scan3A_34 = arith.constant 16 : i32
    %scan3A_35 = arith.addi %scan3A_33, %scan3A_34 : i32
    %scan3A_36 = arith.constant 1 : i32
    scf.for %scan3A_38 = %scan3A_33 to %scan3A_35 step %scan3A_36  : i32 {
      %mul3A_39 = arith.constant 16 : i32
      %mul3A_40 = arith.muli %scan3A_38, %mul3A_39 : i32
      %add3A_41 = vector.broadcast %mul3A_40 : i32 to vector<16xi32>
      %add3A_42 = arith.addi %add3A_41, %iota3A : vector<16xi32>
      %broadcast_in_dim3A = arith.constant 0.000000e+00 : f32
      %broadcast_in_dim3A_43 = vector.broadcast %broadcast_in_dim3A : f32 to vector<16xf32>
      %broadcast_in_dim3A_44 = arith.constant 0 : i32
      %broadcast_in_dim3A_45 = vector.broadcast %broadcast_in_dim3A_44 : i32 to vector<16xi32>
      %gather3A = tpu.vector_load_idx %arg9[%add3A_42, %broadcast_in_dim3A_45] : memref<256x32xf32, #tpu.memory_space<vmem>>[vector<16xi32>, vector<16xi32>], vector<16xf32>,
      %gather3A_46 = tpu.vector_load_idx %arg10[%add3A_42, %broadcast_in_dim3A_45] : memref<256x32xf32, #tpu.memory_space<vmem>>[vector<16xi32>, vector<16xi32>], vector<16xf32>,
      %mul3A_47 = arith.mulf %gather3A, %gather3A_46 : vector<16xf32>
      %add3A_48 = arith.addf %broadcast_in_dim3A_43, %mul3A_47 : vector<16xf32>
      %broadcast_in_dim3A_49 = arith.constant 1 : i32
      %broadcast_in_dim3A_50 = vector.broadcast %broadcast_in_dim3A_49 : i32 to vector<16xi32>
      %gather3A_51 = tpu.vector_load_idx %arg9[%add3A_42, %broadcast_in_dim3A_50] : memref<256x32xf32, #tpu.memory_space<vmem>>[vector<16xi32>, vector<16xi32>], vector<16xf32>,
      %gather3A_52 = tpu.vector_load_idx %arg10[%add3A_42, %broadcast_in_dim3A_50] : memref<256x32xf32, #tpu.memory_space<vmem>>[vector<16xi32>, vector<16xi32>], vector<16xf32>,
      %mul3A_53 = arith.mulf %gather3A_51, %gather3A_52 : vector<16xf32>
      %add3A_54 = arith.addf %add3A_48, %mul3A_53 : vector<16xf32>
      %broadcast_in_dim3A_55 = arith.constant 2 : i32
      %broadcast_in_dim3A_56 = vector.broadcast %broadcast_in_dim3A_55 : i32 to vector<16xi32>
      %gather3A_57 = tpu.vector_load_idx %arg9[%add3A_42, %broadcast_in_dim3A_56] : memref<256x32xf32, #tpu.memory_space<vmem>>[vector<16xi32>, vector<16xi32>], vector<16xf32>,
      %gather3A_58 = tpu.vector_load_idx %arg10[%add3A_42, %broadcast_in_dim3A_56] : memref<256x32xf32, #tpu.memory_space<vmem>>[vector<16xi32>, vector<16xi32>], vector<16xf32>,
      %mul3A_59 = arith.mulf %gather3A_57, %gather3A_58 : vector<16xf32>
      %add3A_60 = arith.addf %add3A_54, %mul3A_59 : vector<16xf32>
      %broadcast_in_dim3A_61 = arith.constant 3 : i32
      %broadcast_in_dim3A_62 = vector.broadcast %broadcast_in_dim3A_61 : i32 to vector<16xi32>
      %gather3A_63 = tpu.vector_load_idx %arg9[%add3A_42, %broadcast_in_dim3A_62] : memref<256x32xf32, #tpu.memory_space<vmem>>[vector<16xi32>, vector<16xi32>], vector<16xf32>,
      %gather3A_64 = tpu.vector_load_idx %arg10[%add3A_42, %broadcast_in_dim3A_62] : memref<256x32xf32, #tpu.memory_space<vmem>>[vector<16xi32>, vector<16xi32>], vector<16xf32>,
      %mul3A_65 = arith.mulf %gather3A_63, %gather3A_64 : vector<16xf32>
      %add3A_66 = arith.addf %add3A_60, %mul3A_65 : vector<16xf32>
      %broadcast_in_dim3A_67 = arith.constant 4 : i32
      %broadcast_in_dim3A_68 = vector.broadcast %broadcast_in_dim3A_67 : i32 to vector<16xi32>
      %gather3A_69 = tpu.vector_load_idx %arg9[%add3A_42, %broadcast_in_dim3A_68] : memref<256x32xf32, #tpu.memory_space<vmem>>[vector<16xi32>, vector<16xi32>], vector<16xf32>,
      %gather3A_70 = tpu.vector_load_idx %arg10[%add3A_42, %broadcast_in_dim3A_68] : memref<256x32xf32, #tpu.memory_space<vmem>>[vector<16xi32>, vector<16xi32>], vector<16xf32>,
      %mul3A_71 = arith.mulf %gather3A_69, %gather3A_70 : vector<16xf32>
      %add3A_72 = arith.addf %add3A_66, %mul3A_71 : vector<16xf32>
      %broadcast_in_dim3A_73 = arith.constant 5 : i32
      %broadcast_in_dim3A_74 = vector.broadcast %broadcast_in_dim3A_73 : i32 to vector<16xi32>
      %gather3A_75 = tpu.vector_load_idx %arg9[%add3A_42, %broadcast_in_dim3A_74] : memref<256x32xf32, #tpu.memory_space<vmem>>[vector<16xi32>, vector<16xi32>], vector<16xf32>,
      %gather3A_76 = tpu.vector_load_idx %arg10[%add3A_42, %broadcast_in_dim3A_74] : memref<256x32xf32, #tpu.memory_space<vmem>>[vector<16xi32>, vector<16xi32>], vector<16xf32>,
      %mul3A_77 = arith.mulf %gather3A_75, %gather3A_76 : vector<16xf32>
      %add3A_78 = arith.addf %add3A_72, %mul3A_77 : vector<16xf32>
      %broadcast_in_dim3A_79 = arith.constant 6 : i32
      %broadcast_in_dim3A_80 = vector.broadcast %broadcast_in_dim3A_79 : i32 to vector<16xi32>
      %gather3A_81 = tpu.vector_load_idx %arg9[%add3A_42, %broadcast_in_dim3A_80] : memref<256x32xf32, #tpu.memory_space<vmem>>[vector<16xi32>, vector<16xi32>], vector<16xf32>,
      %gather3A_82 = tpu.vector_load_idx %arg10[%add3A_42, %broadcast_in_dim3A_80] : memref<256x32xf32, #tpu.memory_space<vmem>>[vector<16xi32>, vector<16xi32>], vector<16xf32>,
      %mul3A_83 = arith.mulf %gather3A_81, %gather3A_82 : vector<16xf32>
      %add3A_84 = arith.addf %add3A_78, %mul3A_83 : vector<16xf32>
      %broadcast_in_dim3A_85 = arith.constant 7 : i32
      %broadcast_in_dim3A_86 = vector.broadcast %broadcast_in_dim3A_85 : i32 to vector<16xi32>
      %gather3A_87 = tpu.vector_load_idx %arg9[%add3A_42, %broadcast_in_dim3A_86] : memref<256x32xf32, #tpu.memory_space<vmem>>[vector<16xi32>, vector<16xi32>], vector<16xf32>,
      %gather3A_88 = tpu.vector_load_idx %arg10[%add3A_42, %broadcast_in_dim3A_86] : memref<256x32xf32, #tpu.memory_space<vmem>>[vector<16xi32>, vector<16xi32>], vector<16xf32>,
      %mul3A_89 = arith.mulf %gather3A_87, %gather3A_88 : vector<16xf32>
      %add3A_90 = arith.addf %add3A_84, %mul3A_89 : vector<16xf32>
      %broadcast_in_dim3A_91 = arith.constant 8 : i32
      %broadcast_in_dim3A_92 = vector.broadcast %broadcast_in_dim3A_91 : i32 to vector<16xi32>
      %gather3A_93 = tpu.vector_load_idx %arg9[%add3A_42, %broadcast_in_dim3A_92] : memref<256x32xf32, #tpu.memory_space<vmem>>[vector<16xi32>, vector<16xi32>], vector<16xf32>,
      %gather3A_94 = tpu.vector_load_idx %arg10[%add3A_42, %broadcast_in_dim3A_92] : memref<256x32xf32, #tpu.memory_space<vmem>>[vector<16xi32>, vector<16xi32>], vector<16xf32>,
      %mul3A_95 = arith.mulf %gather3A_93, %gather3A_94 : vector<16xf32>
      %add3A_96 = arith.addf %add3A_90, %mul3A_95 : vector<16xf32>
      %broadcast_in_dim3A_97 = arith.constant 9 : i32
      %broadcast_in_dim3A_98 = vector.broadcast %broadcast_in_dim3A_97 : i32 to vector<16xi32>
      %gather3A_99 = tpu.vector_load_idx %arg9[%add3A_42, %broadcast_in_dim3A_98] : memref<256x32xf32, #tpu.memory_space<vmem>>[vector<16xi32>, vector<16xi32>], vector<16xf32>,
      %gather3A_100 = tpu.vector_load_idx %arg10[%add3A_42, %broadcast_in_dim3A_98] : memref<256x32xf32, #tpu.memory_space<vmem>>[vector<16xi32>, vector<16xi32>], vector<16xf32>,
      %mul3A_101 = arith.mulf %gather3A_99, %gather3A_100 : vector<16xf32>
      %add3A_102 = arith.addf %add3A_96, %mul3A_101 : vector<16xf32>
      %broadcast_in_dim3A_103 = arith.constant 10 : i32
      %broadcast_in_dim3A_104 = vector.broadcast %broadcast_in_dim3A_103 : i32 to vector<16xi32>
      %gather3A_105 = tpu.vector_load_idx %arg9[%add3A_42, %broadcast_in_dim3A_104] : memref<256x32xf32, #tpu.memory_space<vmem>>[vector<16xi32>, vector<16xi32>], vector<16xf32>,
      %gather3A_106 = tpu.vector_load_idx %arg10[%add3A_42, %broadcast_in_dim3A_104] : memref<256x32xf32, #tpu.memory_space<vmem>>[vector<16xi32>, vector<16xi32>], vector<16xf32>,
      %mul3A_107 = arith.mulf %gather3A_105, %gather3A_106 : vector<16xf32>
      %add3A_108 = arith.addf %add3A_102, %mul3A_107 : vector<16xf32>
      %broadcast_in_dim3A_109 = arith.constant 11 : i32
      %broadcast_in_dim3A_110 = vector.broadcast %broadcast_in_dim3A_109 : i32 to vector<16xi32>
      %gather3A_111 = tpu.vector_load_idx %arg9[%add3A_42, %broadcast_in_dim3A_110] : memref<256x32xf32, #tpu.memory_space<vmem>>[vector<16xi32>, vector<16xi32>], vector<16xf32>,
      %gather3A_112 = tpu.vector_load_idx %arg10[%add3A_42, %broadcast_in_dim3A_110] : memref<256x32xf32, #tpu.memory_space<vmem>>[vector<16xi32>, vector<16xi32>], vector<16xf32>,
      %mul3A_113 = arith.mulf %gather3A_111, %gather3A_112 : vector<16xf32>
      %add3A_114 = arith.addf %add3A_108, %mul3A_113 : vector<16xf32>
      %broadcast_in_dim3A_115 = arith.constant 12 : i32
      %broadcast_in_dim3A_116 = vector.broadcast %broadcast_in_dim3A_115 : i32 to vector<16xi32>
      %gather3A_117 = tpu.vector_load_idx %arg9[%add3A_42, %broadcast_in_dim3A_116] : memref<256x32xf32, #tpu.memory_space<vmem>>[vector<16xi32>, vector<16xi32>], vector<16xf32>,
      %gather3A_118 = tpu.vector_load_idx %arg10[%add3A_42, %broadcast_in_dim3A_116] : memref<256x32xf32, #tpu.memory_space<vmem>>[vector<16xi32>, vector<16xi32>], vector<16xf32>,
      %mul3A_119 = arith.mulf %gather3A_117, %gather3A_118 : vector<16xf32>
      %add3A_120 = arith.addf %add3A_114, %mul3A_119 : vector<16xf32>
      %broadcast_in_dim3A_121 = arith.constant 13 : i32
      %broadcast_in_dim3A_122 = vector.broadcast %broadcast_in_dim3A_121 : i32 to vector<16xi32>
      %gather3A_123 = tpu.vector_load_idx %arg9[%add3A_42, %broadcast_in_dim3A_122] : memref<256x32xf32, #tpu.memory_space<vmem>>[vector<16xi32>, vector<16xi32>], vector<16xf32>,
      %gather3A_124 = tpu.vector_load_idx %arg10[%add3A_42, %broadcast_in_dim3A_122] : memref<256x32xf32, #tpu.memory_space<vmem>>[vector<16xi32>, vector<16xi32>], vector<16xf32>,
      %mul3A_125 = arith.mulf %gather3A_123, %gather3A_124 : vector<16xf32>
      %add3A_126 = arith.addf %add3A_120, %mul3A_125 : vector<16xf32>
      %broadcast_in_dim3A_127 = arith.constant 14 : i32
      %broadcast_in_dim3A_128 = vector.broadcast %broadcast_in_dim3A_127 : i32 to vector<16xi32>
      %gather3A_129 = tpu.vector_load_idx %arg9[%add3A_42, %broadcast_in_dim3A_128] : memref<256x32xf32, #tpu.memory_space<vmem>>[vector<16xi32>, vector<16xi32>], vector<16xf32>,
      %gather3A_130 = tpu.vector_load_idx %arg10[%add3A_42, %broadcast_in_dim3A_128] : memref<256x32xf32, #tpu.memory_space<vmem>>[vector<16xi32>, vector<16xi32>], vector<16xf32>,
      %mul3A_131 = arith.mulf %gather3A_129, %gather3A_130 : vector<16xf32>
      %add3A_132 = arith.addf %add3A_126, %mul3A_131 : vector<16xf32>
      %broadcast_in_dim3A_133 = arith.constant 15 : i32
      %broadcast_in_dim3A_134 = vector.broadcast %broadcast_in_dim3A_133 : i32 to vector<16xi32>
      %gather3A_135 = tpu.vector_load_idx %arg9[%add3A_42, %broadcast_in_dim3A_134] : memref<256x32xf32, #tpu.memory_space<vmem>>[vector<16xi32>, vector<16xi32>], vector<16xf32>,
      %gather3A_136 = tpu.vector_load_idx %arg10[%add3A_42, %broadcast_in_dim3A_134] : memref<256x32xf32, #tpu.memory_space<vmem>>[vector<16xi32>, vector<16xi32>], vector<16xf32>,
      %mul3A_137 = arith.mulf %gather3A_135, %gather3A_136 : vector<16xf32>
      %add3A_138 = arith.addf %add3A_132, %mul3A_137 : vector<16xf32>
      %broadcast_in_dim3A_139 = arith.constant 16 : i32
      %broadcast_in_dim3A_140 = vector.broadcast %broadcast_in_dim3A_139 : i32 to vector<16xi32>
      %gather3A_141 = tpu.vector_load_idx %arg9[%add3A_42, %broadcast_in_dim3A_140] : memref<256x32xf32, #tpu.memory_space<vmem>>[vector<16xi32>, vector<16xi32>], vector<16xf32>,
      %gather3A_142 = tpu.vector_load_idx %arg10[%add3A_42, %broadcast_in_dim3A_140] : memref<256x32xf32, #tpu.memory_space<vmem>>[vector<16xi32>, vector<16xi32>], vector<16xf32>,
      %mul3A_143 = arith.mulf %gather3A_141, %gather3A_142 : vector<16xf32>
      %add3A_144 = arith.addf %add3A_138, %mul3A_143 : vector<16xf32>
      %broadcast_in_dim3A_145 = arith.constant 17 : i32
      %broadcast_in_dim3A_146 = vector.broadcast %broadcast_in_dim3A_145 : i32 to vector<16xi32>
      %gather3A_147 = tpu.vector_load_idx %arg9[%add3A_42, %broadcast_in_dim3A_146] : memref<256x32xf32, #tpu.memory_space<vmem>>[vector<16xi32>, vector<16xi32>], vector<16xf32>,
      %gather3A_148 = tpu.vector_load_idx %arg10[%add3A_42, %broadcast_in_dim3A_146] : memref<256x32xf32, #tpu.memory_space<vmem>>[vector<16xi32>, vector<16xi32>], vector<16xf32>,
      %mul3A_149 = arith.mulf %gather3A_147, %gather3A_148 : vector<16xf32>
      %add3A_150 = arith.addf %add3A_144, %mul3A_149 : vector<16xf32>
      %broadcast_in_dim3A_151 = arith.constant 18 : i32
      %broadcast_in_dim3A_152 = vector.broadcast %broadcast_in_dim3A_151 : i32 to vector<16xi32>
      %gather3A_153 = tpu.vector_load_idx %arg9[%add3A_42, %broadcast_in_dim3A_152] : memref<256x32xf32, #tpu.memory_space<vmem>>[vector<16xi32>, vector<16xi32>], vector<16xf32>,
      %gather3A_154 = tpu.vector_load_idx %arg10[%add3A_42, %broadcast_in_dim3A_152] : memref<256x32xf32, #tpu.memory_space<vmem>>[vector<16xi32>, vector<16xi32>], vector<16xf32>,
      %mul3A_155 = arith.mulf %gather3A_153, %gather3A_154 : vector<16xf32>
      %add3A_156 = arith.addf %add3A_150, %mul3A_155 : vector<16xf32>
      %broadcast_in_dim3A_157 = arith.constant 19 : i32
      %broadcast_in_dim3A_158 = vector.broadcast %broadcast_in_dim3A_157 : i32 to vector<16xi32>
      %gather3A_159 = tpu.vector_load_idx %arg9[%add3A_42, %broadcast_in_dim3A_158] : memref<256x32xf32, #tpu.memory_space<vmem>>[vector<16xi32>, vector<16xi32>], vector<16xf32>,
      %gather3A_160 = tpu.vector_load_idx %arg10[%add3A_42, %broadcast_in_dim3A_158] : memref<256x32xf32, #tpu.memory_space<vmem>>[vector<16xi32>, vector<16xi32>], vector<16xf32>,
      %mul3A_161 = arith.mulf %gather3A_159, %gather3A_160 : vector<16xf32>
      %add3A_162 = arith.addf %add3A_156, %mul3A_161 : vector<16xf32>
      %broadcast_in_dim3A_163 = arith.constant 20 : i32
      %broadcast_in_dim3A_164 = vector.broadcast %broadcast_in_dim3A_163 : i32 to vector<16xi32>
      %gather3A_165 = tpu.vector_load_idx %arg9[%add3A_42, %broadcast_in_dim3A_164] : memref<256x32xf32, #tpu.memory_space<vmem>>[vector<16xi32>, vector<16xi32>], vector<16xf32>,
      %gather3A_166 = tpu.vector_load_idx %arg10[%add3A_42, %broadcast_in_dim3A_164] : memref<256x32xf32, #tpu.memory_space<vmem>>[vector<16xi32>, vector<16xi32>], vector<16xf32>,
      %mul3A_167 = arith.mulf %gather3A_165, %gather3A_166 : vector<16xf32>
      %add3A_168 = arith.addf %add3A_162, %mul3A_167 : vector<16xf32>
      %broadcast_in_dim3A_169 = arith.constant 21 : i32
      %broadcast_in_dim3A_170 = vector.broadcast %broadcast_in_dim3A_169 : i32 to vector<16xi32>
      %gather3A_171 = tpu.vector_load_idx %arg9[%add3A_42, %broadcast_in_dim3A_170] : memref<256x32xf32, #tpu.memory_space<vmem>>[vector<16xi32>, vector<16xi32>], vector<16xf32>,
      %gather3A_172 = tpu.vector_load_idx %arg10[%add3A_42, %broadcast_in_dim3A_170] : memref<256x32xf32, #tpu.memory_space<vmem>>[vector<16xi32>, vector<16xi32>], vector<16xf32>,
      %mul3A_173 = arith.mulf %gather3A_171, %gather3A_172 : vector<16xf32>
      %add3A_174 = arith.addf %add3A_168, %mul3A_173 : vector<16xf32>
      %broadcast_in_dim3A_175 = arith.constant 22 : i32
      %broadcast_in_dim3A_176 = vector.broadcast %broadcast_in_dim3A_175 : i32 to vector<16xi32>
      %gather3A_177 = tpu.vector_load_idx %arg9[%add3A_42, %broadcast_in_dim3A_176] : memref<256x32xf32, #tpu.memory_space<vmem>>[vector<16xi32>, vector<16xi32>], vector<16xf32>,
      %gather3A_178 = tpu.vector_load_idx %arg10[%add3A_42, %broadcast_in_dim3A_176] : memref<256x32xf32, #tpu.memory_space<vmem>>[vector<16xi32>, vector<16xi32>], vector<16xf32>,
      %mul3A_179 = arith.mulf %gather3A_177, %gather3A_178 : vector<16xf32>
      %add3A_180 = arith.addf %add3A_174, %mul3A_179 : vector<16xf32>
      %broadcast_in_dim3A_181 = arith.constant 23 : i32
      %broadcast_in_dim3A_182 = vector.broadcast %broadcast_in_dim3A_181 : i32 to vector<16xi32>
      %gather3A_183 = tpu.vector_load_idx %arg9[%add3A_42, %broadcast_in_dim3A_182] : memref<256x32xf32, #tpu.memory_space<vmem>>[vector<16xi32>, vector<16xi32>], vector<16xf32>,
      %gather3A_184 = tpu.vector_load_idx %arg10[%add3A_42, %broadcast_in_dim3A_182] : memref<256x32xf32, #tpu.memory_space<vmem>>[vector<16xi32>, vector<16xi32>], vector<16xf32>,
      %mul3A_185 = arith.mulf %gather3A_183, %gather3A_184 : vector<16xf32>
      %add3A_186 = arith.addf %add3A_180, %mul3A_185 : vector<16xf32>
      %broadcast_in_dim3A_187 = arith.constant 24 : i32
      %broadcast_in_dim3A_188 = vector.broadcast %broadcast_in_dim3A_187 : i32 to vector<16xi32>
      %gather3A_189 = tpu.vector_load_idx %arg9[%add3A_42, %broadcast_in_dim3A_188] : memref<256x32xf32, #tpu.memory_space<vmem>>[vector<16xi32>, vector<16xi32>], vector<16xf32>,
      %gather3A_190 = tpu.vector_load_idx %arg10[%add3A_42, %broadcast_in_dim3A_188] : memref<256x32xf32, #tpu.memory_space<vmem>>[vector<16xi32>, vector<16xi32>], vector<16xf32>,
      %mul3A_191 = arith.mulf %gather3A_189, %gather3A_190 : vector<16xf32>
      %add3A_192 = arith.addf %add3A_186, %mul3A_191 : vector<16xf32>
      %broadcast_in_dim3A_193 = arith.constant 25 : i32
      %broadcast_in_dim3A_194 = vector.broadcast %broadcast_in_dim3A_193 : i32 to vector<16xi32>
      %gather3A_195 = tpu.vector_load_idx %arg9[%add3A_42, %broadcast_in_dim3A_194] : memref<256x32xf32, #tpu.memory_space<vmem>>[vector<16xi32>, vector<16xi32>], vector<16xf32>,
      %gather3A_196 = tpu.vector_load_idx %arg10[%add3A_42, %broadcast_in_dim3A_194] : memref<256x32xf32, #tpu.memory_space<vmem>>[vector<16xi32>, vector<16xi32>], vector<16xf32>,
      %mul3A_197 = arith.mulf %gather3A_195, %gather3A_196 : vector<16xf32>
      %add3A_198 = arith.addf %add3A_192, %mul3A_197 : vector<16xf32>
      %broadcast_in_dim3A_199 = arith.constant 26 : i32
      %broadcast_in_dim3A_200 = vector.broadcast %broadcast_in_dim3A_199 : i32 to vector<16xi32>
      %gather3A_201 = tpu.vector_load_idx %arg9[%add3A_42, %broadcast_in_dim3A_200] : memref<256x32xf32, #tpu.memory_space<vmem>>[vector<16xi32>, vector<16xi32>], vector<16xf32>,
      %gather3A_202 = tpu.vector_load_idx %arg10[%add3A_42, %broadcast_in_dim3A_200] : memref<256x32xf32, #tpu.memory_space<vmem>>[vector<16xi32>, vector<16xi32>], vector<16xf32>,
      %mul3A_203 = arith.mulf %gather3A_201, %gather3A_202 : vector<16xf32>
      %add3A_204 = arith.addf %add3A_198, %mul3A_203 : vector<16xf32>
      %broadcast_in_dim3A_205 = arith.constant 27 : i32
      %broadcast_in_dim3A_206 = vector.broadcast %broadcast_in_dim3A_205 : i32 to vector<16xi32>
      %gather3A_207 = tpu.vector_load_idx %arg9[%add3A_42, %broadcast_in_dim3A_206] : memref<256x32xf32, #tpu.memory_space<vmem>>[vector<16xi32>, vector<16xi32>], vector<16xf32>,
      %gather3A_208 = tpu.vector_load_idx %arg10[%add3A_42, %broadcast_in_dim3A_206] : memref<256x32xf32, #tpu.memory_space<vmem>>[vector<16xi32>, vector<16xi32>], vector<16xf32>,
      %mul3A_209 = arith.mulf %gather3A_207, %gather3A_208 : vector<16xf32>
      %add3A_210 = arith.addf %add3A_204, %mul3A_209 : vector<16xf32>
      %broadcast_in_dim3A_211 = arith.constant 28 : i32
      %broadcast_in_dim3A_212 = vector.broadcast %broadcast_in_dim3A_211 : i32 to vector<16xi32>
      %gather3A_213 = tpu.vector_load_idx %arg9[%add3A_42, %broadcast_in_dim3A_212] : memref<256x32xf32, #tpu.memory_space<vmem>>[vector<16xi32>, vector<16xi32>], vector<16xf32>,
      %gather3A_214 = tpu.vector_load_idx %arg10[%add3A_42, %broadcast_in_dim3A_212] : memref<256x32xf32, #tpu.memory_space<vmem>>[vector<16xi32>, vector<16xi32>], vector<16xf32>,
      %mul3A_215 = arith.mulf %gather3A_213, %gather3A_214 : vector<16xf32>
      %add3A_216 = arith.addf %add3A_210, %mul3A_215 : vector<16xf32>
      %broadcast_in_dim3A_217 = arith.constant 29 : i32
      %broadcast_in_dim3A_218 = vector.broadcast %broadcast_in_dim3A_217 : i32 to vector<16xi32>
      %gather3A_219 = tpu.vector_load_idx %arg9[%add3A_42, %broadcast_in_dim3A_218] : memref<256x32xf32, #tpu.memory_space<vmem>>[vector<16xi32>, vector<16xi32>], vector<16xf32>,
      %gather3A_220 = tpu.vector_load_idx %arg10[%add3A_42, %broadcast_in_dim3A_218] : memref<256x32xf32, #tpu.memory_space<vmem>>[vector<16xi32>, vector<16xi32>], vector<16xf32>,
      %mul3A_221 = arith.mulf %gather3A_219, %gather3A_220 : vector<16xf32>
      %add3A_222 = arith.addf %add3A_216, %mul3A_221 : vector<16xf32>
      %broadcast_in_dim3A_223 = arith.constant 30 : i32
      %broadcast_in_dim3A_224 = vector.broadcast %broadcast_in_dim3A_223 : i32 to vector<16xi32>
      %gather3A_225 = tpu.vector_load_idx %arg9[%add3A_42, %broadcast_in_dim3A_224] : memref<256x32xf32, #tpu.memory_space<vmem>>[vector<16xi32>, vector<16xi32>], vector<16xf32>,
      %gather3A_226 = tpu.vector_load_idx %arg10[%add3A_42, %broadcast_in_dim3A_224] : memref<256x32xf32, #tpu.memory_space<vmem>>[vector<16xi32>, vector<16xi32>], vector<16xf32>,
      %mul3A_227 = arith.mulf %gather3A_225, %gather3A_226 : vector<16xf32>
      %add3A_228 = arith.addf %add3A_222, %mul3A_227 : vector<16xf32>
      %broadcast_in_dim3A_229 = arith.constant 31 : i32
      %broadcast_in_dim3A_230 = vector.broadcast %broadcast_in_dim3A_229 : i32 to vector<16xi32>
      %gather3A_231 = tpu.vector_load_idx %arg9[%add3A_42, %broadcast_in_dim3A_230] : memref<256x32xf32, #tpu.memory_space<vmem>>[vector<16xi32>, vector<16xi32>], vector<16xf32>,
      %gather3A_232 = tpu.vector_load_idx %arg10[%add3A_42, %broadcast_in_dim3A_230] : memref<256x32xf32, #tpu.memory_space<vmem>>[vector<16xi32>, vector<16xi32>], vector<16xf32>,
      %mul3A_233 = arith.mulf %gather3A_231, %gather3A_232 : vector<16xf32>
      %add3A_234 = arith.addf %add3A_228, %mul3A_233 : vector<16xf32>
      %neg3A = arith.constant 0.000000e+00 : f32
      %neg3A_235 = vector.broadcast %neg3A : f32 to vector<16xf32>
      %neg3A_236 = arith.subf %neg3A_235, %add3A_234 : vector<16xf32>
      %exp3A = math.exp %neg3A_236 : vector<16xf32>
      %add3A_237 = arith.constant 1.000000e+00 : f32
      %add3A_238 = vector.broadcast %add3A_237 : f32 to vector<16xf32>
      %add3A_239 = arith.addf %add3A_238, %exp3A : vector<16xf32>
      %div3A = arith.constant 1.000000e+00 : f32
      %div3A_240 = vector.broadcast %div3A : f32 to vector<16xf32>
      %div3A_241 = arith.divf %div3A_240, %add3A_239 : vector<16xf32>
      %mul3A_242 = arith.constant 16 : i32
      %mul3A_243 = arith.muli %scan3A_38, %mul3A_242 : i32
      %add3A_244 = arith.constant 256 : i32
      %add3A_245 = arith.addi %add3A_244, %mul3A_243 : i32
      %swap3A = arith.index_cast %add3A_245 : i32 to index
      %swap3A_246 = tpu.vector_load %arg11[%swap3A] {strides = array<i32>} : memref<512xf32, #tpu.memory_space<vmem>>, vector<16xf32>,
      tpu.vector_store %arg11[%swap3A], %div3A_241 {strides = array<i32>} : memref<512xf32, #tpu.memory_space<vmem>>, vector<16xf32>,
    }
    %scan3A_37 = arith.constant 16 : i32
    "tpu.region"() ({
      %run_scoped3A = tpu.sem_alloc : memref<!tpu.dma_semaphore, #tpu.memory_space<semaphore_mem>>
      %dma_start3A = tpu.memref_slice %arg6[%mul3A_2] : memref<16384xf32, #tpu.memory_space<hbm>> -> memref<512xf32, #tpu.memory_space<hbm>>
      %dma_start3A_38 = tpu.memref_slice %arg6[%mul3A_2] : memref<16384xf32, #tpu.memory_space<hbm>> -> memref<512xf32, #tpu.memory_space<hbm>>
      tpu.enqueue_dma source(%arg11 : memref<512xf32, #tpu.memory_space<vmem>>) target(%dma_start3A_38 : memref<512xf32, #tpu.memory_space<hbm>>) target_semaphore(%run_scoped3A : memref<!tpu.dma_semaphore, #tpu.memory_space<semaphore_mem>>)
      %dma_wait3A = tpu.memref_slice %arg6[%mul3A_2] : memref<16384xf32, #tpu.memory_space<hbm>> -> memref<512xf32, #tpu.memory_space<hbm>>
      %dma_wait3A_39 = tpu.memref_slice %arg6[%mul3A_2] : memref<16384xf32, #tpu.memory_space<hbm>> -> memref<512xf32, #tpu.memory_space<hbm>>
      tpu.wait_dma2 semaphore(%run_scoped3A : memref<!tpu.dma_semaphore, #tpu.memory_space<semaphore_mem>>) src(%arg11 : memref<512xf32, #tpu.memory_space<vmem>>) dst(%dma_wait3A_39 : memref<512xf32, #tpu.memory_space<hbm>>)
      tpu.yield
    }) : () -> ()
    return
  }
}

</mosaic_0001>

<sc_bundles>
// kernel: kernel.3.cloned.1.call-start
scs
__scs_entry_jumppad:
0x0: {  	(pc) =	sbr.rel $0x88, $3  }
0x1: {  	(tag) =	ssettag $0x0;
	lr =	simm.s32 $0x1  }
0x2: {  	[smem:$0x3F9D] =	sst lr;
	_ =	strace $0xD0000000  }
0x3: {  	_ = 	snop  }
0x4: {  	_ = 	snop  }
0x5: {  	_ = 	snop  }
0x6: {  	_ = 	snop  }
0x7: {  	_ = 	snop  }
__scs_overlays_trampoline_lowered:
0x8: {  	[smem:$0x3FAC] =	sst s0  }
0x9: {  	[smem:$0x3FAD] =	sst s1  }
0xa: {  	[smem:$0x3FAE] =	sst s2  }
0xb: {  	[smem:$0x3FAF] =	sst s3  }
0xc: {  	[smem:$0x3FB0] =	sst s4  }
0xd: {  	[smem:$0x3FB1] =	sst s5  }
0xe: {  	[smem:$0x3FB2] =	sst s6  }
0xf: {  	[smem:$0x3FB3] =	sst s7  }
0x10: {  	[smem:$0x3FB4] =	sst s8  }
0x11: {  	[smem:$0x3FB5] =	sst s9;
	s0 =	simm.s32 @!p0 $0x0  }
0x12: {  	s1 =	sld [smem:$0x3F9B];
	s0 =	simm.s32 @p0 $0x1  }
0x13: {  	[smem:$0x3FB6] =	sst s0;
	s0 =	simm.s32 @!p1 $0x0  }
0x14: {  	s2 =	sld [smem:$0x3F9A];
	s0 =	simm.s32 @p1 $0x1  }
0x15: {  	[smem:$0x3FB7] =	sst s0;
	s0 =	simm.s32 @!p2 $0x0  }
0x16: {  	s3 =	sld [smem:$0x3FDB];
	s0 =	simm.s32 @p2 $0x1  }
0x17: {  	s4 =	simm.s32 $0x1BF5;
	[smem:$0x3FB9] =	sst s0  }
0x18: {  	s0 =	sld [smem:$0x3F9C];
	_ =	swait.ge [sflag:s4], $0x0  }
0x19: {  	s7 =	sld [smem:$0x3F9D]  }
0x1a: {  	s8 =	sadd.s32 $0xFFFFE003, lr  }
0x1b: {  	s9 =	sadd.s32 $0xFFFFFEF7, lr;
	s5 =	simm.s32 $0xFFFFFFFF;
	p2 =	slt.u32 s8, $0xFFFFF086  }
0x1c: {  	p1 =	slt.u32 s9, $0xF7A;
	s5 =	simm.s32 @!p2 $0x0  }
0x1d: {  	s5 =	simm.s32 @p1 $0x1;
	p0 =	seq.s32 s7, s2  }
0x1e: {  	s7 =	smul.u32 @!p0 $0xF7A, s2;
	p2 =	seq.s32 @!p0 s5, $0x0  }
0x1f: {  	s9 =	smul.u32 $0xF7A, s1;
	s8 =	simm.s32 @!p0 $0x1BF5;
	p2 =	por !p2, p0  }
0x20: {  	[sflag:s8] =	ssyncset.s32 @!p0 $0xFFFFF086;
	s6 =	sadd.s32 @!p0 s3, s7;
	s7 =	simm.s32 @!p0 $0x108  }
0x21: {  	s3 =	sadd.s32 s3, s9;
	s6 =	sadd.s32 @!p0 $0x88, s6;
	s7 =	simm.s32 @p2 $0x1082  }
0x22: {  	[simem:s7], [sflag:s8] =	dma.local @!p0 [hbm:s6], $0xF7A  }
0x23: {  	s9 =	sor.u32 $0xD0000000, s2;
	s6 =	simm.s32 $0x108;
	_ =	swait.ge @!p0 [sflag:s8], $0x0  }
0x24: {  	s3 =	sadd.s32 $0x88, s3;
	s6 =	simm.s32 @!p1 $0x1082;
	[sflag:s4] =	ssyncset.s32 $0xFFFFF086  }
0x25: {  	[simem:s6], [sflag:s4] =	dma.local [hbm:s3], $0xF7A  }
0x26: {  	[smem:$0x3F9D] =	sst s1;
	(tag) =	ssettag s2;
	_ =	strace s9  }
0x27: {  	s1 =	sld [smem:$0x3FAD]  }
0x28: {  	s2 =	sld [smem:$0x3FAE]  }
0x29: {  	s4 =	sld [smem:$0x3FB0]  }
0x2a: {  	p0 =	seq.s32 s5, $0x0;
	s5 =	sld [smem:$0x3FB1]  }
0x2b: {  	s6 =	sld [smem:$0x3FB2]  }
0x2c: {  	s7 =	sld [smem:$0x3FB3]  }
0x2d: {  	s3 =	simm.s32 $0x108;
	s8 =	sld [smem:$0x3FB4]  }
0x2e: {  	s3 =	simm.s32 @!p0 $0x1082;
	s9 =	sld [smem:$0x3FB5]  }
0x2f: {  	lr =	sadd.s32 s0, s3;
	s0 =	sld [smem:$0x3FAC]  }
0x30: {  	s3 =	sld [smem:$0x3FAF]  }
0x31: {  	[smem:$0x3FB8] =	sst s10  }
0x32: {  	s10 =	sld [smem:$0x3FB6];
	_ =	sdelay $0x3  }
0x33: {  	p0 =	seq.s32 s10, $0x1;
	s10 =	sld [smem:$0x3FB8];
	_ =	sdelay $0x3  }
0x34: {  	[smem:$0x3FB8] =	sst s10  }
0x35: {  	s10 =	sld [smem:$0x3FB7];
	_ =	sdelay $0x3  }
0x36: {  	p1 =	seq.s32 s10, $0x1;
	s10 =	sld [smem:$0x3FB8];
	_ =	sdelay $0x3  }
0x37: {  	[smem:$0x3FB8] =	sst s10  }
0x38: {  	s10 =	sld [smem:$0x3FB9]  }
0x39: {  	_ = 	snop;
	(pc) =	sbr.ind lr, $3  }
0x3a: {  	_ = 	snop  }
0x3b: {  	_ = 	snop  }
0x3c: {  	p2 =	seq.s32 s10, $0x1;
	s10 =	sld [smem:$0x3FB8]  }
0x3d: {  	_ =	shalt  }
0x3e: {  	_ =	shalt  }
0x3f: {  	_ =	shalt  }
0x40: {  	_ =	shalt  }
0x41: {  	_ =	shalt  }
0x42: {  	_ =	shalt  }
0x43: {  	_ =	shalt  }
0x44: {  	_ =	shalt  }
0x45: {  	_ =	shalt  }
0x46: {  	_ =	shalt  }
0x47: {  	_ =	shalt  }
0x48: {  	_ =	shalt  }
0x49: {  	_ =	shalt  }
0x4a: {  	_ =	shalt  }
0x4b: {  	_ =	shalt  }
0x4c: {  	_ =	shalt  }
0x4d: {  	_ =	shalt  }
0x4e: {  	_ =	shalt  }
0x4f: {  	_ =	shalt  }
0x50: {  	_ =	shalt  }
0x51: {  	_ =	shalt  }
0x52: {  	_ =	shalt  }
0x53: {  	_ =	shalt  }
0x54: {  	_ =	shalt  }
0x55: {  	_ =	shalt  }
0x56: {  	_ =	shalt  }
0x57: {  	_ =	shalt  }
0x58: {  	_ =	shalt  }
0x59: {  	_ =	shalt  }
0x5a: {  	_ =	shalt  }
0x5b: {  	_ =	shalt  }
0x5c: {  	_ =	shalt  }
0x5d: {  	_ =	shalt  }
0x5e: {  	_ =	shalt  }
0x5f: {  	_ =	shalt  }
0x60: {  	_ =	shalt  }
0x61: {  	_ =	shalt  }
0x62: {  	_ =	shalt  }
0x63: {  	_ =	shalt  }
0x64: {  	_ =	shalt  }
0x65: {  	_ =	shalt  }
0x66: {  	_ =	shalt  }
0x67: {  	_ =	shalt  }
0x68: {  	_ =	shalt  }
0x69: {  	_ =	shalt  }
0x6a: {  	_ =	shalt  }
0x6b: {  	_ =	shalt  }
0x6c: {  	_ =	shalt  }
0x6d: {  	_ =	shalt  }
0x6e: {  	_ =	shalt  }
0x6f: {  	_ =	shalt  }
0x70: {  	_ =	shalt  }
0x71: {  	_ =	shalt  }
0x72: {  	_ =	shalt  }
0x73: {  	_ =	shalt  }
0x74: {  	_ =	shalt  }
0x75: {  	_ =	shalt  }
0x76: {  	_ =	shalt  }
0x77: {  	_ =	shalt  }
0x78: {  	_ =	shalt  }
0x79: {  	_ =	shalt  }
0x7a: {  	_ =	shalt  }
0x7b: {  	_ =	shalt  }
0x7c: {  	_ =	shalt  }
0x7d: {  	_ =	shalt  }
0x7e: {  	_ =	shalt  }
0x7f: {  	_ =	shalt  }
0x80: {  	_ =	shalt  }
0x81: {  	_ =	shalt  }
0x82: {  	_ =	shalt  }
0x83: {  	_ =	shalt  }
0x84: {  	_ =	shalt  }
0x85: {  	_ =	shalt  }
0x86: {  	_ =	shalt  }
0x87: {  	_ =	shalt  }
.Lfunc_end0:
.L_simem_size_0:
called_computation_lowered:
.L_overlay_start_0:
0x88: {  	s2 =	sld [smem:$0x3FD9]  }
0x89: {  	s3 =	sld [smem:$0x3FFE];
	_ =	sdelay $0x1  }
0x8a: {  	s1 =	srdreg.scid  }
0x8b: {  	s0 =	sand.u32 $0x1, s1  }
0x8c: {  	s17 =	sshll.u32 s0, $0xA;
	s2 =	sadd.s32 s3, s2  }
0x8d: {  	s2 =	sadd.s32 s2, s17  }
0x8e: {  	[smem:$0x3FC4] =	sst s2  }
0x8f: {  	_ = 	snop  }
0x90: {  	s2 =	sld [smem:$0x3FC9]  }
0x91: {  	s18 =	sld [smem:$0x3FC8]  }
0x92: {  	s4 =	sld [smem:$0x3FD0];
	(tm) =	ssettm $0x1  }
0x93: {  	s5 =	sld [smem:$0x3FFB];
	_ =	sdelay $0x3  }
0x94: {  	_ =	strace s5  }
0x95: {  	s5 =	sld [smem:$0x3FFC];
	_ =	sdelay $0x3  }
0x96: {  	_ =	strace s5  }
0x97: {  	s5 =	sld [smem:$0x3FFD];
	_ =	sdelay $0x3  }
0x98: {  	_ =	strace s5  }
0x99: {  	_ =	strace $0x8FFFFFFF  }
0x9a: {  	s19 =	sld [smem:$0x3FDB];
	_ =	sdelay $0x1  }
0x9b: {  	s6 =	simm.s32 $_scs_section_size  }
0x9c: {  	s7 =	simm.s32 $_size__tile_overlayer_lowered;
	s8 =	simm.s32 $_tile_overlayer_lowered  }
0x9d: {  	s22 =	simm.s32 $0x1BFF;
	s21 =	sshll.u32 s8, $0x1;
	s5 =	sadd.s32 s6, s19  }
0x9e: {  	s9 =	simm.s32 $0x0;
	s20 =	sshll.u32 s7, $0x1;
	s7 =	sadd.s32 s21, s5  }
0x9f: {  	[timem:s9], [sflag:s22] =	dma.local [hbm:s7], s20  }
0xa0: {  	_ =	swait.ge [sflag:s22], s20  }
0xa1: {  	s6 =	ssub.s32 $0x0, s20;
	[sflag:s22] =	ssyncset.done $0x0  }
0xa2: {  	[sflag:s22] =	ssyncadd.s32 s6;
	_ =	sdelay $0x1  }
0xa3: {  	s23 =	simm.s32 $0x1B8B  }
0xa4: {  	_ =	swait.ge [sflag:s23], $0x1  }
0xa5: {  	[sflag:s23] =	ssyncset.done $0x0  }
0xa6: {  	s25 =	simm.s32 $0x1B8E;
	s24 =	sld [smem:$0x3FFE];
	[sflag:s23] =	ssyncadd.s32 $0xFFFFFFFF  }
0xa7: {  	s26 =	simm.s32 $execute0_lowered;
	[smem:$0x3FD2] =	sst s25  }
0xa8: {  	s7 =	sshll.u32 s26, $0x1;
	_ =	strace $0x80000046;
	[dreg:$0x1] =	wrdreg $0xFFFFFFFF  }
0xa9: {  	s28 =	simm.s32 $_size_execute0_lowered;
	s5 =	sadd.s32 s5, s7;
	[dreg:$0x0] =	wrdreg $0x0  }
0xaa: {  	s7 =	sshll.u32 s28, $0x1;
	[dreg:$0x2] =	wrdreg s5  }
0xab: {  	[dreg:$0x3] =	wrdreg s7  }
0xac: {  	[dreg:$0x4] =	wrdreg $0xC0  }
0xad: {  	_ =	task [dreg:s9], $0x5FFFF  }
0xae: {  	[dreg:$0x1] =	wrdreg $0xFFFFFFFF  }
0xaf: {  	[dreg:$0x0] =	wrdreg $0x60  }
0xb0: {  	[dreg:$0x2] =	wrdreg s2  }
0xb1: {  	[dreg:$0x3] =	wrdreg s18  }
0xb2: {  	[dreg:$0x4] =	wrdreg s24  }
0xb3: {  	[dreg:$0x5] =	wrdreg s4  }
0xb4: {  	[dreg:$0x6] =	wrdreg $0x9  }
0xb5: {  	_ =	task.clear_ibuf [dreg:s9], $0x7FFFF;
	_ =	strace $0x90000046  }
0xb6: {  	s29 =	simm.s32 $0x9;
	_ =	strace $0x80000048  }
0xb7: {  	_ =	swait.ge [sflag:s29], $0x1  }
0xb8: {  	[sflag:s29] =	ssyncadd.s32 $0xFFFFFFFF  }
0xb9: {  	_ =	strace $0x90000048  }
0xba: {  	_ =	sfence  }
0xbb: {  	s30 =	sld [smem:$0x0];
	_ =	sdelay $0x2  }
0xbc: {  	s31 =	sshll.u32 s1, $0xD;
	s1 =	sshrl.u32 s1, $0x2  }
0xbd: {  	s3 =	sand.u32 $0x4000, s31;
	s1 =	sadd.s32 s1, s30  }
0xbe: {  	s0 =	sor.u32 s3, s0;
	s1 =	sshll.u32 s1, $0x11  }
0xbf: {  	s0 =	sor.u32 s1, s0  }
0xc0: {  	s0 =	sadd.s32 $0x8F2B, s0  }
0xc1: {  	[sflag:s0] =	ssyncadd.remote.s32 $0x1  }
0xc2: {  	_ =	sfence.sel $0xFFFF  }
0xc3: {  	[dreg:$0x0] =	wrdreg $0xFFFFFFFF;
	(pc) =	sbr.abs _section_cstart, $3  }
0xc4: {  	[dreg:$0x1] =	wrdreg $0xFFFFFFFF  }
0xc5: {  	_ =	task.clear_ibuf [dreg:s9], $0x2FFFF;
	_ =	strace $0x9FFFFFFF  }
0xc6: {  	(tm) =	ssettm $0x7FFFFFFF  }
0xc7: {  	_ =	shalt  }
tec
execute0_lowered:
.L_overlay_start_1:
0x0: {  	(tag) =	ssettag $0x1  }
0x1: {  	s0 =	rddreg [dreg:$0x0]  }
0x2: {  	s1 =	rddreg [dreg:$0x1]  }
0x3: {  	s2 =	rddreg [dreg:$0x2]  }
0x4: {  	s3 =	rddreg [dreg:$0x3];
	s11 =	simm.s32 $0x0;
	s4 =	srdreg.scid  }
0x5: {  	s6 =	stileid.u32;
	[smem:$0x7FF] =	sst s11  }
0x6: {  	s12 =	sadd.s32 $0x400, s2;
	s4 =	sand.u32 $0x1, s4;
	s6 =	sshll.u32 s6, $0x7  }
0x7: {  	s13 =	sadd.s32 $0xF42800, s2;
	s5 =	ssub.s32 $0x2, s4;
	s4 =	sshll.u32 s4, $0x6  }
0x8: {  	_ =	strace $0x80000047;
	[dreg:$0x5] =	wrdreg s12;
	s4 =	sor.u32 s4, s6  }
0x9: {  	[dreg:$0x6] =	wrdreg s13;
	s0 =	sadd.s32 s0, s4  }
0xa: {  	s28 =	sshrl.u32 s5, $0x1;
	s29 =	sadd.s32 s1, s4;
	[dreg:$0x15] =	wrdreg s0  }
0xb: {  	v0 =	vlaneseq.u32;
	s2 =	ssub.s32 s5, s28;
	s30 =	sadd.s32 s3, s4;
	[dreg:$0x16] =	wrdreg s29  }
0xc: {  	v0 =	vmul.u32 $0x80, v0;
	[dreg:$0x17] =	wrdreg s30;
	s31 =	smax.u32 s2, $0x1  }
0xd: {  	s1 =	simm.s32 $0x0;
	s2 =	simm.s32 $0x9;
	[dreg:$0x18] =	wrdreg s31  }
.LBB2_1:
0xe: {  	[dreg:$0x19] =	wrdreg s1  }
0xf: {  	s0 =	rddreg [dreg:$0x15]  }
0x10: {  	[tilespmem:s11], [sflag:$0x9] =	stream.linear.gather [hbm4b:s0+s11], $0x200, $0x38;
	[tilespmem:$0x10600] =	vst v63  }
0x11: {  	_ =	swait.ge [sflag:s2], $0x200  }
0x12: {  	[sflag:s2] =	ssyncset.done $0x0  }
0x13: {  	s14 =	simm.s32 $0x200;
	s15 =	rddreg [dreg:$0x16];
	[sflag:s2] =	ssyncadd.s32 $0xFFFFFE00  }
0x14: {  	[tilespmem:s14], [sflag:$0x9] =	stream.linear.gather [hbm4b:s15+s11], $0x200, $0x38;
	[tilespmem:$0x10600] =	vst v63  }
0x15: {  	_ =	swait.ge [sflag:s2], $0x200  }
0x16: {  	[sflag:s2] =	ssyncset.done $0x0  }
0x17: {  	[sflag:s2] =	ssyncadd.s32 $0xFFFFFE00  }
0x18: {  	v1 =	vld [tilespmem:s11+$0x0]  }
0x19: {  	v3 =	vld [tilespmem:s14+$0x0];
	_ =	sdelay $0x3  }
0x1a: {  	v2 =	vshll.u32 v1, $0x4  }
0x1b: {  	v1 =	vshll.u32 v3, $0x4;
	(v2sf) =	vpush v2, $0x0  }
0x1c: {  	(v2sf) =	vpush v1, $0x0  }
0x1d: {  	(v2sf) =	vpush v2, $0x1;
	_ =	sdelay $0x2  }
0x1e: {  	(v2sf) =	vpush v1, $0x1;
	_ =	sdelay $0x1  }
0x1f: {  	(v2sf) =	vpush v2, $0x2;
	_ =	sdelay $0x1  }
0x20: {  	(v2sf) =	vpush v1, $0x2  }
0x21: {  	s23 =	simm.s32 $0x2000  }
0x22: {  	s22 =	simm.s32 $0x0;
	s3 =	simm.s32 $0x8400;
	s1 =	simm.s32 $0x880;
	(v2sf) =	vpush v2, $0x3  }
0x23: {  	s4 =	simm.s32 $0x400;
	s10 =	simm.s32 $0x600;
	s7 =	simm.s32 $0x580  }
0x24: {  	s18 =	simm.s32 $0x480;
	s21 =	simm.s32 $0x8480;
	s25 =	simm.s32 $0x500  }
0x25: {  	s28 =	simm.s32 $0x10;
	s29 =	simm.s32 $0x210;
	s31 =	simm.s32 $0xB00  }
0x26: {  	s30 =	simm.s32 $0x8B00;
	s0 =	simm.s32 $0x8900;
	s5 =	spop (v2sf);
	(v2sf) =	vpush v1, $0x3  }
0x27: {  	s2 =	simm.s32 $0x680;
	s5 =	sand.u32 $0x1FFFFFF0, s5;
	s8 =	spop (v2sf)  }
0x28: {  	s14 =	simm.s32 $0x8500;
	(v2sf) =	vpush v2, $0x4;
	s5 =	sadd.s32 s12, s5;
	s17 =	spop (v2sf)  }
0x29: {  	(v2sf) =	vpush v1, $0x4;
	[tilespmem:s4], [sflag:$0x1] =	stream.linear.gather [hbm4b:s5+s11], $0x80, $0x38;
	[tilespmem:$0x10600] =	vst v63  }
0x2a: {  	s16 =	sand.u32 $0x1FFFFFF0, s8;
	s4 =	simm.s32 $0x8580;
	s8 =	sand.u32 $0x1FFFFFF0, s17  }
0x2b: {  	s5 =	sadd.s32 s13, s16;
	s9 =	spop (v2sf);
	(v2sf) =	vpush v2, $0x5;
	s19 =	sadd.s32 s12, s8  }
0x2c: {  	[tilespmem:s3], [sflag:$0x2] =	stream.linear.gather [hbm4b:s5+s11], $0x80, $0x38;
	[tilespmem:$0x10600] =	vst v63  }
0x2d: {  	s20 =	sand.u32 $0x1FFFFFF0, s9;
	s24 =	spop (v2sf);
	s9 =	simm.s32 $0xA80  }
0x2e: {  	(v2sf) =	vpush v1, $0x5;
	[tilespmem:s18], [sflag:$0x3] =	stream.linear.gather [hbm4b:s19+s11], $0x80, $0x38;
	[tilespmem:$0x10600] =	vst v63  }
0x2f: {  	s8 =	sadd.s32 s13, s20;
	(v2sf) =	vpush v2, $0x6;
	s5 =	sand.u32 $0x1FFFFFF0, s24;
	s26 =	spop (v2sf)  }
0x30: {  	[tilespmem:s21], [sflag:$0x4] =	stream.linear.gather [hbm4b:s8+s11], $0x80, $0x38;
	[tilespmem:$0x10600] =	vst v63  }
0x31: {  	s5 =	sadd.s32 s12, s5;
	s6 =	spop (v2sf);
	s8 =	sand.u32 $0x1FFFFFF0, s26  }
0x32: {  	[tilespmem:s25], [sflag:$0x5] =	stream.linear.gather [hbm4b:s5+s11], $0x80, $0x38;
	[tilespmem:$0x10600] =	vst v63  }
0x33: {  	(v2sf) =	vpush v1, $0x6;
	s16 =	sand.u32 $0x1FFFFFF0, s6;
	s19 =	simm.s32 $0x8600;
	s15 =	sadd.s32 s13, s8  }
0x34: {  	[tilespmem:s14], [sflag:$0x6] =	stream.linear.gather [hbm4b:s15+s11], $0x80, $0x38;
	[tilespmem:$0x10600] =	vst v63  }
0x35: {  	s6 =	simm.s32 $0x8680;
	s18 =	sadd.s32 s12, s16;
	s17 =	spop (v2sf)  }
0x36: {  	[tilespmem:s7], [sflag:$0x7] =	stream.linear.gather [hbm4b:s18+s11], $0x80, $0x38;
	[tilespmem:$0x10600] =	vst v63  }
0x37: {  	s26 =	simm.s32 $0x8A00;
	(v2sf) =	vpush v2, $0x7;
	s3 =	sand.u32 $0x1FFFFFF0, s17;
	s20 =	spop (v2sf)  }
0x38: {  	s3 =	sadd.s32 s13, s3;
	s7 =	sand.u32 $0x1FFFFFF0, s20;
	s21 =	spop (v2sf)  }
0x39: {  	(v2sf) =	vpush v1, $0x7;
	[tilespmem:s4], [sflag:$0x8] =	stream.linear.gather [hbm4b:s3+s11], $0x80, $0x38;
	[tilespmem:$0x10600] =	vst v63  }
0x3a: {  	(v2sf) =	vpush v2, $0x8;
	s24 =	sadd.s32 s12, s7;
	s25 =	sand.u32 $0x1FFFFFF0, s21;
	s8 =	spop (v2sf)  }
0x3b: {  	s21 =	simm.s32 $0x8700;
	s4 =	sadd.s32 s13, s25;
	s14 =	sand.u32 $0x1FFFFFF0, s8  }
0x3c: {  	(v2sf) =	vpush v1, $0x8;
	[tilespmem:s10], [sflag:$0x1] =	stream.linear.gather [hbm4b:s24+s11], $0x80, $0x38;
	[tilespmem:$0x10600] =	vst v63  }
0x3d: {  	s15 =	spop (v2sf);
	s8 =	simm.s32 $0x8A80;
	s10 =	simm.s32 $0x700  }
0x3e: {  	(v2sf) =	vpush v2, $0x9;
	s5 =	sadd.s32 s12, s14;
	s16 =	sand.u32 $0x1FFFFFF0, s15;
	s17 =	spop (v2sf)  }
0x3f: {  	[tilespmem:s19], [sflag:$0x2] =	stream.linear.gather [hbm4b:s4+s11], $0x80, $0x38;
	[tilespmem:$0x10600] =	vst v63  }
0x40: {  	(v2sf) =	vpush v1, $0x9;
	s14 =	simm.s32 $0x800;
	s18 =	sadd.s32 s13, s16;
	s7 =	sand.u32 $0x1FFFFFF0, s17  }
0x41: {  	[tilespmem:s2], [sflag:$0x3] =	stream.linear.gather [hbm4b:s5+s11], $0x80, $0x38;
	[tilespmem:$0x10600] =	vst v63  }
0x42: {  	(v2sf) =	vpush v2, $0xA;
	s17 =	simm.s32 $0x8800;
	s19 =	spop (v2sf);
	s20 =	sadd.s32 s12, s7  }
0x43: {  	[tilespmem:s6], [sflag:$0x4] =	stream.linear.gather [hbm4b:s18+s11], $0x80, $0x38;
	[tilespmem:$0x10600] =	vst v63  }
0x44: {  	(v2sf) =	vpush v1, $0xA;
	s4 =	simm.s32 $0x780;
	s7 =	simm.s32 $0x8780;
	s3 =	sand.u32 $0x1FFFFFF0, s19  }
0x45: {  	[tilespmem:s10], [sflag:$0x5] =	stream.linear.gather [hbm4b:s20+s11], $0x80, $0x38;
	[tilespmem:$0x10600] =	vst v63  }
0x46: {  	s3 =	sadd.s32 s13, s3;
	s20 =	simm.s32 $0x8880;
	s24 =	spop (v2sf);
	(v2sf) =	vpush v2, $0xB  }
0x47: {  	[tilespmem:s21], [sflag:$0x6] =	stream.linear.gather [hbm4b:s3+s11], $0x80, $0x38;
	[tilespmem:$0x10600] =	vst v63  }
0x48: {  	s5 =	sand.u32 $0x1FFFFFF0, s24;
	s25 =	spop (v2sf);
	(v2sf) =	vpush v1, $0xB;
	s24 =	simm.s32 $0x900  }
0x49: {  	s5 =	sadd.s32 s12, s5;
	s6 =	sand.u32 $0x1FFFFFF0, s25;
	s10 =	spop (v2sf)  }
0x4a: {  	[tilespmem:s4], [sflag:$0x7] =	stream.linear.gather [hbm4b:s5+s11], $0x80, $0x38;
	[tilespmem:$0x10600] =	vst v63  }
0x4b: {  	s5 =	sadd.s32 s13, s6;
	s4 =	sand.u32 $0x1FFFFFF0, s10;
	s15 =	spop (v2sf)  }
0x4c: {  	(v2sf) =	vpush v2, $0xC;
	[tilespmem:s7], [sflag:$0x8] =	stream.linear.gather [hbm4b:s5+s11], $0x80, $0x38;
	[tilespmem:$0x10600] =	vst v63  }
0x4d: {  	s4 =	sadd.s32 s12, s4;
	s16 =	spop (v2sf);
	s5 =	sand.u32 $0x1FFFFFF0, s15  }
0x4e: {  	(v2sf) =	vpush v1, $0xC;
	[tilespmem:s14], [sflag:$0x1] =	stream.linear.gather [hbm4b:s4+s11], $0x80, $0x38;
	[tilespmem:$0x10600] =	vst v63  }
0x4f: {  	s19 =	sand.u32 $0x1FFFFFF0, s16;
	s21 =	spop (v2sf);
	s18 =	sadd.s32 s13, s5  }
0x50: {  	[tilespmem:s17], [sflag:$0x2] =	stream.linear.gather [hbm4b:s18+s11], $0x80, $0x38;
	[tilespmem:$0x10600] =	vst v63  }
0x51: {  	s5 =	sadd.s32 s12, s19;
	s25 =	spop (v2sf);
	s4 =	sand.u32 $0x1FFFFFF0, s21  }
0x52: {  	[tilespmem:s1], [sflag:$0x3] =	stream.linear.gather [hbm4b:s5+s11], $0x80, $0x38;
	[tilespmem:$0x10600] =	vst v63  }
0x53: {  	s6 =	spop (v2sf);
	s4 =	sadd.s32 s13, s4;
	s5 =	sand.u32 $0x1FFFFFF0, s25  }
0x54: {  	[tilespmem:s20], [sflag:$0x4] =	stream.linear.gather [hbm4b:s4+s11], $0x80, $0x38;
	[tilespmem:$0x10600] =	vst v63  }
0x55: {  	s14 =	sand.u32 $0x1FFFFFF0, s6;
	s10 =	sadd.s32 s12, s5;
	s15 =	spop (v2sf)  }
0x56: {  	[tilespmem:s24], [sflag:$0x5] =	stream.linear.gather [hbm4b:s10+s11], $0x80, $0x38;
	[tilespmem:$0x10600] =	vst v63  }
0x57: {  	s16 =	sadd.s32 s13, s14;
	s17 =	sand.u32 $0x1FFFFFF0, s15;
	s18 =	spop (v2sf)  }
0x58: {  	(v2sf) =	vpush v2, $0xD;
	[tilespmem:s0], [sflag:$0x6] =	stream.linear.gather [hbm4b:s16+s11], $0x80, $0x38;
	[tilespmem:$0x10600] =	vst v63  }
0x59: {  	s19 =	simm.s32 $0x980;
	(v2sf) =	vpush v1, $0xD;
	s20 =	sadd.s32 s12, s17;
	s21 =	sand.u32 $0x1FFFFFF0, s18  }
0x5a: {  	(v2sf) =	vpush v2, $0xE;
	[tilespmem:s19], [sflag:$0x7] =	stream.linear.gather [hbm4b:s20+s11], $0x80, $0x38;
	[tilespmem:$0x10600] =	vst v63  }
0x5b: {  	s2 =	simm.s32 $0x8980;
	s24 =	sadd.s32 s13, s21;
	(v2sf) =	vpush v1, $0xE;
	s25 =	spop (v2sf)  }
0x5c: {  	(v2sf) =	vpush v2, $0xF;
	[tilespmem:s2], [sflag:$0x8] =	stream.linear.gather [hbm4b:s24+s11], $0x80, $0x38;
	[tilespmem:$0x10600] =	vst v63  }
0x5d: {  	s0 =	simm.s32 $0xA00;
	s1 =	sand.u32 $0x1FFFFFF0, s25;
	(v2sf) =	vpush v1, $0xF;
	s2 =	spop (v2sf)  }
.LBB2_2:
0x5e: {  	_ =	sdelay $0x4  }
0x5f: {  	s1 =	sadd.s32 s12, s1;
	s2 =	sand.u32 $0x1FFFFFF0, s2  }
0x60: {  	[tilespmem:s0], [sflag:$0x1] =	stream.linear.gather [hbm4b:s1+s11], $0x80, $0x38;
	[tilespmem:$0x10600] =	vst v63  }
0x61: {  	s4 =	sadd.s32 s13, s2  }
0x62: {  	[tilespmem:s26], [sflag:$0x2] =	stream.linear.gather [hbm4b:s4+s11], $0x80, $0x38;
	[tilespmem:$0x10600] =	vst v63  }
0x63: {  	s3 =	spop (v2sf)  }
0x64: {  	s5 =	sand.u32 $0x1FFFFFF0, s3;
	s6 =	spop (v2sf)  }
0x65: {  	s7 =	sadd.s32 s12, s5;
	s10 =	sand.u32 $0x1FFFFFF0, s6;
	s14 =	spop (v2sf)  }
0x66: {  	[tilespmem:s9], [sflag:$0x3] =	stream.linear.gather [hbm4b:s7+s11], $0x80, $0x38;
	[tilespmem:$0x10600] =	vst v63  }
0x67: {  	s15 =	sadd.s32 s13, s10;
	s16 =	sand.u32 $0x1FFFFFF0, s14;
	s17 =	spop (v2sf)  }
0x68: {  	[tilespmem:s8], [sflag:$0x4] =	stream.linear.gather [hbm4b:s15+s11], $0x80, $0x38;
	[tilespmem:$0x10600] =	vst v63  }
0x69: {  	s18 =	sadd.s32 s12, s16;
	s19 =	sand.u32 $0x1FFFFFF0, s17;
	s20 =	spop (v2sf)  }
0x6a: {  	[tilespmem:s31], [sflag:$0x5] =	stream.linear.gather [hbm4b:s18+s11], $0x80, $0x38;
	[tilespmem:$0x10600] =	vst v63  }
0x6b: {  	s21 =	sadd.s32 s13, s19;
	s24 =	sand.u32 $0x1FFFFFF0, s20;
	s25 =	spop (v2sf)  }
0x6c: {  	[tilespmem:s30], [sflag:$0x6] =	stream.linear.gather [hbm4b:s21+s11], $0x80, $0x38;
	[tilespmem:$0x10600] =	vst v63  }
0x6d: {  	s26 =	sadd.s32 $0xB80, s22;
	s1 =	sadd.s32 s12, s24;
	s2 =	sand.u32 $0x1FFFFFF0, s25  }
0x6e: {  	[tilespmem:s26], [sflag:$0x7] =	stream.linear.gather [hbm4b:s1+s11], $0x80, $0x38;
	[tilespmem:$0x10600] =	vst v63  }
0x6f: {  	s3 =	sadd.s32 s13, s2;
	s1 =	sadd.s32 $0x8B80, s22  }
0x70: {  	[tilespmem:s1], [sflag:$0x8] =	stream.linear.gather [hbm4b:s3+s11], $0x80, $0x38;
	[tilespmem:$0x10600] =	vst v63  }
0x71: {  	v1 =	vld [tilespmem:s28+$0x0];
	_ =	sdelay $0x1  }
0x72: {  	v3 =	vld [tilespmem:s29+$0x0];
	_ =	sdelay $0x2  }
0x73: {  	v2 =	vshll.u32 v1, $0x4  }
0x74: {  	(v2sf) =	vpush v2, $0x0  }
0x75: {  	v1 =	vshll.u32 v3, $0x4  }
0x76: {  	(v2sf) =	vpush v1, $0x0  }
0x77: {  	s4 =	smov.u32 s23  }
0x78: {  	p0 =	sne.s32 s23, $0x1E000;
	s23 =	sadd.s32 $0x2000, s23;
	s22 =	sshra.s32 s4, $0x2  }
0x79: {  	s25 =	simm.s32 $0x0;
	s10 =	sadd.s32 $0x680, s22;
	s0 =	sadd.s32 $0x880, s22;
	(v2sf) =	vpush v2, $0x1  }
0x7a: {  	s18 =	sadd.s32 $0x400, s22;
	s16 =	sadd.s32 $0x600, s22;
	s5 =	sadd.s32 $0x8900, s22  }
0x7b: {  	s2 =	sadd.s32 $0x580, s22;
	s26 =	sadd.s32 $0x8A00, s22;
	s7 =	sadd.s32 $0x500, s22  }
0x7c: {  	s17 =	sadd.s32 $0x8600, s22;
	s9 =	sadd.s32 $0xA80, s22;
	s4 =	sadd.s32 $0x8480, s22;
	(v2sf) =	vpush v1, $0x1  }
0x7d: {  	s15 =	sadd.s32 $0x8680, s22;
	s14 =	sadd.s32 $0x700, s22;
	s6 =	sadd.s32 $0x8980, s22  }
0x7e: {  	s8 =	sadd.s32 $0x8A80, s22;
	s13 =	sadd.s32 $0x8700, s22;
	[dreg:$0xc] =	wrdreg s0  }
0x7f: {  	s12 =	sadd.s32 $0x900, s22;
	s19 =	sadd.s32 $0x8800, s22;
	[dreg:$0x7] =	wrdreg s5;
	(v2sf) =	vpush v2, $0x2  }
0x80: {  	s21 =	sadd.s32 $0x800, s22;
	s31 =	sadd.s32 $0xB00, s22;
	[dreg:$0x9] =	wrdreg s6  }
0x81: {  	s30 =	sadd.s32 $0x8B00, s22;
	s3 =	sadd.s32 $0x8400, s22;
	[dreg:$0xb] =	wrdreg s8;
	(v2sf) =	vpush v1, $0x2  }
0x82: {  	s1 =	sadd.s32 $0x8580, s22;
	s5 =	sadd.s32 $0x8500, s22;
	[dreg:$0xe] =	wrdreg s12  }
0x83: {  	s11 =	sadd.s32 $0x8880, s22;
	[dreg:$0x13] =	wrdreg s19;
	s20 =	spop (v2sf)  }
0x84: {  	s12 =	sadd.s32 $0x780, s22;
	s6 =	rddreg [dreg:$0x5];
	(v2sf) =	vpush v2, $0x3;
	s24 =	sand.u32 $0x1FFFFFF0, s20  }
0x85: {  	s0 =	sadd.s32 $0xA00, s22;
	s20 =	spop (v2sf);
	s24 =	sadd.s32 s6, s24  }
0x86: {  	(v2sf) =	vpush v1, $0x3;
	[tilespmem:s18], [sflag:$0x1] =	stream.linear.gather [hbm4b:s24+s25], $0x80, $0x38;
	[tilespmem:$0x10600] =	vst v63  }
0x87: {  	s19 =	sadd.s32 $0x480, s22;
	s20 =	sand.u32 $0x1FFFFFF0, s20;
	s24 =	rddreg [dreg:$0x6]  }
0x88: {  	[dreg:$0x10] =	wrdreg s11;
	s6 =	spop (v2sf);
	s18 =	sadd.s32 s24, s20  }
0x89: {  	(v2sf) =	vpush v2, $0x4;
	[tilespmem:s3], [sflag:$0x2] =	stream.linear.gather [hbm4b:s18+s25], $0x80, $0x38;
	[tilespmem:$0x10600] =	vst v63  }
0x8a: {  	s8 =	sadd.s32 $0x980, s22;
	s6 =	sand.u32 $0x1FFFFFF0, s6;
	s18 =	rddreg [dreg:$0x5]  }
0x8b: {  	s11 =	sadd.s32 $0x8780, s22;
	(v2sf) =	vpush v1, $0x4;
	s24 =	spop (v2sf);
	s3 =	sadd.s32 s18, s6  }
0x8c: {  	(v2sf) =	vpush v2, $0x5;
	[tilespmem:s19], [sflag:$0x3] =	stream.linear.gather [hbm4b:s3+s25], $0x80, $0x38;
	[tilespmem:$0x10600] =	vst v63  }
0x8d: {  	s28 =	sadd.s32 $0x10, s28;
	s20 =	sand.u32 $0x1FFFFFF0, s24;
	s19 =	rddreg [dreg:$0x6]  }
0x8e: {  	s29 =	sadd.s32 $0x10, s29;
	(v2sf) =	vpush v1, $0x5;
	s24 =	spop (v2sf);
	s3 =	sadd.s32 s19, s20  }
0x8f: {  	(v2sf) =	vpush v2, $0x6;
	[tilespmem:s4], [sflag:$0x4] =	stream.linear.gather [hbm4b:s3+s25], $0x80, $0x38;
	[tilespmem:$0x10600] =	vst v63  }
0x90: {  	s20 =	sand.u32 $0x1FFFFFF0, s24;
	s24 =	spop (v2sf);
	s4 =	rddreg [dreg:$0x5]  }
0x91: {  	s19 =	rddreg [dreg:$0x6];
	s6 =	sand.u32 $0x1FFFFFF0, s24;
	s3 =	sadd.s32 s4, s20  }
0x92: {  	[tilespmem:s7], [sflag:$0x5] =	stream.linear.gather [hbm4b:s3+s25], $0x80, $0x38;
	[tilespmem:$0x10600] =	vst v63  }
0x93: {  	(v2sf) =	vpush v1, $0x6;
	s18 =	spop (v2sf);
	s4 =	rddreg [dreg:$0x6];
	s3 =	sadd.s32 s19, s6  }
0x94: {  	[tilespmem:s5], [sflag:$0x6] =	stream.linear.gather [hbm4b:s3+s25], $0x80, $0x38;
	[tilespmem:$0x10600] =	vst v63  }
0x95: {  	(v2sf) =	vpush v2, $0x7;
	s20 =	sand.u32 $0x1FFFFFF0, s18;
	s24 =	spop (v2sf);
	s5 =	rddreg [dreg:$0x5]  }
0x96: {  	(v2sf) =	vpush v1, $0x7;
	s7 =	sand.u32 $0x1FFFFFF0, s24;
	s19 =	rddreg [dreg:$0x6];
	s3 =	sadd.s32 s5, s20  }
0x97: {  	[tilespmem:s2], [sflag:$0x7] =	stream.linear.gather [hbm4b:s3+s25], $0x80, $0x38;
	[tilespmem:$0x10600] =	vst v63  }
0x98: {  	s18 =	spop (v2sf);
	s2 =	sadd.s32 s19, s7;
	s7 =	rddreg [dreg:$0x6]  }
0x99: {  	[tilespmem:s1], [sflag:$0x8] =	stream.linear.gather [hbm4b:s2+s25], $0x80, $0x38;
	[tilespmem:$0x10600] =	vst v63  }
0x9a: {  	(v2sf) =	vpush v2, $0x8;
	s20 =	sand.u32 $0x1FFFFFF0, s18;
	s24 =	spop (v2sf);
	s2 =	rddreg [dreg:$0x5]  }
0x9b: {  	s5 =	sand.u32 $0x1FFFFFF0, s24;
	s6 =	spop (v2sf);
	s1 =	sadd.s32 s2, s20  }
0x9c: {  	[tilespmem:s16], [sflag:$0x1] =	stream.linear.gather [hbm4b:s1+s25], $0x80, $0x38;
	[tilespmem:$0x10600] =	vst v63  }
0x9d: {  	s19 =	rddreg [dreg:$0x5];
	(v2sf) =	vpush v1, $0x8;
	s1 =	sadd.s32 s7, s5;
	s18 =	spop (v2sf)  }
0x9e: {  	s16 =	sand.u32 $0x1FFFFFF0, s6;
	s7 =	rddreg [dreg:$0x5];
	s24 =	spop (v2sf)  }
0x9f: {  	(v2sf) =	vpush v2, $0x9;
	[tilespmem:s17], [sflag:$0x2] =	stream.linear.gather [hbm4b:s1+s25], $0x80, $0x38;
	[tilespmem:$0x10600] =	vst v63  }
0xa0: {  	(v2sf) =	vpush v1, $0x9;
	s20 =	sand.u32 $0x1FFFFFF0, s18;
	s1 =	sadd.s32 s19, s16;
	s5 =	sand.u32 $0x1FFFFFF0, s24  }
0xa1: {  	[tilespmem:s10], [sflag:$0x3] =	stream.linear.gather [hbm4b:s1+s25], $0x80, $0x38;
	[tilespmem:$0x10600] =	vst v63  }
0xa2: {  	s16 =	rddreg [dreg:$0x6];
	s1 =	sadd.s32 s4, s20;
	s6 =	spop (v2sf)  }
0xa3: {  	[tilespmem:s15], [sflag:$0x4] =	stream.linear.gather [hbm4b:s1+s25], $0x80, $0x38;
	[tilespmem:$0x10600] =	vst v63  }
0xa4: {  	(v2sf) =	vpush v2, $0xA;
	s19 =	rddreg [dreg:$0x5];
	s10 =	sand.u32 $0x1FFFFFF0, s6;
	s15 =	spop (v2sf)  }
0xa5: {  	s1 =	sadd.s32 s7, s5;
	s17 =	sand.u32 $0x1FFFFFF0, s15;
	s18 =	spop (v2sf)  }
0xa6: {  	(v2sf) =	vpush v1, $0xA;
	[tilespmem:s14], [sflag:$0x5] =	stream.linear.gather [hbm4b:s1+s25], $0x80, $0x38;
	[tilespmem:$0x10600] =	vst v63  }
0xa7: {  	s1 =	sadd.s32 s16, s10;
	s20 =	sand.u32 $0x1FFFFFF0, s18;
	s16 =	rddreg [dreg:$0x13]  }
0xa8: {  	(v2sf) =	vpush v2, $0xB;
	[tilespmem:s13], [sflag:$0x6] =	stream.linear.gather [hbm4b:s1+s25], $0x80, $0x38;
	[tilespmem:$0x10600] =	vst v63  }
0xa9: {  	s24 =	spop (v2sf);
	s13 =	rddreg [dreg:$0x6];
	s1 =	sadd.s32 s19, s17  }
0xaa: {  	(v2sf) =	vpush v1, $0xB;
	[tilespmem:s12], [sflag:$0x7] =	stream.linear.gather [hbm4b:s1+s25], $0x80, $0x38;
	[tilespmem:$0x10600] =	vst v63  }
0xab: {  	s3 =	sand.u32 $0x1FFFFFF0, s24;
	s2 =	sadd.s32 s13, s20;
	s12 =	rddreg [dreg:$0x5]  }
0xac: {  	s20 =	rddreg [dreg:$0xc];
	s4 =	spop (v2sf);
	s5 =	sadd.s32 s12, s3  }
0xad: {  	(v2sf) =	vpush v2, $0xC;
	[tilespmem:s11], [sflag:$0x8] =	stream.linear.gather [hbm4b:s2+s25], $0x80, $0x38;
	[tilespmem:$0x10600] =	vst v63  }
0xae: {  	s6 =	sand.u32 $0x1FFFFFF0, s4;
	s7 =	spop (v2sf);
	s11 =	simm.s32 $0x0  }
0xaf: {  	(v2sf) =	vpush v1, $0xC;
	s10 =	sadd.s32 s13, s6;
	s14 =	sand.u32 $0x1FFFFFF0, s7;
	s15 =	spop (v2sf)  }
0xb0: {  	[tilespmem:s21], [sflag:$0x1] =	stream.linear.gather [hbm4b:s5+s11], $0x80, $0x38;
	[tilespmem:$0x10600] =	vst v63  }
0xb1: {  	s17 =	sadd.s32 s12, s14;
	s14 =	rddreg [dreg:$0xe];
	s18 =	sand.u32 $0x1FFFFFF0, s15  }
0xb2: {  	[tilespmem:s16], [sflag:$0x2] =	stream.linear.gather [hbm4b:s10+s11], $0x80, $0x38;
	[tilespmem:$0x10600] =	vst v63  }
0xb3: {  	s19 =	spop (v2sf);
	s5 =	rddreg [dreg:$0x10];
	s21 =	sadd.s32 s13, s18  }
0xb4: {  	[tilespmem:s20], [sflag:$0x3] =	stream.linear.gather [hbm4b:s17+s11], $0x80, $0x38;
	[tilespmem:$0x10600] =	vst v63  }
0xb5: {  	s24 =	sand.u32 $0x1FFFFFF0, s19;
	s18 =	rddreg [dreg:$0x7];
	s25 =	spop (v2sf)  }
0xb6: {  	[tilespmem:s5], [sflag:$0x4] =	stream.linear.gather [hbm4b:s21+s11], $0x80, $0x38;
	[tilespmem:$0x10600] =	vst v63  }
0xb7: {  	s6 =	sadd.s32 s12, s24;
	s7 =	sand.u32 $0x1FFFFFF0, s25;
	s10 =	spop (v2sf)  }
0xb8: {  	[tilespmem:s14], [sflag:$0x5] =	stream.linear.gather [hbm4b:s6+s11], $0x80, $0x38;
	[tilespmem:$0x10600] =	vst v63  }
0xb9: {  	s25 =	rddreg [dreg:$0x9];
	s15 =	sadd.s32 s13, s7;
	s17 =	spop (v2sf)  }
0xba: {  	(v2sf) =	vpush v2, $0xD;
	[tilespmem:s18], [sflag:$0x6] =	stream.linear.gather [hbm4b:s15+s11], $0x80, $0x38;
	[tilespmem:$0x10600] =	vst v63  }
.Ltmp0:
0xbb: {  	(v2sf) =	vpush v1, $0xD;
	s16 =	sand.u32 $0x1FFFFFF0, s10;
	s20 =	sand.u32 $0x1FFFFFF0, s17;
	(pc) =	sbr.rel @p0 .LBB2_2-.Ltmp0, $4  }
0xbc: {  	(v2sf) =	vpush v2, $0xE;
	s19 =	sadd.s32 s12, s16;
	s21 =	spop (v2sf);
	s24 =	sadd.s32 s13, s20  }
0xbd: {  	(v2sf) =	vpush v1, $0xE;
	[tilespmem:s8], [sflag:$0x7] =	stream.linear.gather [hbm4b:s19+s11], $0x80, $0x38;
	[tilespmem:$0x10600] =	vst v63  }
0xbe: {  	(v2sf) =	vpush v2, $0xF;
	s1 =	sand.u32 $0x1FFFFFF0, s21;
	s2 =	spop (v2sf);
	s8 =	rddreg [dreg:$0xb]  }
0xbf: {  	(v2sf) =	vpush v1, $0xF;
	[tilespmem:s25], [sflag:$0x8] =	stream.linear.gather [hbm4b:s24+s11], $0x80, $0x38;
	[tilespmem:$0x10600] =	vst v63  }
0xc0: {  	_ =	sdelay $0x4  }
0xc1: {  	s1 =	sadd.s32 s12, s1;
	s2 =	sand.u32 $0x1FFFFFF0, s2  }
0xc2: {  	[tilespmem:s0], [sflag:$0x1] =	stream.linear.gather [hbm4b:s1+s11], $0x80, $0x38;
	[tilespmem:$0x10600] =	vst v63  }
0xc3: {  	s7 =	sadd.s32 s13, s2  }
0xc4: {  	[tilespmem:s26], [sflag:$0x2] =	stream.linear.gather [hbm4b:s7+s11], $0x80, $0x38;
	[tilespmem:$0x10600] =	vst v63  }
0xc5: {  	s3 =	spop (v2sf)  }
0xc6: {  	s10 =	sand.u32 $0x1FFFFFF0, s3;
	s14 =	spop (v2sf)  }
0xc7: {  	s15 =	sadd.s32 s12, s10;
	s16 =	sand.u32 $0x1FFFFFF0, s14;
	s17 =	spop (v2sf)  }
0xc8: {  	[tilespmem:s9], [sflag:$0x3] =	stream.linear.gather [hbm4b:s15+s11], $0x80, $0x38;
	[tilespmem:$0x10600] =	vst v63  }
0xc9: {  	s18 =	sadd.s32 s13, s16;
	s19 =	sand.u32 $0x1FFFFFF0, s17;
	s20 =	spop (v2sf)  }
0xca: {  	[tilespmem:s8], [sflag:$0x4] =	stream.linear.gather [hbm4b:s18+s11], $0x80, $0x38;
	[tilespmem:$0x10600] =	vst v63  }
0xcb: {  	s21 =	sadd.s32 s12, s19;
	s23 =	sand.u32 $0x1FFFFFF0, s20;
	s24 =	spop (v2sf)  }
0xcc: {  	[tilespmem:s31], [sflag:$0x5] =	stream.linear.gather [hbm4b:s21+s11], $0x80, $0x38;
	[tilespmem:$0x10600] =	vst v63  }
0xcd: {  	s25 =	sadd.s32 s13, s23;
	s26 =	sand.u32 $0x1FFFFFF0, s24;
	s28 =	spop (v2sf)  }
0xce: {  	[tilespmem:s30], [sflag:$0x6] =	stream.linear.gather [hbm4b:s25+s11], $0x80, $0x38;
	[tilespmem:$0x10600] =	vst v63  }
0xcf: {  	s29 =	sadd.s32 $0xB80, s22;
	s1 =	sadd.s32 s12, s26;
	s2 =	sand.u32 $0x1FFFFFF0, s28  }
0xd0: {  	[tilespmem:s29], [sflag:$0x7] =	stream.linear.gather [hbm4b:s1+s11], $0x80, $0x38;
	[tilespmem:$0x10600] =	vst v63  }
0xd1: {  	s31 =	sadd.s32 s13, s2;
	s30 =	sadd.s32 $0x8B80, s22;
	s1 =	simm.s32 $0x1  }
0xd2: {  	[tilespmem:s30], [sflag:$0x8] =	stream.linear.gather [hbm4b:s31+s11], $0x80, $0x38;
	[tilespmem:$0x10600] =	vst v63  }
0xd3: {  	_ =	swait.ge [sflag:s1], $0x80  }
0xd4: {  	[sflag:s1] =	ssyncset.done $0x0  }
0xd5: {  	s2 =	simm.s32 $0x2;
	[sflag:s1] =	ssyncadd.s32 $0xFFFFFF80  }
0xd6: {  	_ =	swait.ge [sflag:s2], $0x80  }
0xd7: {  	[sflag:s2] =	ssyncset.done $0x0  }
0xd8: {  	s3 =	simm.s32 $0x3;
	[sflag:s2] =	ssyncadd.s32 $0xFFFFFF80  }
0xd9: {  	_ =	swait.ge [sflag:s3], $0x80  }
0xda: {  	[sflag:s3] =	ssyncset.done $0x0  }
0xdb: {  	s4 =	simm.s32 $0x4;
	[sflag:s3] =	ssyncadd.s32 $0xFFFFFF80  }
0xdc: {  	_ =	swait.ge [sflag:s4], $0x80  }
0xdd: {  	[sflag:s4] =	ssyncset.done $0x0  }
0xde: {  	s5 =	simm.s32 $0x5;
	[sflag:s4] =	ssyncadd.s32 $0xFFFFFF80  }
0xdf: {  	_ =	swait.ge [sflag:s5], $0x80  }
0xe0: {  	[sflag:s5] =	ssyncset.done $0x0  }
0xe1: {  	s6 =	simm.s32 $0x6;
	[sflag:s5] =	ssyncadd.s32 $0xFFFFFF80  }
0xe2: {  	_ =	swait.ge [sflag:s6], $0x80  }
0xe3: {  	[sflag:s6] =	ssyncset.done $0x0  }
0xe4: {  	s7 =	simm.s32 $0x7;
	[sflag:s6] =	ssyncadd.s32 $0xFFFFFF80  }
0xe5: {  	_ =	swait.ge [sflag:s7], $0x80  }
0xe6: {  	[sflag:s7] =	ssyncset.done $0x0  }
0xe7: {  	s8 =	simm.s32 $0x8;
	[sflag:s7] =	ssyncadd.s32 $0xFFFFFF80  }
0xe8: {  	_ =	swait.ge [sflag:s8], $0x80  }
0xe9: {  	[sflag:s8] =	ssyncset.done $0x0  }
0xea: {  	[sflag:s8] =	ssyncadd.s32 $0xFFFFFF80  }
0xeb: {  	_ =	swait.ge [sflag:s1], $0x80  }
0xec: {  	[sflag:s1] =	ssyncset.done $0x0  }
0xed: {  	[sflag:s1] =	ssyncadd.s32 $0xFFFFFF80  }
0xee: {  	_ =	swait.ge [sflag:s2], $0x80  }
0xef: {  	[sflag:s2] =	ssyncset.done $0x0  }
0xf0: {  	[sflag:s2] =	ssyncadd.s32 $0xFFFFFF80  }
0xf1: {  	_ =	swait.ge [sflag:s3], $0x80  }
0xf2: {  	[sflag:s3] =	ssyncset.done $0x0  }
0xf3: {  	[sflag:s3] =	ssyncadd.s32 $0xFFFFFF80  }
0xf4: {  	_ =	swait.ge [sflag:s4], $0x80  }
0xf5: {  	[sflag:s4] =	ssyncset.done $0x0  }
0xf6: {  	[sflag:s4] =	ssyncadd.s32 $0xFFFFFF80  }
0xf7: {  	_ =	swait.ge [sflag:s5], $0x80  }
0xf8: {  	[sflag:s5] =	ssyncset.done $0x0  }
0xf9: {  	[sflag:s5] =	ssyncadd.s32 $0xFFFFFF80  }
0xfa: {  	_ =	swait.ge [sflag:s6], $0x80  }
0xfb: {  	[sflag:s6] =	ssyncset.done $0x0  }
0xfc: {  	[sflag:s6] =	ssyncadd.s32 $0xFFFFFF80  }
0xfd: {  	_ =	swait.ge [sflag:s7], $0x80  }
0xfe: {  	[sflag:s7] =	ssyncset.done $0x0  }
0xff: {  	[sflag:s7] =	ssyncadd.s32 $0xFFFFFF80  }
0x100: {  	_ =	swait.ge [sflag:s8], $0x80  }
0x101: {  	[sflag:s8] =	ssyncset.done $0x0  }
0x102: {  	[sflag:s8] =	ssyncadd.s32 $0xFFFFFF80  }
0x103: {  	_ =	swait.ge [sflag:s1], $0x80  }
0x104: {  	[sflag:s1] =	ssyncset.done $0x0  }
0x105: {  	[sflag:s1] =	ssyncadd.s32 $0xFFFFFF80  }
0x106: {  	_ =	swait.ge [sflag:s2], $0x80  }
0x107: {  	[sflag:s2] =	ssyncset.done $0x0  }
0x108: {  	[sflag:s2] =	ssyncadd.s32 $0xFFFFFF80  }
0x109: {  	_ =	swait.ge [sflag:s3], $0x80  }
0x10a: {  	[sflag:s3] =	ssyncset.done $0x0  }
0x10b: {  	[sflag:s3] =	ssyncadd.s32 $0xFFFFFF80  }
0x10c: {  	_ =	swait.ge [sflag:s4], $0x80  }
0x10d: {  	[sflag:s4] =	ssyncset.done $0x0  }
0x10e: {  	[sflag:s4] =	ssyncadd.s32 $0xFFFFFF80  }
0x10f: {  	_ =	swait.ge [sflag:s5], $0x80  }
0x110: {  	[sflag:s5] =	ssyncset.done $0x0  }
0x111: {  	[sflag:s5] =	ssyncadd.s32 $0xFFFFFF80  }
0x112: {  	_ =	swait.ge [sflag:s6], $0x80  }
0x113: {  	[sflag:s6] =	ssyncset.done $0x0  }
0x114: {  	[sflag:s6] =	ssyncadd.s32 $0xFFFFFF80  }
0x115: {  	_ =	swait.ge [sflag:s7], $0x80  }
0x116: {  	[sflag:s7] =	ssyncset.done $0x0  }
0x117: {  	[sflag:s7] =	ssyncadd.s32 $0xFFFFFF80  }
0x118: {  	_ =	swait.ge [sflag:s8], $0x80  }
0x119: {  	[sflag:s8] =	ssyncset.done $0x0  }
0x11a: {  	[sflag:s8] =	ssyncadd.s32 $0xFFFFFF80  }
0x11b: {  	_ =	swait.ge [sflag:s1], $0x80  }
0x11c: {  	[sflag:s1] =	ssyncset.done $0x0  }
0x11d: {  	[sflag:s1] =	ssyncadd.s32 $0xFFFFFF80  }
0x11e: {  	_ =	swait.ge [sflag:s2], $0x80  }
0x11f: {  	[sflag:s2] =	ssyncset.done $0x0  }
0x120: {  	[sflag:s2] =	ssyncadd.s32 $0xFFFFFF80  }
0x121: {  	_ =	swait.ge [sflag:s3], $0x80  }
0x122: {  	[sflag:s3] =	ssyncset.done $0x0  }
0x123: {  	[sflag:s3] =	ssyncadd.s32 $0xFFFFFF80  }
0x124: {  	_ =	swait.ge [sflag:s4], $0x80  }
0x125: {  	[sflag:s4] =	ssyncset.done $0x0  }
0x126: {  	[sflag:s4] =	ssyncadd.s32 $0xFFFFFF80  }
0x127: {  	_ =	swait.ge [sflag:s5], $0x80  }
0x128: {  	[sflag:s5] =	ssyncset.done $0x0  }
0x129: {  	[sflag:s5] =	ssyncadd.s32 $0xFFFFFF80  }
0x12a: {  	_ =	swait.ge [sflag:s6], $0x80  }
0x12b: {  	[sflag:s6] =	ssyncset.done $0x0  }
0x12c: {  	[sflag:s6] =	ssyncadd.s32 $0xFFFFFF80  }
0x12d: {  	_ =	swait.ge [sflag:s7], $0x80  }
0x12e: {  	[sflag:s7] =	ssyncset.done $0x0  }
0x12f: {  	[sflag:s7] =	ssyncadd.s32 $0xFFFFFF80  }
0x130: {  	_ =	swait.ge [sflag:s8], $0x80  }
0x131: {  	s0 =	simm.s32 $0xF;
	[sflag:s8] =	ssyncset.done $0x0  }
.LBB2_4:
0x132: {  	p0 =	sne.s32 s0, $0x1;
	s0 =	sadd.s32 $0xFFFFFFFF, s0;
	[sflag:s8] =	ssyncadd.s32 $0xFFFFFF80  }
0x133: {  	_ =	swait.ge [sflag:s1], $0x80  }
0x134: {  	[sflag:s1] =	ssyncset.done $0x0  }
0x135: {  	[sflag:s1] =	ssyncadd.s32 $0xFFFFFF80  }
0x136: {  	_ =	swait.ge [sflag:s2], $0x80  }
0x137: {  	[sflag:s2] =	ssyncset.done $0x0  }
0x138: {  	[sflag:s2] =	ssyncadd.s32 $0xFFFFFF80  }
0x139: {  	_ =	swait.ge [sflag:s3], $0x80  }
0x13a: {  	[sflag:s3] =	ssyncset.done $0x0  }
0x13b: {  	[sflag:s3] =	ssyncadd.s32 $0xFFFFFF80  }
0x13c: {  	_ =	swait.ge [sflag:s4], $0x80  }
0x13d: {  	[sflag:s4] =	ssyncset.done $0x0  }
0x13e: {  	[sflag:s4] =	ssyncadd.s32 $0xFFFFFF80  }
0x13f: {  	_ =	swait.ge [sflag:s5], $0x80  }
0x140: {  	[sflag:s5] =	ssyncset.done $0x0  }
0x141: {  	[sflag:s5] =	ssyncadd.s32 $0xFFFFFF80  }
0x142: {  	_ =	swait.ge [sflag:s6], $0x80  }
0x143: {  	[sflag:s6] =	ssyncset.done $0x0  }
0x144: {  	[sflag:s6] =	ssyncadd.s32 $0xFFFFFF80  }
0x145: {  	_ =	swait.ge [sflag:s7], $0x80  }
0x146: {  	[sflag:s7] =	ssyncset.done $0x0  }
0x147: {  	[sflag:s7] =	ssyncadd.s32 $0xFFFFFF80  }
0x148: {  	_ =	swait.ge [sflag:s8], $0x80  }
0x149: {  	[sflag:s8] =	ssyncset.done $0x0  }
0x14a: {  	[sflag:s8] =	ssyncadd.s32 $0xFFFFFF80  }
0x14b: {  	_ =	swait.ge [sflag:s1], $0x80  }
0x14c: {  	[sflag:s1] =	ssyncset.done $0x0  }
0x14d: {  	[sflag:s1] =	ssyncadd.s32 $0xFFFFFF80  }
0x14e: {  	_ =	swait.ge [sflag:s2], $0x80  }
0x14f: {  	[sflag:s2] =	ssyncset.done $0x0  }
0x150: {  	[sflag:s2] =	ssyncadd.s32 $0xFFFFFF80  }
0x151: {  	_ =	swait.ge [sflag:s3], $0x80  }
0x152: {  	[sflag:s3] =	ssyncset.done $0x0  }
0x153: {  	[sflag:s3] =	ssyncadd.s32 $0xFFFFFF80  }
0x154: {  	_ =	swait.ge [sflag:s4], $0x80  }
0x155: {  	[sflag:s4] =	ssyncset.done $0x0  }
0x156: {  	[sflag:s4] =	ssyncadd.s32 $0xFFFFFF80  }
0x157: {  	_ =	swait.ge [sflag:s5], $0x80  }
0x158: {  	[sflag:s5] =	ssyncset.done $0x0  }
0x159: {  	[sflag:s5] =	ssyncadd.s32 $0xFFFFFF80  }
0x15a: {  	_ =	swait.ge [sflag:s6], $0x80  }
0x15b: {  	[sflag:s6] =	ssyncset.done $0x0  }
0x15c: {  	[sflag:s6] =	ssyncadd.s32 $0xFFFFFF80  }
0x15d: {  	_ =	swait.ge [sflag:s7], $0x80  }
0x15e: {  	[sflag:s7] =	ssyncset.done $0x0  }
0x15f: {  	[sflag:s7] =	ssyncadd.s32 $0xFFFFFF80  }
0x160: {  	_ =	swait.ge [sflag:s8], $0x80  }
0x161: {  	[sflag:s8] =	ssyncset.done $0x0  }
0x162: {  	[sflag:s8] =	ssyncadd.s32 $0xFFFFFF80  }
0x163: {  	_ =	swait.ge [sflag:s1], $0x80  }
0x164: {  	[sflag:s1] =	ssyncset.done $0x0  }
0x165: {  	[sflag:s1] =	ssyncadd.s32 $0xFFFFFF80  }
0x166: {  	_ =	swait.ge [sflag:s2], $0x80  }
0x167: {  	[sflag:s2] =	ssyncset.done $0x0  }
0x168: {  	[sflag:s2] =	ssyncadd.s32 $0xFFFFFF80  }
0x169: {  	_ =	swait.ge [sflag:s3], $0x80  }
0x16a: {  	[sflag:s3] =	ssyncset.done $0x0  }
0x16b: {  	[sflag:s3] =	ssyncadd.s32 $0xFFFFFF80  }
0x16c: {  	_ =	swait.ge [sflag:s4], $0x80  }
0x16d: {  	[sflag:s4] =	ssyncset.done $0x0  }
0x16e: {  	[sflag:s4] =	ssyncadd.s32 $0xFFFFFF80  }
0x16f: {  	_ =	swait.ge [sflag:s5], $0x80  }
0x170: {  	[sflag:s5] =	ssyncset.done $0x0  }
0x171: {  	[sflag:s5] =	ssyncadd.s32 $0xFFFFFF80  }
0x172: {  	_ =	swait.ge [sflag:s6], $0x80  }
0x173: {  	[sflag:s6] =	ssyncset.done $0x0  }
0x174: {  	[sflag:s6] =	ssyncadd.s32 $0xFFFFFF80  }
0x175: {  	_ =	swait.ge [sflag:s7], $0x80  }
0x176: {  	[sflag:s7] =	ssyncset.done $0x0  }
0x177: {  	[sflag:s7] =	ssyncadd.s32 $0xFFFFFF80  }
0x178: {  	_ =	swait.ge [sflag:s8], $0x80  }
0x179: {  	[sflag:s8] =	ssyncset.done $0x0  }
0x17a: {  	[sflag:s8] =	ssyncadd.s32 $0xFFFFFF80  }
0x17b: {  	_ =	swait.ge [sflag:s1], $0x80  }
0x17c: {  	[sflag:s1] =	ssyncset.done $0x0  }
0x17d: {  	[sflag:s1] =	ssyncadd.s32 $0xFFFFFF80  }
0x17e: {  	_ =	swait.ge [sflag:s2], $0x80  }
0x17f: {  	[sflag:s2] =	ssyncset.done $0x0  }
0x180: {  	[sflag:s2] =	ssyncadd.s32 $0xFFFFFF80  }
0x181: {  	_ =	swait.ge [sflag:s3], $0x80  }
0x182: {  	[sflag:s3] =	ssyncset.done $0x0  }
0x183: {  	[sflag:s3] =	ssyncadd.s32 $0xFFFFFF80  }
0x184: {  	_ =	swait.ge [sflag:s4], $0x80  }
0x185: {  	[sflag:s4] =	ssyncset.done $0x0  }
0x186: {  	[sflag:s4] =	ssyncadd.s32 $0xFFFFFF80  }
0x187: {  	_ =	swait.ge [sflag:s5], $0x80  }
0x188: {  	[sflag:s5] =	ssyncset.done $0x0  }
0x189: {  	[sflag:s5] =	ssyncadd.s32 $0xFFFFFF80  }
0x18a: {  	_ =	swait.ge [sflag:s6], $0x80  }
0x18b: {  	[sflag:s6] =	ssyncset.done $0x0  }
0x18c: {  	[sflag:s6] =	ssyncadd.s32 $0xFFFFFF80  }
.Ltmp1:
0x18d: {  	_ =	swait.ge [sflag:s7], $0x80;
	(pc) =	sbr.rel @p0 .LBB2_4-.Ltmp1, $4  }
0x18e: {  	[sflag:s7] =	ssyncset.done $0x0  }
0x18f: {  	[sflag:s7] =	ssyncadd.s32 $0xFFFFFF80  }
0x190: {  	_ =	swait.ge [sflag:s8], $0x80  }
0x191: {  	[sflag:s8] =	ssyncset.done $0x0  }
0x192: {  	s0 =	simm.s32 $0x0  }
0x193: {  	v1 =	vmov s0  }
0x194: {  	v1 =	vshll.u32 v1, $0x7  }
0x195: {  	v1 =	vor.u32 v0, v1;
	_ =	sdelay $0x1  }
0x196: {  	v2 =	vor.u32 $0x1, v1;
	_ =	sdelay $0x1  }
0x197: {  	[sflag:s8] =	ssyncadd.s32 $0xFFFFFF80;
	s2 =	simm.s32 $0x8400;
	v3 =	vor.u32 $0x2, v1  }
0x198: {  	s1 =	simm.s32 $0x400;
	v4 =	vld.idx.msk [tilespmem:v1+s2+$0x0], $0xffff  }
0x199: {  	v6 =	vor.u32 $0x3, v1;
	v5 =	vld.idx.msk [tilespmem:v1+s1+$0x0], $0xffff  }
0x19a: {  	v7 =	vld.idx.msk [tilespmem:v2+s1+$0x0], $0xffff  }
0x19b: {  	v8 =	vor.u32 $0x4, v1;
	v2 =	vld.idx.msk [tilespmem:v2+s2+$0x0], $0xffff  }
0x19c: {  	v9 =	vld.idx.msk [tilespmem:v3+s1+$0x0], $0xffff  }
0x19d: {  	v10 =	vor.u32 $0x5, v1;
	v3 =	vld.idx.msk [tilespmem:v3+s2+$0x0], $0xffff  }
0x19e: {  	v11 =	vld.idx.msk [tilespmem:v6+s1+$0x0], $0xffff;
	v4 =	vmul.f32 v4, v5  }
0x19f: {  	v41 =	vor.u32 $0x6, v1;
	v40 =	vld.idx.msk [tilespmem:v6+s2+$0x0], $0xffff  }
0x1a0: {  	v12 =	vld.idx.msk [tilespmem:v8+s1+$0x0], $0xffff;
	v2 =	vmul.f32 v2, v7;
	v4 =	vadd.f32 $0.0e+00, v4  }
0x1a1: {  	v43 =	vor.u32 $0x7, v1;
	v42 =	vld.idx.msk [tilespmem:v8+s2+$0x0], $0xffff  }
0x1a2: {  	v13 =	vld.idx.msk [tilespmem:v10+s1+$0x0], $0xffff;
	v3 =	vmul.f32 v3, v9;
	v2 =	vadd.f32 v2, v4  }
0x1a3: {  	v45 =	vor.u32 $0x8, v1;
	v44 =	vld.idx.msk [tilespmem:v10+s2+$0x0], $0xffff  }
0x1a4: {  	v46 =	vld.idx.msk [tilespmem:v41+s1+$0x0], $0xffff;
	v2 =	vadd.f32 v3, v2;
	v3 =	vmul.f32 v40, v11  }
0x1a5: {  	v48 =	vor.u32 $0x9, v1;
	v47 =	vld.idx.msk [tilespmem:v41+s2+$0x0], $0xffff  }
0x1a6: {  	v49 =	vld.idx.msk [tilespmem:v43+s1+$0x0], $0xffff;
	v2 =	vadd.f32 v3, v2;
	v3 =	vmul.f32 v42, v12  }
0x1a7: {  	v51 =	vor.u32 $0xA, v1;
	v50 =	vld.idx.msk [tilespmem:v43+s2+$0x0], $0xffff  }
0x1a8: {  	v52 =	vld.idx.msk [tilespmem:v45+s1+$0x0], $0xffff;
	v2 =	vadd.f32 v3, v2;
	v3 =	vmul.f32 v44, v13  }
0x1a9: {  	v54 =	vor.u32 $0xB, v1;
	v53 =	vld.idx.msk [tilespmem:v45+s2+$0x0], $0xffff  }
0x1aa: {  	v55 =	vld.idx.msk [tilespmem:v48+s1+$0x0], $0xffff;
	v2 =	vadd.f32 v3, v2;
	v3 =	vmul.f32 v47, v46  }
0x1ab: {  	v57 =	vor.u32 $0xC, v1;
	v56 =	vld.idx.msk [tilespmem:v48+s2+$0x0], $0xffff  }
0x1ac: {  	v58 =	vld.idx.msk [tilespmem:v51+s1+$0x0], $0xffff;
	v2 =	vadd.f32 v3, v2;
	v3 =	vmul.f32 v50, v49  }
0x1ad: {  	v60 =	vor.u32 $0xD, v1;
	v59 =	vld.idx.msk [tilespmem:v51+s2+$0x0], $0xffff  }
0x1ae: {  	v61 =	vld.idx.msk [tilespmem:v54+s1+$0x0], $0xffff;
	v2 =	vadd.f32 v3, v2;
	v3 =	vmul.f32 v53, v52  }
0x1af: {  	v63 =	vor.u32 $0xE, v1;
	v62 =	vld.idx.msk [tilespmem:v54+s2+$0x0], $0xffff  }
0x1b0: {  	v16 =	vld.idx.msk [tilespmem:v57+s1+$0x0], $0xffff;
	v2 =	vadd.f32 v3, v2;
	v3 =	vmul.f32 v56, v55  }
0x1b1: {  	v18 =	vor.u32 $0xF, v1;
	v17 =	vld.idx.msk [tilespmem:v57+s2+$0x0], $0xffff  }
0x1b2: {  	v19 =	vld.idx.msk [tilespmem:v60+s1+$0x0], $0xffff;
	v2 =	vadd.f32 v3, v2;
	v3 =	vmul.f32 v59, v58  }
0x1b3: {  	v21 =	vor.u32 $0x10, v1;
	v20 =	vld.idx.msk [tilespmem:v60+s2+$0x0], $0xffff  }
0x1b4: {  	v22 =	vld.idx.msk [tilespmem:v63+s1+$0x0], $0xffff;
	v2 =	vadd.f32 v3, v2;
	v3 =	vmul.f32 v62, v61  }
0x1b5: {  	v24 =	vor.u32 $0x11, v1;
	v23 =	vld.idx.msk [tilespmem:v63+s2+$0x0], $0xffff  }
0x1b6: {  	v25 =	vld.idx.msk [tilespmem:v18+s1+$0x0], $0xffff;
	v2 =	vadd.f32 v3, v2;
	v3 =	vmul.f32 v17, v16  }
0x1b7: {  	v27 =	vor.u32 $0x12, v1;
	v26 =	vld.idx.msk [tilespmem:v18+s2+$0x0], $0xffff  }
0x1b8: {  	v28 =	vld.idx.msk [tilespmem:v21+s1+$0x0], $0xffff;
	v2 =	vadd.f32 v3, v2;
	v3 =	vmul.f32 v20, v19  }
0x1b9: {  	v30 =	vor.u32 $0x13, v1;
	v29 =	vld.idx.msk [tilespmem:v21+s2+$0x0], $0xffff  }
0x1ba: {  	v31 =	vld.idx.msk [tilespmem:v24+s1+$0x0], $0xffff;
	v2 =	vadd.f32 v3, v2;
	v3 =	vmul.f32 v23, v22  }
0x1bb: {  	v33 =	vor.u32 $0x14, v1;
	v32 =	vld.idx.msk [tilespmem:v24+s2+$0x0], $0xffff  }
0x1bc: {  	v34 =	vld.idx.msk [tilespmem:v27+s1+$0x0], $0xffff;
	v2 =	vadd.f32 v3, v2;
	v3 =	vmul.f32 v26, v25  }
0x1bd: {  	v36 =	vor.u32 $0x15, v1;
	v35 =	vld.idx.msk [tilespmem:v27+s2+$0x0], $0xffff  }
0x1be: {  	v37 =	vld.idx.msk [tilespmem:v30+s1+$0x0], $0xffff;
	v2 =	vadd.f32 v3, v2;
	v3 =	vmul.f32 v29, v28  }
0x1bf: {  	v39 =	vor.u32 $0x16, v1;
	v38 =	vld.idx.msk [tilespmem:v30+s2+$0x0], $0xffff  }
0x1c0: {  	v41 =	vld.idx.msk [tilespmem:v33+s2+$0x0], $0xffff;
	v2 =	vadd.f32 v3, v2;
	v3 =	vmul.f32 v32, v31  }
0x1c1: {  	v40 =	vld.idx.msk [tilespmem:v33+s1+$0x0], $0xffff;
	v42 =	vor.u32 $0x17, v1  }
0x1c2: {  	v43 =	vld.idx.msk [tilespmem:v36+s1+$0x0], $0xffff;
	v2 =	vadd.f32 v3, v2;
	v3 =	vmul.f32 v35, v34  }
0x1c3: {  	v45 =	vor.u32 $0x18, v1;
	v44 =	vld.idx.msk [tilespmem:v36+s2+$0x0], $0xffff  }
0x1c4: {  	v46 =	vld.idx.msk [tilespmem:v39+s1+$0x0], $0xffff;
	v2 =	vadd.f32 v3, v2;
	v3 =	vmul.f32 v38, v37  }
0x1c5: {  	v48 =	vor.u32 $0x19, v1;
	v47 =	vld.idx.msk [tilespmem:v39+s2+$0x0], $0xffff  }
0x1c6: {  	v49 =	vld.idx.msk [tilespmem:v42+s1+$0x0], $0xffff;
	v2 =	vadd.f32 v3, v2;
	v3 =	vmul.f32 v41, v40  }
0x1c7: {  	v51 =	vor.u32 $0x1A, v1;
	v50 =	vld.idx.msk [tilespmem:v42+s2+$0x0], $0xffff  }
0x1c8: {  	v52 =	vld.idx.msk [tilespmem:v45+s1+$0x0], $0xffff;
	v2 =	vadd.f32 v3, v2;
	v3 =	vmul.f32 v44, v43  }
0x1c9: {  	v54 =	vor.u32 $0x1B, v1;
	v53 =	vld.idx.msk [tilespmem:v45+s2+$0x0], $0xffff  }
0x1ca: {  	v55 =	vld.idx.msk [tilespmem:v48+s1+$0x0], $0xffff;
	v2 =	vadd.f32 v3, v2;
	v3 =	vmul.f32 v47, v46  }
0x1cb: {  	v57 =	vor.u32 $0x1C, v1;
	v56 =	vld.idx.msk [tilespmem:v48+s2+$0x0], $0xffff  }
0x1cc: {  	v58 =	vld.idx.msk [tilespmem:v51+s1+$0x0], $0xffff;
	v2 =	vadd.f32 v3, v2;
	v3 =	vmul.f32 v50, v49  }
0x1cd: {  	v60 =	vor.u32 $0x1D, v1;
	v59 =	vld.idx.msk [tilespmem:v51+s2+$0x0], $0xffff  }
0x1ce: {  	v61 =	vld.idx.msk [tilespmem:v54+s1+$0x0], $0xffff;
	v2 =	vadd.f32 v3, v2;
	v3 =	vmul.f32 v53, v52  }
0x1cf: {  	v63 =	vor.u32 $0x1E, v1;
	v62 =	vld.idx.msk [tilespmem:v54+s2+$0x0], $0xffff  }
0x1d0: {  	v16 =	vld.idx.msk [tilespmem:v57+s1+$0x0], $0xffff;
	v2 =	vadd.f32 v3, v2;
	v3 =	vmul.f32 v56, v55  }
0x1d1: {  	v1 =	vor.u32 $0x1F, v1;
	v17 =	vld.idx.msk [tilespmem:v57+s2+$0x0], $0xffff  }
0x1d2: {  	v18 =	vld.idx.msk [tilespmem:v60+s1+$0x0], $0xffff;
	v2 =	vadd.f32 v3, v2;
	v3 =	vmul.f32 v59, v58  }
0x1d3: {  	v19 =	vld.idx.msk [tilespmem:v60+s2+$0x0], $0xffff  }
0x1d4: {  	v21 =	vld.idx.msk [tilespmem:v63+s2+$0x0], $0xffff;
	v2 =	vadd.f32 v3, v2;
	v3 =	vmul.f32 v62, v61  }
0x1d5: {  	v20 =	vld.idx.msk [tilespmem:v63+s1+$0x0], $0xffff  }
0x1d6: {  	v22 =	vld.idx.msk [tilespmem:v1+s1+$0x0], $0xffff;
	v2 =	vadd.f32 v3, v2;
	v3 =	vmul.f32 v17, v16  }
0x1d7: {  	v1 =	vld.idx.msk [tilespmem:v1+s2+$0x0], $0xffff  }
0x1d8: {  	v2 =	vadd.f32 v3, v2;
	v3 =	vmul.f32 v19, v18;
	_ =	sdelay $0x1  }
0x1d9: {  	v2 =	vadd.f32 v3, v2;
	v3 =	vmul.f32 v21, v20;
	_ =	sdelay $0x1  }
0x1da: {  	v1 =	vmul.f32 v1, v22;
	v2 =	vadd.f32 v3, v2;
	_ =	sdelay $0x1  }
0x1db: {  	v1 =	vadd.f32 v1, v2;
	_ =	sdelay $0x1  }
0x1dc: {  	v1 =	vsub.f32 $0.0e+00, v1;
	_ =	sdelay $0x1  }
0x1dd: {  	v1 =	vmul.f32 $1.442695020e+00, v1;
	_ =	sdelay $0x1  }
0x1de: {  	(erf) = vpow2.f32 v1;
	_ =	sdelay $0x8  }
0x1df: {  	v1 =	vpop (erf)  }
0x1e0: {  	v1 =	vadd.f32 $1.000000000e+00, v1;
	_ =	sdelay $0x1  }
0x1e1: {  	(erf) = vrcp.f32 v1;
	_ =	sdelay $0x2  }
0x1e2: {  	s30 =	simm.s32 $0x10  }
0x1e3: {  	v1 =	vmov s30  }
0x1e4: {  	v1 =	vshll.u32 v1, $0x7  }
0x1e5: {  	v1 =	vor.u32 v0, v1;
	_ =	sdelay $0x1  }
0x1e6: {  	v2 =	vor.u32 $0x1, v1  }
0x1e7: {  	s22 =	simm.s32 $0x10400;
	v3 =	vpop (erf)  }
0x1e8: {  	v23 =	vor.u32 $0x2, v1;
	[tilespmem:s22+$0x0] =	vst v3  }
0x1e9: {  	v3 =	vld.idx.msk [tilespmem:v1+s2+$0x0], $0xffff  }
0x1ea: {  	v25 =	vor.u32 $0x3, v1;
	v24 =	vld.idx.msk [tilespmem:v1+s1+$0x0], $0xffff  }
0x1eb: {  	v26 =	vld.idx.msk [tilespmem:v2+s1+$0x0], $0xffff  }
0x1ec: {  	v27 =	vor.u32 $0x4, v1;
	v2 =	vld.idx.msk [tilespmem:v2+s2+$0x0], $0xffff  }
0x1ed: {  	v28 =	vld.idx.msk [tilespmem:v23+s1+$0x0], $0xffff  }
0x1ee: {  	v29 =	vor.u32 $0x5, v1;
	v4 =	vld.idx.msk [tilespmem:v23+s2+$0x0], $0xffff  }
0x1ef: {  	v30 =	vld.idx.msk [tilespmem:v25+s1+$0x0], $0xffff;
	v3 =	vmul.f32 v3, v24  }
0x1f0: {  	v32 =	vor.u32 $0x6, v1;
	v31 =	vld.idx.msk [tilespmem:v25+s2+$0x0], $0xffff  }
0x1f1: {  	v33 =	vld.idx.msk [tilespmem:v27+s1+$0x0], $0xffff;
	v2 =	vmul.f32 v2, v26;
	v3 =	vadd.f32 $0.0e+00, v3  }
0x1f2: {  	v35 =	vor.u32 $0x7, v1;
	v34 =	vld.idx.msk [tilespmem:v27+s2+$0x0], $0xffff  }
0x1f3: {  	v36 =	vld.idx.msk [tilespmem:v29+s1+$0x0], $0xffff;
	v2 =	vadd.f32 v2, v3;
	v3 =	vmul.f32 v4, v28  }
0x1f4: {  	v38 =	vor.u32 $0x8, v1;
	v37 =	vld.idx.msk [tilespmem:v29+s2+$0x0], $0xffff  }
0x1f5: {  	v39 =	vld.idx.msk [tilespmem:v32+s1+$0x0], $0xffff;
	v2 =	vadd.f32 v3, v2;
	v3 =	vmul.f32 v31, v30  }
0x1f6: {  	v41 =	vor.u32 $0x9, v1;
	v40 =	vld.idx.msk [tilespmem:v32+s2+$0x0], $0xffff  }
0x1f7: {  	v42 =	vld.idx.msk [tilespmem:v35+s1+$0x0], $0xffff;
	v2 =	vadd.f32 v3, v2;
	v3 =	vmul.f32 v34, v33  }
0x1f8: {  	v44 =	vor.u32 $0xA, v1;
	v43 =	vld.idx.msk [tilespmem:v35+s2+$0x0], $0xffff  }
0x1f9: {  	v45 =	vld.idx.msk [tilespmem:v38+s1+$0x0], $0xffff;
	v2 =	vadd.f32 v3, v2;
	v3 =	vmul.f32 v37, v36  }
0x1fa: {  	v47 =	vor.u32 $0xB, v1;
	v46 =	vld.idx.msk [tilespmem:v38+s2+$0x0], $0xffff  }
0x1fb: {  	v48 =	vld.idx.msk [tilespmem:v41+s1+$0x0], $0xffff;
	v2 =	vadd.f32 v3, v2;
	v3 =	vmul.f32 v40, v39  }
0x1fc: {  	v50 =	vor.u32 $0xC, v1;
	v49 =	vld.idx.msk [tilespmem:v41+s2+$0x0], $0xffff  }
0x1fd: {  	v51 =	vld.idx.msk [tilespmem:v44+s1+$0x0], $0xffff;
	v2 =	vadd.f32 v3, v2;
	v3 =	vmul.f32 v43, v42  }
0x1fe: {  	v53 =	vor.u32 $0xD, v1;
	v52 =	vld.idx.msk [tilespmem:v44+s2+$0x0], $0xffff  }
0x1ff: {  	v54 =	vld.idx.msk [tilespmem:v47+s1+$0x0], $0xffff;
	v2 =	vadd.f32 v3, v2;
	v3 =	vmul.f32 v46, v45  }
0x200: {  	v56 =	vor.u32 $0xE, v1;
	v55 =	vld.idx.msk [tilespmem:v47+s2+$0x0], $0xffff  }
0x201: {  	v57 =	vld.idx.msk [tilespmem:v50+s1+$0x0], $0xffff;
	v2 =	vadd.f32 v3, v2;
	v3 =	vmul.f32 v49, v48  }
0x202: {  	v59 =	vor.u32 $0xF, v1;
	v58 =	vld.idx.msk [tilespmem:v50+s2+$0x0], $0xffff  }
0x203: {  	v60 =	vld.idx.msk [tilespmem:v53+s1+$0x0], $0xffff;
	v2 =	vadd.f32 v3, v2;
	v3 =	vmul.f32 v52, v51  }
0x204: {  	v62 =	vor.u32 $0x10, v1;
	v61 =	vld.idx.msk [tilespmem:v53+s2+$0x0], $0xffff  }
0x205: {  	v63 =	vld.idx.msk [tilespmem:v56+s1+$0x0], $0xffff;
	v2 =	vadd.f32 v3, v2;
	v3 =	vmul.f32 v55, v54  }
0x206: {  	v17 =	vor.u32 $0x11, v1;
	v16 =	vld.idx.msk [tilespmem:v56+s2+$0x0], $0xffff  }
0x207: {  	v18 =	vld.idx.msk [tilespmem:v59+s1+$0x0], $0xffff;
	v2 =	vadd.f32 v3, v2;
	v3 =	vmul.f32 v58, v57  }
0x208: {  	v20 =	vor.u32 $0x12, v1;
	v19 =	vld.idx.msk [tilespmem:v59+s2+$0x0], $0xffff  }
0x209: {  	v21 =	vld.idx.msk [tilespmem:v62+s1+$0x0], $0xffff;
	v2 =	vadd.f32 v3, v2;
	v3 =	vmul.f32 v61, v60  }
0x20a: {  	v22 =	vld.idx.msk [tilespmem:v62+s2+$0x0], $0xffff;
	v23 =	vor.u32 $0x13, v1  }
0x20b: {  	v25 =	vld.idx.msk [tilespmem:v17+s2+$0x0], $0xffff;
	v2 =	vadd.f32 v3, v2;
	v3 =	vmul.f32 v16, v63  }
0x20c: {  	v24 =	vld.idx.msk [tilespmem:v17+s1+$0x0], $0xffff;
	v26 =	vor.u32 $0x14, v1  }
0x20d: {  	v27 =	vld.idx.msk [tilespmem:v20+s1+$0x0], $0xffff;
	v2 =	vadd.f32 v3, v2;
	v3 =	vmul.f32 v19, v18  }
0x20e: {  	v29 =	vor.u32 $0x15, v1;
	v28 =	vld.idx.msk [tilespmem:v20+s2+$0x0], $0xffff  }
0x20f: {  	v30 =	vld.idx.msk [tilespmem:v23+s1+$0x0], $0xffff;
	v2 =	vadd.f32 v3, v2;
	v3 =	vmul.f32 v22, v21  }
0x210: {  	v32 =	vor.u32 $0x16, v1;
	v31 =	vld.idx.msk [tilespmem:v23+s2+$0x0], $0xffff  }
0x211: {  	v33 =	vld.idx.msk [tilespmem:v26+s1+$0x0], $0xffff;
	v2 =	vadd.f32 v3, v2;
	v3 =	vmul.f32 v25, v24  }
0x212: {  	v35 =	vor.u32 $0x17, v1;
	v34 =	vld.idx.msk [tilespmem:v26+s2+$0x0], $0xffff  }
0x213: {  	v36 =	vld.idx.msk [tilespmem:v29+s1+$0x0], $0xffff;
	v2 =	vadd.f32 v3, v2;
	v3 =	vmul.f32 v28, v27  }
0x214: {  	v38 =	vor.u32 $0x18, v1;
	v37 =	vld.idx.msk [tilespmem:v29+s2+$0x0], $0xffff  }
0x215: {  	v39 =	vld.idx.msk [tilespmem:v32+s1+$0x0], $0xffff;
	v2 =	vadd.f32 v3, v2;
	v3 =	vmul.f32 v31, v30  }
0x216: {  	v41 =	vor.u32 $0x19, v1;
	v40 =	vld.idx.msk [tilespmem:v32+s2+$0x0], $0xffff  }
0x217: {  	v42 =	vld.idx.msk [tilespmem:v35+s1+$0x0], $0xffff;
	v2 =	vadd.f32 v3, v2;
	v3 =	vmul.f32 v34, v33  }
0x218: {  	v44 =	vor.u32 $0x1A, v1;
	v43 =	vld.idx.msk [tilespmem:v35+s2+$0x0], $0xffff  }
0x219: {  	v45 =	vld.idx.msk [tilespmem:v38+s1+$0x0], $0xffff;
	v2 =	vadd.f32 v3, v2;
	v3 =	vmul.f32 v37, v36  }
0x21a: {  	v47 =	vor.u32 $0x1B, v1;
	v46 =	vld.idx.msk [tilespmem:v38+s2+$0x0], $0xffff  }
0x21b: {  	v48 =	vld.idx.msk [tilespmem:v41+s1+$0x0], $0xffff;
	v2 =	vadd.f32 v3, v2;
	v3 =	vmul.f32 v40, v39  }
0x21c: {  	v50 =	vor.u32 $0x1C, v1;
	v49 =	vld.idx.msk [tilespmem:v41+s2+$0x0], $0xffff  }
0x21d: {  	v51 =	vld.idx.msk [tilespmem:v44+s1+$0x0], $0xffff;
	v2 =	vadd.f32 v3, v2;
	v3 =	vmul.f32 v43, v42  }
0x21e: {  	v53 =	vor.u32 $0x1D, v1;
	v52 =	vld.idx.msk [tilespmem:v44+s2+$0x0], $0xffff  }
0x21f: {  	v54 =	vld.idx.msk [tilespmem:v47+s1+$0x0], $0xffff;
	v2 =	vadd.f32 v3, v2;
	v3 =	vmul.f32 v46, v45  }
0x220: {  	v56 =	vor.u32 $0x1E, v1;
	v55 =	vld.idx.msk [tilespmem:v47+s2+$0x0], $0xffff  }
0x221: {  	v57 =	vld.idx.msk [tilespmem:v50+s1+$0x0], $0xffff;
	v2 =	vadd.f32 v3, v2;
	v3 =	vmul.f32 v49, v48  }
0x222: {  	v1 =	vor.u32 $0x1F, v1;
	v58 =	vld.idx.msk [tilespmem:v50+s2+$0x0], $0xffff  }
0x223: {  	v59 =	vld.idx.msk [tilespmem:v53+s1+$0x0], $0xffff;
	v2 =	vadd.f32 v3, v2;
	v3 =	vmul.f32 v52, v51  }
0x224: {  	v60 =	vld.idx.msk [tilespmem:v53+s2+$0x0], $0xffff  }
0x225: {  	v62 =	vld.idx.msk [tilespmem:v56+s2+$0x0], $0xffff;
	v2 =	vadd.f32 v3, v2;
	v3 =	vmul.f32 v55, v54  }
0x226: {  	v61 =	vld.idx.msk [tilespmem:v56+s1+$0x0], $0xffff  }
0x227: {  	v63 =	vld.idx.msk [tilespmem:v1+s1+$0x0], $0xffff;
	v2 =	vadd.f32 v3, v2;
	v3 =	vmul.f32 v58, v57  }
0x228: {  	v1 =	vld.idx.msk [tilespmem:v1+s2+$0x0], $0xffff  }
0x229: {  	v2 =	vadd.f32 v3, v2;
	v3 =	vmul.f32 v60, v59;
	_ =	sdelay $0x1  }
0x22a: {  	v2 =	vadd.f32 v3, v2;
	v3 =	vmul.f32 v62, v61;
	_ =	sdelay $0x1  }
0x22b: {  	v1 =	vmul.f32 v1, v63;
	v2 =	vadd.f32 v3, v2;
	_ =	sdelay $0x1  }
0x22c: {  	v1 =	vadd.f32 v1, v2;
	_ =	sdelay $0x1  }
0x22d: {  	v1 =	vsub.f32 $0.0e+00, v1;
	_ =	sdelay $0x1  }
0x22e: {  	v1 =	vmul.f32 $1.442695020e+00, v1;
	_ =	sdelay $0x1  }
0x22f: {  	(erf) = vpow2.f32 v1;
	_ =	sdelay $0x8  }
0x230: {  	v1 =	vpop (erf)  }
0x231: {  	v1 =	vadd.f32 $1.000000000e+00, v1;
	_ =	sdelay $0x1  }
0x232: {  	(erf) = vrcp.f32 v1;
	_ =	sdelay $0x2  }
0x233: {  	s31 =	simm.s32 $0x20  }
0x234: {  	v2 =	vmov s31  }
0x235: {  	s23 =	simm.s32 $0x30;
	v1 =	vshll.u32 v2, $0x7  }
.LBB2_6:
0x236: {  	p0 =	sne.s32 s23, $0xF0;
	v1 =	vor.u32 v0, v1;
	_ =	sdelay $0x1  }
0x237: {  	v2 =	vor.u32 $0x1, v1  }
0x238: {  	s22 =	sadd.s32 $0x10, s22;
	v3 =	vpop (erf)  }
0x239: {  	v4 =	vor.u32 $0x2, v1;
	[tilespmem:s22+$0x0] =	vst v3  }
0x23a: {  	v3 =	vld.idx.msk [tilespmem:v1+s2+$0x0], $0xffff  }
0x23b: {  	v6 =	vor.u32 $0x3, v1;
	v5 =	vld.idx.msk [tilespmem:v1+s1+$0x0], $0xffff  }
0x23c: {  	v7 =	vld.idx.msk [tilespmem:v2+s1+$0x0], $0xffff  }
0x23d: {  	v8 =	vor.u32 $0x4, v1;
	v2 =	vld.idx.msk [tilespmem:v2+s2+$0x0], $0xffff  }
0x23e: {  	v9 =	vld.idx.msk [tilespmem:v4+s1+$0x0], $0xffff  }
0x23f: {  	v10 =	vor.u32 $0x5, v1;
	v4 =	vld.idx.msk [tilespmem:v4+s2+$0x0], $0xffff  }
0x240: {  	v11 =	vld.idx.msk [tilespmem:v6+s1+$0x0], $0xffff  }
0x241: {  	v3 =	vmul.f32 v3, v5;
	v5 =	vld.idx.msk [tilespmem:v6+s2+$0x0], $0xffff;
	v6 =	vor.u32 $0x6, v1  }
0x242: {  	v12 =	vld.idx.msk [tilespmem:v8+s1+$0x0], $0xffff  }
0x243: {  	v3 =	vadd.f32 $0.0e+00, v3;
	v2 =	vmul.f32 v2, v7;
	v7 =	vld.idx.msk [tilespmem:v8+s2+$0x0], $0xffff;
	v8 =	vor.u32 $0x7, v1  }
0x244: {  	v13 =	vld.idx.msk [tilespmem:v10+s1+$0x0], $0xffff  }
0x245: {  	v2 =	vadd.f32 v2, v3;
	v3 =	vmul.f32 v4, v9;
	v9 =	vor.u32 $0x8, v1;
	v4 =	vld.idx.msk [tilespmem:v10+s2+$0x0], $0xffff  }
0x246: {  	v10 =	vld.idx.msk [tilespmem:v6+s1+$0x0], $0xffff  }
0x247: {  	v2 =	vadd.f32 v3, v2;
	v3 =	vmul.f32 v5, v11;
	v5 =	vld.idx.msk [tilespmem:v6+s2+$0x0], $0xffff;
	v6 =	vor.u32 $0x9, v1  }
0x248: {  	v11 =	vld.idx.msk [tilespmem:v8+s1+$0x0], $0xffff  }
0x249: {  	v2 =	vadd.f32 v3, v2;
	v3 =	vmul.f32 v7, v12;
	v7 =	vld.idx.msk [tilespmem:v8+s2+$0x0], $0xffff;
	v8 =	vor.u32 $0xA, v1  }
0x24a: {  	v12 =	vld.idx.msk [tilespmem:v9+s1+$0x0], $0xffff  }
0x24b: {  	v2 =	vadd.f32 v3, v2;
	v3 =	vmul.f32 v4, v13;
	v4 =	vld.idx.msk [tilespmem:v9+s2+$0x0], $0xffff;
	v9 =	vor.u32 $0xB, v1  }
0x24c: {  	v13 =	vld.idx.msk [tilespmem:v6+s1+$0x0], $0xffff  }
0x24d: {  	v2 =	vadd.f32 v3, v2;
	v3 =	vmul.f32 v5, v10;
	v5 =	vld.idx.msk [tilespmem:v6+s2+$0x0], $0xffff;
	v6 =	vor.u32 $0xC, v1  }
0x24e: {  	v10 =	vld.idx.msk [tilespmem:v8+s1+$0x0], $0xffff  }
0x24f: {  	v2 =	vadd.f32 v3, v2;
	v3 =	vmul.f32 v7, v11;
	v7 =	vld.idx.msk [tilespmem:v8+s2+$0x0], $0xffff;
	v8 =	vor.u32 $0xD, v1  }
0x250: {  	v11 =	vld.idx.msk [tilespmem:v9+s1+$0x0], $0xffff  }
0x251: {  	v2 =	vadd.f32 v3, v2;
	v3 =	vmul.f32 v4, v12;
	v4 =	vld.idx.msk [tilespmem:v9+s2+$0x0], $0xffff;
	v9 =	vor.u32 $0xE, v1  }
0x252: {  	v12 =	vld.idx.msk [tilespmem:v6+s1+$0x0], $0xffff  }
0x253: {  	v2 =	vadd.f32 v3, v2;
	v3 =	vmul.f32 v5, v13;
	v5 =	vld.idx.msk [tilespmem:v6+s2+$0x0], $0xffff;
	v6 =	vor.u32 $0xF, v1  }
0x254: {  	v13 =	vld.idx.msk [tilespmem:v8+s1+$0x0], $0xffff  }
0x255: {  	v2 =	vadd.f32 v3, v2;
	v3 =	vmul.f32 v7, v10;
	v7 =	vld.idx.msk [tilespmem:v8+s2+$0x0], $0xffff;
	v8 =	vor.u32 $0x10, v1  }
0x256: {  	v10 =	vld.idx.msk [tilespmem:v9+s1+$0x0], $0xffff  }
0x257: {  	v2 =	vadd.f32 v3, v2;
	v3 =	vmul.f32 v4, v11;
	v4 =	vld.idx.msk [tilespmem:v9+s2+$0x0], $0xffff;
	v9 =	vor.u32 $0x11, v1  }
0x258: {  	v11 =	vld.idx.msk [tilespmem:v6+s1+$0x0], $0xffff  }
0x259: {  	v2 =	vadd.f32 v3, v2;
	v3 =	vmul.f32 v5, v12;
	v5 =	vld.idx.msk [tilespmem:v6+s2+$0x0], $0xffff;
	v6 =	vor.u32 $0x12, v1  }
0x25a: {  	v12 =	vld.idx.msk [tilespmem:v8+s1+$0x0], $0xffff  }
0x25b: {  	v2 =	vadd.f32 v3, v2;
	v3 =	vmul.f32 v7, v13;
	v7 =	vld.idx.msk [tilespmem:v8+s2+$0x0], $0xffff;
	v8 =	vor.u32 $0x13, v1  }
0x25c: {  	v13 =	vld.idx.msk [tilespmem:v9+s1+$0x0], $0xffff  }
0x25d: {  	v2 =	vadd.f32 v3, v2;
	v3 =	vmul.f32 v4, v10;
	v4 =	vld.idx.msk [tilespmem:v9+s2+$0x0], $0xffff;
	v9 =	vor.u32 $0x14, v1  }
0x25e: {  	v10 =	vld.idx.msk [tilespmem:v6+s1+$0x0], $0xffff  }
0x25f: {  	v2 =	vadd.f32 v3, v2;
	v3 =	vmul.f32 v5, v11;
	v5 =	vld.idx.msk [tilespmem:v6+s2+$0x0], $0xffff;
	v6 =	vor.u32 $0x15, v1  }
0x260: {  	v11 =	vld.idx.msk [tilespmem:v8+s1+$0x0], $0xffff  }
0x261: {  	v2 =	vadd.f32 v3, v2;
	v3 =	vmul.f32 v7, v12;
	v7 =	vld.idx.msk [tilespmem:v8+s2+$0x0], $0xffff;
	v8 =	vor.u32 $0x16, v1  }
0x262: {  	v12 =	vld.idx.msk [tilespmem:v9+s1+$0x0], $0xffff  }
0x263: {  	v2 =	vadd.f32 v3, v2;
	v3 =	vmul.f32 v4, v13;
	v4 =	vld.idx.msk [tilespmem:v9+s2+$0x0], $0xffff;
	v9 =	vor.u32 $0x17, v1  }
0x264: {  	v13 =	vld.idx.msk [tilespmem:v6+s1+$0x0], $0xffff  }
0x265: {  	v2 =	vadd.f32 v3, v2;
	v3 =	vmul.f32 v5, v10;
	v5 =	vld.idx.msk [tilespmem:v6+s2+$0x0], $0xffff;
	v6 =	vor.u32 $0x18, v1  }
0x266: {  	v10 =	vld.idx.msk [tilespmem:v8+s1+$0x0], $0xffff  }
0x267: {  	v2 =	vadd.f32 v3, v2;
	v3 =	vmul.f32 v7, v11;
	v7 =	vld.idx.msk [tilespmem:v8+s2+$0x0], $0xffff;
	v8 =	vor.u32 $0x19, v1  }
0x268: {  	v11 =	vld.idx.msk [tilespmem:v9+s1+$0x0], $0xffff  }
0x269: {  	v2 =	vadd.f32 v3, v2;
	v3 =	vmul.f32 v4, v12;
	v4 =	vld.idx.msk [tilespmem:v9+s2+$0x0], $0xffff;
	v9 =	vor.u32 $0x1A, v1  }
0x26a: {  	v12 =	vld.idx.msk [tilespmem:v6+s1+$0x0], $0xffff  }
0x26b: {  	v2 =	vadd.f32 v3, v2;
	v3 =	vmul.f32 v5, v13;
	v5 =	vld.idx.msk [tilespmem:v6+s2+$0x0], $0xffff;
	v6 =	vor.u32 $0x1B, v1  }
0x26c: {  	v13 =	vld.idx.msk [tilespmem:v8+s1+$0x0], $0xffff  }
0x26d: {  	v2 =	vadd.f32 v3, v2;
	v3 =	vmul.f32 v7, v10;
	v7 =	vld.idx.msk [tilespmem:v8+s2+$0x0], $0xffff;
	v8 =	vor.u32 $0x1C, v1  }
0x26e: {  	v10 =	vld.idx.msk [tilespmem:v9+s1+$0x0], $0xffff  }
0x26f: {  	v2 =	vadd.f32 v3, v2;
	v3 =	vmul.f32 v4, v11;
	v4 =	vld.idx.msk [tilespmem:v9+s2+$0x0], $0xffff;
	v9 =	vor.u32 $0x1D, v1  }
0x270: {  	v11 =	vld.idx.msk [tilespmem:v6+s1+$0x0], $0xffff  }
0x271: {  	v2 =	vadd.f32 v3, v2;
	v3 =	vmul.f32 v5, v12;
	v5 =	vld.idx.msk [tilespmem:v6+s2+$0x0], $0xffff;
	v6 =	vor.u32 $0x1E, v1  }
0x272: {  	v12 =	vld.idx.msk [tilespmem:v8+s1+$0x0], $0xffff  }
0x273: {  	v1 =	vor.u32 $0x1F, v1;
	v2 =	vadd.f32 v3, v2;
	v3 =	vmul.f32 v7, v13;
	v7 =	vld.idx.msk [tilespmem:v8+s2+$0x0], $0xffff  }
0x274: {  	v8 =	vld.idx.msk [tilespmem:v9+s1+$0x0], $0xffff  }
0x275: {  	v2 =	vadd.f32 v3, v2;
	v3 =	vmul.f32 v4, v10;
	v4 =	vld.idx.msk [tilespmem:v9+s2+$0x0], $0xffff  }
0x276: {  	v9 =	vld.idx.msk [tilespmem:v6+s1+$0x0], $0xffff  }
0x277: {  	v2 =	vadd.f32 v3, v2;
	v3 =	vmul.f32 v5, v11;
	v5 =	vld.idx.msk [tilespmem:v6+s2+$0x0], $0xffff  }
0x278: {  	v6 =	vld.idx.msk [tilespmem:v1+s1+$0x0], $0xffff  }
0x279: {  	v2 =	vadd.f32 v3, v2;
	v3 =	vmul.f32 v7, v12;
	v1 =	vld.idx.msk [tilespmem:v1+s2+$0x0], $0xffff;
	_ =	sdelay $0x1  }
0x27a: {  	v2 =	vadd.f32 v3, v2;
	v3 =	vmul.f32 v4, v8;
	_ =	sdelay $0x1  }
0x27b: {  	v2 =	vadd.f32 v3, v2;
	v3 =	vmul.f32 v5, v9;
	_ =	sdelay $0x1  }
0x27c: {  	v2 =	vadd.f32 v3, v2;
	v1 =	vmul.f32 v1, v6;
	_ =	sdelay $0x1  }
0x27d: {  	v1 =	vadd.f32 v1, v2;
	_ =	sdelay $0x1  }
0x27e: {  	v1 =	vsub.f32 $0.0e+00, v1;
	_ =	sdelay $0x1  }
0x27f: {  	v1 =	vmul.f32 $1.442695020e+00, v1;
	_ =	sdelay $0x1  }
0x280: {  	(erf) = vpow2.f32 v1;
	_ =	sdelay $0x8  }
0x281: {  	v1 =	vpop (erf)  }
0x282: {  	v1 =	vadd.f32 $1.000000000e+00, v1;
	_ =	sdelay $0x1  }
0x283: {  	(erf) = vrcp.f32 v1  }
.Ltmp2:
0x284: {  	(pc) =	sbr.rel @p0 .LBB2_6-.Ltmp2, $3  }
0x285: {  	_ =	sdelay $0x1  }
0x286: {  	v1 =	vmov s23  }
0x287: {  	s23 =	sadd.s32 $0x10, s23;
	v1 =	vshll.u32 v1, $0x7  }
0x288: {  	v1 =	vor.u32 v0, v1;
	_ =	sdelay $0x1  }
0x289: {  	v2 =	vor.u32 $0x1, v1  }
0x28a: {  	s0 =	sadd.s32 $0x10, s22;
	v3 =	vpop (erf)  }
0x28b: {  	v4 =	vor.u32 $0x2, v1;
	[tilespmem:s0+$0x0] =	vst v3  }
0x28c: {  	v3 =	vld.idx.msk [tilespmem:v1+s2+$0x0], $0xffff  }
0x28d: {  	v6 =	vor.u32 $0x3, v1;
	v5 =	vld.idx.msk [tilespmem:v1+s1+$0x0], $0xffff  }
0x28e: {  	v7 =	vld.idx.msk [tilespmem:v2+s1+$0x0], $0xffff  }
0x28f: {  	v8 =	vor.u32 $0x4, v1;
	v2 =	vld.idx.msk [tilespmem:v2+s2+$0x0], $0xffff  }
0x290: {  	v9 =	vld.idx.msk [tilespmem:v4+s1+$0x0], $0xffff  }
0x291: {  	v10 =	vor.u32 $0x5, v1;
	v4 =	vld.idx.msk [tilespmem:v4+s2+$0x0], $0xffff  }
0x292: {  	v11 =	vld.idx.msk [tilespmem:v6+s1+$0x0], $0xffff;
	v3 =	vmul.f32 v3, v5  }
0x293: {  	v34 =	vor.u32 $0x6, v1;
	v33 =	vld.idx.msk [tilespmem:v6+s2+$0x0], $0xffff  }
0x294: {  	v12 =	vld.idx.msk [tilespmem:v8+s1+$0x0], $0xffff;
	v2 =	vmul.f32 v2, v7;
	v3 =	vadd.f32 $0.0e+00, v3  }
0x295: {  	v36 =	vor.u32 $0x7, v1;
	v35 =	vld.idx.msk [tilespmem:v8+s2+$0x0], $0xffff  }
0x296: {  	v13 =	vld.idx.msk [tilespmem:v10+s1+$0x0], $0xffff;
	v2 =	vadd.f32 v2, v3;
	v3 =	vmul.f32 v4, v9  }
0x297: {  	v38 =	vor.u32 $0x8, v1;
	v37 =	vld.idx.msk [tilespmem:v10+s2+$0x0], $0xffff  }
0x298: {  	v39 =	vld.idx.msk [tilespmem:v34+s1+$0x0], $0xffff;
	v2 =	vadd.f32 v3, v2;
	v3 =	vmul.f32 v33, v11  }
0x299: {  	v41 =	vor.u32 $0x9, v1;
	v40 =	vld.idx.msk [tilespmem:v34+s2+$0x0], $0xffff  }
0x29a: {  	v42 =	vld.idx.msk [tilespmem:v36+s1+$0x0], $0xffff;
	v2 =	vadd.f32 v3, v2;
	v3 =	vmul.f32 v35, v12  }
0x29b: {  	v44 =	vor.u32 $0xA, v1;
	v43 =	vld.idx.msk [tilespmem:v36+s2+$0x0], $0xffff  }
0x29c: {  	v45 =	vld.idx.msk [tilespmem:v38+s1+$0x0], $0xffff;
	v2 =	vadd.f32 v3, v2;
	v3 =	vmul.f32 v37, v13  }
0x29d: {  	v47 =	vor.u32 $0xB, v1;
	v46 =	vld.idx.msk [tilespmem:v38+s2+$0x0], $0xffff  }
0x29e: {  	v48 =	vld.idx.msk [tilespmem:v41+s1+$0x0], $0xffff;
	v2 =	vadd.f32 v3, v2;
	v3 =	vmul.f32 v40, v39  }
0x29f: {  	v50 =	vor.u32 $0xC, v1;
	v49 =	vld.idx.msk [tilespmem:v41+s2+$0x0], $0xffff  }
0x2a0: {  	v51 =	vld.idx.msk [tilespmem:v44+s1+$0x0], $0xffff;
	v2 =	vadd.f32 v3, v2;
	v3 =	vmul.f32 v43, v42  }
0x2a1: {  	v53 =	vor.u32 $0xD, v1;
	v52 =	vld.idx.msk [tilespmem:v44+s2+$0x0], $0xffff  }
0x2a2: {  	v54 =	vld.idx.msk [tilespmem:v47+s1+$0x0], $0xffff;
	v2 =	vadd.f32 v3, v2;
	v3 =	vmul.f32 v46, v45  }
0x2a3: {  	v56 =	vor.u32 $0xE, v1;
	v55 =	vld.idx.msk [tilespmem:v47+s2+$0x0], $0xffff  }
0x2a4: {  	v57 =	vld.idx.msk [tilespmem:v50+s1+$0x0], $0xffff;
	v2 =	vadd.f32 v3, v2;
	v3 =	vmul.f32 v49, v48  }
0x2a5: {  	v59 =	vor.u32 $0xF, v1;
	v58 =	vld.idx.msk [tilespmem:v50+s2+$0x0], $0xffff  }
0x2a6: {  	v60 =	vld.idx.msk [tilespmem:v53+s1+$0x0], $0xffff;
	v2 =	vadd.f32 v3, v2;
	v3 =	vmul.f32 v52, v51  }
0x2a7: {  	v62 =	vor.u32 $0x10, v1;
	v61 =	vld.idx.msk [tilespmem:v53+s2+$0x0], $0xffff  }
0x2a8: {  	v63 =	vld.idx.msk [tilespmem:v56+s1+$0x0], $0xffff;
	v2 =	vadd.f32 v3, v2;
	v3 =	vmul.f32 v55, v54  }
0x2a9: {  	v17 =	vor.u32 $0x11, v1;
	v16 =	vld.idx.msk [tilespmem:v56+s2+$0x0], $0xffff  }
0x2aa: {  	v18 =	vld.idx.msk [tilespmem:v59+s1+$0x0], $0xffff;
	v2 =	vadd.f32 v3, v2;
	v3 =	vmul.f32 v58, v57  }
0x2ab: {  	v20 =	vor.u32 $0x12, v1;
	v19 =	vld.idx.msk [tilespmem:v59+s2+$0x0], $0xffff  }
0x2ac: {  	v21 =	vld.idx.msk [tilespmem:v62+s1+$0x0], $0xffff;
	v2 =	vadd.f32 v3, v2;
	v3 =	vmul.f32 v61, v60  }
0x2ad: {  	v23 =	vor.u32 $0x13, v1;
	v22 =	vld.idx.msk [tilespmem:v62+s2+$0x0], $0xffff  }
0x2ae: {  	v24 =	vld.idx.msk [tilespmem:v17+s1+$0x0], $0xffff;
	v2 =	vadd.f32 v3, v2;
	v3 =	vmul.f32 v16, v63  }
0x2af: {  	v26 =	vor.u32 $0x14, v1;
	v25 =	vld.idx.msk [tilespmem:v17+s2+$0x0], $0xffff  }
0x2b0: {  	v27 =	vld.idx.msk [tilespmem:v20+s1+$0x0], $0xffff;
	v2 =	vadd.f32 v3, v2;
	v3 =	vmul.f32 v19, v18  }
0x2b1: {  	v29 =	vor.u32 $0x15, v1;
	v28 =	vld.idx.msk [tilespmem:v20+s2+$0x0], $0xffff  }
0x2b2: {  	v30 =	vld.idx.msk [tilespmem:v23+s1+$0x0], $0xffff;
	v2 =	vadd.f32 v3, v2;
	v3 =	vmul.f32 v22, v21  }
0x2b3: {  	v32 =	vor.u32 $0x16, v1;
	v31 =	vld.idx.msk [tilespmem:v23+s2+$0x0], $0xffff  }
0x2b4: {  	v34 =	vld.idx.msk [tilespmem:v26+s2+$0x0], $0xffff;
	v2 =	vadd.f32 v3, v2;
	v3 =	vmul.f32 v25, v24  }
0x2b5: {  	v33 =	vld.idx.msk [tilespmem:v26+s1+$0x0], $0xffff;
	v35 =	vor.u32 $0x17, v1  }
0x2b6: {  	v36 =	vld.idx.msk [tilespmem:v29+s1+$0x0], $0xffff;
	v2 =	vadd.f32 v3, v2;
	v3 =	vmul.f32 v28, v27  }
0x2b7: {  	v38 =	vor.u32 $0x18, v1;
	v37 =	vld.idx.msk [tilespmem:v29+s2+$0x0], $0xffff  }
0x2b8: {  	v39 =	vld.idx.msk [tilespmem:v32+s1+$0x0], $0xffff;
	v2 =	vadd.f32 v3, v2;
	v3 =	vmul.f32 v31, v30  }
0x2b9: {  	v41 =	vor.u32 $0x19, v1;
	v40 =	vld.idx.msk [tilespmem:v32+s2+$0x0], $0xffff  }
0x2ba: {  	v42 =	vld.idx.msk [tilespmem:v35+s1+$0x0], $0xffff;
	v2 =	vadd.f32 v3, v2;
	v3 =	vmul.f32 v34, v33  }
0x2bb: {  	v44 =	vor.u32 $0x1A, v1;
	v43 =	vld.idx.msk [tilespmem:v35+s2+$0x0], $0xffff  }
0x2bc: {  	v45 =	vld.idx.msk [tilespmem:v38+s1+$0x0], $0xffff;
	v2 =	vadd.f32 v3, v2;
	v3 =	vmul.f32 v37, v36  }
0x2bd: {  	v47 =	vor.u32 $0x1B, v1;
	v46 =	vld.idx.msk [tilespmem:v38+s2+$0x0], $0xffff  }
0x2be: {  	v48 =	vld.idx.msk [tilespmem:v41+s1+$0x0], $0xffff;
	v2 =	vadd.f32 v3, v2;
	v3 =	vmul.f32 v40, v39  }
0x2bf: {  	v50 =	vor.u32 $0x1C, v1;
	v49 =	vld.idx.msk [tilespmem:v41+s2+$0x0], $0xffff  }
0x2c0: {  	v51 =	vld.idx.msk [tilespmem:v44+s1+$0x0], $0xffff;
	v2 =	vadd.f32 v3, v2;
	v3 =	vmul.f32 v43, v42  }
0x2c1: {  	v53 =	vor.u32 $0x1D, v1;
	v52 =	vld.idx.msk [tilespmem:v44+s2+$0x0], $0xffff  }
0x2c2: {  	v54 =	vld.idx.msk [tilespmem:v47+s1+$0x0], $0xffff;
	v2 =	vadd.f32 v3, v2;
	v3 =	vmul.f32 v46, v45  }
0x2c3: {  	v56 =	vor.u32 $0x1E, v1;
	v55 =	vld.idx.msk [tilespmem:v47+s2+$0x0], $0xffff  }
0x2c4: {  	v57 =	vld.idx.msk [tilespmem:v50+s1+$0x0], $0xffff;
	v2 =	vadd.f32 v3, v2;
	v3 =	vmul.f32 v49, v48  }
0x2c5: {  	v1 =	vor.u32 $0x1F, v1;
	v58 =	vld.idx.msk [tilespmem:v50+s2+$0x0], $0xffff  }
0x2c6: {  	v59 =	vld.idx.msk [tilespmem:v53+s1+$0x0], $0xffff;
	v2 =	vadd.f32 v3, v2;
	v3 =	vmul.f32 v52, v51  }
0x2c7: {  	v60 =	vld.idx.msk [tilespmem:v53+s2+$0x0], $0xffff  }
0x2c8: {  	v62 =	vld.idx.msk [tilespmem:v56+s2+$0x0], $0xffff;
	v2 =	vadd.f32 v3, v2;
	v3 =	vmul.f32 v55, v54  }
0x2c9: {  	v61 =	vld.idx.msk [tilespmem:v56+s1+$0x0], $0xffff  }
0x2ca: {  	v63 =	vld.idx.msk [tilespmem:v1+s1+$0x0], $0xffff;
	v2 =	vadd.f32 v3, v2;
	v3 =	vmul.f32 v58, v57  }
0x2cb: {  	v1 =	vld.idx.msk [tilespmem:v1+s2+$0x0], $0xffff  }
0x2cc: {  	v2 =	vadd.f32 v3, v2;
	v3 =	vmul.f32 v60, v59;
	_ =	sdelay $0x1  }
0x2cd: {  	v2 =	vadd.f32 v3, v2;
	v3 =	vmul.f32 v62, v61;
	_ =	sdelay $0x1  }
0x2ce: {  	v1 =	vmul.f32 v1, v63;
	v2 =	vadd.f32 v3, v2;
	_ =	sdelay $0x1  }
0x2cf: {  	v1 =	vadd.f32 v1, v2;
	_ =	sdelay $0x1  }
0x2d0: {  	v1 =	vsub.f32 $0.0e+00, v1;
	_ =	sdelay $0x1  }
0x2d1: {  	v1 =	vmul.f32 $1.442695020e+00, v1;
	_ =	sdelay $0x1  }
0x2d2: {  	(erf) = vpow2.f32 v1;
	_ =	sdelay $0x8  }
0x2d3: {  	v1 =	vpop (erf)  }
0x2d4: {  	v1 =	vadd.f32 $1.000000000e+00, v1;
	_ =	sdelay $0x1  }
0x2d5: {  	(erf) = vrcp.f32 v1;
	_ =	sdelay $0x8  }
0x2d6: {  	s0 =	sadd.s32 $0x10, s0;
	v1 =	vpop (erf)  }
0x2d7: {  	s15 =	simm.s32 $0x100;
	[tilespmem:s0+$0x0] =	vst v1  }
0x2d8: {  	s16 =	simm.s32 $0x300;
	v1 =	vld [tilespmem:s15+$0x0]  }
0x2d9: {  	v3 =	vld [tilespmem:s16+$0x0];
	_ =	sdelay $0x3  }
0x2da: {  	v2 =	vshll.u32 v1, $0x4  }
0x2db: {  	v1 =	vshll.u32 v3, $0x4;
	(v2sf) =	vpush v2, $0x0  }
0x2dc: {  	(v2sf) =	vpush v1, $0x0  }
0x2dd: {  	(v2sf) =	vpush v2, $0x1;
	_ =	sdelay $0x1  }
0x2de: {  	(v2sf) =	vpush v1, $0x1  }
0x2df: {  	(v2sf) =	vpush v2, $0x2;
	_ =	sdelay $0x1  }
0x2e0: {  	(v2sf) =	vpush v1, $0x2;
	_ =	sdelay $0x1  }
0x2e1: {  	(v2sf) =	vpush v2, $0x3  }
0x2e2: {  	s23 =	simm.s32 $0x2000  }
0x2e3: {  	s22 =	simm.s32 $0x0;
	s3 =	simm.s32 $0x8400;
	s4 =	simm.s32 $0x400  }
0x2e4: {  	s6 =	simm.s32 $0x600;
	s7 =	simm.s32 $0x580;
	s19 =	simm.s32 $0x480  }
0x2e5: {  	s24 =	simm.s32 $0x8480;
	s26 =	simm.s32 $0x500;
	s14 =	simm.s32 $0x8500  }
0x2e6: {  	s30 =	simm.s32 $0x8A80;
	s28 =	simm.s32 $0x110;
	s29 =	simm.s32 $0x310  }
0x2e7: {  	s31 =	simm.s32 $0xB00;
	s2 =	simm.s32 $0x680;
	s5 =	spop (v2sf);
	(v2sf) =	vpush v1, $0x3  }
0x2e8: {  	s1 =	simm.s32 $0x880;
	s5 =	sand.u32 $0x1FFFFFF0, s5;
	s8 =	spop (v2sf)  }
0x2e9: {  	s0 =	simm.s32 $0x8900;
	(v2sf) =	vpush v2, $0x4;
	s5 =	sadd.s32 s12, s5;
	s18 =	spop (v2sf)  }
0x2ea: {  	(v2sf) =	vpush v1, $0x4;
	[tilespmem:s4], [sflag:$0x1] =	stream.linear.gather [hbm4b:s5+s11], $0x80, $0x38;
	[tilespmem:$0x10600] =	vst v63  }
0x2eb: {  	s17 =	sand.u32 $0x1FFFFFF0, s8;
	s4 =	simm.s32 $0x8580;
	s9 =	spop (v2sf)  }
0x2ec: {  	s5 =	sadd.s32 s13, s17;
	s8 =	sand.u32 $0x1FFFFFF0, s18;
	(v2sf) =	vpush v2, $0x5;
	s25 =	spop (v2sf)  }
0x2ed: {  	(v2sf) =	vpush v1, $0x5;
	[tilespmem:s3], [sflag:$0x2] =	stream.linear.gather [hbm4b:s5+s11], $0x80, $0x38;
	[tilespmem:$0x10600] =	vst v63  }
0x2ee: {  	s20 =	sadd.s32 s12, s8;
	s21 =	sand.u32 $0x1FFFFFF0, s9;
	s9 =	spop (v2sf)  }
0x2ef: {  	[tilespmem:s19], [sflag:$0x3] =	stream.linear.gather [hbm4b:s20+s11], $0x80, $0x38;
	[tilespmem:$0x10600] =	vst v63  }
0x2f0: {  	s8 =	sadd.s32 s13, s21;
	s5 =	sand.u32 $0x1FFFFFF0, s25;
	s10 =	spop (v2sf)  }
0x2f1: {  	(v2sf) =	vpush v2, $0x6;
	[tilespmem:s24], [sflag:$0x4] =	stream.linear.gather [hbm4b:s8+s11], $0x80, $0x38;
	[tilespmem:$0x10600] =	vst v63  }
0x2f2: {  	s5 =	sadd.s32 s12, s5;
	s16 =	sand.u32 $0x1FFFFFF0, s10;
	s8 =	sand.u32 $0x1FFFFFF0, s9  }
0x2f3: {  	(v2sf) =	vpush v1, $0x6;
	[tilespmem:s26], [sflag:$0x5] =	stream.linear.gather [hbm4b:s5+s11], $0x80, $0x38;
	[tilespmem:$0x10600] =	vst v63  }
0x2f4: {  	s19 =	simm.s32 $0x8600;
	s10 =	simm.s32 $0xA80;
	s15 =	sadd.s32 s13, s8  }
0x2f5: {  	[tilespmem:s14], [sflag:$0x6] =	stream.linear.gather [hbm4b:s15+s11], $0x80, $0x38;
	[tilespmem:$0x10600] =	vst v63  }
0x2f6: {  	s18 =	sadd.s32 s12, s16;
	s9 =	simm.s32 $0x8A00;
	s17 =	spop (v2sf)  }
0x2f7: {  	(v2sf) =	vpush v2, $0x7;
	[tilespmem:s7], [sflag:$0x7] =	stream.linear.gather [hbm4b:s18+s11], $0x80, $0x38;
	[tilespmem:$0x10600] =	vst v63  }
0x2f8: {  	s26 =	simm.s32 $0x8680;
	s3 =	sand.u32 $0x1FFFFFF0, s17;
	s20 =	spop (v2sf)  }
0x2f9: {  	s3 =	sadd.s32 s13, s3;
	s7 =	sand.u32 $0x1FFFFFF0, s20;
	s21 =	spop (v2sf)  }
0x2fa: {  	(v2sf) =	vpush v1, $0x7;
	[tilespmem:s4], [sflag:$0x8] =	stream.linear.gather [hbm4b:s3+s11], $0x80, $0x38;
	[tilespmem:$0x10600] =	vst v63  }
0x2fb: {  	s14 =	simm.s32 $0x700;
	(v2sf) =	vpush v2, $0x8;
	s24 =	sadd.s32 s12, s7;
	s8 =	spop (v2sf)  }
0x2fc: {  	s25 =	sand.u32 $0x1FFFFFF0, s21;
	s15 =	sand.u32 $0x1FFFFFF0, s8;
	s16 =	spop (v2sf)  }
0x2fd: {  	(v2sf) =	vpush v1, $0x8;
	[tilespmem:s6], [sflag:$0x1] =	stream.linear.gather [hbm4b:s24+s11], $0x80, $0x38;
	[tilespmem:$0x10600] =	vst v63  }
0x2fe: {  	s4 =	sadd.s32 s13, s25;
	s5 =	sadd.s32 s12, s15;
	s6 =	sand.u32 $0x1FFFFFF0, s16  }
0x2ff: {  	(v2sf) =	vpush v2, $0x9;
	[tilespmem:s19], [sflag:$0x2] =	stream.linear.gather [hbm4b:s4+s11], $0x80, $0x38;
	[tilespmem:$0x10600] =	vst v63  }
0x300: {  	s17 =	spop (v2sf);
	s24 =	simm.s32 $0x8700;
	s16 =	simm.s32 $0x800  }
0x301: {  	(v2sf) =	vpush v1, $0x9;
	[tilespmem:s2], [sflag:$0x3] =	stream.linear.gather [hbm4b:s5+s11], $0x80, $0x38;
	[tilespmem:$0x10600] =	vst v63  }
0x302: {  	s18 =	sadd.s32 s13, s6;
	s20 =	spop (v2sf);
	s19 =	sand.u32 $0x1FFFFFF0, s17  }
0x303: {  	(v2sf) =	vpush v2, $0xA;
	[tilespmem:s26], [sflag:$0x4] =	stream.linear.gather [hbm4b:s18+s11], $0x80, $0x38;
	[tilespmem:$0x10600] =	vst v63  }
0x304: {  	s3 =	sand.u32 $0x1FFFFFF0, s20;
	s4 =	simm.s32 $0x780;
	s21 =	sadd.s32 s12, s19  }
0x305: {  	(v2sf) =	vpush v1, $0xA;
	[tilespmem:s14], [sflag:$0x5] =	stream.linear.gather [hbm4b:s21+s11], $0x80, $0x38;
	[tilespmem:$0x10600] =	vst v63  }
0x306: {  	s3 =	sadd.s32 s13, s3;
	s19 =	simm.s32 $0x8800;
	s25 =	spop (v2sf)  }
0x307: {  	(v2sf) =	vpush v2, $0xB;
	[tilespmem:s24], [sflag:$0x6] =	stream.linear.gather [hbm4b:s3+s11], $0x80, $0x38;
	[tilespmem:$0x10600] =	vst v63  }
0x308: {  	s2 =	simm.s32 $0x8980;
	s14 =	simm.s32 $0x8780;
	s5 =	sand.u32 $0x1FFFFFF0, s25  }
0x309: {  	s24 =	simm.s32 $0x8880;
	s26 =	spop (v2sf);
	(v2sf) =	vpush v1, $0xB;
	s7 =	sadd.s32 s12, s5  }
0x30a: {  	s8 =	sand.u32 $0x1FFFFFF0, s26;
	s15 =	spop (v2sf);
	s26 =	simm.s32 $0x900  }
0x30b: {  	[tilespmem:s4], [sflag:$0x7] =	stream.linear.gather [hbm4b:s7+s11], $0x80, $0x38;
	[tilespmem:$0x10600] =	vst v63  }
0x30c: {  	s5 =	sadd.s32 s13, s8;
	s4 =	sand.u32 $0x1FFFFFF0, s15;
	s17 =	spop (v2sf)  }
0x30d: {  	(v2sf) =	vpush v2, $0xC;
	[tilespmem:s14], [sflag:$0x8] =	stream.linear.gather [hbm4b:s5+s11], $0x80, $0x38;
	[tilespmem:$0x10600] =	vst v63  }
0x30e: {  	s4 =	sadd.s32 s12, s4;
	s18 =	spop (v2sf);
	s5 =	sand.u32 $0x1FFFFFF0, s17  }
0x30f: {  	(v2sf) =	vpush v1, $0xC;
	[tilespmem:s16], [sflag:$0x1] =	stream.linear.gather [hbm4b:s4+s11], $0x80, $0x38;
	[tilespmem:$0x10600] =	vst v63  }
0x310: {  	s21 =	sand.u32 $0x1FFFFFF0, s18;
	s25 =	spop (v2sf);
	s20 =	sadd.s32 s13, s5  }
0x311: {  	[tilespmem:s19], [sflag:$0x2] =	stream.linear.gather [hbm4b:s20+s11], $0x80, $0x38;
	[tilespmem:$0x10600] =	vst v63  }
0x312: {  	s5 =	sadd.s32 s12, s21;
	s7 =	spop (v2sf);
	s4 =	sand.u32 $0x1FFFFFF0, s25  }
0x313: {  	[tilespmem:s1], [sflag:$0x3] =	stream.linear.gather [hbm4b:s5+s11], $0x80, $0x38;
	[tilespmem:$0x10600] =	vst v63  }
0x314: {  	s8 =	spop (v2sf);
	s4 =	sadd.s32 s13, s4;
	s5 =	sand.u32 $0x1FFFFFF0, s7  }
0x315: {  	[tilespmem:s24], [sflag:$0x4] =	stream.linear.gather [hbm4b:s4+s11], $0x80, $0x38;
	[tilespmem:$0x10600] =	vst v63  }
0x316: {  	s15 =	sand.u32 $0x1FFFFFF0, s8;
	s14 =	sadd.s32 s12, s5;
	s16 =	spop (v2sf)  }
0x317: {  	[tilespmem:s26], [sflag:$0x5] =	stream.linear.gather [hbm4b:s14+s11], $0x80, $0x38;
	[tilespmem:$0x10600] =	vst v63  }
0x318: {  	s17 =	sadd.s32 s13, s15;
	s18 =	sand.u32 $0x1FFFFFF0, s16;
	s19 =	spop (v2sf)  }
0x319: {  	(v2sf) =	vpush v2, $0xD;
	[tilespmem:s0], [sflag:$0x6] =	stream.linear.gather [hbm4b:s17+s11], $0x80, $0x38;
	[tilespmem:$0x10600] =	vst v63  }
0x31a: {  	s20 =	simm.s32 $0x980;
	(v2sf) =	vpush v1, $0xD;
	s21 =	sadd.s32 s12, s18;
	s24 =	sand.u32 $0x1FFFFFF0, s19  }
0x31b: {  	(v2sf) =	vpush v2, $0xE;
	[tilespmem:s20], [sflag:$0x7] =	stream.linear.gather [hbm4b:s21+s11], $0x80, $0x38;
	[tilespmem:$0x10600] =	vst v63  }
0x31c: {  	s5 =	simm.s32 $0x8B00;
	s25 =	sadd.s32 s13, s24;
	(v2sf) =	vpush v1, $0xE;
	s26 =	spop (v2sf)  }
0x31d: {  	(v2sf) =	vpush v2, $0xF;
	[tilespmem:s2], [sflag:$0x8] =	stream.linear.gather [hbm4b:s25+s11], $0x80, $0x38;
	[tilespmem:$0x10600] =	vst v63  }
0x31e: {  	s0 =	simm.s32 $0xA00;
	s1 =	sand.u32 $0x1FFFFFF0, s26;
	(v2sf) =	vpush v1, $0xF;
	s2 =	spop (v2sf)  }
.LBB2_8:
0x31f: {  	_ =	sdelay $0x4  }
0x320: {  	s1 =	sadd.s32 s12, s1;
	s2 =	sand.u32 $0x1FFFFFF0, s2  }
0x321: {  	[tilespmem:s0], [sflag:$0x1] =	stream.linear.gather [hbm4b:s1+s11], $0x80, $0x38;
	[tilespmem:$0x10600] =	vst v63  }
0x322: {  	s8 =	sadd.s32 s13, s2  }
0x323: {  	[tilespmem:s9], [sflag:$0x2] =	stream.linear.gather [hbm4b:s8+s11], $0x80, $0x38;
	[tilespmem:$0x10600] =	vst v63  }
0x324: {  	s3 =	spop (v2sf)  }
0x325: {  	s14 =	sand.u32 $0x1FFFFFF0, s3;
	s15 =	spop (v2sf)  }
0x326: {  	s16 =	sadd.s32 s12, s14;
	s17 =	sand.u32 $0x1FFFFFF0, s15;
	s18 =	spop (v2sf)  }
0x327: {  	[tilespmem:s10], [sflag:$0x3] =	stream.linear.gather [hbm4b:s16+s11], $0x80, $0x38;
	[tilespmem:$0x10600] =	vst v63  }
0x328: {  	s19 =	sadd.s32 s13, s17;
	s20 =	sand.u32 $0x1FFFFFF0, s18;
	s21 =	spop (v2sf)  }
0x329: {  	[tilespmem:s30], [sflag:$0x4] =	stream.linear.gather [hbm4b:s19+s11], $0x80, $0x38;
	[tilespmem:$0x10600] =	vst v63  }
0x32a: {  	s24 =	sadd.s32 s12, s20;
	s25 =	sand.u32 $0x1FFFFFF0, s21;
	s26 =	spop (v2sf)  }
0x32b: {  	[tilespmem:s31], [sflag:$0x5] =	stream.linear.gather [hbm4b:s24+s11], $0x80, $0x38;
	[tilespmem:$0x10600] =	vst v63  }
0x32c: {  	s1 =	sadd.s32 s13, s25;
	s3 =	sand.u32 $0x1FFFFFF0, s26;
	s4 =	spop (v2sf)  }
0x32d: {  	[tilespmem:s5], [sflag:$0x6] =	stream.linear.gather [hbm4b:s1+s11], $0x80, $0x38;
	[tilespmem:$0x10600] =	vst v63  }
0x32e: {  	s2 =	sand.u32 $0x1FFFFFF0, s4;
	s5 =	sadd.s32 $0xB80, s22;
	s1 =	sadd.s32 s12, s3  }
0x32f: {  	[tilespmem:s5], [sflag:$0x7] =	stream.linear.gather [hbm4b:s1+s11], $0x80, $0x38;
	[tilespmem:$0x10600] =	vst v63  }
0x330: {  	s6 =	sadd.s32 $0x8B80, s22;
	s7 =	sadd.s32 s13, s2  }
0x331: {  	[tilespmem:s6], [sflag:$0x8] =	stream.linear.gather [hbm4b:s7+s11], $0x80, $0x38;
	[tilespmem:$0x10600] =	vst v63  }
0x332: {  	v1 =	vld [tilespmem:s28+$0x0];
	_ =	sdelay $0x1  }
0x333: {  	v3 =	vld [tilespmem:s29+$0x0];
	_ =	sdelay $0x2  }
0x334: {  	v2 =	vshll.u32 v1, $0x4  }
0x335: {  	(v2sf) =	vpush v2, $0x0  }
0x336: {  	v1 =	vshll.u32 v3, $0x4  }
0x337: {  	(v2sf) =	vpush v1, $0x0  }
0x338: {  	s8 =	smov.u32 s23  }
0x339: {  	p0 =	sne.s32 s23, $0x1E000;
	s23 =	sadd.s32 $0x2000, s23;
	s22 =	sshra.s32 s8, $0x2  }
0x33a: {  	s26 =	rddreg [dreg:$0x5];
	s3 =	sadd.s32 $0x8400, s22;
	s2 =	sadd.s32 $0x680, s22;
	(v2sf) =	vpush v2, $0x1  }
0x33b: {  	s0 =	sadd.s32 $0x880, s22;
	s18 =	sadd.s32 $0x400, s22;
	s16 =	sadd.s32 $0x600, s22  }
0x33c: {  	s9 =	sadd.s32 $0x8900, s22;
	s20 =	sadd.s32 $0x580, s22;
	s10 =	sadd.s32 $0x8A00, s22  }
0x33d: {  	s17 =	sadd.s32 $0x8600, s22;
	s4 =	sadd.s32 $0x8480, s22;
	s15 =	sadd.s32 $0x8680, s22;
	(v2sf) =	vpush v1, $0x1  }
0x33e: {  	s14 =	sadd.s32 $0x700, s22;
	s30 =	sadd.s32 $0x8A80, s22;
	[dreg:$0xd] =	wrdreg s0  }
0x33f: {  	s13 =	sadd.s32 $0x8700, s22;
	s12 =	sadd.s32 $0x8880, s22;
	[dreg:$0x8] =	wrdreg s9  }
0x340: {  	s19 =	sadd.s32 $0x900, s22;
	s21 =	sadd.s32 $0x8800, s22;
	[dreg:$0x12] =	wrdreg s10;
	(v2sf) =	vpush v2, $0x2  }
0x341: {  	s31 =	sadd.s32 $0xB00, s22;
	s1 =	sadd.s32 $0x8580, s22;
	[dreg:$0x11] =	wrdreg s12  }
0x342: {  	s10 =	sadd.s32 $0xA80, s22;
	[dreg:$0xf] =	wrdreg s19;
	s12 =	sadd.s32 $0x780, s22;
	(v2sf) =	vpush v1, $0x2  }
0x343: {  	[dreg:$0x14] =	wrdreg s21;
	s0 =	sadd.s32 $0xA00, s22;
	s19 =	sadd.s32 $0x480, s22;
	(v2sf) =	vpush v2, $0x3  }
0x344: {  	s9 =	simm.s32 $0x0;
	s21 =	sadd.s32 $0x800, s22;
	s8 =	spop (v2sf)  }
0x345: {  	s5 =	sadd.s32 $0x8B00, s22;
	s7 =	sadd.s32 $0x500, s22;
	(v2sf) =	vpush v1, $0x3;
	s24 =	sand.u32 $0x1FFFFFF0, s8  }
0x346: {  	s6 =	sadd.s32 $0x8500, s22;
	s25 =	spop (v2sf);
	s24 =	sadd.s32 s26, s24  }
0x347: {  	[tilespmem:s18], [sflag:$0x1] =	stream.linear.gather [hbm4b:s24+s9], $0x80, $0x38;
	[tilespmem:$0x10600] =	vst v63  }
0x348: {  	s11 =	sadd.s32 $0x8980, s22;
	(v2sf) =	vpush v2, $0x4;
	s25 =	sand.u32 $0x1FFFFFF0, s25;
	s24 =	rddreg [dreg:$0x6]  }
0x349: {  	[dreg:$0xa] =	wrdreg s11;
	s26 =	spop (v2sf);
	s18 =	sadd.s32 s24, s25  }
0x34a: {  	[tilespmem:s3], [sflag:$0x2] =	stream.linear.gather [hbm4b:s18+s9], $0x80, $0x38;
	[tilespmem:$0x10600] =	vst v63  }
0x34b: {  	s11 =	sadd.s32 $0x8780, s22;
	s25 =	sand.u32 $0x1FFFFFF0, s26;
	s18 =	rddreg [dreg:$0x5]  }
0x34c: {  	s28 =	sadd.s32 $0x10, s28;
	(v2sf) =	vpush v1, $0x4;
	s26 =	spop (v2sf);
	s3 =	sadd.s32 s18, s25  }
0x34d: {  	(v2sf) =	vpush v2, $0x5;
	[tilespmem:s19], [sflag:$0x3] =	stream.linear.gather [hbm4b:s3+s9], $0x80, $0x38;
	[tilespmem:$0x10600] =	vst v63  }
0x34e: {  	s29 =	sadd.s32 $0x10, s29;
	s25 =	sand.u32 $0x1FFFFFF0, s26;
	s19 =	rddreg [dreg:$0x6]  }
0x34f: {  	(v2sf) =	vpush v1, $0x5;
	s24 =	rddreg [dreg:$0x6];
	s26 =	spop (v2sf);
	s3 =	sadd.s32 s19, s25  }
0x350: {  	[tilespmem:s4], [sflag:$0x4] =	stream.linear.gather [hbm4b:s3+s9], $0x80, $0x38;
	[tilespmem:$0x10600] =	vst v63  }
0x351: {  	s25 =	sand.u32 $0x1FFFFFF0, s26;
	s26 =	spop (v2sf);
	s4 =	rddreg [dreg:$0x5]  }
0x352: {  	(v2sf) =	vpush v2, $0x6;
	s18 =	sand.u32 $0x1FFFFFF0, s26;
	s19 =	spop (v2sf);
	s3 =	sadd.s32 s4, s25  }
0x353: {  	[tilespmem:s7], [sflag:$0x5] =	stream.linear.gather [hbm4b:s3+s9], $0x80, $0x38;
	[tilespmem:$0x10600] =	vst v63  }
0x354: {  	(v2sf) =	vpush v1, $0x6;
	s26 =	spop (v2sf);
	s3 =	sadd.s32 s24, s18;
	s24 =	rddreg [dreg:$0x6]  }
0x355: {  	[tilespmem:s6], [sflag:$0x6] =	stream.linear.gather [hbm4b:s3+s9], $0x80, $0x38;
	[tilespmem:$0x10600] =	vst v63  }
0x356: {  	(v2sf) =	vpush v2, $0x7;
	s25 =	sand.u32 $0x1FFFFFF0, s19;
	s18 =	sand.u32 $0x1FFFFFF0, s26;
	s6 =	rddreg [dreg:$0x5]  }
0x357: {  	(v2sf) =	vpush v1, $0x7;
	s19 =	spop (v2sf);
	s7 =	rddreg [dreg:$0x6];
	s3 =	sadd.s32 s6, s25  }
0x358: {  	[tilespmem:s20], [sflag:$0x7] =	stream.linear.gather [hbm4b:s3+s9], $0x80, $0x38;
	[tilespmem:$0x10600] =	vst v63  }
0x359: {  	s25 =	sand.u32 $0x1FFFFFF0, s19;
	s19 =	rddreg [dreg:$0x5];
	s3 =	sadd.s32 s24, s18  }
0x35a: {  	[tilespmem:s1], [sflag:$0x8] =	stream.linear.gather [hbm4b:s3+s9], $0x80, $0x38;
	[tilespmem:$0x10600] =	vst v63  }
0x35b: {  	s8 =	sadd.s32 $0x980, s22;
	(v2sf) =	vpush v2, $0x8;
	s26 =	spop (v2sf);
	s3 =	rddreg [dreg:$0x5]  }
0x35c: {  	s4 =	sand.u32 $0x1FFFFFF0, s26;
	s6 =	spop (v2sf);
	s1 =	sadd.s32 s3, s25  }
0x35d: {  	[tilespmem:s16], [sflag:$0x1] =	stream.linear.gather [hbm4b:s1+s9], $0x80, $0x38;
	[tilespmem:$0x10600] =	vst v63  }
0x35e: {  	(v2sf) =	vpush v1, $0x8;
	s25 =	rddreg [dreg:$0x6];
	s1 =	sadd.s32 s7, s4;
	s18 =	spop (v2sf)  }
0x35f: {  	(v2sf) =	vpush v2, $0x9;
	s16 =	sand.u32 $0x1FFFFFF0, s6;
	s6 =	rddreg [dreg:$0x5];
	s20 =	sand.u32 $0x1FFFFFF0, s18  }
0x360: {  	[tilespmem:s17], [sflag:$0x2] =	stream.linear.gather [hbm4b:s1+s9], $0x80, $0x38;
	[tilespmem:$0x10600] =	vst v63  }
0x361: {  	s1 =	sadd.s32 s19, s16;
	s24 =	spop (v2sf);
	s16 =	rddreg [dreg:$0x6]  }
0x362: {  	[tilespmem:s2], [sflag:$0x3] =	stream.linear.gather [hbm4b:s1+s9], $0x80, $0x38;
	[tilespmem:$0x10600] =	vst v63  }
0x363: {  	(v2sf) =	vpush v1, $0x9;
	s19 =	rddreg [dreg:$0x5];
	s1 =	sadd.s32 s25, s20;
	s2 =	spop (v2sf)  }
0x364: {  	[tilespmem:s15], [sflag:$0x4] =	stream.linear.gather [hbm4b:s1+s9], $0x80, $0x38;
	[tilespmem:$0x10600] =	vst v63  }
0x365: {  	(v2sf) =	vpush v2, $0xA;
	s26 =	sand.u32 $0x1FFFFFF0, s24;
	s7 =	sand.u32 $0x1FFFFFF0, s2;
	s15 =	spop (v2sf)  }
0x366: {  	s1 =	sadd.s32 s6, s26;
	s17 =	sand.u32 $0x1FFFFFF0, s15;
	s18 =	spop (v2sf)  }
0x367: {  	(v2sf) =	vpush v1, $0xA;
	[tilespmem:s14], [sflag:$0x5] =	stream.linear.gather [hbm4b:s1+s9], $0x80, $0x38;
	[tilespmem:$0x10600] =	vst v63  }
0x368: {  	s1 =	sadd.s32 s16, s7;
	s20 =	sand.u32 $0x1FFFFFF0, s18;
	s16 =	rddreg [dreg:$0x14]  }
0x369: {  	(v2sf) =	vpush v2, $0xB;
	[tilespmem:s13], [sflag:$0x6] =	stream.linear.gather [hbm4b:s1+s9], $0x80, $0x38;
	[tilespmem:$0x10600] =	vst v63  }
0x36a: {  	s24 =	spop (v2sf);
	s13 =	rddreg [dreg:$0x6];
	s1 =	sadd.s32 s19, s17  }
0x36b: {  	(v2sf) =	vpush v1, $0xB;
	[tilespmem:s12], [sflag:$0x7] =	stream.linear.gather [hbm4b:s1+s9], $0x80, $0x38;
	[tilespmem:$0x10600] =	vst v63  }
0x36c: {  	s26 =	sand.u32 $0x1FFFFFF0, s24;
	s25 =	sadd.s32 s13, s20;
	s12 =	rddreg [dreg:$0x5]  }
0x36d: {  	s20 =	rddreg [dreg:$0xd];
	s2 =	spop (v2sf);
	s3 =	sadd.s32 s12, s26  }
0x36e: {  	(v2sf) =	vpush v2, $0xC;
	s4 =	sand.u32 $0x1FFFFFF0, s2;
	s6 =	spop (v2sf);
	s26 =	rddreg [dreg:$0x11]  }
0x36f: {  	[tilespmem:s11], [sflag:$0x8] =	stream.linear.gather [hbm4b:s25+s9], $0x80, $0x38;
	[tilespmem:$0x10600] =	vst v63  }
0x370: {  	(v2sf) =	vpush v1, $0xC;
	s9 =	rddreg [dreg:$0x12];
	s11 =	simm.s32 $0x0;
	s14 =	sand.u32 $0x1FFFFFF0, s6  }
0x371: {  	[tilespmem:s21], [sflag:$0x1] =	stream.linear.gather [hbm4b:s3+s11], $0x80, $0x38;
	[tilespmem:$0x10600] =	vst v63  }
0x372: {  	s7 =	sadd.s32 s13, s4;
	s15 =	spop (v2sf);
	s17 =	sadd.s32 s12, s14  }
0x373: {  	[tilespmem:s16], [sflag:$0x2] =	stream.linear.gather [hbm4b:s7+s11], $0x80, $0x38;
	[tilespmem:$0x10600] =	vst v63  }
0x374: {  	s18 =	sand.u32 $0x1FFFFFF0, s15;
	s15 =	rddreg [dreg:$0xf];
	s19 =	spop (v2sf)  }
0x375: {  	[tilespmem:s20], [sflag:$0x3] =	stream.linear.gather [hbm4b:s17+s11], $0x80, $0x38;
	[tilespmem:$0x10600] =	vst v63  }
0x376: {  	s21 =	sadd.s32 s13, s18;
	s24 =	sand.u32 $0x1FFFFFF0, s19;
	s25 =	spop (v2sf)  }
0x377: {  	[tilespmem:s26], [sflag:$0x4] =	stream.linear.gather [hbm4b:s21+s11], $0x80, $0x38;
	[tilespmem:$0x10600] =	vst v63  }
0x378: {  	s6 =	sadd.s32 s12, s24;
	s7 =	sand.u32 $0x1FFFFFF0, s25;
	s14 =	spop (v2sf)  }
0x379: {  	[tilespmem:s15], [sflag:$0x5] =	stream.linear.gather [hbm4b:s6+s11], $0x80, $0x38;
	[tilespmem:$0x10600] =	vst v63  }
0x37a: {  	s19 =	rddreg [dreg:$0x8];
	s16 =	sadd.s32 s13, s7;
	s18 =	spop (v2sf)  }
0x37b: {  	(v2sf) =	vpush v2, $0xD;
	[tilespmem:s19], [sflag:$0x6] =	stream.linear.gather [hbm4b:s16+s11], $0x80, $0x38;
	[tilespmem:$0x10600] =	vst v63  }
.Ltmp3:
0x37c: {  	(v2sf) =	vpush v1, $0xD;
	s17 =	sand.u32 $0x1FFFFFF0, s14;
	s26 =	rddreg [dreg:$0xa];
	(pc) =	sbr.rel @p0 .LBB2_8-.Ltmp3, $4  }
0x37d: {  	(v2sf) =	vpush v2, $0xE;
	s20 =	sadd.s32 s12, s17;
	s21 =	sand.u32 $0x1FFFFFF0, s18;
	s24 =	spop (v2sf)  }
0x37e: {  	(v2sf) =	vpush v1, $0xE;
	[tilespmem:s8], [sflag:$0x7] =	stream.linear.gather [hbm4b:s20+s11], $0x80, $0x38;
	[tilespmem:$0x10600] =	vst v63  }
0x37f: {  	(v2sf) =	vpush v2, $0xF;
	s25 =	sadd.s32 s13, s21;
	s1 =	sand.u32 $0x1FFFFFF0, s24;
	s2 =	spop (v2sf)  }
0x380: {  	(v2sf) =	vpush v1, $0xF;
	[tilespmem:s26], [sflag:$0x8] =	stream.linear.gather [hbm4b:s25+s11], $0x80, $0x38;
	[tilespmem:$0x10600] =	vst v63  }
0x381: {  	_ =	sdelay $0x4  }
0x382: {  	s1 =	sadd.s32 s12, s1;
	s2 =	sand.u32 $0x1FFFFFF0, s2  }
0x383: {  	[tilespmem:s0], [sflag:$0x1] =	stream.linear.gather [hbm4b:s1+s11], $0x80, $0x38;
	[tilespmem:$0x10600] =	vst v63  }
0x384: {  	s7 =	sadd.s32 s13, s2  }
0x385: {  	[tilespmem:s9], [sflag:$0x2] =	stream.linear.gather [hbm4b:s7+s11], $0x80, $0x38;
	[tilespmem:$0x10600] =	vst v63  }
0x386: {  	s3 =	spop (v2sf)  }
0x387: {  	s8 =	sand.u32 $0x1FFFFFF0, s3;
	s14 =	spop (v2sf)  }
0x388: {  	s15 =	sadd.s32 s12, s8;
	s16 =	sand.u32 $0x1FFFFFF0, s14;
	s17 =	spop (v2sf)  }
0x389: {  	[tilespmem:s10], [sflag:$0x3] =	stream.linear.gather [hbm4b:s15+s11], $0x80, $0x38;
	[tilespmem:$0x10600] =	vst v63  }
0x38a: {  	s18 =	sadd.s32 s13, s16;
	s19 =	sand.u32 $0x1FFFFFF0, s17;
	s20 =	spop (v2sf)  }
0x38b: {  	[tilespmem:s30], [sflag:$0x4] =	stream.linear.gather [hbm4b:s18+s11], $0x80, $0x38;
	[tilespmem:$0x10600] =	vst v63  }
0x38c: {  	s21 =	sadd.s32 s12, s19;
	s23 =	sand.u32 $0x1FFFFFF0, s20;
	s24 =	spop (v2sf)  }
0x38d: {  	[tilespmem:s31], [sflag:$0x5] =	stream.linear.gather [hbm4b:s21+s11], $0x80, $0x38;
	[tilespmem:$0x10600] =	vst v63  }
0x38e: {  	s25 =	sadd.s32 s13, s23;
	s26 =	sand.u32 $0x1FFFFFF0, s24;
	s28 =	spop (v2sf)  }
0x38f: {  	[tilespmem:s5], [sflag:$0x6] =	stream.linear.gather [hbm4b:s25+s11], $0x80, $0x38;
	[tilespmem:$0x10600] =	vst v63  }
0x390: {  	s29 =	sadd.s32 $0xB80, s22;
	s1 =	sadd.s32 s12, s26;
	s2 =	sand.u32 $0x1FFFFFF0, s28  }
0x391: {  	[tilespmem:s29], [sflag:$0x7] =	stream.linear.gather [hbm4b:s1+s11], $0x80, $0x38;
	[tilespmem:$0x10600] =	vst v63  }
0x392: {  	s30 =	sadd.s32 $0x8B80, s22;
	s31 =	sadd.s32 s13, s2;
	s1 =	simm.s32 $0x1  }
0x393: {  	[tilespmem:s30], [sflag:$0x8] =	stream.linear.gather [hbm4b:s31+s11], $0x80, $0x38;
	[tilespmem:$0x10600] =	vst v63  }
0x394: {  	_ =	swait.ge [sflag:s1], $0x80  }
0x395: {  	[sflag:s1] =	ssyncset.done $0x0  }
0x396: {  	s2 =	simm.s32 $0x2;
	[sflag:s1] =	ssyncadd.s32 $0xFFFFFF80  }
0x397: {  	_ =	swait.ge [sflag:s2], $0x80  }
0x398: {  	[sflag:s2] =	ssyncset.done $0x0  }
0x399: {  	s3 =	simm.s32 $0x3;
	[sflag:s2] =	ssyncadd.s32 $0xFFFFFF80  }
0x39a: {  	_ =	swait.ge [sflag:s3], $0x80  }
0x39b: {  	[sflag:s3] =	ssyncset.done $0x0  }
0x39c: {  	s4 =	simm.s32 $0x4;
	[sflag:s3] =	ssyncadd.s32 $0xFFFFFF80  }
0x39d: {  	_ =	swait.ge [sflag:s4], $0x80  }
0x39e: {  	[sflag:s4] =	ssyncset.done $0x0  }
0x39f: {  	s5 =	simm.s32 $0x5;
	[sflag:s4] =	ssyncadd.s32 $0xFFFFFF80  }
0x3a0: {  	_ =	swait.ge [sflag:s5], $0x80  }
0x3a1: {  	[sflag:s5] =	ssyncset.done $0x0  }
0x3a2: {  	s6 =	simm.s32 $0x6;
	[sflag:s5] =	ssyncadd.s32 $0xFFFFFF80  }
0x3a3: {  	_ =	swait.ge [sflag:s6], $0x80  }
0x3a4: {  	[sflag:s6] =	ssyncset.done $0x0  }
0x3a5: {  	s7 =	simm.s32 $0x7;
	[sflag:s6] =	ssyncadd.s32 $0xFFFFFF80  }
0x3a6: {  	_ =	swait.ge [sflag:s7], $0x80  }
0x3a7: {  	[sflag:s7] =	ssyncset.done $0x0  }
0x3a8: {  	s8 =	simm.s32 $0x8;
	[sflag:s7] =	ssyncadd.s32 $0xFFFFFF80  }
0x3a9: {  	_ =	swait.ge [sflag:s8], $0x80  }
0x3aa: {  	[sflag:s8] =	ssyncset.done $0x0  }
0x3ab: {  	[sflag:s8] =	ssyncadd.s32 $0xFFFFFF80  }
0x3ac: {  	_ =	swait.ge [sflag:s1], $0x80  }
0x3ad: {  	[sflag:s1] =	ssyncset.done $0x0  }
0x3ae: {  	[sflag:s1] =	ssyncadd.s32 $0xFFFFFF80  }
0x3af: {  	_ =	swait.ge [sflag:s2], $0x80  }
0x3b0: {  	[sflag:s2] =	ssyncset.done $0x0  }
0x3b1: {  	[sflag:s2] =	ssyncadd.s32 $0xFFFFFF80  }
0x3b2: {  	_ =	swait.ge [sflag:s3], $0x80  }
0x3b3: {  	[sflag:s3] =	ssyncset.done $0x0  }
0x3b4: {  	[sflag:s3] =	ssyncadd.s32 $0xFFFFFF80  }
0x3b5: {  	_ =	swait.ge [sflag:s4], $0x80  }
0x3b6: {  	[sflag:s4] =	ssyncset.done $0x0  }
0x3b7: {  	[sflag:s4] =	ssyncadd.s32 $0xFFFFFF80  }
0x3b8: {  	_ =	swait.ge [sflag:s5], $0x80  }
0x3b9: {  	[sflag:s5] =	ssyncset.done $0x0  }
0x3ba: {  	[sflag:s5] =	ssyncadd.s32 $0xFFFFFF80  }
0x3bb: {  	_ =	swait.ge [sflag:s6], $0x80  }
0x3bc: {  	[sflag:s6] =	ssyncset.done $0x0  }
0x3bd: {  	[sflag:s6] =	ssyncadd.s32 $0xFFFFFF80  }
0x3be: {  	_ =	swait.ge [sflag:s7], $0x80  }
0x3bf: {  	[sflag:s7] =	ssyncset.done $0x0  }
0x3c0: {  	[sflag:s7] =	ssyncadd.s32 $0xFFFFFF80  }
0x3c1: {  	_ =	swait.ge [sflag:s8], $0x80  }
0x3c2: {  	[sflag:s8] =	ssyncset.done $0x0  }
0x3c3: {  	[sflag:s8] =	ssyncadd.s32 $0xFFFFFF80  }
0x3c4: {  	_ =	swait.ge [sflag:s1], $0x80  }
0x3c5: {  	[sflag:s1] =	ssyncset.done $0x0  }
0x3c6: {  	[sflag:s1] =	ssyncadd.s32 $0xFFFFFF80  }
0x3c7: {  	_ =	swait.ge [sflag:s2], $0x80  }
0x3c8: {  	[sflag:s2] =	ssyncset.done $0x0  }
0x3c9: {  	[sflag:s2] =	ssyncadd.s32 $0xFFFFFF80  }
0x3ca: {  	_ =	swait.ge [sflag:s3], $0x80  }
0x3cb: {  	[sflag:s3] =	ssyncset.done $0x0  }
0x3cc: {  	[sflag:s3] =	ssyncadd.s32 $0xFFFFFF80  }
0x3cd: {  	_ =	swait.ge [sflag:s4], $0x80  }
0x3ce: {  	[sflag:s4] =	ssyncset.done $0x0  }
0x3cf: {  	[sflag:s4] =	ssyncadd.s32 $0xFFFFFF80  }
0x3d0: {  	_ =	swait.ge [sflag:s5], $0x80  }
0x3d1: {  	[sflag:s5] =	ssyncset.done $0x0  }
0x3d2: {  	[sflag:s5] =	ssyncadd.s32 $0xFFFFFF80  }
0x3d3: {  	_ =	swait.ge [sflag:s6], $0x80  }
0x3d4: {  	[sflag:s6] =	ssyncset.done $0x0  }
0x3d5: {  	[sflag:s6] =	ssyncadd.s32 $0xFFFFFF80  }
0x3d6: {  	_ =	swait.ge [sflag:s7], $0x80  }
0x3d7: {  	[sflag:s7] =	ssyncset.done $0x0  }
0x3d8: {  	[sflag:s7] =	ssyncadd.s32 $0xFFFFFF80  }
0x3d9: {  	_ =	swait.ge [sflag:s8], $0x80  }
0x3da: {  	[sflag:s8] =	ssyncset.done $0x0  }
0x3db: {  	[sflag:s8] =	ssyncadd.s32 $0xFFFFFF80  }
0x3dc: {  	_ =	swait.ge [sflag:s1], $0x80  }
0x3dd: {  	[sflag:s1] =	ssyncset.done $0x0  }
0x3de: {  	[sflag:s1] =	ssyncadd.s32 $0xFFFFFF80  }
0x3df: {  	_ =	swait.ge [sflag:s2], $0x80  }
0x3e0: {  	[sflag:s2] =	ssyncset.done $0x0  }
0x3e1: {  	[sflag:s2] =	ssyncadd.s32 $0xFFFFFF80  }
0x3e2: {  	_ =	swait.ge [sflag:s3], $0x80  }
0x3e3: {  	[sflag:s3] =	ssyncset.done $0x0  }
0x3e4: {  	[sflag:s3] =	ssyncadd.s32 $0xFFFFFF80  }
0x3e5: {  	_ =	swait.ge [sflag:s4], $0x80  }
0x3e6: {  	[sflag:s4] =	ssyncset.done $0x0  }
0x3e7: {  	[sflag:s4] =	ssyncadd.s32 $0xFFFFFF80  }
0x3e8: {  	_ =	swait.ge [sflag:s5], $0x80  }
0x3e9: {  	[sflag:s5] =	ssyncset.done $0x0  }
0x3ea: {  	[sflag:s5] =	ssyncadd.s32 $0xFFFFFF80  }
0x3eb: {  	_ =	swait.ge [sflag:s6], $0x80  }
0x3ec: {  	[sflag:s6] =	ssyncset.done $0x0  }
0x3ed: {  	[sflag:s6] =	ssyncadd.s32 $0xFFFFFF80  }
0x3ee: {  	_ =	swait.ge [sflag:s7], $0x80  }
0x3ef: {  	[sflag:s7] =	ssyncset.done $0x0  }
0x3f0: {  	[sflag:s7] =	ssyncadd.s32 $0xFFFFFF80  }
0x3f1: {  	_ =	swait.ge [sflag:s8], $0x80  }
0x3f2: {  	s0 =	simm.s32 $0xF;
	[sflag:s8] =	ssyncset.done $0x0  }
.LBB2_10:
0x3f3: {  	p0 =	sne.s32 s0, $0x1;
	s0 =	sadd.s32 $0xFFFFFFFF, s0;
	[sflag:s8] =	ssyncadd.s32 $0xFFFFFF80  }
0x3f4: {  	_ =	swait.ge [sflag:s1], $0x80  }
0x3f5: {  	[sflag:s1] =	ssyncset.done $0x0  }
0x3f6: {  	[sflag:s1] =	ssyncadd.s32 $0xFFFFFF80  }
0x3f7: {  	_ =	swait.ge [sflag:s2], $0x80  }
0x3f8: {  	[sflag:s2] =	ssyncset.done $0x0  }
0x3f9: {  	[sflag:s2] =	ssyncadd.s32 $0xFFFFFF80  }
0x3fa: {  	_ =	swait.ge [sflag:s3], $0x80  }
0x3fb: {  	[sflag:s3] =	ssyncset.done $0x0  }
0x3fc: {  	[sflag:s3] =	ssyncadd.s32 $0xFFFFFF80  }
0x3fd: {  	_ =	swait.ge [sflag:s4], $0x80  }
0x3fe: {  	[sflag:s4] =	ssyncset.done $0x0  }
0x3ff: {  	[sflag:s4] =	ssyncadd.s32 $0xFFFFFF80  }
0x400: {  	_ =	swait.ge [sflag:s5], $0x80  }
0x401: {  	[sflag:s5] =	ssyncset.done $0x0  }
0x402: {  	[sflag:s5] =	ssyncadd.s32 $0xFFFFFF80  }
0x403: {  	_ =	swait.ge [sflag:s6], $0x80  }
0x404: {  	[sflag:s6] =	ssyncset.done $0x0  }
0x405: {  	[sflag:s6] =	ssyncadd.s32 $0xFFFFFF80  }
0x406: {  	_ =	swait.ge [sflag:s7], $0x80  }
0x407: {  	[sflag:s7] =	ssyncset.done $0x0  }
0x408: {  	[sflag:s7] =	ssyncadd.s32 $0xFFFFFF80  }
0x409: {  	_ =	swait.ge [sflag:s8], $0x80  }
0x40a: {  	[sflag:s8] =	ssyncset.done $0x0  }
0x40b: {  	[sflag:s8] =	ssyncadd.s32 $0xFFFFFF80  }
0x40c: {  	_ =	swait.ge [sflag:s1], $0x80  }
0x40d: {  	[sflag:s1] =	ssyncset.done $0x0  }
0x40e: {  	[sflag:s1] =	ssyncadd.s32 $0xFFFFFF80  }
0x40f: {  	_ =	swait.ge [sflag:s2], $0x80  }
0x410: {  	[sflag:s2] =	ssyncset.done $0x0  }
0x411: {  	[sflag:s2] =	ssyncadd.s32 $0xFFFFFF80  }
0x412: {  	_ =	swait.ge [sflag:s3], $0x80  }
0x413: {  	[sflag:s3] =	ssyncset.done $0x0  }
0x414: {  	[sflag:s3] =	ssyncadd.s32 $0xFFFFFF80  }
0x415: {  	_ =	swait.ge [sflag:s4], $0x80  }
0x416: {  	[sflag:s4] =	ssyncset.done $0x0  }
0x417: {  	[sflag:s4] =	ssyncadd.s32 $0xFFFFFF80  }
0x418: {  	_ =	swait.ge [sflag:s5], $0x80  }
0x419: {  	[sflag:s5] =	ssyncset.done $0x0  }
0x41a: {  	[sflag:s5] =	ssyncadd.s32 $0xFFFFFF80  }
0x41b: {  	_ =	swait.ge [sflag:s6], $0x80  }
0x41c: {  	[sflag:s6] =	ssyncset.done $0x0  }
0x41d: {  	[sflag:s6] =	ssyncadd.s32 $0xFFFFFF80  }
0x41e: {  	_ =	swait.ge [sflag:s7], $0x80  }
0x41f: {  	[sflag:s7] =	ssyncset.done $0x0  }
0x420: {  	[sflag:s7] =	ssyncadd.s32 $0xFFFFFF80  }
0x421: {  	_ =	swait.ge [sflag:s8], $0x80  }
0x422: {  	[sflag:s8] =	ssyncset.done $0x0  }
0x423: {  	[sflag:s8] =	ssyncadd.s32 $0xFFFFFF80  }
0x424: {  	_ =	swait.ge [sflag:s1], $0x80  }
0x425: {  	[sflag:s1] =	ssyncset.done $0x0  }
0x426: {  	[sflag:s1] =	ssyncadd.s32 $0xFFFFFF80  }
0x427: {  	_ =	swait.ge [sflag:s2], $0x80  }
0x428: {  	[sflag:s2] =	ssyncset.done $0x0  }
0x429: {  	[sflag:s2] =	ssyncadd.s32 $0xFFFFFF80  }
0x42a: {  	_ =	swait.ge [sflag:s3], $0x80  }
0x42b: {  	[sflag:s3] =	ssyncset.done $0x0  }
0x42c: {  	[sflag:s3] =	ssyncadd.s32 $0xFFFFFF80  }
0x42d: {  	_ =	swait.ge [sflag:s4], $0x80  }
0x42e: {  	[sflag:s4] =	ssyncset.done $0x0  }
0x42f: {  	[sflag:s4] =	ssyncadd.s32 $0xFFFFFF80  }
0x430: {  	_ =	swait.ge [sflag:s5], $0x80  }
0x431: {  	[sflag:s5] =	ssyncset.done $0x0  }
0x432: {  	[sflag:s5] =	ssyncadd.s32 $0xFFFFFF80  }
0x433: {  	_ =	swait.ge [sflag:s6], $0x80  }
0x434: {  	[sflag:s6] =	ssyncset.done $0x0  }
0x435: {  	[sflag:s6] =	ssyncadd.s32 $0xFFFFFF80  }
0x436: {  	_ =	swait.ge [sflag:s7], $0x80  }
0x437: {  	[sflag:s7] =	ssyncset.done $0x0  }
0x438: {  	[sflag:s7] =	ssyncadd.s32 $0xFFFFFF80  }
0x439: {  	_ =	swait.ge [sflag:s8], $0x80  }
0x43a: {  	[sflag:s8] =	ssyncset.done $0x0  }
0x43b: {  	[sflag:s8] =	ssyncadd.s32 $0xFFFFFF80  }
0x43c: {  	_ =	swait.ge [sflag:s1], $0x80  }
0x43d: {  	[sflag:s1] =	ssyncset.done $0x0  }
0x43e: {  	[sflag:s1] =	ssyncadd.s32 $0xFFFFFF80  }
0x43f: {  	_ =	swait.ge [sflag:s2], $0x80  }
0x440: {  	[sflag:s2] =	ssyncset.done $0x0  }
0x441: {  	[sflag:s2] =	ssyncadd.s32 $0xFFFFFF80  }
0x442: {  	_ =	swait.ge [sflag:s3], $0x80  }
0x443: {  	[sflag:s3] =	ssyncset.done $0x0  }
0x444: {  	[sflag:s3] =	ssyncadd.s32 $0xFFFFFF80  }
0x445: {  	_ =	swait.ge [sflag:s4], $0x80  }
0x446: {  	[sflag:s4] =	ssyncset.done $0x0  }
0x447: {  	[sflag:s4] =	ssyncadd.s32 $0xFFFFFF80  }
0x448: {  	_ =	swait.ge [sflag:s5], $0x80  }
0x449: {  	[sflag:s5] =	ssyncset.done $0x0  }
0x44a: {  	[sflag:s5] =	ssyncadd.s32 $0xFFFFFF80  }
0x44b: {  	_ =	swait.ge [sflag:s6], $0x80  }
0x44c: {  	[sflag:s6] =	ssyncset.done $0x0  }
0x44d: {  	[sflag:s6] =	ssyncadd.s32 $0xFFFFFF80  }
.Ltmp4:
0x44e: {  	_ =	swait.ge [sflag:s7], $0x80;
	(pc) =	sbr.rel @p0 .LBB2_10-.Ltmp4, $4  }
0x44f: {  	[sflag:s7] =	ssyncset.done $0x0  }
0x450: {  	[sflag:s7] =	ssyncadd.s32 $0xFFFFFF80  }
0x451: {  	_ =	swait.ge [sflag:s8], $0x80  }
0x452: {  	[sflag:s8] =	ssyncset.done $0x0  }
0x453: {  	s22 =	simm.s32 $0x0  }
0x454: {  	v1 =	vmov s22  }
0x455: {  	v1 =	vshll.u32 v1, $0x7  }
0x456: {  	v1 =	vor.u32 v0, v1;
	_ =	sdelay $0x1  }
0x457: {  	v2 =	vor.u32 $0x1, v1;
	_ =	sdelay $0x1  }
0x458: {  	[sflag:s8] =	ssyncadd.s32 $0xFFFFFF80;
	s3 =	simm.s32 $0x8400;
	v3 =	vor.u32 $0x2, v1  }
0x459: {  	s1 =	simm.s32 $0x400;
	v4 =	vld.idx.msk [tilespmem:v1+s3+$0x0], $0xffff  }
0x45a: {  	v6 =	vor.u32 $0x3, v1;
	v5 =	vld.idx.msk [tilespmem:v1+s1+$0x0], $0xffff  }
0x45b: {  	v7 =	vld.idx.msk [tilespmem:v2+s1+$0x0], $0xffff  }
0x45c: {  	v8 =	vor.u32 $0x4, v1;
	v2 =	vld.idx.msk [tilespmem:v2+s3+$0x0], $0xffff  }
0x45d: {  	v9 =	vld.idx.msk [tilespmem:v3+s1+$0x0], $0xffff  }
0x45e: {  	v10 =	vor.u32 $0x5, v1;
	v3 =	vld.idx.msk [tilespmem:v3+s3+$0x0], $0xffff  }
0x45f: {  	v11 =	vld.idx.msk [tilespmem:v6+s1+$0x0], $0xffff;
	v4 =	vmul.f32 v4, v5  }
0x460: {  	v34 =	vor.u32 $0x6, v1;
	v33 =	vld.idx.msk [tilespmem:v6+s3+$0x0], $0xffff  }
0x461: {  	v12 =	vld.idx.msk [tilespmem:v8+s1+$0x0], $0xffff;
	v2 =	vmul.f32 v2, v7;
	v4 =	vadd.f32 $0.0e+00, v4  }
0x462: {  	v36 =	vor.u32 $0x7, v1;
	v35 =	vld.idx.msk [tilespmem:v8+s3+$0x0], $0xffff  }
0x463: {  	v13 =	vld.idx.msk [tilespmem:v10+s1+$0x0], $0xffff;
	v3 =	vmul.f32 v3, v9;
	v2 =	vadd.f32 v2, v4  }
0x464: {  	v38 =	vor.u32 $0x8, v1;
	v37 =	vld.idx.msk [tilespmem:v10+s3+$0x0], $0xffff  }
0x465: {  	v39 =	vld.idx.msk [tilespmem:v34+s1+$0x0], $0xffff;
	v2 =	vadd.f32 v3, v2;
	v3 =	vmul.f32 v33, v11  }
0x466: {  	v41 =	vor.u32 $0x9, v1;
	v40 =	vld.idx.msk [tilespmem:v34+s3+$0x0], $0xffff  }
0x467: {  	v42 =	vld.idx.msk [tilespmem:v36+s1+$0x0], $0xffff;
	v2 =	vadd.f32 v3, v2;
	v3 =	vmul.f32 v35, v12  }
0x468: {  	v44 =	vor.u32 $0xA, v1;
	v43 =	vld.idx.msk [tilespmem:v36+s3+$0x0], $0xffff  }
0x469: {  	v45 =	vld.idx.msk [tilespmem:v38+s1+$0x0], $0xffff;
	v2 =	vadd.f32 v3, v2;
	v3 =	vmul.f32 v37, v13  }
0x46a: {  	v47 =	vor.u32 $0xB, v1;
	v46 =	vld.idx.msk [tilespmem:v38+s3+$0x0], $0xffff  }
0x46b: {  	v48 =	vld.idx.msk [tilespmem:v41+s1+$0x0], $0xffff;
	v2 =	vadd.f32 v3, v2;
	v3 =	vmul.f32 v40, v39  }
0x46c: {  	v50 =	vor.u32 $0xC, v1;
	v49 =	vld.idx.msk [tilespmem:v41+s3+$0x0], $0xffff  }
0x46d: {  	v51 =	vld.idx.msk [tilespmem:v44+s1+$0x0], $0xffff;
	v2 =	vadd.f32 v3, v2;
	v3 =	vmul.f32 v43, v42  }
0x46e: {  	v53 =	vor.u32 $0xD, v1;
	v52 =	vld.idx.msk [tilespmem:v44+s3+$0x0], $0xffff  }
0x46f: {  	v54 =	vld.idx.msk [tilespmem:v47+s1+$0x0], $0xffff;
	v2 =	vadd.f32 v3, v2;
	v3 =	vmul.f32 v46, v45  }
0x470: {  	v56 =	vor.u32 $0xE, v1;
	v55 =	vld.idx.msk [tilespmem:v47+s3+$0x0], $0xffff  }
0x471: {  	v57 =	vld.idx.msk [tilespmem:v50+s1+$0x0], $0xffff;
	v2 =	vadd.f32 v3, v2;
	v3 =	vmul.f32 v49, v48  }
0x472: {  	v59 =	vor.u32 $0xF, v1;
	v58 =	vld.idx.msk [tilespmem:v50+s3+$0x0], $0xffff  }
0x473: {  	v60 =	vld.idx.msk [tilespmem:v53+s1+$0x0], $0xffff;
	v2 =	vadd.f32 v3, v2;
	v3 =	vmul.f32 v52, v51  }
0x474: {  	v62 =	vor.u32 $0x10, v1;
	v61 =	vld.idx.msk [tilespmem:v53+s3+$0x0], $0xffff  }
0x475: {  	v63 =	vld.idx.msk [tilespmem:v56+s1+$0x0], $0xffff;
	v2 =	vadd.f32 v3, v2;
	v3 =	vmul.f32 v55, v54  }
0x476: {  	v17 =	vor.u32 $0x11, v1;
	v16 =	vld.idx.msk [tilespmem:v56+s3+$0x0], $0xffff  }
0x477: {  	v18 =	vld.idx.msk [tilespmem:v59+s1+$0x0], $0xffff;
	v2 =	vadd.f32 v3, v2;
	v3 =	vmul.f32 v58, v57  }
0x478: {  	v20 =	vor.u32 $0x12, v1;
	v19 =	vld.idx.msk [tilespmem:v59+s3+$0x0], $0xffff  }
0x479: {  	v21 =	vld.idx.msk [tilespmem:v62+s1+$0x0], $0xffff;
	v2 =	vadd.f32 v3, v2;
	v3 =	vmul.f32 v61, v60  }
0x47a: {  	v23 =	vor.u32 $0x13, v1;
	v22 =	vld.idx.msk [tilespmem:v62+s3+$0x0], $0xffff  }
0x47b: {  	v24 =	vld.idx.msk [tilespmem:v17+s1+$0x0], $0xffff;
	v2 =	vadd.f32 v3, v2;
	v3 =	vmul.f32 v16, v63  }
0x47c: {  	v26 =	vor.u32 $0x14, v1;
	v25 =	vld.idx.msk [tilespmem:v17+s3+$0x0], $0xffff  }
0x47d: {  	v27 =	vld.idx.msk [tilespmem:v20+s1+$0x0], $0xffff;
	v2 =	vadd.f32 v3, v2;
	v3 =	vmul.f32 v19, v18  }
0x47e: {  	v29 =	vor.u32 $0x15, v1;
	v28 =	vld.idx.msk [tilespmem:v20+s3+$0x0], $0xffff  }
0x47f: {  	v30 =	vld.idx.msk [tilespmem:v23+s1+$0x0], $0xffff;
	v2 =	vadd.f32 v3, v2;
	v3 =	vmul.f32 v22, v21  }
0x480: {  	v32 =	vor.u32 $0x16, v1;
	v31 =	vld.idx.msk [tilespmem:v23+s3+$0x0], $0xffff  }
0x481: {  	v34 =	vld.idx.msk [tilespmem:v26+s3+$0x0], $0xffff;
	v2 =	vadd.f32 v3, v2;
	v3 =	vmul.f32 v25, v24  }
0x482: {  	v33 =	vld.idx.msk [tilespmem:v26+s1+$0x0], $0xffff;
	v35 =	vor.u32 $0x17, v1  }
0x483: {  	v36 =	vld.idx.msk [tilespmem:v29+s1+$0x0], $0xffff;
	v2 =	vadd.f32 v3, v2;
	v3 =	vmul.f32 v28, v27  }
0x484: {  	v38 =	vor.u32 $0x18, v1;
	v37 =	vld.idx.msk [tilespmem:v29+s3+$0x0], $0xffff  }
0x485: {  	v39 =	vld.idx.msk [tilespmem:v32+s1+$0x0], $0xffff;
	v2 =	vadd.f32 v3, v2;
	v3 =	vmul.f32 v31, v30  }
0x486: {  	v41 =	vor.u32 $0x19, v1;
	v40 =	vld.idx.msk [tilespmem:v32+s3+$0x0], $0xffff  }
0x487: {  	v42 =	vld.idx.msk [tilespmem:v35+s1+$0x0], $0xffff;
	v2 =	vadd.f32 v3, v2;
	v3 =	vmul.f32 v34, v33  }
0x488: {  	v44 =	vor.u32 $0x1A, v1;
	v43 =	vld.idx.msk [tilespmem:v35+s3+$0x0], $0xffff  }
0x489: {  	v45 =	vld.idx.msk [tilespmem:v38+s1+$0x0], $0xffff;
	v2 =	vadd.f32 v3, v2;
	v3 =	vmul.f32 v37, v36  }
0x48a: {  	v47 =	vor.u32 $0x1B, v1;
	v46 =	vld.idx.msk [tilespmem:v38+s3+$0x0], $0xffff  }
0x48b: {  	v48 =	vld.idx.msk [tilespmem:v41+s1+$0x0], $0xffff;
	v2 =	vadd.f32 v3, v2;
	v3 =	vmul.f32 v40, v39  }
0x48c: {  	v50 =	vor.u32 $0x1C, v1;
	v49 =	vld.idx.msk [tilespmem:v41+s3+$0x0], $0xffff  }
0x48d: {  	v51 =	vld.idx.msk [tilespmem:v44+s1+$0x0], $0xffff;
	v2 =	vadd.f32 v3, v2;
	v3 =	vmul.f32 v43, v42  }
0x48e: {  	v53 =	vor.u32 $0x1D, v1;
	v52 =	vld.idx.msk [tilespmem:v44+s3+$0x0], $0xffff  }
0x48f: {  	v54 =	vld.idx.msk [tilespmem:v47+s1+$0x0], $0xffff;
	v2 =	vadd.f32 v3, v2;
	v3 =	vmul.f32 v46, v45  }
0x490: {  	v56 =	vor.u32 $0x1E, v1;
	v55 =	vld.idx.msk [tilespmem:v47+s3+$0x0], $0xffff  }
0x491: {  	v57 =	vld.idx.msk [tilespmem:v50+s1+$0x0], $0xffff;
	v2 =	vadd.f32 v3, v2;
	v3 =	vmul.f32 v49, v48  }
0x492: {  	v1 =	vor.u32 $0x1F, v1;
	v58 =	vld.idx.msk [tilespmem:v50+s3+$0x0], $0xffff  }
0x493: {  	v59 =	vld.idx.msk [tilespmem:v53+s1+$0x0], $0xffff;
	v2 =	vadd.f32 v3, v2;
	v3 =	vmul.f32 v52, v51  }
0x494: {  	v60 =	vld.idx.msk [tilespmem:v53+s3+$0x0], $0xffff  }
0x495: {  	v62 =	vld.idx.msk [tilespmem:v56+s3+$0x0], $0xffff;
	v2 =	vadd.f32 v3, v2;
	v3 =	vmul.f32 v55, v54  }
0x496: {  	v61 =	vld.idx.msk [tilespmem:v56+s1+$0x0], $0xffff  }
0x497: {  	v63 =	vld.idx.msk [tilespmem:v1+s1+$0x0], $0xffff;
	v2 =	vadd.f32 v3, v2;
	v3 =	vmul.f32 v58, v57  }
0x498: {  	v1 =	vld.idx.msk [tilespmem:v1+s3+$0x0], $0xffff  }
0x499: {  	v2 =	vadd.f32 v3, v2;
	v3 =	vmul.f32 v60, v59;
	_ =	sdelay $0x1  }
0x49a: {  	v2 =	vadd.f32 v3, v2;
	v3 =	vmul.f32 v62, v61;
	_ =	sdelay $0x1  }
0x49b: {  	v1 =	vmul.f32 v1, v63;
	v2 =	vadd.f32 v3, v2;
	_ =	sdelay $0x1  }
0x49c: {  	v1 =	vadd.f32 v1, v2;
	_ =	sdelay $0x1  }
0x49d: {  	v1 =	vsub.f32 $0.0e+00, v1;
	_ =	sdelay $0x1  }
0x49e: {  	v1 =	vmul.f32 $1.442695020e+00, v1;
	_ =	sdelay $0x1  }
0x49f: {  	(erf) = vpow2.f32 v1;
	_ =	sdelay $0x8  }
0x4a0: {  	v1 =	vpop (erf)  }
0x4a1: {  	v1 =	vadd.f32 $1.000000000e+00, v1;
	_ =	sdelay $0x1  }
0x4a2: {  	(erf) = vrcp.f32 v1;
	_ =	sdelay $0x2  }
0x4a3: {  	s23 =	simm.s32 $0x10  }
0x4a4: {  	v2 =	vmov s23  }
0x4a5: {  	s24 =	simm.s32 $0x20;
	s2 =	simm.s32 $0x9;
	v1 =	vshll.u32 v2, $0x7  }
.LBB2_12:
0x4a6: {  	p0 =	sne.s32 s24, $0xF0;
	v1 =	vor.u32 v0, v1;
	_ =	sdelay $0x1  }
0x4a7: {  	v2 =	vor.u32 $0x1, v1  }
0x4a8: {  	s0 =	sand.u32 $0xF0, s22;
	s22 =	smov.u32 s23;
	s23 =	smov.u32 s24;
	v3 =	vpop (erf)  }
0x4a9: {  	v4 =	vor.u32 $0x2, v1;
	[tilespmem:s0+$0x10500] =	vst v3  }
0x4aa: {  	v3 =	vld.idx.msk [tilespmem:v1+s3+$0x0], $0xffff  }
0x4ab: {  	v6 =	vor.u32 $0x3, v1;
	v5 =	vld.idx.msk [tilespmem:v1+s1+$0x0], $0xffff  }
0x4ac: {  	v7 =	vld.idx.msk [tilespmem:v2+s1+$0x0], $0xffff  }
0x4ad: {  	v8 =	vor.u32 $0x4, v1;
	v2 =	vld.idx.msk [tilespmem:v2+s3+$0x0], $0xffff  }
0x4ae: {  	v9 =	vld.idx.msk [tilespmem:v4+s1+$0x0], $0xffff  }
0x4af: {  	v10 =	vor.u32 $0x5, v1;
	v4 =	vld.idx.msk [tilespmem:v4+s3+$0x0], $0xffff  }
0x4b0: {  	v11 =	vld.idx.msk [tilespmem:v6+s1+$0x0], $0xffff  }
0x4b1: {  	v3 =	vmul.f32 v3, v5;
	v5 =	vld.idx.msk [tilespmem:v6+s3+$0x0], $0xffff;
	v6 =	vor.u32 $0x6, v1  }
0x4b2: {  	v12 =	vld.idx.msk [tilespmem:v8+s1+$0x0], $0xffff  }
0x4b3: {  	v3 =	vadd.f32 $0.0e+00, v3;
	v2 =	vmul.f32 v2, v7;
	v7 =	vld.idx.msk [tilespmem:v8+s3+$0x0], $0xffff;
	v8 =	vor.u32 $0x7, v1  }
0x4b4: {  	v13 =	vld.idx.msk [tilespmem:v10+s1+$0x0], $0xffff  }
0x4b5: {  	v2 =	vadd.f32 v2, v3;
	v3 =	vmul.f32 v4, v9;
	v9 =	vor.u32 $0x8, v1;
	v4 =	vld.idx.msk [tilespmem:v10+s3+$0x0], $0xffff  }
0x4b6: {  	v10 =	vld.idx.msk [tilespmem:v6+s1+$0x0], $0xffff  }
0x4b7: {  	v2 =	vadd.f32 v3, v2;
	v3 =	vmul.f32 v5, v11;
	v5 =	vld.idx.msk [tilespmem:v6+s3+$0x0], $0xffff;
	v6 =	vor.u32 $0x9, v1  }
0x4b8: {  	v11 =	vld.idx.msk [tilespmem:v8+s1+$0x0], $0xffff  }
0x4b9: {  	v2 =	vadd.f32 v3, v2;
	v3 =	vmul.f32 v7, v12;
	v7 =	vld.idx.msk [tilespmem:v8+s3+$0x0], $0xffff;
	v8 =	vor.u32 $0xA, v1  }
0x4ba: {  	v12 =	vld.idx.msk [tilespmem:v9+s1+$0x0], $0xffff  }
0x4bb: {  	v2 =	vadd.f32 v3, v2;
	v3 =	vmul.f32 v4, v13;
	v4 =	vld.idx.msk [tilespmem:v9+s3+$0x0], $0xffff;
	v9 =	vor.u32 $0xB, v1  }
0x4bc: {  	v13 =	vld.idx.msk [tilespmem:v6+s1+$0x0], $0xffff  }
0x4bd: {  	v2 =	vadd.f32 v3, v2;
	v3 =	vmul.f32 v5, v10;
	v5 =	vld.idx.msk [tilespmem:v6+s3+$0x0], $0xffff;
	v6 =	vor.u32 $0xC, v1  }
0x4be: {  	v10 =	vld.idx.msk [tilespmem:v8+s1+$0x0], $0xffff  }
0x4bf: {  	v2 =	vadd.f32 v3, v2;
	v3 =	vmul.f32 v7, v11;
	v7 =	vld.idx.msk [tilespmem:v8+s3+$0x0], $0xffff;
	v8 =	vor.u32 $0xD, v1  }
0x4c0: {  	v11 =	vld.idx.msk [tilespmem:v9+s1+$0x0], $0xffff  }
0x4c1: {  	v2 =	vadd.f32 v3, v2;
	v3 =	vmul.f32 v4, v12;
	v4 =	vld.idx.msk [tilespmem:v9+s3+$0x0], $0xffff;
	v9 =	vor.u32 $0xE, v1  }
0x4c2: {  	v12 =	vld.idx.msk [tilespmem:v6+s1+$0x0], $0xffff  }
0x4c3: {  	v2 =	vadd.f32 v3, v2;
	v3 =	vmul.f32 v5, v13;
	v5 =	vld.idx.msk [tilespmem:v6+s3+$0x0], $0xffff;
	v6 =	vor.u32 $0xF, v1  }
0x4c4: {  	v13 =	vld.idx.msk [tilespmem:v8+s1+$0x0], $0xffff  }
0x4c5: {  	v2 =	vadd.f32 v3, v2;
	v3 =	vmul.f32 v7, v10;
	v7 =	vld.idx.msk [tilespmem:v8+s3+$0x0], $0xffff;
	v8 =	vor.u32 $0x10, v1  }
0x4c6: {  	v10 =	vld.idx.msk [tilespmem:v9+s1+$0x0], $0xffff  }
0x4c7: {  	v2 =	vadd.f32 v3, v2;
	v3 =	vmul.f32 v4, v11;
	v4 =	vld.idx.msk [tilespmem:v9+s3+$0x0], $0xffff;
	v9 =	vor.u32 $0x11, v1  }
0x4c8: {  	v11 =	vld.idx.msk [tilespmem:v6+s1+$0x0], $0xffff  }
0x4c9: {  	v2 =	vadd.f32 v3, v2;
	v3 =	vmul.f32 v5, v12;
	v5 =	vld.idx.msk [tilespmem:v6+s3+$0x0], $0xffff;
	v6 =	vor.u32 $0x12, v1  }
0x4ca: {  	v12 =	vld.idx.msk [tilespmem:v8+s1+$0x0], $0xffff  }
0x4cb: {  	v2 =	vadd.f32 v3, v2;
	v3 =	vmul.f32 v7, v13;
	v7 =	vld.idx.msk [tilespmem:v8+s3+$0x0], $0xffff;
	v8 =	vor.u32 $0x13, v1  }
0x4cc: {  	v13 =	vld.idx.msk [tilespmem:v9+s1+$0x0], $0xffff  }
0x4cd: {  	v2 =	vadd.f32 v3, v2;
	v3 =	vmul.f32 v4, v10;
	v4 =	vld.idx.msk [tilespmem:v9+s3+$0x0], $0xffff;
	v9 =	vor.u32 $0x14, v1  }
0x4ce: {  	v10 =	vld.idx.msk [tilespmem:v6+s1+$0x0], $0xffff  }
0x4cf: {  	v2 =	vadd.f32 v3, v2;
	v3 =	vmul.f32 v5, v11;
	v5 =	vld.idx.msk [tilespmem:v6+s3+$0x0], $0xffff;
	v6 =	vor.u32 $0x15, v1  }
0x4d0: {  	v11 =	vld.idx.msk [tilespmem:v8+s1+$0x0], $0xffff  }
0x4d1: {  	v2 =	vadd.f32 v3, v2;
	v3 =	vmul.f32 v7, v12;
	v7 =	vld.idx.msk [tilespmem:v8+s3+$0x0], $0xffff;
	v8 =	vor.u32 $0x16, v1  }
0x4d2: {  	v12 =	vld.idx.msk [tilespmem:v9+s1+$0x0], $0xffff  }
0x4d3: {  	v2 =	vadd.f32 v3, v2;
	v3 =	vmul.f32 v4, v13;
	v4 =	vld.idx.msk [tilespmem:v9+s3+$0x0], $0xffff;
	v9 =	vor.u32 $0x17, v1  }
0x4d4: {  	v13 =	vld.idx.msk [tilespmem:v6+s1+$0x0], $0xffff  }
0x4d5: {  	v2 =	vadd.f32 v3, v2;
	v3 =	vmul.f32 v5, v10;
	v5 =	vld.idx.msk [tilespmem:v6+s3+$0x0], $0xffff;
	v6 =	vor.u32 $0x18, v1  }
0x4d6: {  	v10 =	vld.idx.msk [tilespmem:v8+s1+$0x0], $0xffff  }
0x4d7: {  	v2 =	vadd.f32 v3, v2;
	v3 =	vmul.f32 v7, v11;
	v7 =	vld.idx.msk [tilespmem:v8+s3+$0x0], $0xffff;
	v8 =	vor.u32 $0x19, v1  }
0x4d8: {  	v11 =	vld.idx.msk [tilespmem:v9+s1+$0x0], $0xffff  }
0x4d9: {  	v2 =	vadd.f32 v3, v2;
	v3 =	vmul.f32 v4, v12;
	v4 =	vld.idx.msk [tilespmem:v9+s3+$0x0], $0xffff;
	v9 =	vor.u32 $0x1A, v1  }
0x4da: {  	v12 =	vld.idx.msk [tilespmem:v6+s1+$0x0], $0xffff  }
0x4db: {  	v2 =	vadd.f32 v3, v2;
	v3 =	vmul.f32 v5, v13;
	v5 =	vld.idx.msk [tilespmem:v6+s3+$0x0], $0xffff;
	v6 =	vor.u32 $0x1B, v1  }
0x4dc: {  	v13 =	vld.idx.msk [tilespmem:v8+s1+$0x0], $0xffff  }
0x4dd: {  	v2 =	vadd.f32 v3, v2;
	v3 =	vmul.f32 v7, v10;
	v7 =	vld.idx.msk [tilespmem:v8+s3+$0x0], $0xffff;
	v8 =	vor.u32 $0x1C, v1  }
0x4de: {  	v10 =	vld.idx.msk [tilespmem:v9+s1+$0x0], $0xffff  }
0x4df: {  	v2 =	vadd.f32 v3, v2;
	v3 =	vmul.f32 v4, v11;
	v4 =	vld.idx.msk [tilespmem:v9+s3+$0x0], $0xffff;
	v9 =	vor.u32 $0x1D, v1  }
0x4e0: {  	v11 =	vld.idx.msk [tilespmem:v6+s1+$0x0], $0xffff  }
0x4e1: {  	v2 =	vadd.f32 v3, v2;
	v3 =	vmul.f32 v5, v12;
	v5 =	vld.idx.msk [tilespmem:v6+s3+$0x0], $0xffff;
	v6 =	vor.u32 $0x1E, v1  }
0x4e2: {  	v12 =	vld.idx.msk [tilespmem:v8+s1+$0x0], $0xffff  }
0x4e3: {  	v1 =	vor.u32 $0x1F, v1;
	v2 =	vadd.f32 v3, v2;
	v3 =	vmul.f32 v7, v13;
	v7 =	vld.idx.msk [tilespmem:v8+s3+$0x0], $0xffff  }
0x4e4: {  	v8 =	vld.idx.msk [tilespmem:v9+s1+$0x0], $0xffff  }
0x4e5: {  	v2 =	vadd.f32 v3, v2;
	v3 =	vmul.f32 v4, v10;
	v4 =	vld.idx.msk [tilespmem:v9+s3+$0x0], $0xffff  }
0x4e6: {  	v9 =	vld.idx.msk [tilespmem:v6+s1+$0x0], $0xffff  }
0x4e7: {  	v2 =	vadd.f32 v3, v2;
	v3 =	vmul.f32 v5, v11;
	v5 =	vld.idx.msk [tilespmem:v6+s3+$0x0], $0xffff  }
0x4e8: {  	v6 =	vld.idx.msk [tilespmem:v1+s1+$0x0], $0xffff  }
0x4e9: {  	v2 =	vadd.f32 v3, v2;
	v3 =	vmul.f32 v7, v12;
	v1 =	vld.idx.msk [tilespmem:v1+s3+$0x0], $0xffff;
	_ =	sdelay $0x1  }
0x4ea: {  	v2 =	vadd.f32 v3, v2;
	v3 =	vmul.f32 v4, v8;
	_ =	sdelay $0x1  }
0x4eb: {  	v2 =	vadd.f32 v3, v2;
	v3 =	vmul.f32 v5, v9;
	_ =	sdelay $0x1  }
0x4ec: {  	v2 =	vadd.f32 v3, v2;
	v1 =	vmul.f32 v1, v6;
	_ =	sdelay $0x1  }
0x4ed: {  	v1 =	vadd.f32 v1, v2;
	_ =	sdelay $0x1  }
0x4ee: {  	v1 =	vsub.f32 $0.0e+00, v1;
	_ =	sdelay $0x1  }
0x4ef: {  	v1 =	vmul.f32 $1.442695020e+00, v1;
	_ =	sdelay $0x1  }
0x4f0: {  	(erf) = vpow2.f32 v1;
	_ =	sdelay $0x8  }
0x4f1: {  	v1 =	vpop (erf)  }
0x4f2: {  	v1 =	vadd.f32 $1.000000000e+00, v1;
	_ =	sdelay $0x1  }
0x4f3: {  	(erf) = vrcp.f32 v1  }
.Ltmp5:
0x4f4: {  	(pc) =	sbr.rel @p0 .LBB2_12-.Ltmp5, $3  }
0x4f5: {  	_ =	sdelay $0x1  }
0x4f6: {  	v1 =	vmov s24  }
0x4f7: {  	s24 =	sadd.s32 $0x10, s24;
	v1 =	vshll.u32 v1, $0x7  }
0x4f8: {  	v1 =	vor.u32 v0, v1;
	_ =	sdelay $0x1  }
0x4f9: {  	v2 =	vor.u32 $0x1, v1  }
0x4fa: {  	s0 =	sand.u32 $0xF0, s22;
	v3 =	vpop (erf)  }
0x4fb: {  	v4 =	vor.u32 $0x2, v1;
	[tilespmem:s0+$0x10500] =	vst v3  }
0x4fc: {  	v3 =	vld.idx.msk [tilespmem:v1+s3+$0x0], $0xffff  }
0x4fd: {  	v6 =	vor.u32 $0x3, v1;
	v5 =	vld.idx.msk [tilespmem:v1+s1+$0x0], $0xffff  }
0x4fe: {  	v7 =	vld.idx.msk [tilespmem:v2+s1+$0x0], $0xffff  }
0x4ff: {  	v8 =	vor.u32 $0x4, v1;
	v2 =	vld.idx.msk [tilespmem:v2+s3+$0x0], $0xffff  }
0x500: {  	v9 =	vld.idx.msk [tilespmem:v4+s1+$0x0], $0xffff  }
0x501: {  	v10 =	vor.u32 $0x5, v1;
	v4 =	vld.idx.msk [tilespmem:v4+s3+$0x0], $0xffff  }
0x502: {  	v11 =	vld.idx.msk [tilespmem:v6+s1+$0x0], $0xffff;
	v3 =	vmul.f32 v3, v5  }
0x503: {  	v34 =	vor.u32 $0x6, v1;
	v33 =	vld.idx.msk [tilespmem:v6+s3+$0x0], $0xffff  }
0x504: {  	v12 =	vld.idx.msk [tilespmem:v8+s1+$0x0], $0xffff;
	v2 =	vmul.f32 v2, v7;
	v3 =	vadd.f32 $0.0e+00, v3  }
0x505: {  	v36 =	vor.u32 $0x7, v1;
	v35 =	vld.idx.msk [tilespmem:v8+s3+$0x0], $0xffff  }
0x506: {  	v13 =	vld.idx.msk [tilespmem:v10+s1+$0x0], $0xffff;
	v2 =	vadd.f32 v2, v3;
	v3 =	vmul.f32 v4, v9  }
0x507: {  	v38 =	vor.u32 $0x8, v1;
	v37 =	vld.idx.msk [tilespmem:v10+s3+$0x0], $0xffff  }
0x508: {  	v39 =	vld.idx.msk [tilespmem:v34+s1+$0x0], $0xffff;
	v2 =	vadd.f32 v3, v2;
	v3 =	vmul.f32 v33, v11  }
0x509: {  	v41 =	vor.u32 $0x9, v1;
	v40 =	vld.idx.msk [tilespmem:v34+s3+$0x0], $0xffff  }
0x50a: {  	v42 =	vld.idx.msk [tilespmem:v36+s1+$0x0], $0xffff;
	v2 =	vadd.f32 v3, v2;
	v3 =	vmul.f32 v35, v12  }
0x50b: {  	v44 =	vor.u32 $0xA, v1;
	v43 =	vld.idx.msk [tilespmem:v36+s3+$0x0], $0xffff  }
0x50c: {  	v45 =	vld.idx.msk [tilespmem:v38+s1+$0x0], $0xffff;
	v2 =	vadd.f32 v3, v2;
	v3 =	vmul.f32 v37, v13  }
0x50d: {  	v47 =	vor.u32 $0xB, v1;
	v46 =	vld.idx.msk [tilespmem:v38+s3+$0x0], $0xffff  }
0x50e: {  	v48 =	vld.idx.msk [tilespmem:v41+s1+$0x0], $0xffff;
	v2 =	vadd.f32 v3, v2;
	v3 =	vmul.f32 v40, v39  }
0x50f: {  	v50 =	vor.u32 $0xC, v1;
	v49 =	vld.idx.msk [tilespmem:v41+s3+$0x0], $0xffff  }
0x510: {  	v51 =	vld.idx.msk [tilespmem:v44+s1+$0x0], $0xffff;
	v2 =	vadd.f32 v3, v2;
	v3 =	vmul.f32 v43, v42  }
0x511: {  	v53 =	vor.u32 $0xD, v1;
	v52 =	vld.idx.msk [tilespmem:v44+s3+$0x0], $0xffff  }
0x512: {  	v54 =	vld.idx.msk [tilespmem:v47+s1+$0x0], $0xffff;
	v2 =	vadd.f32 v3, v2;
	v3 =	vmul.f32 v46, v45  }
0x513: {  	v56 =	vor.u32 $0xE, v1;
	v55 =	vld.idx.msk [tilespmem:v47+s3+$0x0], $0xffff  }
0x514: {  	v57 =	vld.idx.msk [tilespmem:v50+s1+$0x0], $0xffff;
	v2 =	vadd.f32 v3, v2;
	v3 =	vmul.f32 v49, v48  }
0x515: {  	v59 =	vor.u32 $0xF, v1;
	v58 =	vld.idx.msk [tilespmem:v50+s3+$0x0], $0xffff  }
0x516: {  	v60 =	vld.idx.msk [tilespmem:v53+s1+$0x0], $0xffff;
	v2 =	vadd.f32 v3, v2;
	v3 =	vmul.f32 v52, v51  }
0x517: {  	v62 =	vor.u32 $0x10, v1;
	v61 =	vld.idx.msk [tilespmem:v53+s3+$0x0], $0xffff  }
0x518: {  	v63 =	vld.idx.msk [tilespmem:v56+s1+$0x0], $0xffff;
	v2 =	vadd.f32 v3, v2;
	v3 =	vmul.f32 v55, v54  }
0x519: {  	v17 =	vor.u32 $0x11, v1;
	v16 =	vld.idx.msk [tilespmem:v56+s3+$0x0], $0xffff  }
0x51a: {  	v18 =	vld.idx.msk [tilespmem:v59+s1+$0x0], $0xffff;
	v2 =	vadd.f32 v3, v2;
	v3 =	vmul.f32 v58, v57  }
0x51b: {  	v20 =	vor.u32 $0x12, v1;
	v19 =	vld.idx.msk [tilespmem:v59+s3+$0x0], $0xffff  }
0x51c: {  	v21 =	vld.idx.msk [tilespmem:v62+s1+$0x0], $0xffff;
	v2 =	vadd.f32 v3, v2;
	v3 =	vmul.f32 v61, v60  }
0x51d: {  	v23 =	vor.u32 $0x13, v1;
	v22 =	vld.idx.msk [tilespmem:v62+s3+$0x0], $0xffff  }
0x51e: {  	v24 =	vld.idx.msk [tilespmem:v17+s1+$0x0], $0xffff;
	v2 =	vadd.f32 v3, v2;
	v3 =	vmul.f32 v16, v63  }
0x51f: {  	v26 =	vor.u32 $0x14, v1;
	v25 =	vld.idx.msk [tilespmem:v17+s3+$0x0], $0xffff  }
0x520: {  	v27 =	vld.idx.msk [tilespmem:v20+s1+$0x0], $0xffff;
	v2 =	vadd.f32 v3, v2;
	v3 =	vmul.f32 v19, v18  }
0x521: {  	v29 =	vor.u32 $0x15, v1;
	v28 =	vld.idx.msk [tilespmem:v20+s3+$0x0], $0xffff  }
0x522: {  	v30 =	vld.idx.msk [tilespmem:v23+s1+$0x0], $0xffff;
	v2 =	vadd.f32 v3, v2;
	v3 =	vmul.f32 v22, v21  }
0x523: {  	v32 =	vor.u32 $0x16, v1;
	v31 =	vld.idx.msk [tilespmem:v23+s3+$0x0], $0xffff  }
0x524: {  	v34 =	vld.idx.msk [tilespmem:v26+s3+$0x0], $0xffff;
	v2 =	vadd.f32 v3, v2;
	v3 =	vmul.f32 v25, v24  }
0x525: {  	v33 =	vld.idx.msk [tilespmem:v26+s1+$0x0], $0xffff;
	v35 =	vor.u32 $0x17, v1  }
0x526: {  	v36 =	vld.idx.msk [tilespmem:v29+s1+$0x0], $0xffff;
	v2 =	vadd.f32 v3, v2;
	v3 =	vmul.f32 v28, v27  }
0x527: {  	v38 =	vor.u32 $0x18, v1;
	v37 =	vld.idx.msk [tilespmem:v29+s3+$0x0], $0xffff  }
0x528: {  	v39 =	vld.idx.msk [tilespmem:v32+s1+$0x0], $0xffff;
	v2 =	vadd.f32 v3, v2;
	v3 =	vmul.f32 v31, v30  }
0x529: {  	v41 =	vor.u32 $0x19, v1;
	v40 =	vld.idx.msk [tilespmem:v32+s3+$0x0], $0xffff  }
0x52a: {  	v42 =	vld.idx.msk [tilespmem:v35+s1+$0x0], $0xffff;
	v2 =	vadd.f32 v3, v2;
	v3 =	vmul.f32 v34, v33  }
0x52b: {  	v44 =	vor.u32 $0x1A, v1;
	v43 =	vld.idx.msk [tilespmem:v35+s3+$0x0], $0xffff  }
0x52c: {  	v45 =	vld.idx.msk [tilespmem:v38+s1+$0x0], $0xffff;
	v2 =	vadd.f32 v3, v2;
	v3 =	vmul.f32 v37, v36  }
0x52d: {  	v47 =	vor.u32 $0x1B, v1;
	v46 =	vld.idx.msk [tilespmem:v38+s3+$0x0], $0xffff  }
0x52e: {  	v48 =	vld.idx.msk [tilespmem:v41+s1+$0x0], $0xffff;
	v2 =	vadd.f32 v3, v2;
	v3 =	vmul.f32 v40, v39  }
0x52f: {  	v50 =	vor.u32 $0x1C, v1;
	v49 =	vld.idx.msk [tilespmem:v41+s3+$0x0], $0xffff  }
0x530: {  	v51 =	vld.idx.msk [tilespmem:v44+s1+$0x0], $0xffff;
	v2 =	vadd.f32 v3, v2;
	v3 =	vmul.f32 v43, v42  }
0x531: {  	v53 =	vor.u32 $0x1D, v1;
	v52 =	vld.idx.msk [tilespmem:v44+s3+$0x0], $0xffff  }
0x532: {  	v54 =	vld.idx.msk [tilespmem:v47+s1+$0x0], $0xffff;
	v2 =	vadd.f32 v3, v2;
	v3 =	vmul.f32 v46, v45  }
0x533: {  	v56 =	vor.u32 $0x1E, v1;
	v55 =	vld.idx.msk [tilespmem:v47+s3+$0x0], $0xffff  }
0x534: {  	v57 =	vld.idx.msk [tilespmem:v50+s1+$0x0], $0xffff;
	v2 =	vadd.f32 v3, v2;
	v3 =	vmul.f32 v49, v48  }
0x535: {  	v1 =	vor.u32 $0x1F, v1;
	v58 =	vld.idx.msk [tilespmem:v50+s3+$0x0], $0xffff  }
0x536: {  	v59 =	vld.idx.msk [tilespmem:v53+s1+$0x0], $0xffff;
	v2 =	vadd.f32 v3, v2;
	v3 =	vmul.f32 v52, v51  }
0x537: {  	v60 =	vld.idx.msk [tilespmem:v53+s3+$0x0], $0xffff  }
0x538: {  	v62 =	vld.idx.msk [tilespmem:v56+s3+$0x0], $0xffff;
	v2 =	vadd.f32 v3, v2;
	v3 =	vmul.f32 v55, v54  }
0x539: {  	v61 =	vld.idx.msk [tilespmem:v56+s1+$0x0], $0xffff  }
0x53a: {  	v63 =	vld.idx.msk [tilespmem:v1+s1+$0x0], $0xffff;
	v2 =	vadd.f32 v3, v2;
	v3 =	vmul.f32 v58, v57  }
0x53b: {  	v1 =	vld.idx.msk [tilespmem:v1+s3+$0x0], $0xffff  }
0x53c: {  	v2 =	vadd.f32 v3, v2;
	v3 =	vmul.f32 v60, v59;
	_ =	sdelay $0x1  }
0x53d: {  	v2 =	vadd.f32 v3, v2;
	v3 =	vmul.f32 v62, v61;
	_ =	sdelay $0x1  }
0x53e: {  	v1 =	vmul.f32 v1, v63;
	v2 =	vadd.f32 v3, v2;
	_ =	sdelay $0x1  }
0x53f: {  	v1 =	vadd.f32 v1, v2;
	_ =	sdelay $0x1  }
0x540: {  	v1 =	vsub.f32 $0.0e+00, v1;
	_ =	sdelay $0x1  }
0x541: {  	v1 =	vmul.f32 $1.442695020e+00, v1;
	_ =	sdelay $0x1  }
0x542: {  	(erf) = vpow2.f32 v1;
	_ =	sdelay $0x8  }
0x543: {  	v1 =	vpop (erf)  }
0x544: {  	v1 =	vadd.f32 $1.000000000e+00, v1;
	_ =	sdelay $0x1  }
0x545: {  	(erf) = vrcp.f32 v1;
	_ =	sdelay $0x8  }
0x546: {  	s26 =	sand.u32 $0xF0, s23;
	v1 =	vpop (erf)  }
0x547: {  	s28 =	rddreg [dreg:$0x17];
	s29 =	simm.s32 $0x10400;
	[tilespmem:s26+$0x10500] =	vst v1  }
0x548: {  	[hbm4b:s28+s11] =	stream.linear.scatter [tilespmem:s29], [sflag:$0x9], $0x200, $0x38;
	[tilespmem:$0x10600] =	vst v63  }
0x549: {  	_ =	swait.ge [sflag:s2], $0x200  }
0x54a: {  	s30 =	rddreg [dreg:$0x19]  }
0x54b: {  	s31 =	rddreg [dreg:$0x18];
	s1 =	sadd.s32 $0x1, s30  }
0x54c: {  	p0 =	sne.s32 s1, s31  }
.Ltmp6:
0x54d: {  	_ = 	snop;
	(pc) =	sbr.rel @p0 .LBB2_1-.Ltmp6, $3  }
0x54e: {  	_ =	sdelay $0x1  }
0x54f: {  	[sflag:s2] =	ssyncset.done $0x0  }
0x550: {  	[sflag:s2] =	ssyncadd.s32 $0xFFFFFE00  }
0x551: {  	_ =	sfence.sel $0x180000  }
0x552: {  	[bflag:$0x0] =	sbarrier.arrive $0xFFFF  }
0x553: {  	_ =	strace $0x90000047  }
0x554: {  	s0 =	stileid.u32;
	[bflag:$0x2] =	sbarrier.arrive $0xFFFF  }
0x555: {  	p0 =	sne.s32 s0, $0x0;
	s0 =	rddreg [dreg:$0x4]  }
0x556: {  	s0 =	sadd.s32 @!p0 $0x100000, s0  }
0x557: {  	[sflag:s0] =	ssyncadd.tile.s32 @!p0 $0x1;
	_ =	shalt  }
.Lfunc_end2:
_tile_overlayer_lowered:
.L_overlay_start_2:
0x558: {  	(tag) =	ssettag $0x2  }
0x559: {  	s0 =	rddreg [dreg:$0x0];
	s2 =	stileid.u32  }
0x55a: {  	s1 =	rddreg [dreg:$0x1];
	p0 =	sne.s32 s2, $0x0  }
0x55b: {  	s3 =	rddreg [dreg:$0x2];
	[bflag:$0x3] =	sbarrier.arrive $0xFFFF;
	s2 =	simm.s32 @!p0 $0x1C09  }
0x55c: {  	[timem:s3], [sflag:s2] =	dma.local @!p0 [hbm:s0], s1  }
0x55d: {  	s0 =	simm.s32 @!p0 $0x9  }
0x55e: {  	_ =	swait.ge @!p0 [sflag:s0], s1  }
0x55f: {  	s1 =	ssub.s32 @!p0 $0x0, s1;
	[sflag:s0] =	ssyncset.done @!p0 $0x0  }
0x560: {  	[sflag:s0] =	ssyncadd.s32 @!p0 s1  }
0x561: {  	[bflag:$0x3] =	sbarrier.arrive $0xFFFF  }
0x562: {  	_ =	shalt  }

</sc_bundles>
